<compile_context>
chip_gen: v7x
topology: tpu7x:2x2x1
jax: 0.10.2.dev20260603
libtpu: 0.0.44.dev20260713+nightly
codegen_flags: <defaults>
</compile_context>

<pallas_src>
import functools

import jax
import jax.numpy as jnp
from jax import lax
from jax.experimental import pallas as pl
from jax.experimental.pallas import tpu as pltpu
from jax.experimental.pallas import tpu_sc as plsc

_NC, _NS, _NW, _L = 2, 16, 32, 16


def _dense_in(x, Wl, Wr, b):
    N, F = x.shape
    H = Wl.shape[1]
    BN = 1000

    def body(x_ref, wl_ref, wr_ref, b_ref, y_ref, z_ref):
        xb = x_ref[...]
        y_ref[...] = jnp.dot(xb, wl_ref[...], preferred_element_type=jnp.float32)
        z_ref[...] = (
            jnp.dot(xb, wr_ref[...], preferred_element_type=jnp.float32) + b_ref[...]
        )

    return pl.pallas_call(
        body,
        grid=(N // BN,),
        in_specs=[
            pl.BlockSpec((BN, F), lambda i: (i, 0)),
            pl.BlockSpec((F, H), lambda i: (0, 0)),
            pl.BlockSpec((F, H), lambda i: (0, 0)),
            pl.BlockSpec((1, H), lambda i: (0, 0)),
        ],
        out_specs=[
            pl.BlockSpec((BN, H), lambda i: (i, 0)),
            pl.BlockSpec((BN, H), lambda i: (i, 0)),
        ],
        out_shape=[jax.ShapeDtypeStruct((N, H), jnp.float32)] * 2,
    )(x, Wl, Wr, b.reshape(1, H))


def _dense_mid(p0, p1, d0, d1, z1, Wl, Wr, b):
    N, H = z1.shape
    BN = 1000

    def body(p0_ref, p1_ref, d0_ref, d1_ref, z_ref, wl_ref, wr_ref, b_ref, y_ref, zo_ref):
        deg = jnp.maximum(d0_ref[...] + d1_ref[...], 1.0)
        h = jax.nn.relu((p0_ref[...] + p1_ref[...]) / deg + z_ref[...])
        y_ref[...] = jnp.dot(h, wl_ref[...], preferred_element_type=jnp.float32)
        zo_ref[...] = (
            jnp.dot(h, wr_ref[...], preferred_element_type=jnp.float32) + b_ref[...]
        )

    row = pl.BlockSpec((BN, H), lambda i: (i, 0))
    col = pl.BlockSpec((BN, 1), lambda i: (i, 0))
    full = lambda shp: pl.BlockSpec(shp, lambda i: (0, 0))
    return pl.pallas_call(
        body,
        grid=(N // BN,),
        in_specs=[row, row, col, col, row, full((H, H)), full((H, H)), full((1, H))],
        out_specs=[row, row],
        out_shape=[jax.ShapeDtypeStruct((N, H), jnp.float32)] * 2,
    )(p0, p1, d0, d1, z1, Wl, Wr, b.reshape(1, H))


def _dense_out(q0, q1, d0, d1, z2, Wc, bc):
    N, H = z2.shape
    C = Wc.shape[1]
    BN = 1000

    def body(q0_ref, q1_ref, d0_ref, d1_ref, z_ref, wc_ref, bc_ref, t_ref):
        deg = jnp.maximum(d0_ref[...] + d1_ref[...], 1.0)
        h = jax.nn.relu((q0_ref[...] + q1_ref[...]) / deg + z_ref[...])
        wc = wc_ref[...]
        a = jnp.dot(h, wc[:H], preferred_element_type=jnp.float32) + bc_ref[...]
        b = jnp.dot(h, wc[H:], preferred_element_type=jnp.float32)
        t_ref[...] = jnp.concatenate([a, b], axis=1)

    row = pl.BlockSpec((BN, H), lambda i: (i, 0))
    col = pl.BlockSpec((BN, 1), lambda i: (i, 0))
    out = pl.BlockSpec((BN, 2 * C), lambda i: (i, 0))
    full = lambda shp: pl.BlockSpec(shp, lambda i: (0, 0))
    return pl.pallas_call(
        body,
        grid=(N // BN,),
        in_specs=[row, row, col, col, row, full((2 * H, C)), full((1, C))],
        out_specs=out,
        out_shape=jax.ShapeDtypeStruct((N, 2 * C), jnp.float32),
    )(q0, q1, d0, d1, z2, Wc, bc.reshape(1, C))


def _seg_sum(y, edge_index, with_deg):
    N, H = y.shape
    E = edge_index.shape[1]
    RPA = N // _NS
    NP = 10240
    RPT = NP // _NS
    EPW = E // _NW
    CH = 2000
    NCHUNK = EPW // CH

    mesh = plsc.VectorSubcoreMesh(core_axis_name="c", subcore_axis_name="s")
    out_type = [jax.ShapeDtypeStruct((_NC, N, H), jnp.float32)]
    scratch = [
        [pltpu.VMEM((2, CH), jnp.int32)] * 2,
        [pltpu.VMEM((CH, H), jnp.float32)] * 2,
        pltpu.VMEM_SHARED((N, H), jnp.float32),
        [pltpu.SemaphoreType.DMA] * 2,
        [pltpu.SemaphoreType.DMA] * 2,
    ]
    if with_deg:
        out_type.append(jax.ShapeDtypeStruct((_NC, NP), jnp.float32))
        scratch += [
            pltpu.VMEM((CH,), jnp.float32),
            pltpu.VMEM_SHARED((NP,), jnp.float32),
        ]

    def body(y_hbm, ei_hbm, z2d_hbm, z1d_hbm, *rest):
        if with_deg:
            (out_hbm, deg_hbm, idx2, rows, aggsh, isem, gsem, ones, degsh) = rest
        else:
            (out_hbm, idx2, rows, aggsh, isem, gsem) = rest
        c = lax.axis_index("c")
        s = lax.axis_index("s")
        w = c * _NS + s

        pltpu.sync_copy(z2d_hbm, aggsh.at[pl.ds(s * RPA, RPA)])
        if with_deg:
            pltpu.sync_copy(z1d_hbm, degsh.at[pl.ds(s * RPT, RPT)])

            def ofill(i, carry):
                ones[pl.ds(i * _L, _L)] = jnp.full((_L,), 1.0, jnp.float32)
                return carry

            lax.fori_loop(0, CH // _L, ofill, 0)
        plsc.subcore_barrier()

        base = w * EPW
        idxcp = [None, None]
        gcp = [None, None]
        idxcp[0] = pltpu.async_copy(
            ei_hbm.at[:, pl.ds(base, CH)], idx2[0], isem[0]
        )
        for k in range(NCHUNK):
            b = k & 1
            idxcp[b].wait()
            gcp[b] = pltpu.async_copy(y_hbm.at[idx2[b].at[0]], rows[b], gsem[b])
            if k > 0:
                pb = 1 - b
                gcp[pb].wait()
                pltpu.sync_copy(rows[pb], aggsh.at[idx2[pb].at[1]], add=True)
                if with_deg:
                    pltpu.sync_copy(ones, degsh.at[idx2[pb].at[1]], add=True)
            if k + 1 < NCHUNK:
                idxcp[1 - b] = pltpu.async_copy(
                    ei_hbm.at[:, pl.ds(base + (k + 1) * CH, CH)],
                    idx2[1 - b],
                    isem[1 - b],
                )
        lb = (NCHUNK - 1) & 1
        gcp[lb].wait()
        pltpu.sync_copy(rows[lb], aggsh.at[idx2[lb].at[1]], add=True)
        if with_deg:
            pltpu.sync_copy(ones, degsh.at[idx2[lb].at[1]], add=True)
        plsc.subcore_barrier()
        pltpu.sync_copy(
            aggsh.at[pl.ds(s * RPA, RPA)], out_hbm.at[c, pl.ds(s * RPA, RPA)]
        )
        if with_deg:
            pltpu.sync_copy(
                degsh.at[pl.ds(s * RPT, RPT)], deg_hbm.at[c, pl.ds(s * RPT, RPT)]
            )

    fn = pl.kernel(
        body,
        out_type=out_type,
        mesh=mesh,
        scratch_types=scratch,
        compiler_params=pltpu.CompilerParams(use_tc_tiling_on_sc=False, needs_layout_passes=False),
    )
    z2d = jnp.zeros((RPA, H), jnp.float32)
    z1d = jnp.zeros((RPT,), jnp.float32)
    return fn(y, edge_index, z2d, z1d)


def _edge_out(T, edge_index):
    N = T.shape[0]
    C = T.shape[1] // 2
    E = edge_index.shape[1]
    EPW = E // _NW
    CH = 2000
    NCHUNK = EPW // CH
    NG = CH // _L

    U = 5

    mesh = plsc.VectorSubcoreMesh(core_axis_name="c", subcore_axis_name="s")
    scratch = [
        pltpu.VMEM((N, 2 * C), jnp.float32),
        [pltpu.VMEM((2, CH), jnp.int32)] * 2,
        [pltpu.VMEM((CH, C), jnp.float32)] * 2,
        [pltpu.SemaphoreType.DMA] * 2,
        [pltpu.SemaphoreType.DMA] * 2,
    ]

    def body(t_hbm, ei_hbm, out_hbm, t_v, idx2, outb, isem, osem):
        c = lax.axis_index("c")
        s = lax.axis_index("s")
        w = c * _NS + s
        base = w * EPW
        idxcp = [None, None]
        outcp = [None, None]
        idxcp[0] = pltpu.async_copy(
            ei_hbm.at[:, pl.ds(base, CH)], idx2[0], isem[0]
        )
        pltpu.sync_copy(t_hbm, t_v)
        lanes = lax.iota(jnp.int32, _L)
        zrow = jnp.zeros((_L,), jnp.int32)
        orow = jnp.full((_L,), 1, jnp.int32)
        cols = [jnp.full((_L,), j, jnp.int32) for j in range(2 * C)]
        for k in range(NCHUNK):
            b = k & 1
            idxcp[b].wait()
            if k + 1 < NCHUNK:
                idxcp[1 - b] = pltpu.async_copy(
                    ei_hbm.at[:, pl.ds(base + (k + 1) * CH, CH)],
                    idx2[1 - b],
                    isem[1 - b],
                )
            if outcp[b] is not None:
                outcp[b].wait()
            ib, ob = idx2[b], outb[b]

            def group(g0, carry):
                for u in range(U):
                    g = g0 * U + u
                    pos = lanes + g * _L
                    sv = plsc.load_gather(ib, [zrow, pos])
                    dv = plsc.load_gather(ib, [orow, pos])
                    v = []
                    for j in range(C):
                        av = plsc.load_gather(t_v, [sv, cols[j]])
                        bv = plsc.load_gather(t_v, [dv, cols[C + j]])
                        v.append(av + bv)
                    m = jnp.maximum(
                        jnp.maximum(v[0], v[1]), jnp.maximum(v[2], v[3])
                    )
                    ex = [jnp.exp(vj - m) for vj in v]
                    ssum = ex[0] + ex[1] + ex[2] + ex[3]
                    t = 2.0 * (ssum - 1.0) / (ssum + 1.0)
                    t = t - 1.0 + ssum * jnp.exp(-t)
                    t = t - 1.0 + ssum * jnp.exp(-t)
                    t = t - 1.0 + ssum * jnp.exp(-t)
                    for j in range(C):
                        plsc.store_scatter(ob, [pos, cols[j]], v[j] - m - t)
                return carry

            lax.fori_loop(0, NG // U, group, 0)
            outcp[b] = pltpu.async_copy(
                ob, out_hbm.at[pl.ds(base + k * CH, CH)], osem[b]
            )
        for b in range(2):
            if outcp[b] is not None:
                outcp[b].wait()

    fn = pl.kernel(
        body,
        out_type=jax.ShapeDtypeStruct((E, C), jnp.float32),
        mesh=mesh,
        scratch_types=scratch,
        compiler_params=pltpu.CompilerParams(use_tc_tiling_on_sc=False, needs_layout_passes=False),
    )
    return fn(T, edge_index)


def kernel(x, edge_index, W1_l, W1_r, b1, W2_l, W2_r, b2, Wc, bc):
    N = x.shape[0]

    y1, z1 = _dense_in(x, W1_l, W1_r, b1)
    agg1, degp = _seg_sum(y1, edge_index, with_deg=True)
    d0 = degp[0, :N, None]
    d1 = degp[1, :N, None]
    y2, z2 = _dense_mid(agg1[0], agg1[1], d0, d1, z1, W2_l, W2_r, b2)
    (agg2,) = _seg_sum(y2, edge_index, with_deg=False)
    T = _dense_out(agg2[0], agg2[1], d0, d1, z2, Wc, bc)
    return _edge_out(T, edge_index)

# --- scband reference (transcript-rebuilt; emitter-appended) ---
"""Pipeline reference for scband-graph-sagedge-74320114090101 (READ-ONLY COPY).

The authoritative reference and input builder live on the scoring server;
editing this copy changes nothing except your own understanding.
"""

import jax, jax.numpy as jnp
import numpy as np


def sage_conv(x, src, dst, W_l, W_r, b, num_nodes):
    # PyG SAGEConv with mean aggregation: out = lin_l(mean_j x_j) + lin_r(x)
    msgs = x[src]
    agg = jax.ops.segment_sum(msgs, dst, num_segments=num_nodes)
    deg = jax.ops.segment_sum(jnp.ones((src.shape[0],), dtype=x.dtype), dst, num_segments=num_nodes)
    mean = agg / jnp.clip(deg, 1.0, None)[:, None]
    return mean @ W_l + x @ W_r + b


def setup_inputs(seed: int = 0) -> dict:
    key = jax.random.key(seed)
    ks = jax.random.split(key, 12)
    N, E, F_in, H, C = 10000, 320000, 128, 16, 4
    x = jax.random.normal(ks[0], (N, F_in), dtype=jnp.float32)
    edge_index = jax.random.randint(ks[1], (2, E), 0, N, dtype=jnp.int32)
    s1 = 1.0 / np.sqrt(F_in)
    s2 = 1.0 / np.sqrt(H)
    sc = 1.0 / np.sqrt(2 * H)
    W1_l = jax.random.uniform(ks[2], (F_in, H), jnp.float32, -s1, s1)
    W1_r = jax.random.uniform(ks[3], (F_in, H), jnp.float32, -s1, s1)
    b1 = jnp.zeros((H,), dtype=jnp.float32)
    W2_l = jax.random.uniform(ks[4], (H, H), jnp.float32, -s2, s2)
    W2_r = jax.random.uniform(ks[5], (H, H), jnp.float32, -s2, s2)
    b2 = jnp.zeros((H,), dtype=jnp.float32)
    Wc = jax.random.uniform(ks[6], (2 * H, C), jnp.float32, -sc, sc)
    bc = jnp.zeros((C,), dtype=jnp.float32)
    return {"x": x, "edge_index": edge_index, "W1_l": W1_l, "W1_r": W1_r, "b1": b1,
            "W2_l": W2_l, "W2_r": W2_r, "b2": b2, "Wc": Wc, "bc": bc}


def reference(x, edge_index, W1_l, W1_r, b1, W2_l, W2_r, b2, Wc, bc):
    N = x.shape[0]
    src = edge_index[0]
    dst = edge_index[1]
    h = jax.nn.relu(sage_conv(x, src, dst, W1_l, W1_r, b1, N))
    # dropout is identity in eval mode
    h = jax.nn.relu(sage_conv(h, src, dst, W2_l, W2_r, b2, N))
    x_src = h[src]
    x_dst = h[dst]
    edge_feat = jnp.concatenate([x_src, x_dst], axis=-1)
    out = edge_feat @ Wc + bc
    return jax.nn.log_softmax(out, axis=1)

if __name__ == "__main__":
    import jax
    _d = setup_inputs()
    print(jax.jit(kernel)(*tuple(_d.values())))

</pallas_src>

<mosaic_0001>
#map = affine_map<(d0, d1) -> (0, 0)>
#map1 = affine_map<(d0, d1) -> (0)>
#map2 = affine_map<(d0, d1) -> (0, 0, 0)>
module attributes {stable_mosaic.version = 14 : i64} {
  func.func @body(%arg0: i32, %arg1: i32, %arg2: memref<10000x16xf32, #tpu.memory_space<hbm>>, %arg3: memref<2x320000xi32, #tpu.memory_space<hbm>>, %arg4: memref<625x16xf32, #tpu.memory_space<hbm>>, %arg5: memref<640xf32, #tpu.memory_space<hbm>>, %arg6: memref<2x10000x16xf32, #tpu.memory_space<hbm>>, %arg7: memref<2x10240xf32, #tpu.memory_space<hbm>>, %arg8: memref<2x2000xi32, #tpu.memory_space<vmem>>, %arg9: memref<2x2000xi32, #tpu.memory_space<vmem>>, %arg10: memref<2000x16xf32, #tpu.memory_space<vmem>>, %arg11: memref<2000x16xf32, #tpu.memory_space<vmem>>, %arg12: memref<10000x16xf32, #tpu.memory_space<vmem_shared>>, %arg13: memref<!tpu.dma_semaphore, #tpu.memory_space<semaphore_mem>>, %arg14: memref<!tpu.dma_semaphore, #tpu.memory_space<semaphore_mem>>, %arg15: memref<!tpu.dma_semaphore, #tpu.memory_space<semaphore_mem>>, %arg16: memref<!tpu.dma_semaphore, #tpu.memory_space<semaphore_mem>>, %arg17: memref<2000xf32, #tpu.memory_space<vmem>>, %arg18: memref<10240xf32, #tpu.memory_space<vmem_shared>>) attributes {dimension_semantics = [#tpu.dimension_semantics<core_parallel>, #tpu.dimension_semantics<subcore_parallel>], iteration_bounds = array<i64: 2, 16>, scalar_prefetch = 0 : i64, scratch_operands = 11 : i64, tpu.core_type = #tpu.core_type<sc_vector_subcore>, window_params = [{transform_indices = #map}, {transform_indices = #map}, {transform_indices = #map}, {transform_indices = #map1}, {transform_indices = #map2}, {transform_indices = #map}]} {
    %mul3A = arith.constant 16 : i32
    %mul3A_0 = arith.muli %arg0, %mul3A : i32
    %add3A = arith.addi %mul3A_0, %arg1 : i32
    %mul3A_1 = arith.constant 625 : i32
    %mul3A_2 = arith.muli %arg1, %mul3A_1 : i32
    "tpu.region"() ({
      %run_scoped3A_146 = tpu.sem_alloc : memref<!tpu.dma_semaphore, #tpu.memory_space<semaphore_mem>>
      %dma_start3A_147 = arith.constant 0 : i32
      %dma_start3A_148 = tpu.memref_slice %arg12[%mul3A_2, %dma_start3A_147] : memref<10000x16xf32, #tpu.memory_space<vmem_shared>> -> memref<625x16xf32, #tpu.memory_space<vmem_shared>>
      tpu.enqueue_dma source(%arg4 : memref<625x16xf32, #tpu.memory_space<hbm>>) target(%dma_start3A_148 : memref<625x16xf32, #tpu.memory_space<vmem_shared>>) target_semaphore(%run_scoped3A_146 : memref<!tpu.dma_semaphore, #tpu.memory_space<semaphore_mem>>)
      %dma_wait3A_149 = arith.constant 0 : i32
      %dma_wait3A_150 = tpu.memref_slice %arg12[%mul3A_2, %dma_wait3A_149] : memref<10000x16xf32, #tpu.memory_space<vmem_shared>> -> memref<625x16xf32, #tpu.memory_space<vmem_shared>>
      tpu.wait_dma2 semaphore(%run_scoped3A_146 : memref<!tpu.dma_semaphore, #tpu.memory_space<semaphore_mem>>) src(%arg4 : memref<625x16xf32, #tpu.memory_space<hbm>>) dst(%dma_wait3A_150 : memref<625x16xf32, #tpu.memory_space<vmem_shared>>)
      tpu.yield
    }) : () -> ()
    %mul3A_3 = arith.constant 640 : i32
    %mul3A_4 = arith.muli %arg1, %mul3A_3 : i32
    "tpu.region"() ({
      %run_scoped3A_146 = tpu.sem_alloc : memref<!tpu.dma_semaphore, #tpu.memory_space<semaphore_mem>>
      %dma_start3A_147 = tpu.memref_slice %arg18[%mul3A_4] : memref<10240xf32, #tpu.memory_space<vmem_shared>> -> memref<640xf32, #tpu.memory_space<vmem_shared>>
      tpu.enqueue_dma source(%arg5 : memref<640xf32, #tpu.memory_space<hbm>>) target(%dma_start3A_147 : memref<640xf32, #tpu.memory_space<vmem_shared>>) target_semaphore(%run_scoped3A_146 : memref<!tpu.dma_semaphore, #tpu.memory_space<semaphore_mem>>)
      %dma_wait3A_148 = tpu.memref_slice %arg18[%mul3A_4] : memref<10240xf32, #tpu.memory_space<vmem_shared>> -> memref<640xf32, #tpu.memory_space<vmem_shared>>
      tpu.wait_dma2 semaphore(%run_scoped3A_146 : memref<!tpu.dma_semaphore, #tpu.memory_space<semaphore_mem>>) src(%arg5 : memref<640xf32, #tpu.memory_space<hbm>>) dst(%dma_wait3A_148 : memref<640xf32, #tpu.memory_space<vmem_shared>>)
      tpu.yield
    }) : () -> ()
    %scan3A = arith.constant 0 : i32
    %scan3A_5 = arith.constant 0 : i32
    %scan3A_6 = arith.constant 125 : i32
    %scan3A_7 = arith.addi %scan3A_5, %scan3A_6 : i32
    %scan3A_8 = arith.constant 1 : i32
    scf.for %scan3A_146 = %scan3A_5 to %scan3A_7 step %scan3A_8  : i32 {
      %broadcast_in_dim3A = arith.constant 1.000000e+00 : f32
      %broadcast_in_dim3A_147 = vector.broadcast %broadcast_in_dim3A : f32 to vector<16xf32>
      %mul3A_148 = arith.constant 16 : i32
      %mul3A_149 = arith.muli %scan3A_146, %mul3A_148 : i32
      %swap3A = arith.index_cast %mul3A_149 : i32 to index
      %swap3A_150 = tpu.vector_load %arg17[%swap3A] {strides = array<i32>} : memref<2000xf32, #tpu.memory_space<vmem>>, vector<16xf32>,
      tpu.vector_store %arg17[%swap3A], %broadcast_in_dim3A_147 {strides = array<i32>} : memref<2000xf32, #tpu.memory_space<vmem>>, vector<16xf32>,
    }
    %scan3A_9 = arith.constant 125 : i32
    %barrier3A = arith.constant 0 : index
    tpu.barrier barrier_id(%barrier3A)
    %mul3A_10 = arith.constant 10000 : i32
    %mul3A_11 = arith.muli %add3A, %mul3A_10 : i32
    %dma_start3A = arith.constant 0 : i32
    %dma_start3A_12 = tpu.memref_slice %arg3[%dma_start3A, %mul3A_11] : memref<2x320000xi32, #tpu.memory_space<hbm>> -> memref<2x2000xi32, #tpu.memory_space<hbm>>
    %dma_start3A_13 = arith.constant 0 : i32
    %dma_start3A_14 = tpu.memref_slice %arg3[%dma_start3A_13, %mul3A_11] : memref<2x320000xi32, #tpu.memory_space<hbm>> -> memref<2x2000xi32, #tpu.memory_space<hbm>>
    tpu.enqueue_dma source(%dma_start3A_14 : memref<2x2000xi32, #tpu.memory_space<hbm>>) target(%arg8 : memref<2x2000xi32, #tpu.memory_space<vmem>>) target_semaphore(%arg13 : memref<!tpu.dma_semaphore, #tpu.memory_space<semaphore_mem>>)
    %dma_wait3A = arith.constant 0 : i32
    %dma_wait3A_15 = tpu.memref_slice %arg3[%dma_wait3A, %mul3A_11] : memref<2x320000xi32, #tpu.memory_space<hbm>> -> memref<2x2000xi32, #tpu.memory_space<hbm>>
    %dma_wait3A_16 = arith.constant 0 : i32
    %dma_wait3A_17 = tpu.memref_slice %arg3[%dma_wait3A_16, %mul3A_11] : memref<2x320000xi32, #tpu.memory_space<hbm>> -> memref<2x2000xi32, #tpu.memory_space<hbm>>
    tpu.wait_dma2 semaphore(%arg13 : memref<!tpu.dma_semaphore, #tpu.memory_space<semaphore_mem>>) src(%dma_wait3A_17 : memref<2x2000xi32, #tpu.memory_space<hbm>>) dst(%arg8 : memref<2x2000xi32, #tpu.memory_space<vmem>>)
    %dma_start3A_18 = arith.constant 0 : i32
    %dma_start3A_19 = arith.constant 0 : i32
    %dma_start3A_20 = tpu.memref_slice %arg8[%dma_start3A_18, %dma_start3A_19] : memref<2x2000xi32, #tpu.memory_space<vmem>> -> memref<1x2000xi32, #tpu.memory_space<vmem>>
    %dma_start3A_21 = tpu.memref_squeeze %dma_start3A_20 : memref<1x2000xi32, #tpu.memory_space<vmem>> -> memref<2000xi32, #tpu.memory_space<vmem>>
    %dma_start3A_22 = arith.constant 0 : i32
    %dma_start3A_23 = arith.constant 0 : i32
    %dma_start3A_24 = tpu.memref_slice %arg2[%dma_start3A_22, %dma_start3A_23] : memref<10000x16xf32, #tpu.memory_space<hbm>> -> memref<10000x16xf32, #tpu.memory_space<hbm>>
    tpu.enqueue_indirect_dma source(%dma_start3A_24 : memref<10000x16xf32, #tpu.memory_space<hbm>>) target(%arg10 : memref<2000x16xf32, #tpu.memory_space<vmem>>) offsets(%dma_start3A_21 : memref<2000xi32, #tpu.memory_space<vmem>>) semaphore(%arg15 : memref<!tpu.dma_semaphore, #tpu.memory_space<semaphore_mem>>)
    %add3A_25 = arith.constant 2000 : i32
    %add3A_26 = arith.addi %mul3A_11, %add3A_25 : i32
    %dma_start3A_27 = arith.constant 0 : i32
    %dma_start3A_28 = tpu.memref_slice %arg3[%dma_start3A_27, %add3A_26] : memref<2x320000xi32, #tpu.memory_space<hbm>> -> memref<2x2000xi32, #tpu.memory_space<hbm>>
    %dma_start3A_29 = arith.constant 0 : i32
    %dma_start3A_30 = tpu.memref_slice %arg3[%dma_start3A_29, %add3A_26] : memref<2x320000xi32, #tpu.memory_space<hbm>> -> memref<2x2000xi32, #tpu.memory_space<hbm>>
    tpu.enqueue_dma source(%dma_start3A_30 : memref<2x2000xi32, #tpu.memory_space<hbm>>) target(%arg9 : memref<2x2000xi32, #tpu.memory_space<vmem>>) target_semaphore(%arg14 : memref<!tpu.dma_semaphore, #tpu.memory_space<semaphore_mem>>)
    %dma_wait3A_31 = arith.constant 0 : i32
    %dma_wait3A_32 = tpu.memref_slice %arg3[%dma_wait3A_31, %add3A_26] : memref<2x320000xi32, #tpu.memory_space<hbm>> -> memref<2x2000xi32, #tpu.memory_space<hbm>>
    %dma_wait3A_33 = arith.constant 0 : i32
    %dma_wait3A_34 = tpu.memref_slice %arg3[%dma_wait3A_33, %add3A_26] : memref<2x320000xi32, #tpu.memory_space<hbm>> -> memref<2x2000xi32, #tpu.memory_space<hbm>>
    tpu.wait_dma2 semaphore(%arg14 : memref<!tpu.dma_semaphore, #tpu.memory_space<semaphore_mem>>) src(%dma_wait3A_34 : memref<2x2000xi32, #tpu.memory_space<hbm>>) dst(%arg9 : memref<2x2000xi32, #tpu.memory_space<vmem>>)
    %dma_start3A_35 = arith.constant 0 : i32
    %dma_start3A_36 = arith.constant 0 : i32
    %dma_start3A_37 = tpu.memref_slice %arg9[%dma_start3A_35, %dma_start3A_36] : memref<2x2000xi32, #tpu.memory_space<vmem>> -> memref<1x2000xi32, #tpu.memory_space<vmem>>
    %dma_start3A_38 = tpu.memref_squeeze %dma_start3A_37 : memref<1x2000xi32, #tpu.memory_space<vmem>> -> memref<2000xi32, #tpu.memory_space<vmem>>
    %dma_start3A_39 = arith.constant 0 : i32
    %dma_start3A_40 = arith.constant 0 : i32
    %dma_start3A_41 = tpu.memref_slice %arg2[%dma_start3A_39, %dma_start3A_40] : memref<10000x16xf32, #tpu.memory_space<hbm>> -> memref<10000x16xf32, #tpu.memory_space<hbm>>
    tpu.enqueue_indirect_dma source(%dma_start3A_41 : memref<10000x16xf32, #tpu.memory_space<hbm>>) target(%arg11 : memref<2000x16xf32, #tpu.memory_space<vmem>>) offsets(%dma_start3A_38 : memref<2000xi32, #tpu.memory_space<vmem>>) semaphore(%arg16 : memref<!tpu.dma_semaphore, #tpu.memory_space<semaphore_mem>>)
    %dma_wait3A_42 = arith.constant 0 : i32
    %dma_wait3A_43 = arith.constant 0 : i32
    %dma_wait3A_44 = tpu.memref_slice %arg8[%dma_wait3A_42, %dma_wait3A_43] : memref<2x2000xi32, #tpu.memory_space<vmem>> -> memref<1x2000xi32, #tpu.memory_space<vmem>>
    %dma_wait3A_45 = tpu.memref_squeeze %dma_wait3A_44 : memref<1x2000xi32, #tpu.memory_space<vmem>> -> memref<2000xi32, #tpu.memory_space<vmem>>
    %dma_wait3A_46 = arith.constant 0 : i32
    %dma_wait3A_47 = arith.constant 0 : i32
    %dma_wait3A_48 = tpu.memref_slice %arg2[%dma_wait3A_46, %dma_wait3A_47] : memref<10000x16xf32, #tpu.memory_space<hbm>> -> memref<10000x16xf32, #tpu.memory_space<hbm>>
    tpu.wait_indirect_dma semaphore(%arg15 : memref<!tpu.dma_semaphore, #tpu.memory_space<semaphore_mem>>) src(%dma_wait3A_48 : memref<10000x16xf32, #tpu.memory_space<hbm>>) dst(%arg10 : memref<2000x16xf32, #tpu.memory_space<vmem>>)
    %run_scoped3A = arith.constant 1 : i32
    "tpu.region"() ({
      %run_scoped3A_146 = tpu.sem_alloc : memref<!tpu.dma_semaphore, #tpu.memory_space<semaphore_mem>>
      %dma_start3A_147 = arith.constant 0 : i32
      %dma_start3A_148 = tpu.memref_slice %arg8[%run_scoped3A, %dma_start3A_147] : memref<2x2000xi32, #tpu.memory_space<vmem>> -> memref<1x2000xi32, #tpu.memory_space<vmem>>
      %dma_start3A_149 = tpu.memref_squeeze %dma_start3A_148 : memref<1x2000xi32, #tpu.memory_space<vmem>> -> memref<2000xi32, #tpu.memory_space<vmem>>
      %dma_start3A_150 = arith.constant 0 : i32
      %dma_start3A_151 = arith.constant 0 : i32
      %dma_start3A_152 = tpu.memref_slice %arg12[%dma_start3A_150, %dma_start3A_151] : memref<10000x16xf32, #tpu.memory_space<vmem_shared>> -> memref<10000x16xf32, #tpu.memory_space<vmem_shared>>
      tpu.enqueue_indirect_dma source(%arg10 : memref<2000x16xf32, #tpu.memory_space<vmem>>) target(%dma_start3A_152 : memref<10000x16xf32, #tpu.memory_space<vmem_shared>>) offsets(%dma_start3A_149 : memref<2000xi32, #tpu.memory_space<vmem>>) semaphore(%run_scoped3A_146 : memref<!tpu.dma_semaphore, #tpu.memory_space<semaphore_mem>>) {add = true}
      %dma_wait3A_153 = arith.constant 0 : i32
      %dma_wait3A_154 = tpu.memref_slice %arg8[%run_scoped3A, %dma_wait3A_153] : memref<2x2000xi32, #tpu.memory_space<vmem>> -> memref<1x2000xi32, #tpu.memory_space<vmem>>
      %dma_wait3A_155 = tpu.memref_squeeze %dma_wait3A_154 : memref<1x2000xi32, #tpu.memory_space<vmem>> -> memref<2000xi32, #tpu.memory_space<vmem>>
      %dma_wait3A_156 = arith.constant 0 : i32
      %dma_wait3A_157 = arith.constant 0 : i32
      %dma_wait3A_158 = tpu.memref_slice %arg12[%dma_wait3A_156, %dma_wait3A_157] : memref<10000x16xf32, #tpu.memory_space<vmem_shared>> -> memref<10000x16xf32, #tpu.memory_space<vmem_shared>>
      tpu.wait_indirect_dma semaphore(%run_scoped3A_146 : memref<!tpu.dma_semaphore, #tpu.memory_space<semaphore_mem>>) src(%arg10 : memref<2000x16xf32, #tpu.memory_space<vmem>>) dst(%dma_wait3A_158 : memref<10000x16xf32, #tpu.memory_space<vmem_shared>>)
      tpu.yield
    }) : () -> ()
    %run_scoped3A_49 = arith.constant 1 : i32
    "tpu.region"() ({
      %run_scoped3A_146 = tpu.sem_alloc : memref<!tpu.dma_semaphore, #tpu.memory_space<semaphore_mem>>
      %dma_start3A_147 = arith.constant 0 : i32
      %dma_start3A_148 = tpu.memref_slice %arg8[%run_scoped3A_49, %dma_start3A_147] : memref<2x2000xi32, #tpu.memory_space<vmem>> -> memref<1x2000xi32, #tpu.memory_space<vmem>>
      %dma_start3A_149 = tpu.memref_squeeze %dma_start3A_148 : memref<1x2000xi32, #tpu.memory_space<vmem>> -> memref<2000xi32, #tpu.memory_space<vmem>>
      %dma_start3A_150 = arith.constant 0 : i32
      %dma_start3A_151 = tpu.memref_slice %arg18[%dma_start3A_150] : memref<10240xf32, #tpu.memory_space<vmem_shared>> -> memref<10240xf32, #tpu.memory_space<vmem_shared>>
      tpu.enqueue_indirect_dma source(%arg17 : memref<2000xf32, #tpu.memory_space<vmem>>) target(%dma_start3A_151 : memref<10240xf32, #tpu.memory_space<vmem_shared>>) offsets(%dma_start3A_149 : memref<2000xi32, #tpu.memory_space<vmem>>) semaphore(%run_scoped3A_146 : memref<!tpu.dma_semaphore, #tpu.memory_space<semaphore_mem>>) {add = true}
      %dma_wait3A_152 = arith.constant 0 : i32
      %dma_wait3A_153 = tpu.memref_slice %arg8[%run_scoped3A_49, %dma_wait3A_152] : memref<2x2000xi32, #tpu.memory_space<vmem>> -> memref<1x2000xi32, #tpu.memory_space<vmem>>
      %dma_wait3A_154 = tpu.memref_squeeze %dma_wait3A_153 : memref<1x2000xi32, #tpu.memory_space<vmem>> -> memref<2000xi32, #tpu.memory_space<vmem>>
      %dma_wait3A_155 = arith.constant 0 : i32
      %dma_wait3A_156 = tpu.memref_slice %arg18[%dma_wait3A_155] : memref<10240xf32, #tpu.memory_space<vmem_shared>> -> memref<10240xf32, #tpu.memory_space<vmem_shared>>
      tpu.wait_indirect_dma semaphore(%run_scoped3A_146 : memref<!tpu.dma_semaphore, #tpu.memory_space<semaphore_mem>>) src(%arg17 : memref<2000xf32, #tpu.memory_space<vmem>>) dst(%dma_wait3A_156 : memref<10240xf32, #tpu.memory_space<vmem_shared>>)
      tpu.yield
    }) : () -> ()
    %add3A_50 = arith.constant 4000 : i32
    %add3A_51 = arith.addi %mul3A_11, %add3A_50 : i32
    %dma_start3A_52 = arith.constant 0 : i32
    %dma_start3A_53 = tpu.memref_slice %arg3[%dma_start3A_52, %add3A_51] : memref<2x320000xi32, #tpu.memory_space<hbm>> -> memref<2x2000xi32, #tpu.memory_space<hbm>>
    %dma_start3A_54 = arith.constant 0 : i32
    %dma_start3A_55 = tpu.memref_slice %arg3[%dma_start3A_54, %add3A_51] : memref<2x320000xi32, #tpu.memory_space<hbm>> -> memref<2x2000xi32, #tpu.memory_space<hbm>>
    tpu.enqueue_dma source(%dma_start3A_55 : memref<2x2000xi32, #tpu.memory_space<hbm>>) target(%arg8 : memref<2x2000xi32, #tpu.memory_space<vmem>>) target_semaphore(%arg13 : memref<!tpu.dma_semaphore, #tpu.memory_space<semaphore_mem>>)
    %dma_wait3A_56 = arith.constant 0 : i32
    %dma_wait3A_57 = tpu.memref_slice %arg3[%dma_wait3A_56, %add3A_51] : memref<2x320000xi32, #tpu.memory_space<hbm>> -> memref<2x2000xi32, #tpu.memory_space<hbm>>
    %dma_wait3A_58 = arith.constant 0 : i32
    %dma_wait3A_59 = tpu.memref_slice %arg3[%dma_wait3A_58, %add3A_51] : memref<2x320000xi32, #tpu.memory_space<hbm>> -> memref<2x2000xi32, #tpu.memory_space<hbm>>
    tpu.wait_dma2 semaphore(%arg13 : memref<!tpu.dma_semaphore, #tpu.memory_space<semaphore_mem>>) src(%dma_wait3A_59 : memref<2x2000xi32, #tpu.memory_space<hbm>>) dst(%arg8 : memref<2x2000xi32, #tpu.memory_space<vmem>>)
    %dma_start3A_60 = arith.constant 0 : i32
    %dma_start3A_61 = arith.constant 0 : i32
    %dma_start3A_62 = tpu.memref_slice %arg8[%dma_start3A_60, %dma_start3A_61] : memref<2x2000xi32, #tpu.memory_space<vmem>> -> memref<1x2000xi32, #tpu.memory_space<vmem>>
    %dma_start3A_63 = tpu.memref_squeeze %dma_start3A_62 : memref<1x2000xi32, #tpu.memory_space<vmem>> -> memref<2000xi32, #tpu.memory_space<vmem>>
    %dma_start3A_64 = arith.constant 0 : i32
    %dma_start3A_65 = arith.constant 0 : i32
    %dma_start3A_66 = tpu.memref_slice %arg2[%dma_start3A_64, %dma_start3A_65] : memref<10000x16xf32, #tpu.memory_space<hbm>> -> memref<10000x16xf32, #tpu.memory_space<hbm>>
    tpu.enqueue_indirect_dma source(%dma_start3A_66 : memref<10000x16xf32, #tpu.memory_space<hbm>>) target(%arg10 : memref<2000x16xf32, #tpu.memory_space<vmem>>) offsets(%dma_start3A_63 : memref<2000xi32, #tpu.memory_space<vmem>>) semaphore(%arg15 : memref<!tpu.dma_semaphore, #tpu.memory_space<semaphore_mem>>)
    %dma_wait3A_67 = arith.constant 0 : i32
    %dma_wait3A_68 = arith.constant 0 : i32
    %dma_wait3A_69 = tpu.memref_slice %arg9[%dma_wait3A_67, %dma_wait3A_68] : memref<2x2000xi32, #tpu.memory_space<vmem>> -> memref<1x2000xi32, #tpu.memory_space<vmem>>
    %dma_wait3A_70 = tpu.memref_squeeze %dma_wait3A_69 : memref<1x2000xi32, #tpu.memory_space<vmem>> -> memref<2000xi32, #tpu.memory_space<vmem>>
    %dma_wait3A_71 = arith.constant 0 : i32
    %dma_wait3A_72 = arith.constant 0 : i32
    %dma_wait3A_73 = tpu.memref_slice %arg2[%dma_wait3A_71, %dma_wait3A_72] : memref<10000x16xf32, #tpu.memory_space<hbm>> -> memref<10000x16xf32, #tpu.memory_space<hbm>>
    tpu.wait_indirect_dma semaphore(%arg16 : memref<!tpu.dma_semaphore, #tpu.memory_space<semaphore_mem>>) src(%dma_wait3A_73 : memref<10000x16xf32, #tpu.memory_space<hbm>>) dst(%arg11 : memref<2000x16xf32, #tpu.memory_space<vmem>>)
    %run_scoped3A_74 = arith.constant 1 : i32
    "tpu.region"() ({
      %run_scoped3A_146 = tpu.sem_alloc : memref<!tpu.dma_semaphore, #tpu.memory_space<semaphore_mem>>
      %dma_start3A_147 = arith.constant 0 : i32
      %dma_start3A_148 = tpu.memref_slice %arg9[%run_scoped3A_74, %dma_start3A_147] : memref<2x2000xi32, #tpu.memory_space<vmem>> -> memref<1x2000xi32, #tpu.memory_space<vmem>>
      %dma_start3A_149 = tpu.memref_squeeze %dma_start3A_148 : memref<1x2000xi32, #tpu.memory_space<vmem>> -> memref<2000xi32, #tpu.memory_space<vmem>>
      %dma_start3A_150 = arith.constant 0 : i32
      %dma_start3A_151 = arith.constant 0 : i32
      %dma_start3A_152 = tpu.memref_slice %arg12[%dma_start3A_150, %dma_start3A_151] : memref<10000x16xf32, #tpu.memory_space<vmem_shared>> -> memref<10000x16xf32, #tpu.memory_space<vmem_shared>>
      tpu.enqueue_indirect_dma source(%arg11 : memref<2000x16xf32, #tpu.memory_space<vmem>>) target(%dma_start3A_152 : memref<10000x16xf32, #tpu.memory_space<vmem_shared>>) offsets(%dma_start3A_149 : memref<2000xi32, #tpu.memory_space<vmem>>) semaphore(%run_scoped3A_146 : memref<!tpu.dma_semaphore, #tpu.memory_space<semaphore_mem>>) {add = true}
      %dma_wait3A_153 = arith.constant 0 : i32
      %dma_wait3A_154 = tpu.memref_slice %arg9[%run_scoped3A_74, %dma_wait3A_153] : memref<2x2000xi32, #tpu.memory_space<vmem>> -> memref<1x2000xi32, #tpu.memory_space<vmem>>
      %dma_wait3A_155 = tpu.memref_squeeze %dma_wait3A_154 : memref<1x2000xi32, #tpu.memory_space<vmem>> -> memref<2000xi32, #tpu.memory_space<vmem>>
      %dma_wait3A_156 = arith.constant 0 : i32
      %dma_wait3A_157 = arith.constant 0 : i32
      %dma_wait3A_158 = tpu.memref_slice %arg12[%dma_wait3A_156, %dma_wait3A_157] : memref<10000x16xf32, #tpu.memory_space<vmem_shared>> -> memref<10000x16xf32, #tpu.memory_space<vmem_shared>>
      tpu.wait_indirect_dma semaphore(%run_scoped3A_146 : memref<!tpu.dma_semaphore, #tpu.memory_space<semaphore_mem>>) src(%arg11 : memref<2000x16xf32, #tpu.memory_space<vmem>>) dst(%dma_wait3A_158 : memref<10000x16xf32, #tpu.memory_space<vmem_shared>>)
      tpu.yield
    }) : () -> ()
    %run_scoped3A_75 = arith.constant 1 : i32
    "tpu.region"() ({
      %run_scoped3A_146 = tpu.sem_alloc : memref<!tpu.dma_semaphore, #tpu.memory_space<semaphore_mem>>
      %dma_start3A_147 = arith.constant 0 : i32
      %dma_start3A_148 = tpu.memref_slice %arg9[%run_scoped3A_75, %dma_start3A_147] : memref<2x2000xi32, #tpu.memory_space<vmem>> -> memref<1x2000xi32, #tpu.memory_space<vmem>>
      %dma_start3A_149 = tpu.memref_squeeze %dma_start3A_148 : memref<1x2000xi32, #tpu.memory_space<vmem>> -> memref<2000xi32, #tpu.memory_space<vmem>>
      %dma_start3A_150 = arith.constant 0 : i32
      %dma_start3A_151 = tpu.memref_slice %arg18[%dma_start3A_150] : memref<10240xf32, #tpu.memory_space<vmem_shared>> -> memref<10240xf32, #tpu.memory_space<vmem_shared>>
      tpu.enqueue_indirect_dma source(%arg17 : memref<2000xf32, #tpu.memory_space<vmem>>) target(%dma_start3A_151 : memref<10240xf32, #tpu.memory_space<vmem_shared>>) offsets(%dma_start3A_149 : memref<2000xi32, #tpu.memory_space<vmem>>) semaphore(%run_scoped3A_146 : memref<!tpu.dma_semaphore, #tpu.memory_space<semaphore_mem>>) {add = true}
      %dma_wait3A_152 = arith.constant 0 : i32
      %dma_wait3A_153 = tpu.memref_slice %arg9[%run_scoped3A_75, %dma_wait3A_152] : memref<2x2000xi32, #tpu.memory_space<vmem>> -> memref<1x2000xi32, #tpu.memory_space<vmem>>
      %dma_wait3A_154 = tpu.memref_squeeze %dma_wait3A_153 : memref<1x2000xi32, #tpu.memory_space<vmem>> -> memref<2000xi32, #tpu.memory_space<vmem>>
      %dma_wait3A_155 = arith.constant 0 : i32
      %dma_wait3A_156 = tpu.memref_slice %arg18[%dma_wait3A_155] : memref<10240xf32, #tpu.memory_space<vmem_shared>> -> memref<10240xf32, #tpu.memory_space<vmem_shared>>
      tpu.wait_indirect_dma semaphore(%run_scoped3A_146 : memref<!tpu.dma_semaphore, #tpu.memory_space<semaphore_mem>>) src(%arg17 : memref<2000xf32, #tpu.memory_space<vmem>>) dst(%dma_wait3A_156 : memref<10240xf32, #tpu.memory_space<vmem_shared>>)
      tpu.yield
    }) : () -> ()
    %add3A_76 = arith.constant 6000 : i32
    %add3A_77 = arith.addi %mul3A_11, %add3A_76 : i32
    %dma_start3A_78 = arith.constant 0 : i32
    %dma_start3A_79 = tpu.memref_slice %arg3[%dma_start3A_78, %add3A_77] : memref<2x320000xi32, #tpu.memory_space<hbm>> -> memref<2x2000xi32, #tpu.memory_space<hbm>>
    %dma_start3A_80 = arith.constant 0 : i32
    %dma_start3A_81 = tpu.memref_slice %arg3[%dma_start3A_80, %add3A_77] : memref<2x320000xi32, #tpu.memory_space<hbm>> -> memref<2x2000xi32, #tpu.memory_space<hbm>>
    tpu.enqueue_dma source(%dma_start3A_81 : memref<2x2000xi32, #tpu.memory_space<hbm>>) target(%arg9 : memref<2x2000xi32, #tpu.memory_space<vmem>>) target_semaphore(%arg14 : memref<!tpu.dma_semaphore, #tpu.memory_space<semaphore_mem>>)
    %dma_wait3A_82 = arith.constant 0 : i32
    %dma_wait3A_83 = tpu.memref_slice %arg3[%dma_wait3A_82, %add3A_77] : memref<2x320000xi32, #tpu.memory_space<hbm>> -> memref<2x2000xi32, #tpu.memory_space<hbm>>
    %dma_wait3A_84 = arith.constant 0 : i32
    %dma_wait3A_85 = tpu.memref_slice %arg3[%dma_wait3A_84, %add3A_77] : memref<2x320000xi32, #tpu.memory_space<hbm>> -> memref<2x2000xi32, #tpu.memory_space<hbm>>
    tpu.wait_dma2 semaphore(%arg14 : memref<!tpu.dma_semaphore, #tpu.memory_space<semaphore_mem>>) src(%dma_wait3A_85 : memref<2x2000xi32, #tpu.memory_space<hbm>>) dst(%arg9 : memref<2x2000xi32, #tpu.memory_space<vmem>>)
    %dma_start3A_86 = arith.constant 0 : i32
    %dma_start3A_87 = arith.constant 0 : i32
    %dma_start3A_88 = tpu.memref_slice %arg9[%dma_start3A_86, %dma_start3A_87] : memref<2x2000xi32, #tpu.memory_space<vmem>> -> memref<1x2000xi32, #tpu.memory_space<vmem>>
    %dma_start3A_89 = tpu.memref_squeeze %dma_start3A_88 : memref<1x2000xi32, #tpu.memory_space<vmem>> -> memref<2000xi32, #tpu.memory_space<vmem>>
    %dma_start3A_90 = arith.constant 0 : i32
    %dma_start3A_91 = arith.constant 0 : i32
    %dma_start3A_92 = tpu.memref_slice %arg2[%dma_start3A_90, %dma_start3A_91] : memref<10000x16xf32, #tpu.memory_space<hbm>> -> memref<10000x16xf32, #tpu.memory_space<hbm>>
    tpu.enqueue_indirect_dma source(%dma_start3A_92 : memref<10000x16xf32, #tpu.memory_space<hbm>>) target(%arg11 : memref<2000x16xf32, #tpu.memory_space<vmem>>) offsets(%dma_start3A_89 : memref<2000xi32, #tpu.memory_space<vmem>>) semaphore(%arg16 : memref<!tpu.dma_semaphore, #tpu.memory_space<semaphore_mem>>)
    %dma_wait3A_93 = arith.constant 0 : i32
    %dma_wait3A_94 = arith.constant 0 : i32
    %dma_wait3A_95 = tpu.memref_slice %arg8[%dma_wait3A_93, %dma_wait3A_94] : memref<2x2000xi32, #tpu.memory_space<vmem>> -> memref<1x2000xi32, #tpu.memory_space<vmem>>
    %dma_wait3A_96 = tpu.memref_squeeze %dma_wait3A_95 : memref<1x2000xi32, #tpu.memory_space<vmem>> -> memref<2000xi32, #tpu.memory_space<vmem>>
    %dma_wait3A_97 = arith.constant 0 : i32
    %dma_wait3A_98 = arith.constant 0 : i32
    %dma_wait3A_99 = tpu.memref_slice %arg2[%dma_wait3A_97, %dma_wait3A_98] : memref<10000x16xf32, #tpu.memory_space<hbm>> -> memref<10000x16xf32, #tpu.memory_space<hbm>>
    tpu.wait_indirect_dma semaphore(%arg15 : memref<!tpu.dma_semaphore, #tpu.memory_space<semaphore_mem>>) src(%dma_wait3A_99 : memref<10000x16xf32, #tpu.memory_space<hbm>>) dst(%arg10 : memref<2000x16xf32, #tpu.memory_space<vmem>>)
    %run_scoped3A_100 = arith.constant 1 : i32
    "tpu.region"() ({
      %run_scoped3A_146 = tpu.sem_alloc : memref<!tpu.dma_semaphore, #tpu.memory_space<semaphore_mem>>
      %dma_start3A_147 = arith.constant 0 : i32
      %dma_start3A_148 = tpu.memref_slice %arg8[%run_scoped3A_100, %dma_start3A_147] : memref<2x2000xi32, #tpu.memory_space<vmem>> -> memref<1x2000xi32, #tpu.memory_space<vmem>>
      %dma_start3A_149 = tpu.memref_squeeze %dma_start3A_148 : memref<1x2000xi32, #tpu.memory_space<vmem>> -> memref<2000xi32, #tpu.memory_space<vmem>>
      %dma_start3A_150 = arith.constant 0 : i32
      %dma_start3A_151 = arith.constant 0 : i32
      %dma_start3A_152 = tpu.memref_slice %arg12[%dma_start3A_150, %dma_start3A_151] : memref<10000x16xf32, #tpu.memory_space<vmem_shared>> -> memref<10000x16xf32, #tpu.memory_space<vmem_shared>>
      tpu.enqueue_indirect_dma source(%arg10 : memref<2000x16xf32, #tpu.memory_space<vmem>>) target(%dma_start3A_152 : memref<10000x16xf32, #tpu.memory_space<vmem_shared>>) offsets(%dma_start3A_149 : memref<2000xi32, #tpu.memory_space<vmem>>) semaphore(%run_scoped3A_146 : memref<!tpu.dma_semaphore, #tpu.memory_space<semaphore_mem>>) {add = true}
      %dma_wait3A_153 = arith.constant 0 : i32
      %dma_wait3A_154 = tpu.memref_slice %arg8[%run_scoped3A_100, %dma_wait3A_153] : memref<2x2000xi32, #tpu.memory_space<vmem>> -> memref<1x2000xi32, #tpu.memory_space<vmem>>
      %dma_wait3A_155 = tpu.memref_squeeze %dma_wait3A_154 : memref<1x2000xi32, #tpu.memory_space<vmem>> -> memref<2000xi32, #tpu.memory_space<vmem>>
      %dma_wait3A_156 = arith.constant 0 : i32
      %dma_wait3A_157 = arith.constant 0 : i32
      %dma_wait3A_158 = tpu.memref_slice %arg12[%dma_wait3A_156, %dma_wait3A_157] : memref<10000x16xf32, #tpu.memory_space<vmem_shared>> -> memref<10000x16xf32, #tpu.memory_space<vmem_shared>>
      tpu.wait_indirect_dma semaphore(%run_scoped3A_146 : memref<!tpu.dma_semaphore, #tpu.memory_space<semaphore_mem>>) src(%arg10 : memref<2000x16xf32, #tpu.memory_space<vmem>>) dst(%dma_wait3A_158 : memref<10000x16xf32, #tpu.memory_space<vmem_shared>>)
      tpu.yield
    }) : () -> ()
    %run_scoped3A_101 = arith.constant 1 : i32
    "tpu.region"() ({
      %run_scoped3A_146 = tpu.sem_alloc : memref<!tpu.dma_semaphore, #tpu.memory_space<semaphore_mem>>
      %dma_start3A_147 = arith.constant 0 : i32
      %dma_start3A_148 = tpu.memref_slice %arg8[%run_scoped3A_101, %dma_start3A_147] : memref<2x2000xi32, #tpu.memory_space<vmem>> -> memref<1x2000xi32, #tpu.memory_space<vmem>>
      %dma_start3A_149 = tpu.memref_squeeze %dma_start3A_148 : memref<1x2000xi32, #tpu.memory_space<vmem>> -> memref<2000xi32, #tpu.memory_space<vmem>>
      %dma_start3A_150 = arith.constant 0 : i32
      %dma_start3A_151 = tpu.memref_slice %arg18[%dma_start3A_150] : memref<10240xf32, #tpu.memory_space<vmem_shared>> -> memref<10240xf32, #tpu.memory_space<vmem_shared>>
      tpu.enqueue_indirect_dma source(%arg17 : memref<2000xf32, #tpu.memory_space<vmem>>) target(%dma_start3A_151 : memref<10240xf32, #tpu.memory_space<vmem_shared>>) offsets(%dma_start3A_149 : memref<2000xi32, #tpu.memory_space<vmem>>) semaphore(%run_scoped3A_146 : memref<!tpu.dma_semaphore, #tpu.memory_space<semaphore_mem>>) {add = true}
      %dma_wait3A_152 = arith.constant 0 : i32
      %dma_wait3A_153 = tpu.memref_slice %arg8[%run_scoped3A_101, %dma_wait3A_152] : memref<2x2000xi32, #tpu.memory_space<vmem>> -> memref<1x2000xi32, #tpu.memory_space<vmem>>
      %dma_wait3A_154 = tpu.memref_squeeze %dma_wait3A_153 : memref<1x2000xi32, #tpu.memory_space<vmem>> -> memref<2000xi32, #tpu.memory_space<vmem>>
      %dma_wait3A_155 = arith.constant 0 : i32
      %dma_wait3A_156 = tpu.memref_slice %arg18[%dma_wait3A_155] : memref<10240xf32, #tpu.memory_space<vmem_shared>> -> memref<10240xf32, #tpu.memory_space<vmem_shared>>
      tpu.wait_indirect_dma semaphore(%run_scoped3A_146 : memref<!tpu.dma_semaphore, #tpu.memory_space<semaphore_mem>>) src(%arg17 : memref<2000xf32, #tpu.memory_space<vmem>>) dst(%dma_wait3A_156 : memref<10240xf32, #tpu.memory_space<vmem_shared>>)
      tpu.yield
    }) : () -> ()
    %add3A_102 = arith.constant 8000 : i32
    %add3A_103 = arith.addi %mul3A_11, %add3A_102 : i32
    %dma_start3A_104 = arith.constant 0 : i32
    %dma_start3A_105 = tpu.memref_slice %arg3[%dma_start3A_104, %add3A_103] : memref<2x320000xi32, #tpu.memory_space<hbm>> -> memref<2x2000xi32, #tpu.memory_space<hbm>>
    %dma_start3A_106 = arith.constant 0 : i32
    %dma_start3A_107 = tpu.memref_slice %arg3[%dma_start3A_106, %add3A_103] : memref<2x320000xi32, #tpu.memory_space<hbm>> -> memref<2x2000xi32, #tpu.memory_space<hbm>>
    tpu.enqueue_dma source(%dma_start3A_107 : memref<2x2000xi32, #tpu.memory_space<hbm>>) target(%arg8 : memref<2x2000xi32, #tpu.memory_space<vmem>>) target_semaphore(%arg13 : memref<!tpu.dma_semaphore, #tpu.memory_space<semaphore_mem>>)
    %dma_wait3A_108 = arith.constant 0 : i32
    %dma_wait3A_109 = tpu.memref_slice %arg3[%dma_wait3A_108, %add3A_103] : memref<2x320000xi32, #tpu.memory_space<hbm>> -> memref<2x2000xi32, #tpu.memory_space<hbm>>
    %dma_wait3A_110 = arith.constant 0 : i32
    %dma_wait3A_111 = tpu.memref_slice %arg3[%dma_wait3A_110, %add3A_103] : memref<2x320000xi32, #tpu.memory_space<hbm>> -> memref<2x2000xi32, #tpu.memory_space<hbm>>
    tpu.wait_dma2 semaphore(%arg13 : memref<!tpu.dma_semaphore, #tpu.memory_space<semaphore_mem>>) src(%dma_wait3A_111 : memref<2x2000xi32, #tpu.memory_space<hbm>>) dst(%arg8 : memref<2x2000xi32, #tpu.memory_space<vmem>>)
    %dma_start3A_112 = arith.constant 0 : i32
    %dma_start3A_113 = arith.constant 0 : i32
    %dma_start3A_114 = tpu.memref_slice %arg8[%dma_start3A_112, %dma_start3A_113] : memref<2x2000xi32, #tpu.memory_space<vmem>> -> memref<1x2000xi32, #tpu.memory_space<vmem>>
    %dma_start3A_115 = tpu.memref_squeeze %dma_start3A_114 : memref<1x2000xi32, #tpu.memory_space<vmem>> -> memref<2000xi32, #tpu.memory_space<vmem>>
    %dma_start3A_116 = arith.constant 0 : i32
    %dma_start3A_117 = arith.constant 0 : i32
    %dma_start3A_118 = tpu.memref_slice %arg2[%dma_start3A_116, %dma_start3A_117] : memref<10000x16xf32, #tpu.memory_space<hbm>> -> memref<10000x16xf32, #tpu.memory_space<hbm>>
    tpu.enqueue_indirect_dma source(%dma_start3A_118 : memref<10000x16xf32, #tpu.memory_space<hbm>>) target(%arg10 : memref<2000x16xf32, #tpu.memory_space<vmem>>) offsets(%dma_start3A_115 : memref<2000xi32, #tpu.memory_space<vmem>>) semaphore(%arg15 : memref<!tpu.dma_semaphore, #tpu.memory_space<semaphore_mem>>)
    %dma_wait3A_119 = arith.constant 0 : i32
    %dma_wait3A_120 = arith.constant 0 : i32
    %dma_wait3A_121 = tpu.memref_slice %arg9[%dma_wait3A_119, %dma_wait3A_120] : memref<2x2000xi32, #tpu.memory_space<vmem>> -> memref<1x2000xi32, #tpu.memory_space<vmem>>
    %dma_wait3A_122 = tpu.memref_squeeze %dma_wait3A_121 : memref<1x2000xi32, #tpu.memory_space<vmem>> -> memref<2000xi32, #tpu.memory_space<vmem>>
    %dma_wait3A_123 = arith.constant 0 : i32
    %dma_wait3A_124 = arith.constant 0 : i32
    %dma_wait3A_125 = tpu.memref_slice %arg2[%dma_wait3A_123, %dma_wait3A_124] : memref<10000x16xf32, #tpu.memory_space<hbm>> -> memref<10000x16xf32, #tpu.memory_space<hbm>>
    tpu.wait_indirect_dma semaphore(%arg16 : memref<!tpu.dma_semaphore, #tpu.memory_space<semaphore_mem>>) src(%dma_wait3A_125 : memref<10000x16xf32, #tpu.memory_space<hbm>>) dst(%arg11 : memref<2000x16xf32, #tpu.memory_space<vmem>>)
    %run_scoped3A_126 = arith.constant 1 : i32
    "tpu.region"() ({
      %run_scoped3A_146 = tpu.sem_alloc : memref<!tpu.dma_semaphore, #tpu.memory_space<semaphore_mem>>
      %dma_start3A_147 = arith.constant 0 : i32
      %dma_start3A_148 = tpu.memref_slice %arg9[%run_scoped3A_126, %dma_start3A_147] : memref<2x2000xi32, #tpu.memory_space<vmem>> -> memref<1x2000xi32, #tpu.memory_space<vmem>>
      %dma_start3A_149 = tpu.memref_squeeze %dma_start3A_148 : memref<1x2000xi32, #tpu.memory_space<vmem>> -> memref<2000xi32, #tpu.memory_space<vmem>>
      %dma_start3A_150 = arith.constant 0 : i32
      %dma_start3A_151 = arith.constant 0 : i32
      %dma_start3A_152 = tpu.memref_slice %arg12[%dma_start3A_150, %dma_start3A_151] : memref<10000x16xf32, #tpu.memory_space<vmem_shared>> -> memref<10000x16xf32, #tpu.memory_space<vmem_shared>>
      tpu.enqueue_indirect_dma source(%arg11 : memref<2000x16xf32, #tpu.memory_space<vmem>>) target(%dma_start3A_152 : memref<10000x16xf32, #tpu.memory_space<vmem_shared>>) offsets(%dma_start3A_149 : memref<2000xi32, #tpu.memory_space<vmem>>) semaphore(%run_scoped3A_146 : memref<!tpu.dma_semaphore, #tpu.memory_space<semaphore_mem>>) {add = true}
      %dma_wait3A_153 = arith.constant 0 : i32
      %dma_wait3A_154 = tpu.memref_slice %arg9[%run_scoped3A_126, %dma_wait3A_153] : memref<2x2000xi32, #tpu.memory_space<vmem>> -> memref<1x2000xi32, #tpu.memory_space<vmem>>
      %dma_wait3A_155 = tpu.memref_squeeze %dma_wait3A_154 : memref<1x2000xi32, #tpu.memory_space<vmem>> -> memref<2000xi32, #tpu.memory_space<vmem>>
      %dma_wait3A_156 = arith.constant 0 : i32
      %dma_wait3A_157 = arith.constant 0 : i32
      %dma_wait3A_158 = tpu.memref_slice %arg12[%dma_wait3A_156, %dma_wait3A_157] : memref<10000x16xf32, #tpu.memory_space<vmem_shared>> -> memref<10000x16xf32, #tpu.memory_space<vmem_shared>>
      tpu.wait_indirect_dma semaphore(%run_scoped3A_146 : memref<!tpu.dma_semaphore, #tpu.memory_space<semaphore_mem>>) src(%arg11 : memref<2000x16xf32, #tpu.memory_space<vmem>>) dst(%dma_wait3A_158 : memref<10000x16xf32, #tpu.memory_space<vmem_shared>>)
      tpu.yield
    }) : () -> ()
    %run_scoped3A_127 = arith.constant 1 : i32
    "tpu.region"() ({
      %run_scoped3A_146 = tpu.sem_alloc : memref<!tpu.dma_semaphore, #tpu.memory_space<semaphore_mem>>
      %dma_start3A_147 = arith.constant 0 : i32
      %dma_start3A_148 = tpu.memref_slice %arg9[%run_scoped3A_127, %dma_start3A_147] : memref<2x2000xi32, #tpu.memory_space<vmem>> -> memref<1x2000xi32, #tpu.memory_space<vmem>>
      %dma_start3A_149 = tpu.memref_squeeze %dma_start3A_148 : memref<1x2000xi32, #tpu.memory_space<vmem>> -> memref<2000xi32, #tpu.memory_space<vmem>>
      %dma_start3A_150 = arith.constant 0 : i32
      %dma_start3A_151 = tpu.memref_slice %arg18[%dma_start3A_150] : memref<10240xf32, #tpu.memory_space<vmem_shared>> -> memref<10240xf32, #tpu.memory_space<vmem_shared>>
      tpu.enqueue_indirect_dma source(%arg17 : memref<2000xf32, #tpu.memory_space<vmem>>) target(%dma_start3A_151 : memref<10240xf32, #tpu.memory_space<vmem_shared>>) offsets(%dma_start3A_149 : memref<2000xi32, #tpu.memory_space<vmem>>) semaphore(%run_scoped3A_146 : memref<!tpu.dma_semaphore, #tpu.memory_space<semaphore_mem>>) {add = true}
      %dma_wait3A_152 = arith.constant 0 : i32
      %dma_wait3A_153 = tpu.memref_slice %arg9[%run_scoped3A_127, %dma_wait3A_152] : memref<2x2000xi32, #tpu.memory_space<vmem>> -> memref<1x2000xi32, #tpu.memory_space<vmem>>
      %dma_wait3A_154 = tpu.memref_squeeze %dma_wait3A_153 : memref<1x2000xi32, #tpu.memory_space<vmem>> -> memref<2000xi32, #tpu.memory_space<vmem>>
      %dma_wait3A_155 = arith.constant 0 : i32
      %dma_wait3A_156 = tpu.memref_slice %arg18[%dma_wait3A_155] : memref<10240xf32, #tpu.memory_space<vmem_shared>> -> memref<10240xf32, #tpu.memory_space<vmem_shared>>
      tpu.wait_indirect_dma semaphore(%run_scoped3A_146 : memref<!tpu.dma_semaphore, #tpu.memory_space<semaphore_mem>>) src(%arg17 : memref<2000xf32, #tpu.memory_space<vmem>>) dst(%dma_wait3A_156 : memref<10240xf32, #tpu.memory_space<vmem_shared>>)
      tpu.yield
    }) : () -> ()
    %dma_wait3A_128 = arith.constant 0 : i32
    %dma_wait3A_129 = arith.constant 0 : i32
    %dma_wait3A_130 = tpu.memref_slice %arg8[%dma_wait3A_128, %dma_wait3A_129] : memref<2x2000xi32, #tpu.memory_space<vmem>> -> memref<1x2000xi32, #tpu.memory_space<vmem>>
    %dma_wait3A_131 = tpu.memref_squeeze %dma_wait3A_130 : memref<1x2000xi32, #tpu.memory_space<vmem>> -> memref<2000xi32, #tpu.memory_space<vmem>>
    %dma_wait3A_132 = arith.constant 0 : i32
    %dma_wait3A_133 = arith.constant 0 : i32
    %dma_wait3A_134 = tpu.memref_slice %arg2[%dma_wait3A_132, %dma_wait3A_133] : memref<10000x16xf32, #tpu.memory_space<hbm>> -> memref<10000x16xf32, #tpu.memory_space<hbm>>
    tpu.wait_indirect_dma semaphore(%arg15 : memref<!tpu.dma_semaphore, #tpu.memory_space<semaphore_mem>>) src(%dma_wait3A_134 : memref<10000x16xf32, #tpu.memory_space<hbm>>) dst(%arg10 : memref<2000x16xf32, #tpu.memory_space<vmem>>)
    %run_scoped3A_135 = arith.constant 1 : i32
    "tpu.region"() ({
      %run_scoped3A_146 = tpu.sem_alloc : memref<!tpu.dma_semaphore, #tpu.memory_space<semaphore_mem>>
      %dma_start3A_147 = arith.constant 0 : i32
      %dma_start3A_148 = tpu.memref_slice %arg8[%run_scoped3A_135, %dma_start3A_147] : memref<2x2000xi32, #tpu.memory_space<vmem>> -> memref<1x2000xi32, #tpu.memory_space<vmem>>
      %dma_start3A_149 = tpu.memref_squeeze %dma_start3A_148 : memref<1x2000xi32, #tpu.memory_space<vmem>> -> memref<2000xi32, #tpu.memory_space<vmem>>
      %dma_start3A_150 = arith.constant 0 : i32
      %dma_start3A_151 = arith.constant 0 : i32
      %dma_start3A_152 = tpu.memref_slice %arg12[%dma_start3A_150, %dma_start3A_151] : memref<10000x16xf32, #tpu.memory_space<vmem_shared>> -> memref<10000x16xf32, #tpu.memory_space<vmem_shared>>
      tpu.enqueue_indirect_dma source(%arg10 : memref<2000x16xf32, #tpu.memory_space<vmem>>) target(%dma_start3A_152 : memref<10000x16xf32, #tpu.memory_space<vmem_shared>>) offsets(%dma_start3A_149 : memref<2000xi32, #tpu.memory_space<vmem>>) semaphore(%run_scoped3A_146 : memref<!tpu.dma_semaphore, #tpu.memory_space<semaphore_mem>>) {add = true}
      %dma_wait3A_153 = arith.constant 0 : i32
      %dma_wait3A_154 = tpu.memref_slice %arg8[%run_scoped3A_135, %dma_wait3A_153] : memref<2x2000xi32, #tpu.memory_space<vmem>> -> memref<1x2000xi32, #tpu.memory_space<vmem>>
      %dma_wait3A_155 = tpu.memref_squeeze %dma_wait3A_154 : memref<1x2000xi32, #tpu.memory_space<vmem>> -> memref<2000xi32, #tpu.memory_space<vmem>>
      %dma_wait3A_156 = arith.constant 0 : i32
      %dma_wait3A_157 = arith.constant 0 : i32
      %dma_wait3A_158 = tpu.memref_slice %arg12[%dma_wait3A_156, %dma_wait3A_157] : memref<10000x16xf32, #tpu.memory_space<vmem_shared>> -> memref<10000x16xf32, #tpu.memory_space<vmem_shared>>
      tpu.wait_indirect_dma semaphore(%run_scoped3A_146 : memref<!tpu.dma_semaphore, #tpu.memory_space<semaphore_mem>>) src(%arg10 : memref<2000x16xf32, #tpu.memory_space<vmem>>) dst(%dma_wait3A_158 : memref<10000x16xf32, #tpu.memory_space<vmem_shared>>)
      tpu.yield
    }) : () -> ()
    %run_scoped3A_136 = arith.constant 1 : i32
    "tpu.region"() ({
      %run_scoped3A_146 = tpu.sem_alloc : memref<!tpu.dma_semaphore, #tpu.memory_space<semaphore_mem>>
      %dma_start3A_147 = arith.constant 0 : i32
      %dma_start3A_148 = tpu.memref_slice %arg8[%run_scoped3A_136, %dma_start3A_147] : memref<2x2000xi32, #tpu.memory_space<vmem>> -> memref<1x2000xi32, #tpu.memory_space<vmem>>
      %dma_start3A_149 = tpu.memref_squeeze %dma_start3A_148 : memref<1x2000xi32, #tpu.memory_space<vmem>> -> memref<2000xi32, #tpu.memory_space<vmem>>
      %dma_start3A_150 = arith.constant 0 : i32
      %dma_start3A_151 = tpu.memref_slice %arg18[%dma_start3A_150] : memref<10240xf32, #tpu.memory_space<vmem_shared>> -> memref<10240xf32, #tpu.memory_space<vmem_shared>>
      tpu.enqueue_indirect_dma source(%arg17 : memref<2000xf32, #tpu.memory_space<vmem>>) target(%dma_start3A_151 : memref<10240xf32, #tpu.memory_space<vmem_shared>>) offsets(%dma_start3A_149 : memref<2000xi32, #tpu.memory_space<vmem>>) semaphore(%run_scoped3A_146 : memref<!tpu.dma_semaphore, #tpu.memory_space<semaphore_mem>>) {add = true}
      %dma_wait3A_152 = arith.constant 0 : i32
      %dma_wait3A_153 = tpu.memref_slice %arg8[%run_scoped3A_136, %dma_wait3A_152] : memref<2x2000xi32, #tpu.memory_space<vmem>> -> memref<1x2000xi32, #tpu.memory_space<vmem>>
      %dma_wait3A_154 = tpu.memref_squeeze %dma_wait3A_153 : memref<1x2000xi32, #tpu.memory_space<vmem>> -> memref<2000xi32, #tpu.memory_space<vmem>>
      %dma_wait3A_155 = arith.constant 0 : i32
      %dma_wait3A_156 = tpu.memref_slice %arg18[%dma_wait3A_155] : memref<10240xf32, #tpu.memory_space<vmem_shared>> -> memref<10240xf32, #tpu.memory_space<vmem_shared>>
      tpu.wait_indirect_dma semaphore(%run_scoped3A_146 : memref<!tpu.dma_semaphore, #tpu.memory_space<semaphore_mem>>) src(%arg17 : memref<2000xf32, #tpu.memory_space<vmem>>) dst(%dma_wait3A_156 : memref<10240xf32, #tpu.memory_space<vmem_shared>>)
      tpu.yield
    }) : () -> ()
    %barrier3A_137 = arith.constant 0 : index
    tpu.barrier barrier_id(%barrier3A_137)
    %mul3A_138 = arith.constant 625 : i32
    %mul3A_139 = arith.muli %arg1, %mul3A_138 : i32
    %mul3A_140 = arith.constant 625 : i32
    %mul3A_141 = arith.muli %arg1, %mul3A_140 : i32
    "tpu.region"() ({
      %run_scoped3A_146 = tpu.sem_alloc : memref<!tpu.dma_semaphore, #tpu.memory_space<semaphore_mem>>
      %dma_start3A_147 = arith.constant 0 : i32
      %dma_start3A_148 = tpu.memref_slice %arg6[%arg0, %mul3A_141, %dma_start3A_147] : memref<2x10000x16xf32, #tpu.memory_space<hbm>> -> memref<1x625x16xf32, #tpu.memory_space<hbm>>
      %dma_start3A_149 = tpu.memref_squeeze %dma_start3A_148 : memref<1x625x16xf32, #tpu.memory_space<hbm>> -> memref<625x16xf32, #tpu.memory_space<hbm>>
      %dma_start3A_150 = arith.constant 0 : i32
      %dma_start3A_151 = tpu.memref_slice %arg12[%mul3A_139, %dma_start3A_150] : memref<10000x16xf32, #tpu.memory_space<vmem_shared>> -> memref<625x16xf32, #tpu.memory_space<vmem_shared>>
      tpu.enqueue_dma source(%dma_start3A_151 : memref<625x16xf32, #tpu.memory_space<vmem_shared>>) target(%dma_start3A_149 : memref<625x16xf32, #tpu.memory_space<hbm>>) target_semaphore(%run_scoped3A_146 : memref<!tpu.dma_semaphore, #tpu.memory_space<semaphore_mem>>)
      %dma_wait3A_152 = arith.constant 0 : i32
      %dma_wait3A_153 = tpu.memref_slice %arg6[%arg0, %mul3A_141, %dma_wait3A_152] : memref<2x10000x16xf32, #tpu.memory_space<hbm>> -> memref<1x625x16xf32, #tpu.memory_space<hbm>>
      %dma_wait3A_154 = tpu.memref_squeeze %dma_wait3A_153 : memref<1x625x16xf32, #tpu.memory_space<hbm>> -> memref<625x16xf32, #tpu.memory_space<hbm>>
      %dma_wait3A_155 = arith.constant 0 : i32
      %dma_wait3A_156 = tpu.memref_slice %arg12[%mul3A_139, %dma_wait3A_155] : memref<10000x16xf32, #tpu.memory_space<vmem_shared>> -> memref<625x16xf32, #tpu.memory_space<vmem_shared>>
      tpu.wait_dma2 semaphore(%run_scoped3A_146 : memref<!tpu.dma_semaphore, #tpu.memory_space<semaphore_mem>>) src(%dma_wait3A_156 : memref<625x16xf32, #tpu.memory_space<vmem_shared>>) dst(%dma_wait3A_154 : memref<625x16xf32, #tpu.memory_space<hbm>>)
      tpu.yield
    }) : () -> ()
    %mul3A_142 = arith.constant 640 : i32
    %mul3A_143 = arith.muli %arg1, %mul3A_142 : i32
    %mul3A_144 = arith.constant 640 : i32
    %mul3A_145 = arith.muli %arg1, %mul3A_144 : i32
    "tpu.region"() ({
      %run_scoped3A_146 = tpu.sem_alloc : memref<!tpu.dma_semaphore, #tpu.memory_space<semaphore_mem>>
      %dma_start3A_147 = tpu.memref_slice %arg7[%arg0, %mul3A_145] : memref<2x10240xf32, #tpu.memory_space<hbm>> -> memref<1x640xf32, #tpu.memory_space<hbm>>
      %dma_start3A_148 = tpu.memref_squeeze %dma_start3A_147 : memref<1x640xf32, #tpu.memory_space<hbm>> -> memref<640xf32, #tpu.memory_space<hbm>>
      %dma_start3A_149 = tpu.memref_slice %arg18[%mul3A_143] : memref<10240xf32, #tpu.memory_space<vmem_shared>> -> memref<640xf32, #tpu.memory_space<vmem_shared>>
      tpu.enqueue_dma source(%dma_start3A_149 : memref<640xf32, #tpu.memory_space<vmem_shared>>) target(%dma_start3A_148 : memref<640xf32, #tpu.memory_space<hbm>>) target_semaphore(%run_scoped3A_146 : memref<!tpu.dma_semaphore, #tpu.memory_space<semaphore_mem>>)
      %dma_wait3A_150 = tpu.memref_slice %arg7[%arg0, %mul3A_145] : memref<2x10240xf32, #tpu.memory_space<hbm>> -> memref<1x640xf32, #tpu.memory_space<hbm>>
      %dma_wait3A_151 = tpu.memref_squeeze %dma_wait3A_150 : memref<1x640xf32, #tpu.memory_space<hbm>> -> memref<640xf32, #tpu.memory_space<hbm>>
      %dma_wait3A_152 = tpu.memref_slice %arg18[%mul3A_143] : memref<10240xf32, #tpu.memory_space<vmem_shared>> -> memref<640xf32, #tpu.memory_space<vmem_shared>>
      tpu.wait_dma2 semaphore(%run_scoped3A_146 : memref<!tpu.dma_semaphore, #tpu.memory_space<semaphore_mem>>) src(%dma_wait3A_152 : memref<640xf32, #tpu.memory_space<vmem_shared>>) dst(%dma_wait3A_151 : memref<640xf32, #tpu.memory_space<hbm>>)
      tpu.yield
    }) : () -> ()
    return
  }
}

#map = affine_map<(d0, d1) -> (0, 0)>
module attributes {stable_mosaic.version = 14 : i64} {
  func.func @body(%arg0: i32, %arg1: i32, %arg2: memref<10000x8xf32, #tpu.memory_space<hbm>>, %arg3: memref<2x320000xi32, #tpu.memory_space<hbm>>, %arg4: memref<320000x4xf32, #tpu.memory_space<hbm>>, %arg5: memref<10000x8xf32, #tpu.memory_space<vmem>>, %arg6: memref<2x2000xi32, #tpu.memory_space<vmem>>, %arg7: memref<2x2000xi32, #tpu.memory_space<vmem>>, %arg8: memref<2000x4xf32, #tpu.memory_space<vmem>>, %arg9: memref<2000x4xf32, #tpu.memory_space<vmem>>, %arg10: memref<!tpu.dma_semaphore, #tpu.memory_space<semaphore_mem>>, %arg11: memref<!tpu.dma_semaphore, #tpu.memory_space<semaphore_mem>>, %arg12: memref<!tpu.dma_semaphore, #tpu.memory_space<semaphore_mem>>, %arg13: memref<!tpu.dma_semaphore, #tpu.memory_space<semaphore_mem>>) attributes {dimension_semantics = [#tpu.dimension_semantics<core_parallel>, #tpu.dimension_semantics<subcore_parallel>], iteration_bounds = array<i64: 2, 16>, scalar_prefetch = 0 : i64, scratch_operands = 9 : i64, tpu.core_type = #tpu.core_type<sc_vector_subcore>, window_params = [{transform_indices = #map}, {transform_indices = #map}, {transform_indices = #map}]} {
    %mul3A = arith.constant 16 : i32
    %mul3A_0 = arith.muli %arg0, %mul3A : i32
    %add3A = arith.addi %mul3A_0, %arg1 : i32
    %mul3A_1 = arith.constant 10000 : i32
    %mul3A_2 = arith.muli %add3A, %mul3A_1 : i32
    %dma_start3A = arith.constant 0 : i32
    %dma_start3A_3 = tpu.memref_slice %arg3[%dma_start3A, %mul3A_2] : memref<2x320000xi32, #tpu.memory_space<hbm>> -> memref<2x2000xi32, #tpu.memory_space<hbm>>
    %dma_start3A_4 = arith.constant 0 : i32
    %dma_start3A_5 = tpu.memref_slice %arg3[%dma_start3A_4, %mul3A_2] : memref<2x320000xi32, #tpu.memory_space<hbm>> -> memref<2x2000xi32, #tpu.memory_space<hbm>>
    tpu.enqueue_dma source(%dma_start3A_5 : memref<2x2000xi32, #tpu.memory_space<hbm>>) target(%arg6 : memref<2x2000xi32, #tpu.memory_space<vmem>>) target_semaphore(%arg10 : memref<!tpu.dma_semaphore, #tpu.memory_space<semaphore_mem>>)
    "tpu.region"() ({
      %run_scoped3A = tpu.sem_alloc : memref<!tpu.dma_semaphore, #tpu.memory_space<semaphore_mem>>
      tpu.enqueue_dma source(%arg2 : memref<10000x8xf32, #tpu.memory_space<hbm>>) target(%arg5 : memref<10000x8xf32, #tpu.memory_space<vmem>>) target_semaphore(%run_scoped3A : memref<!tpu.dma_semaphore, #tpu.memory_space<semaphore_mem>>)
      tpu.wait_dma2 semaphore(%run_scoped3A : memref<!tpu.dma_semaphore, #tpu.memory_space<semaphore_mem>>) src(%arg2 : memref<10000x8xf32, #tpu.memory_space<hbm>>) dst(%arg5 : memref<10000x8xf32, #tpu.memory_space<vmem>>)
      tpu.yield
    }) : () -> ()
    %iota3A = tpu.iota {dimensions = array<i32: 0>} : vector<16xi32>
    %broadcast_in_dim3A = arith.constant 0 : i32
    %broadcast_in_dim3A_6 = vector.broadcast %broadcast_in_dim3A : i32 to vector<16xi32>
    %broadcast_in_dim3A_7 = arith.constant 1 : i32
    %broadcast_in_dim3A_8 = vector.broadcast %broadcast_in_dim3A_7 : i32 to vector<16xi32>
    %broadcast_in_dim3A_9 = arith.constant 0 : i32
    %broadcast_in_dim3A_10 = vector.broadcast %broadcast_in_dim3A_9 : i32 to vector<16xi32>
    %broadcast_in_dim3A_11 = arith.constant 1 : i32
    %broadcast_in_dim3A_12 = vector.broadcast %broadcast_in_dim3A_11 : i32 to vector<16xi32>
    %broadcast_in_dim3A_13 = arith.constant 2 : i32
    %broadcast_in_dim3A_14 = vector.broadcast %broadcast_in_dim3A_13 : i32 to vector<16xi32>
    %broadcast_in_dim3A_15 = arith.constant 3 : i32
    %broadcast_in_dim3A_16 = vector.broadcast %broadcast_in_dim3A_15 : i32 to vector<16xi32>
    %broadcast_in_dim3A_17 = arith.constant 4 : i32
    %broadcast_in_dim3A_18 = vector.broadcast %broadcast_in_dim3A_17 : i32 to vector<16xi32>
    %broadcast_in_dim3A_19 = arith.constant 5 : i32
    %broadcast_in_dim3A_20 = vector.broadcast %broadcast_in_dim3A_19 : i32 to vector<16xi32>
    %broadcast_in_dim3A_21 = arith.constant 6 : i32
    %broadcast_in_dim3A_22 = vector.broadcast %broadcast_in_dim3A_21 : i32 to vector<16xi32>
    %broadcast_in_dim3A_23 = arith.constant 7 : i32
    %broadcast_in_dim3A_24 = vector.broadcast %broadcast_in_dim3A_23 : i32 to vector<16xi32>
    %dma_wait3A = arith.constant 0 : i32
    %dma_wait3A_25 = tpu.memref_slice %arg3[%dma_wait3A, %mul3A_2] : memref<2x320000xi32, #tpu.memory_space<hbm>> -> memref<2x2000xi32, #tpu.memory_space<hbm>>
    %dma_wait3A_26 = arith.constant 0 : i32
    %dma_wait3A_27 = tpu.memref_slice %arg3[%dma_wait3A_26, %mul3A_2] : memref<2x320000xi32, #tpu.memory_space<hbm>> -> memref<2x2000xi32, #tpu.memory_space<hbm>>
    tpu.wait_dma2 semaphore(%arg10 : memref<!tpu.dma_semaphore, #tpu.memory_space<semaphore_mem>>) src(%dma_wait3A_27 : memref<2x2000xi32, #tpu.memory_space<hbm>>) dst(%arg6 : memref<2x2000xi32, #tpu.memory_space<vmem>>)
    %add3A_28 = arith.constant 2000 : i32
    %add3A_29 = arith.addi %mul3A_2, %add3A_28 : i32
    %dma_start3A_30 = arith.constant 0 : i32
    %dma_start3A_31 = tpu.memref_slice %arg3[%dma_start3A_30, %add3A_29] : memref<2x320000xi32, #tpu.memory_space<hbm>> -> memref<2x2000xi32, #tpu.memory_space<hbm>>
    %dma_start3A_32 = arith.constant 0 : i32
    %dma_start3A_33 = tpu.memref_slice %arg3[%dma_start3A_32, %add3A_29] : memref<2x320000xi32, #tpu.memory_space<hbm>> -> memref<2x2000xi32, #tpu.memory_space<hbm>>
    tpu.enqueue_dma source(%dma_start3A_33 : memref<2x2000xi32, #tpu.memory_space<hbm>>) target(%arg7 : memref<2x2000xi32, #tpu.memory_space<vmem>>) target_semaphore(%arg11 : memref<!tpu.dma_semaphore, #tpu.memory_space<semaphore_mem>>)
    %scan3A = arith.constant 0 : i32
    %scan3A_34 = arith.constant 0 : i32
    %scan3A_35 = arith.constant 25 : i32
    %scan3A_36 = arith.addi %scan3A_34, %scan3A_35 : i32
    %scan3A_37 = arith.constant 1 : i32
    scf.for %scan3A_147 = %scan3A_34 to %scan3A_36 step %scan3A_37  : i32 {
      %mul3A_148 = arith.constant 5 : i32
      %mul3A_149 = arith.muli %scan3A_147, %mul3A_148 : i32
      %add3A_150 = arith.constant 0 : i32
      %add3A_151 = arith.addi %mul3A_149, %add3A_150 : i32
      %mul3A_152 = arith.constant 16 : i32
      %mul3A_153 = arith.muli %add3A_151, %mul3A_152 : i32
      %add3A_154 = vector.broadcast %mul3A_153 : i32 to vector<16xi32>
      %add3A_155 = arith.addi %iota3A, %add3A_154 : vector<16xi32>
      %gather3A = tpu.vector_load_idx %arg6[%broadcast_in_dim3A_6, %add3A_155] : memref<2x2000xi32, #tpu.memory_space<vmem>>[vector<16xi32>, vector<16xi32>], vector<16xi32>,
      %gather3A_156 = tpu.vector_load_idx %arg6[%broadcast_in_dim3A_8, %add3A_155] : memref<2x2000xi32, #tpu.memory_space<vmem>>[vector<16xi32>, vector<16xi32>], vector<16xi32>,
      %gather3A_157 = tpu.vector_load_idx %arg5[%gather3A, %broadcast_in_dim3A_10] : memref<10000x8xf32, #tpu.memory_space<vmem>>[vector<16xi32>, vector<16xi32>], vector<16xf32>,
      %gather3A_158 = tpu.vector_load_idx %arg5[%gather3A_156, %broadcast_in_dim3A_18] : memref<10000x8xf32, #tpu.memory_space<vmem>>[vector<16xi32>, vector<16xi32>], vector<16xf32>,
      %add3A_159 = arith.addf %gather3A_157, %gather3A_158 : vector<16xf32>
      %gather3A_160 = tpu.vector_load_idx %arg5[%gather3A, %broadcast_in_dim3A_12] : memref<10000x8xf32, #tpu.memory_space<vmem>>[vector<16xi32>, vector<16xi32>], vector<16xf32>,
      %gather3A_161 = tpu.vector_load_idx %arg5[%gather3A_156, %broadcast_in_dim3A_20] : memref<10000x8xf32, #tpu.memory_space<vmem>>[vector<16xi32>, vector<16xi32>], vector<16xf32>,
      %add3A_162 = arith.addf %gather3A_160, %gather3A_161 : vector<16xf32>
      %gather3A_163 = tpu.vector_load_idx %arg5[%gather3A, %broadcast_in_dim3A_14] : memref<10000x8xf32, #tpu.memory_space<vmem>>[vector<16xi32>, vector<16xi32>], vector<16xf32>,
      %gather3A_164 = tpu.vector_load_idx %arg5[%gather3A_156, %broadcast_in_dim3A_22] : memref<10000x8xf32, #tpu.memory_space<vmem>>[vector<16xi32>, vector<16xi32>], vector<16xf32>,
      %add3A_165 = arith.addf %gather3A_163, %gather3A_164 : vector<16xf32>
      %gather3A_166 = tpu.vector_load_idx %arg5[%gather3A, %broadcast_in_dim3A_16] : memref<10000x8xf32, #tpu.memory_space<vmem>>[vector<16xi32>, vector<16xi32>], vector<16xf32>,
      %gather3A_167 = tpu.vector_load_idx %arg5[%gather3A_156, %broadcast_in_dim3A_24] : memref<10000x8xf32, #tpu.memory_space<vmem>>[vector<16xi32>, vector<16xi32>], vector<16xf32>,
      %add3A_168 = arith.addf %gather3A_166, %gather3A_167 : vector<16xf32>
      %max3A = arith.maximumf %add3A_159, %add3A_162 : vector<16xf32>
      %max3A_169 = arith.maximumf %add3A_165, %add3A_168 : vector<16xf32>
      %max3A_170 = arith.maximumf %max3A, %max3A_169 : vector<16xf32>
      %sub3A = arith.subf %add3A_159, %max3A_170 : vector<16xf32>
      %exp3A = math.exp %sub3A : vector<16xf32>
      %sub3A_171 = arith.subf %add3A_162, %max3A_170 : vector<16xf32>
      %exp3A_172 = math.exp %sub3A_171 : vector<16xf32>
      %sub3A_173 = arith.subf %add3A_165, %max3A_170 : vector<16xf32>
      %exp3A_174 = math.exp %sub3A_173 : vector<16xf32>
      %sub3A_175 = arith.subf %add3A_168, %max3A_170 : vector<16xf32>
      %exp3A_176 = math.exp %sub3A_175 : vector<16xf32>
      %add3A_177 = arith.addf %exp3A, %exp3A_172 : vector<16xf32>
      %add3A_178 = arith.addf %add3A_177, %exp3A_174 : vector<16xf32>
      %add3A_179 = arith.addf %add3A_178, %exp3A_176 : vector<16xf32>
      %sub3A_180 = arith.constant 1.000000e+00 : f32
      %sub3A_181 = vector.broadcast %sub3A_180 : f32 to vector<16xf32>
      %sub3A_182 = arith.subf %add3A_179, %sub3A_181 : vector<16xf32>
      %mul3A_183 = arith.constant 2.000000e+00 : f32
      %mul3A_184 = vector.broadcast %mul3A_183 : f32 to vector<16xf32>
      %mul3A_185 = arith.mulf %mul3A_184, %sub3A_182 : vector<16xf32>
      %add3A_186 = arith.constant 1.000000e+00 : f32
      %add3A_187 = vector.broadcast %add3A_186 : f32 to vector<16xf32>
      %add3A_188 = arith.addf %add3A_179, %add3A_187 : vector<16xf32>
      %div3A = arith.divf %mul3A_185, %add3A_188 : vector<16xf32>
      %sub3A_189 = arith.constant 1.000000e+00 : f32
      %sub3A_190 = vector.broadcast %sub3A_189 : f32 to vector<16xf32>
      %sub3A_191 = arith.subf %div3A, %sub3A_190 : vector<16xf32>
      %neg3A = arith.constant 0.000000e+00 : f32
      %neg3A_192 = vector.broadcast %neg3A : f32 to vector<16xf32>
      %neg3A_193 = arith.subf %neg3A_192, %div3A : vector<16xf32>
      %exp3A_194 = math.exp %neg3A_193 : vector<16xf32>
      %mul3A_195 = arith.mulf %add3A_179, %exp3A_194 : vector<16xf32>
      %add3A_196 = arith.addf %sub3A_191, %mul3A_195 : vector<16xf32>
      %sub3A_197 = arith.constant 1.000000e+00 : f32
      %sub3A_198 = vector.broadcast %sub3A_197 : f32 to vector<16xf32>
      %sub3A_199 = arith.subf %add3A_196, %sub3A_198 : vector<16xf32>
      %neg3A_200 = arith.constant 0.000000e+00 : f32
      %neg3A_201 = vector.broadcast %neg3A_200 : f32 to vector<16xf32>
      %neg3A_202 = arith.subf %neg3A_201, %add3A_196 : vector<16xf32>
      %exp3A_203 = math.exp %neg3A_202 : vector<16xf32>
      %mul3A_204 = arith.mulf %add3A_179, %exp3A_203 : vector<16xf32>
      %add3A_205 = arith.addf %sub3A_199, %mul3A_204 : vector<16xf32>
      %sub3A_206 = arith.constant 1.000000e+00 : f32
      %sub3A_207 = vector.broadcast %sub3A_206 : f32 to vector<16xf32>
      %sub3A_208 = arith.subf %add3A_205, %sub3A_207 : vector<16xf32>
      %neg3A_209 = arith.constant 0.000000e+00 : f32
      %neg3A_210 = vector.broadcast %neg3A_209 : f32 to vector<16xf32>
      %neg3A_211 = arith.subf %neg3A_210, %add3A_205 : vector<16xf32>
      %exp3A_212 = math.exp %neg3A_211 : vector<16xf32>
      %mul3A_213 = arith.mulf %add3A_179, %exp3A_212 : vector<16xf32>
      %add3A_214 = arith.addf %sub3A_208, %mul3A_213 : vector<16xf32>
      %sub3A_215 = arith.subf %add3A_159, %max3A_170 : vector<16xf32>
      %sub3A_216 = arith.subf %sub3A_215, %add3A_214 : vector<16xf32>
      tpu.vector_store_idx %arg8[%add3A_155, %broadcast_in_dim3A_10], %sub3A_216 : memref<2000x4xf32, #tpu.memory_space<vmem>>[vector<16xi32>, vector<16xi32>], vector<16xf32>,
      %sub3A_217 = arith.subf %add3A_162, %max3A_170 : vector<16xf32>
      %sub3A_218 = arith.subf %sub3A_217, %add3A_214 : vector<16xf32>
      tpu.vector_store_idx %arg8[%add3A_155, %broadcast_in_dim3A_12], %sub3A_218 : memref<2000x4xf32, #tpu.memory_space<vmem>>[vector<16xi32>, vector<16xi32>], vector<16xf32>,
      %sub3A_219 = arith.subf %add3A_165, %max3A_170 : vector<16xf32>
      %sub3A_220 = arith.subf %sub3A_219, %add3A_214 : vector<16xf32>
      tpu.vector_store_idx %arg8[%add3A_155, %broadcast_in_dim3A_14], %sub3A_220 : memref<2000x4xf32, #tpu.memory_space<vmem>>[vector<16xi32>, vector<16xi32>], vector<16xf32>,
      %sub3A_221 = arith.subf %add3A_168, %max3A_170 : vector<16xf32>
      %sub3A_222 = arith.subf %sub3A_221, %add3A_214 : vector<16xf32>
      tpu.vector_store_idx %arg8[%add3A_155, %broadcast_in_dim3A_16], %sub3A_222 : memref<2000x4xf32, #tpu.memory_space<vmem>>[vector<16xi32>, vector<16xi32>], vector<16xf32>,
      %mul3A_223 = arith.constant 5 : i32
      %mul3A_224 = arith.muli %scan3A_147, %mul3A_223 : i32
      %add3A_225 = arith.constant 1 : i32
      %add3A_226 = arith.addi %mul3A_224, %add3A_225 : i32
      %mul3A_227 = arith.constant 16 : i32
      %mul3A_228 = arith.muli %add3A_226, %mul3A_227 : i32
      %add3A_229 = vector.broadcast %mul3A_228 : i32 to vector<16xi32>
      %add3A_230 = arith.addi %iota3A, %add3A_229 : vector<16xi32>
      %gather3A_231 = tpu.vector_load_idx %arg6[%broadcast_in_dim3A_6, %add3A_230] : memref<2x2000xi32, #tpu.memory_space<vmem>>[vector<16xi32>, vector<16xi32>], vector<16xi32>,
      %gather3A_232 = tpu.vector_load_idx %arg6[%broadcast_in_dim3A_8, %add3A_230] : memref<2x2000xi32, #tpu.memory_space<vmem>>[vector<16xi32>, vector<16xi32>], vector<16xi32>,
      %gather3A_233 = tpu.vector_load_idx %arg5[%gather3A_231, %broadcast_in_dim3A_10] : memref<10000x8xf32, #tpu.memory_space<vmem>>[vector<16xi32>, vector<16xi32>], vector<16xf32>,
      %gather3A_234 = tpu.vector_load_idx %arg5[%gather3A_232, %broadcast_in_dim3A_18] : memref<10000x8xf32, #tpu.memory_space<vmem>>[vector<16xi32>, vector<16xi32>], vector<16xf32>,
      %add3A_235 = arith.addf %gather3A_233, %gather3A_234 : vector<16xf32>
      %gather3A_236 = tpu.vector_load_idx %arg5[%gather3A_231, %broadcast_in_dim3A_12] : memref<10000x8xf32, #tpu.memory_space<vmem>>[vector<16xi32>, vector<16xi32>], vector<16xf32>,
      %gather3A_237 = tpu.vector_load_idx %arg5[%gather3A_232, %broadcast_in_dim3A_20] : memref<10000x8xf32, #tpu.memory_space<vmem>>[vector<16xi32>, vector<16xi32>], vector<16xf32>,
      %add3A_238 = arith.addf %gather3A_236, %gather3A_237 : vector<16xf32>
      %gather3A_239 = tpu.vector_load_idx %arg5[%gather3A_231, %broadcast_in_dim3A_14] : memref<10000x8xf32, #tpu.memory_space<vmem>>[vector<16xi32>, vector<16xi32>], vector<16xf32>,
      %gather3A_240 = tpu.vector_load_idx %arg5[%gather3A_232, %broadcast_in_dim3A_22] : memref<10000x8xf32, #tpu.memory_space<vmem>>[vector<16xi32>, vector<16xi32>], vector<16xf32>,
      %add3A_241 = arith.addf %gather3A_239, %gather3A_240 : vector<16xf32>
      %gather3A_242 = tpu.vector_load_idx %arg5[%gather3A_231, %broadcast_in_dim3A_16] : memref<10000x8xf32, #tpu.memory_space<vmem>>[vector<16xi32>, vector<16xi32>], vector<16xf32>,
      %gather3A_243 = tpu.vector_load_idx %arg5[%gather3A_232, %broadcast_in_dim3A_24] : memref<10000x8xf32, #tpu.memory_space<vmem>>[vector<16xi32>, vector<16xi32>], vector<16xf32>,
      %add3A_244 = arith.addf %gather3A_242, %gather3A_243 : vector<16xf32>
      %max3A_245 = arith.maximumf %add3A_235, %add3A_238 : vector<16xf32>
      %max3A_246 = arith.maximumf %add3A_241, %add3A_244 : vector<16xf32>
      %max3A_247 = arith.maximumf %max3A_245, %max3A_246 : vector<16xf32>
      %sub3A_248 = arith.subf %add3A_235, %max3A_247 : vector<16xf32>
      %exp3A_249 = math.exp %sub3A_248 : vector<16xf32>
      %sub3A_250 = arith.subf %add3A_238, %max3A_247 : vector<16xf32>
      %exp3A_251 = math.exp %sub3A_250 : vector<16xf32>
      %sub3A_252 = arith.subf %add3A_241, %max3A_247 : vector<16xf32>
      %exp3A_253 = math.exp %sub3A_252 : vector<16xf32>
      %sub3A_254 = arith.subf %add3A_244, %max3A_247 : vector<16xf32>
      %exp3A_255 = math.exp %sub3A_254 : vector<16xf32>
      %add3A_256 = arith.addf %exp3A_249, %exp3A_251 : vector<16xf32>
      %add3A_257 = arith.addf %add3A_256, %exp3A_253 : vector<16xf32>
      %add3A_258 = arith.addf %add3A_257, %exp3A_255 : vector<16xf32>
      %sub3A_259 = arith.constant 1.000000e+00 : f32
      %sub3A_260 = vector.broadcast %sub3A_259 : f32 to vector<16xf32>
      %sub3A_261 = arith.subf %add3A_258, %sub3A_260 : vector<16xf32>
      %mul3A_262 = arith.constant 2.000000e+00 : f32
      %mul3A_263 = vector.broadcast %mul3A_262 : f32 to vector<16xf32>
      %mul3A_264 = arith.mulf %mul3A_263, %sub3A_261 : vector<16xf32>
      %add3A_265 = arith.constant 1.000000e+00 : f32
      %add3A_266 = vector.broadcast %add3A_265 : f32 to vector<16xf32>
      %add3A_267 = arith.addf %add3A_258, %add3A_266 : vector<16xf32>
      %div3A_268 = arith.divf %mul3A_264, %add3A_267 : vector<16xf32>
      %sub3A_269 = arith.constant 1.000000e+00 : f32
      %sub3A_270 = vector.broadcast %sub3A_269 : f32 to vector<16xf32>
      %sub3A_271 = arith.subf %div3A_268, %sub3A_270 : vector<16xf32>
      %neg3A_272 = arith.constant 0.000000e+00 : f32
      %neg3A_273 = vector.broadcast %neg3A_272 : f32 to vector<16xf32>
      %neg3A_274 = arith.subf %neg3A_273, %div3A_268 : vector<16xf32>
      %exp3A_275 = math.exp %neg3A_274 : vector<16xf32>
      %mul3A_276 = arith.mulf %add3A_258, %exp3A_275 : vector<16xf32>
      %add3A_277 = arith.addf %sub3A_271, %mul3A_276 : vector<16xf32>
      %sub3A_278 = arith.constant 1.000000e+00 : f32
      %sub3A_279 = vector.broadcast %sub3A_278 : f32 to vector<16xf32>
      %sub3A_280 = arith.subf %add3A_277, %sub3A_279 : vector<16xf32>
      %neg3A_281 = arith.constant 0.000000e+00 : f32
      %neg3A_282 = vector.broadcast %neg3A_281 : f32 to vector<16xf32>
      %neg3A_283 = arith.subf %neg3A_282, %add3A_277 : vector<16xf32>
      %exp3A_284 = math.exp %neg3A_283 : vector<16xf32>
      %mul3A_285 = arith.mulf %add3A_258, %exp3A_284 : vector<16xf32>
      %add3A_286 = arith.addf %sub3A_280, %mul3A_285 : vector<16xf32>
      %sub3A_287 = arith.constant 1.000000e+00 : f32
      %sub3A_288 = vector.broadcast %sub3A_287 : f32 to vector<16xf32>
      %sub3A_289 = arith.subf %add3A_286, %sub3A_288 : vector<16xf32>
      %neg3A_290 = arith.constant 0.000000e+00 : f32
      %neg3A_291 = vector.broadcast %neg3A_290 : f32 to vector<16xf32>
      %neg3A_292 = arith.subf %neg3A_291, %add3A_286 : vector<16xf32>
      %exp3A_293 = math.exp %neg3A_292 : vector<16xf32>
      %mul3A_294 = arith.mulf %add3A_258, %exp3A_293 : vector<16xf32>
      %add3A_295 = arith.addf %sub3A_289, %mul3A_294 : vector<16xf32>
      %sub3A_296 = arith.subf %add3A_235, %max3A_247 : vector<16xf32>
      %sub3A_297 = arith.subf %sub3A_296, %add3A_295 : vector<16xf32>
      tpu.vector_store_idx %arg8[%add3A_230, %broadcast_in_dim3A_10], %sub3A_297 : memref<2000x4xf32, #tpu.memory_space<vmem>>[vector<16xi32>, vector<16xi32>], vector<16xf32>,
      %sub3A_298 = arith.subf %add3A_238, %max3A_247 : vector<16xf32>
      %sub3A_299 = arith.subf %sub3A_298, %add3A_295 : vector<16xf32>
      tpu.vector_store_idx %arg8[%add3A_230, %broadcast_in_dim3A_12], %sub3A_299 : memref<2000x4xf32, #tpu.memory_space<vmem>>[vector<16xi32>, vector<16xi32>], vector<16xf32>,
      %sub3A_300 = arith.subf %add3A_241, %max3A_247 : vector<16xf32>
      %sub3A_301 = arith.subf %sub3A_300, %add3A_295 : vector<16xf32>
      tpu.vector_store_idx %arg8[%add3A_230, %broadcast_in_dim3A_14], %sub3A_301 : memref<2000x4xf32, #tpu.memory_space<vmem>>[vector<16xi32>, vector<16xi32>], vector<16xf32>,
      %sub3A_302 = arith.subf %add3A_244, %max3A_247 : vector<16xf32>
      %sub3A_303 = arith.subf %sub3A_302, %add3A_295 : vector<16xf32>
      tpu.vector_store_idx %arg8[%add3A_230, %broadcast_in_dim3A_16], %sub3A_303 : memref<2000x4xf32, #tpu.memory_space<vmem>>[vector<16xi32>, vector<16xi32>], vector<16xf32>,
      %mul3A_304 = arith.constant 5 : i32
      %mul3A_305 = arith.muli %scan3A_147, %mul3A_304 : i32
      %add3A_306 = arith.constant 2 : i32
      %add3A_307 = arith.addi %mul3A_305, %add3A_306 : i32
      %mul3A_308 = arith.constant 16 : i32
      %mul3A_309 = arith.muli %add3A_307, %mul3A_308 : i32
      %add3A_310 = vector.broadcast %mul3A_309 : i32 to vector<16xi32>
      %add3A_311 = arith.addi %iota3A, %add3A_310 : vector<16xi32>
      %gather3A_312 = tpu.vector_load_idx %arg6[%broadcast_in_dim3A_6, %add3A_311] : memref<2x2000xi32, #tpu.memory_space<vmem>>[vector<16xi32>, vector<16xi32>], vector<16xi32>,
      %gather3A_313 = tpu.vector_load_idx %arg6[%broadcast_in_dim3A_8, %add3A_311] : memref<2x2000xi32, #tpu.memory_space<vmem>>[vector<16xi32>, vector<16xi32>], vector<16xi32>,
      %gather3A_314 = tpu.vector_load_idx %arg5[%gather3A_312, %broadcast_in_dim3A_10] : memref<10000x8xf32, #tpu.memory_space<vmem>>[vector<16xi32>, vector<16xi32>], vector<16xf32>,
      %gather3A_315 = tpu.vector_load_idx %arg5[%gather3A_313, %broadcast_in_dim3A_18] : memref<10000x8xf32, #tpu.memory_space<vmem>>[vector<16xi32>, vector<16xi32>], vector<16xf32>,
      %add3A_316 = arith.addf %gather3A_314, %gather3A_315 : vector<16xf32>
      %gather3A_317 = tpu.vector_load_idx %arg5[%gather3A_312, %broadcast_in_dim3A_12] : memref<10000x8xf32, #tpu.memory_space<vmem>>[vector<16xi32>, vector<16xi32>], vector<16xf32>,
      %gather3A_318 = tpu.vector_load_idx %arg5[%gather3A_313, %broadcast_in_dim3A_20] : memref<10000x8xf32, #tpu.memory_space<vmem>>[vector<16xi32>, vector<16xi32>], vector<16xf32>,
      %add3A_319 = arith.addf %gather3A_317, %gather3A_318 : vector<16xf32>
      %gather3A_320 = tpu.vector_load_idx %arg5[%gather3A_312, %broadcast_in_dim3A_14] : memref<10000x8xf32, #tpu.memory_space<vmem>>[vector<16xi32>, vector<16xi32>], vector<16xf32>,
      %gather3A_321 = tpu.vector_load_idx %arg5[%gather3A_313, %broadcast_in_dim3A_22] : memref<10000x8xf32, #tpu.memory_space<vmem>>[vector<16xi32>, vector<16xi32>], vector<16xf32>,
      %add3A_322 = arith.addf %gather3A_320, %gather3A_321 : vector<16xf32>
      %gather3A_323 = tpu.vector_load_idx %arg5[%gather3A_312, %broadcast_in_dim3A_16] : memref<10000x8xf32, #tpu.memory_space<vmem>>[vector<16xi32>, vector<16xi32>], vector<16xf32>,
      %gather3A_324 = tpu.vector_load_idx %arg5[%gather3A_313, %broadcast_in_dim3A_24] : memref<10000x8xf32, #tpu.memory_space<vmem>>[vector<16xi32>, vector<16xi32>], vector<16xf32>,
      %add3A_325 = arith.addf %gather3A_323, %gather3A_324 : vector<16xf32>
      %max3A_326 = arith.maximumf %add3A_316, %add3A_319 : vector<16xf32>
      %max3A_327 = arith.maximumf %add3A_322, %add3A_325 : vector<16xf32>
      %max3A_328 = arith.maximumf %max3A_326, %max3A_327 : vector<16xf32>
      %sub3A_329 = arith.subf %add3A_316, %max3A_328 : vector<16xf32>
      %exp3A_330 = math.exp %sub3A_329 : vector<16xf32>
      %sub3A_331 = arith.subf %add3A_319, %max3A_328 : vector<16xf32>
      %exp3A_332 = math.exp %sub3A_331 : vector<16xf32>
      %sub3A_333 = arith.subf %add3A_322, %max3A_328 : vector<16xf32>
      %exp3A_334 = math.exp %sub3A_333 : vector<16xf32>
      %sub3A_335 = arith.subf %add3A_325, %max3A_328 : vector<16xf32>
      %exp3A_336 = math.exp %sub3A_335 : vector<16xf32>
      %add3A_337 = arith.addf %exp3A_330, %exp3A_332 : vector<16xf32>
      %add3A_338 = arith.addf %add3A_337, %exp3A_334 : vector<16xf32>
      %add3A_339 = arith.addf %add3A_338, %exp3A_336 : vector<16xf32>
      %sub3A_340 = arith.constant 1.000000e+00 : f32
      %sub3A_341 = vector.broadcast %sub3A_340 : f32 to vector<16xf32>
      %sub3A_342 = arith.subf %add3A_339, %sub3A_341 : vector<16xf32>
      %mul3A_343 = arith.constant 2.000000e+00 : f32
      %mul3A_344 = vector.broadcast %mul3A_343 : f32 to vector<16xf32>
      %mul3A_345 = arith.mulf %mul3A_344, %sub3A_342 : vector<16xf32>
      %add3A_346 = arith.constant 1.000000e+00 : f32
      %add3A_347 = vector.broadcast %add3A_346 : f32 to vector<16xf32>
      %add3A_348 = arith.addf %add3A_339, %add3A_347 : vector<16xf32>
      %div3A_349 = arith.divf %mul3A_345, %add3A_348 : vector<16xf32>
      %sub3A_350 = arith.constant 1.000000e+00 : f32
      %sub3A_351 = vector.broadcast %sub3A_350 : f32 to vector<16xf32>
      %sub3A_352 = arith.subf %div3A_349, %sub3A_351 : vector<16xf32>
      %neg3A_353 = arith.constant 0.000000e+00 : f32
      %neg3A_354 = vector.broadcast %neg3A_353 : f32 to vector<16xf32>
      %neg3A_355 = arith.subf %neg3A_354, %div3A_349 : vector<16xf32>
      %exp3A_356 = math.exp %neg3A_355 : vector<16xf32>
      %mul3A_357 = arith.mulf %add3A_339, %exp3A_356 : vector<16xf32>
      %add3A_358 = arith.addf %sub3A_352, %mul3A_357 : vector<16xf32>
      %sub3A_359 = arith.constant 1.000000e+00 : f32
      %sub3A_360 = vector.broadcast %sub3A_359 : f32 to vector<16xf32>
      %sub3A_361 = arith.subf %add3A_358, %sub3A_360 : vector<16xf32>
      %neg3A_362 = arith.constant 0.000000e+00 : f32
      %neg3A_363 = vector.broadcast %neg3A_362 : f32 to vector<16xf32>
      %neg3A_364 = arith.subf %neg3A_363, %add3A_358 : vector<16xf32>
      %exp3A_365 = math.exp %neg3A_364 : vector<16xf32>
      %mul3A_366 = arith.mulf %add3A_339, %exp3A_365 : vector<16xf32>
      %add3A_367 = arith.addf %sub3A_361, %mul3A_366 : vector<16xf32>
      %sub3A_368 = arith.constant 1.000000e+00 : f32
      %sub3A_369 = vector.broadcast %sub3A_368 : f32 to vector<16xf32>
      %sub3A_370 = arith.subf %add3A_367, %sub3A_369 : vector<16xf32>
      %neg3A_371 = arith.constant 0.000000e+00 : f32
      %neg3A_372 = vector.broadcast %neg3A_371 : f32 to vector<16xf32>
      %neg3A_373 = arith.subf %neg3A_372, %add3A_367 : vector<16xf32>
      %exp3A_374 = math.exp %neg3A_373 : vector<16xf32>
      %mul3A_375 = arith.mulf %add3A_339, %exp3A_374 : vector<16xf32>
      %add3A_376 = arith.addf %sub3A_370, %mul3A_375 : vector<16xf32>
      %sub3A_377 = arith.subf %add3A_316, %max3A_328 : vector<16xf32>
      %sub3A_378 = arith.subf %sub3A_377, %add3A_376 : vector<16xf32>
      tpu.vector_store_idx %arg8[%add3A_311, %broadcast_in_dim3A_10], %sub3A_378 : memref<2000x4xf32, #tpu.memory_space<vmem>>[vector<16xi32>, vector<16xi32>], vector<16xf32>,
      %sub3A_379 = arith.subf %add3A_319, %max3A_328 : vector<16xf32>
      %sub3A_380 = arith.subf %sub3A_379, %add3A_376 : vector<16xf32>
      tpu.vector_store_idx %arg8[%add3A_311, %broadcast_in_dim3A_12], %sub3A_380 : memref<2000x4xf32, #tpu.memory_space<vmem>>[vector<16xi32>, vector<16xi32>], vector<16xf32>,
      %sub3A_381 = arith.subf %add3A_322, %max3A_328 : vector<16xf32>
      %sub3A_382 = arith.subf %sub3A_381, %add3A_376 : vector<16xf32>
      tpu.vector_store_idx %arg8[%add3A_311, %broadcast_in_dim3A_14], %sub3A_382 : memref<2000x4xf32, #tpu.memory_space<vmem>>[vector<16xi32>, vector<16xi32>], vector<16xf32>,
      %sub3A_383 = arith.subf %add3A_325, %max3A_328 : vector<16xf32>
      %sub3A_384 = arith.subf %sub3A_383, %add3A_376 : vector<16xf32>
      tpu.vector_store_idx %arg8[%add3A_311, %broadcast_in_dim3A_16], %sub3A_384 : memref<2000x4xf32, #tpu.memory_space<vmem>>[vector<16xi32>, vector<16xi32>], vector<16xf32>,
      %mul3A_385 = arith.constant 5 : i32
      %mul3A_386 = arith.muli %scan3A_147, %mul3A_385 : i32
      %add3A_387 = arith.constant 3 : i32
      %add3A_388 = arith.addi %mul3A_386, %add3A_387 : i32
      %mul3A_389 = arith.constant 16 : i32
      %mul3A_390 = arith.muli %add3A_388, %mul3A_389 : i32
      %add3A_391 = vector.broadcast %mul3A_390 : i32 to vector<16xi32>
      %add3A_392 = arith.addi %iota3A, %add3A_391 : vector<16xi32>
      %gather3A_393 = tpu.vector_load_idx %arg6[%broadcast_in_dim3A_6, %add3A_392] : memref<2x2000xi32, #tpu.memory_space<vmem>>[vector<16xi32>, vector<16xi32>], vector<16xi32>,
      %gather3A_394 = tpu.vector_load_idx %arg6[%broadcast_in_dim3A_8, %add3A_392] : memref<2x2000xi32, #tpu.memory_space<vmem>>[vector<16xi32>, vector<16xi32>], vector<16xi32>,
      %gather3A_395 = tpu.vector_load_idx %arg5[%gather3A_393, %broadcast_in_dim3A_10] : memref<10000x8xf32, #tpu.memory_space<vmem>>[vector<16xi32>, vector<16xi32>], vector<16xf32>,
      %gather3A_396 = tpu.vector_load_idx %arg5[%gather3A_394, %broadcast_in_dim3A_18] : memref<10000x8xf32, #tpu.memory_space<vmem>>[vector<16xi32>, vector<16xi32>], vector<16xf32>,
      %add3A_397 = arith.addf %gather3A_395, %gather3A_396 : vector<16xf32>
      %gather3A_398 = tpu.vector_load_idx %arg5[%gather3A_393, %broadcast_in_dim3A_12] : memref<10000x8xf32, #tpu.memory_space<vmem>>[vector<16xi32>, vector<16xi32>], vector<16xf32>,
      %gather3A_399 = tpu.vector_load_idx %arg5[%gather3A_394, %broadcast_in_dim3A_20] : memref<10000x8xf32, #tpu.memory_space<vmem>>[vector<16xi32>, vector<16xi32>], vector<16xf32>,
      %add3A_400 = arith.addf %gather3A_398, %gather3A_399 : vector<16xf32>
      %gather3A_401 = tpu.vector_load_idx %arg5[%gather3A_393, %broadcast_in_dim3A_14] : memref<10000x8xf32, #tpu.memory_space<vmem>>[vector<16xi32>, vector<16xi32>], vector<16xf32>,
      %gather3A_402 = tpu.vector_load_idx %arg5[%gather3A_394, %broadcast_in_dim3A_22] : memref<10000x8xf32, #tpu.memory_space<vmem>>[vector<16xi32>, vector<16xi32>], vector<16xf32>,
      %add3A_403 = arith.addf %gather3A_401, %gather3A_402 : vector<16xf32>
      %gather3A_404 = tpu.vector_load_idx %arg5[%gather3A_393, %broadcast_in_dim3A_16] : memref<10000x8xf32, #tpu.memory_space<vmem>>[vector<16xi32>, vector<16xi32>], vector<16xf32>,
      %gather3A_405 = tpu.vector_load_idx %arg5[%gather3A_394, %broadcast_in_dim3A_24] : memref<10000x8xf32, #tpu.memory_space<vmem>>[vector<16xi32>, vector<16xi32>], vector<16xf32>,
      %add3A_406 = arith.addf %gather3A_404, %gather3A_405 : vector<16xf32>
      %max3A_407 = arith.maximumf %add3A_397, %add3A_400 : vector<16xf32>
      %max3A_408 = arith.maximumf %add3A_403, %add3A_406 : vector<16xf32>
      %max3A_409 = arith.maximumf %max3A_407, %max3A_408 : vector<16xf32>
      %sub3A_410 = arith.subf %add3A_397, %max3A_409 : vector<16xf32>
      %exp3A_411 = math.exp %sub3A_410 : vector<16xf32>
      %sub3A_412 = arith.subf %add3A_400, %max3A_409 : vector<16xf32>
      %exp3A_413 = math.exp %sub3A_412 : vector<16xf32>
      %sub3A_414 = arith.subf %add3A_403, %max3A_409 : vector<16xf32>
      %exp3A_415 = math.exp %sub3A_414 : vector<16xf32>
      %sub3A_416 = arith.subf %add3A_406, %max3A_409 : vector<16xf32>
      %exp3A_417 = math.exp %sub3A_416 : vector<16xf32>
      %add3A_418 = arith.addf %exp3A_411, %exp3A_413 : vector<16xf32>
      %add3A_419 = arith.addf %add3A_418, %exp3A_415 : vector<16xf32>
      %add3A_420 = arith.addf %add3A_419, %exp3A_417 : vector<16xf32>
      %sub3A_421 = arith.constant 1.000000e+00 : f32
      %sub3A_422 = vector.broadcast %sub3A_421 : f32 to vector<16xf32>
      %sub3A_423 = arith.subf %add3A_420, %sub3A_422 : vector<16xf32>
      %mul3A_424 = arith.constant 2.000000e+00 : f32
      %mul3A_425 = vector.broadcast %mul3A_424 : f32 to vector<16xf32>
      %mul3A_426 = arith.mulf %mul3A_425, %sub3A_423 : vector<16xf32>
      %add3A_427 = arith.constant 1.000000e+00 : f32
      %add3A_428 = vector.broadcast %add3A_427 : f32 to vector<16xf32>
      %add3A_429 = arith.addf %add3A_420, %add3A_428 : vector<16xf32>
      %div3A_430 = arith.divf %mul3A_426, %add3A_429 : vector<16xf32>
      %sub3A_431 = arith.constant 1.000000e+00 : f32
      %sub3A_432 = vector.broadcast %sub3A_431 : f32 to vector<16xf32>
      %sub3A_433 = arith.subf %div3A_430, %sub3A_432 : vector<16xf32>
      %neg3A_434 = arith.constant 0.000000e+00 : f32
      %neg3A_435 = vector.broadcast %neg3A_434 : f32 to vector<16xf32>
      %neg3A_436 = arith.subf %neg3A_435, %div3A_430 : vector<16xf32>
      %exp3A_437 = math.exp %neg3A_436 : vector<16xf32>
      %mul3A_438 = arith.mulf %add3A_420, %exp3A_437 : vector<16xf32>
      %add3A_439 = arith.addf %sub3A_433, %mul3A_438 : vector<16xf32>
      %sub3A_440 = arith.constant 1.000000e+00 : f32
      %sub3A_441 = vector.broadcast %sub3A_440 : f32 to vector<16xf32>
      %sub3A_442 = arith.subf %add3A_439, %sub3A_441 : vector<16xf32>
      %neg3A_443 = arith.constant 0.000000e+00 : f32
      %neg3A_444 = vector.broadcast %neg3A_443 : f32 to vector<16xf32>
      %neg3A_445 = arith.subf %neg3A_444, %add3A_439 : vector<16xf32>
      %exp3A_446 = math.exp %neg3A_445 : vector<16xf32>
      %mul3A_447 = arith.mulf %add3A_420, %exp3A_446 : vector<16xf32>
      %add3A_448 = arith.addf %sub3A_442, %mul3A_447 : vector<16xf32>
      %sub3A_449 = arith.constant 1.000000e+00 : f32
      %sub3A_450 = vector.broadcast %sub3A_449 : f32 to vector<16xf32>
      %sub3A_451 = arith.subf %add3A_448, %sub3A_450 : vector<16xf32>
      %neg3A_452 = arith.constant 0.000000e+00 : f32
      %neg3A_453 = vector.broadcast %neg3A_452 : f32 to vector<16xf32>
      %neg3A_454 = arith.subf %neg3A_453, %add3A_448 : vector<16xf32>
      %exp3A_455 = math.exp %neg3A_454 : vector<16xf32>
      %mul3A_456 = arith.mulf %add3A_420, %exp3A_455 : vector<16xf32>
      %add3A_457 = arith.addf %sub3A_451, %mul3A_456 : vector<16xf32>
      %sub3A_458 = arith.subf %add3A_397, %max3A_409 : vector<16xf32>
      %sub3A_459 = arith.subf %sub3A_458, %add3A_457 : vector<16xf32>
      tpu.vector_store_idx %arg8[%add3A_392, %broadcast_in_dim3A_10], %sub3A_459 : memref<2000x4xf32, #tpu.memory_space<vmem>>[vector<16xi32>, vector<16xi32>], vector<16xf32>,
      %sub3A_460 = arith.subf %add3A_400, %max3A_409 : vector<16xf32>
      %sub3A_461 = arith.subf %sub3A_460, %add3A_457 : vector<16xf32>
      tpu.vector_store_idx %arg8[%add3A_392, %broadcast_in_dim3A_12], %sub3A_461 : memref<2000x4xf32, #tpu.memory_space<vmem>>[vector<16xi32>, vector<16xi32>], vector<16xf32>,
      %sub3A_462 = arith.subf %add3A_403, %max3A_409 : vector<16xf32>
      %sub3A_463 = arith.subf %sub3A_462, %add3A_457 : vector<16xf32>
      tpu.vector_store_idx %arg8[%add3A_392, %broadcast_in_dim3A_14], %sub3A_463 : memref<2000x4xf32, #tpu.memory_space<vmem>>[vector<16xi32>, vector<16xi32>], vector<16xf32>,
      %sub3A_464 = arith.subf %add3A_406, %max3A_409 : vector<16xf32>
      %sub3A_465 = arith.subf %sub3A_464, %add3A_457 : vector<16xf32>
      tpu.vector_store_idx %arg8[%add3A_392, %broadcast_in_dim3A_16], %sub3A_465 : memref<2000x4xf32, #tpu.memory_space<vmem>>[vector<16xi32>, vector<16xi32>], vector<16xf32>,
      %mul3A_466 = arith.constant 5 : i32
      %mul3A_467 = arith.muli %scan3A_147, %mul3A_466 : i32
      %add3A_468 = arith.constant 4 : i32
      %add3A_469 = arith.addi %mul3A_467, %add3A_468 : i32
      %mul3A_470 = arith.constant 16 : i32
      %mul3A_471 = arith.muli %add3A_469, %mul3A_470 : i32
      %add3A_472 = vector.broadcast %mul3A_471 : i32 to vector<16xi32>
      %add3A_473 = arith.addi %iota3A, %add3A_472 : vector<16xi32>
      %gather3A_474 = tpu.vector_load_idx %arg6[%broadcast_in_dim3A_6, %add3A_473] : memref<2x2000xi32, #tpu.memory_space<vmem>>[vector<16xi32>, vector<16xi32>], vector<16xi32>,
      %gather3A_475 = tpu.vector_load_idx %arg6[%broadcast_in_dim3A_8, %add3A_473] : memref<2x2000xi32, #tpu.memory_space<vmem>>[vector<16xi32>, vector<16xi32>], vector<16xi32>,
      %gather3A_476 = tpu.vector_load_idx %arg5[%gather3A_474, %broadcast_in_dim3A_10] : memref<10000x8xf32, #tpu.memory_space<vmem>>[vector<16xi32>, vector<16xi32>], vector<16xf32>,
      %gather3A_477 = tpu.vector_load_idx %arg5[%gather3A_475, %broadcast_in_dim3A_18] : memref<10000x8xf32, #tpu.memory_space<vmem>>[vector<16xi32>, vector<16xi32>], vector<16xf32>,
      %add3A_478 = arith.addf %gather3A_476, %gather3A_477 : vector<16xf32>
      %gather3A_479 = tpu.vector_load_idx %arg5[%gather3A_474, %broadcast_in_dim3A_12] : memref<10000x8xf32, #tpu.memory_space<vmem>>[vector<16xi32>, vector<16xi32>], vector<16xf32>,
      %gather3A_480 = tpu.vector_load_idx %arg5[%gather3A_475, %broadcast_in_dim3A_20] : memref<10000x8xf32, #tpu.memory_space<vmem>>[vector<16xi32>, vector<16xi32>], vector<16xf32>,
      %add3A_481 = arith.addf %gather3A_479, %gather3A_480 : vector<16xf32>
      %gather3A_482 = tpu.vector_load_idx %arg5[%gather3A_474, %broadcast_in_dim3A_14] : memref<10000x8xf32, #tpu.memory_space<vmem>>[vector<16xi32>, vector<16xi32>], vector<16xf32>,
      %gather3A_483 = tpu.vector_load_idx %arg5[%gather3A_475, %broadcast_in_dim3A_22] : memref<10000x8xf32, #tpu.memory_space<vmem>>[vector<16xi32>, vector<16xi32>], vector<16xf32>,
      %add3A_484 = arith.addf %gather3A_482, %gather3A_483 : vector<16xf32>
      %gather3A_485 = tpu.vector_load_idx %arg5[%gather3A_474, %broadcast_in_dim3A_16] : memref<10000x8xf32, #tpu.memory_space<vmem>>[vector<16xi32>, vector<16xi32>], vector<16xf32>,
      %gather3A_486 = tpu.vector_load_idx %arg5[%gather3A_475, %broadcast_in_dim3A_24] : memref<10000x8xf32, #tpu.memory_space<vmem>>[vector<16xi32>, vector<16xi32>], vector<16xf32>,
      %add3A_487 = arith.addf %gather3A_485, %gather3A_486 : vector<16xf32>
      %max3A_488 = arith.maximumf %add3A_478, %add3A_481 : vector<16xf32>
      %max3A_489 = arith.maximumf %add3A_484, %add3A_487 : vector<16xf32>
      %max3A_490 = arith.maximumf %max3A_488, %max3A_489 : vector<16xf32>
      %sub3A_491 = arith.subf %add3A_478, %max3A_490 : vector<16xf32>
      %exp3A_492 = math.exp %sub3A_491 : vector<16xf32>
      %sub3A_493 = arith.subf %add3A_481, %max3A_490 : vector<16xf32>
      %exp3A_494 = math.exp %sub3A_493 : vector<16xf32>
      %sub3A_495 = arith.subf %add3A_484, %max3A_490 : vector<16xf32>
      %exp3A_496 = math.exp %sub3A_495 : vector<16xf32>
      %sub3A_497 = arith.subf %add3A_487, %max3A_490 : vector<16xf32>
      %exp3A_498 = math.exp %sub3A_497 : vector<16xf32>
      %add3A_499 = arith.addf %exp3A_492, %exp3A_494 : vector<16xf32>
      %add3A_500 = arith.addf %add3A_499, %exp3A_496 : vector<16xf32>
      %add3A_501 = arith.addf %add3A_500, %exp3A_498 : vector<16xf32>
      %sub3A_502 = arith.constant 1.000000e+00 : f32
      %sub3A_503 = vector.broadcast %sub3A_502 : f32 to vector<16xf32>
      %sub3A_504 = arith.subf %add3A_501, %sub3A_503 : vector<16xf32>
      %mul3A_505 = arith.constant 2.000000e+00 : f32
      %mul3A_506 = vector.broadcast %mul3A_505 : f32 to vector<16xf32>
      %mul3A_507 = arith.mulf %mul3A_506, %sub3A_504 : vector<16xf32>
      %add3A_508 = arith.constant 1.000000e+00 : f32
      %add3A_509 = vector.broadcast %add3A_508 : f32 to vector<16xf32>
      %add3A_510 = arith.addf %add3A_501, %add3A_509 : vector<16xf32>
      %div3A_511 = arith.divf %mul3A_507, %add3A_510 : vector<16xf32>
      %sub3A_512 = arith.constant 1.000000e+00 : f32
      %sub3A_513 = vector.broadcast %sub3A_512 : f32 to vector<16xf32>
      %sub3A_514 = arith.subf %div3A_511, %sub3A_513 : vector<16xf32>
      %neg3A_515 = arith.constant 0.000000e+00 : f32
      %neg3A_516 = vector.broadcast %neg3A_515 : f32 to vector<16xf32>
      %neg3A_517 = arith.subf %neg3A_516, %div3A_511 : vector<16xf32>
      %exp3A_518 = math.exp %neg3A_517 : vector<16xf32>
      %mul3A_519 = arith.mulf %add3A_501, %exp3A_518 : vector<16xf32>
      %add3A_520 = arith.addf %sub3A_514, %mul3A_519 : vector<16xf32>
      %sub3A_521 = arith.constant 1.000000e+00 : f32
      %sub3A_522 = vector.broadcast %sub3A_521 : f32 to vector<16xf32>
      %sub3A_523 = arith.subf %add3A_520, %sub3A_522 : vector<16xf32>
      %neg3A_524 = arith.constant 0.000000e+00 : f32
      %neg3A_525 = vector.broadcast %neg3A_524 : f32 to vector<16xf32>
      %neg3A_526 = arith.subf %neg3A_525, %add3A_520 : vector<16xf32>
      %exp3A_527 = math.exp %neg3A_526 : vector<16xf32>
      %mul3A_528 = arith.mulf %add3A_501, %exp3A_527 : vector<16xf32>
      %add3A_529 = arith.addf %sub3A_523, %mul3A_528 : vector<16xf32>
      %sub3A_530 = arith.constant 1.000000e+00 : f32
      %sub3A_531 = vector.broadcast %sub3A_530 : f32 to vector<16xf32>
      %sub3A_532 = arith.subf %add3A_529, %sub3A_531 : vector<16xf32>
      %neg3A_533 = arith.constant 0.000000e+00 : f32
      %neg3A_534 = vector.broadcast %neg3A_533 : f32 to vector<16xf32>
      %neg3A_535 = arith.subf %neg3A_534, %add3A_529 : vector<16xf32>
      %exp3A_536 = math.exp %neg3A_535 : vector<16xf32>
      %mul3A_537 = arith.mulf %add3A_501, %exp3A_536 : vector<16xf32>
      %add3A_538 = arith.addf %sub3A_532, %mul3A_537 : vector<16xf32>
      %sub3A_539 = arith.subf %add3A_478, %max3A_490 : vector<16xf32>
      %sub3A_540 = arith.subf %sub3A_539, %add3A_538 : vector<16xf32>
      tpu.vector_store_idx %arg8[%add3A_473, %broadcast_in_dim3A_10], %sub3A_540 : memref<2000x4xf32, #tpu.memory_space<vmem>>[vector<16xi32>, vector<16xi32>], vector<16xf32>,
      %sub3A_541 = arith.subf %add3A_481, %max3A_490 : vector<16xf32>
      %sub3A_542 = arith.subf %sub3A_541, %add3A_538 : vector<16xf32>
      tpu.vector_store_idx %arg8[%add3A_473, %broadcast_in_dim3A_12], %sub3A_542 : memref<2000x4xf32, #tpu.memory_space<vmem>>[vector<16xi32>, vector<16xi32>], vector<16xf32>,
      %sub3A_543 = arith.subf %add3A_484, %max3A_490 : vector<16xf32>
      %sub3A_544 = arith.subf %sub3A_543, %add3A_538 : vector<16xf32>
      tpu.vector_store_idx %arg8[%add3A_473, %broadcast_in_dim3A_14], %sub3A_544 : memref<2000x4xf32, #tpu.memory_space<vmem>>[vector<16xi32>, vector<16xi32>], vector<16xf32>,
      %sub3A_545 = arith.subf %add3A_487, %max3A_490 : vector<16xf32>
      %sub3A_546 = arith.subf %sub3A_545, %add3A_538 : vector<16xf32>
      tpu.vector_store_idx %arg8[%add3A_473, %broadcast_in_dim3A_16], %sub3A_546 : memref<2000x4xf32, #tpu.memory_space<vmem>>[vector<16xi32>, vector<16xi32>], vector<16xf32>,
    }
    %scan3A_38 = arith.constant 25 : i32
    %add3A_39 = arith.constant 0 : i32
    %add3A_40 = arith.addi %mul3A_2, %add3A_39 : i32
    %dma_start3A_41 = arith.constant 0 : i32
    %dma_start3A_42 = tpu.memref_slice %arg4[%add3A_40, %dma_start3A_41] : memref<320000x4xf32, #tpu.memory_space<hbm>> -> memref<2000x4xf32, #tpu.memory_space<hbm>>
    %dma_start3A_43 = arith.constant 0 : i32
    %dma_start3A_44 = tpu.memref_slice %arg4[%add3A_40, %dma_start3A_43] : memref<320000x4xf32, #tpu.memory_space<hbm>> -> memref<2000x4xf32, #tpu.memory_space<hbm>>
    tpu.enqueue_dma source(%arg8 : memref<2000x4xf32, #tpu.memory_space<vmem>>) target(%dma_start3A_44 : memref<2000x4xf32, #tpu.memory_space<hbm>>) target_semaphore(%arg12 : memref<!tpu.dma_semaphore, #tpu.memory_space<semaphore_mem>>)
    %dma_wait3A_45 = arith.constant 0 : i32
    %dma_wait3A_46 = tpu.memref_slice %arg3[%dma_wait3A_45, %add3A_29] : memref<2x320000xi32, #tpu.memory_space<hbm>> -> memref<2x2000xi32, #tpu.memory_space<hbm>>
    %dma_wait3A_47 = arith.constant 0 : i32
    %dma_wait3A_48 = tpu.memref_slice %arg3[%dma_wait3A_47, %add3A_29] : memref<2x320000xi32, #tpu.memory_space<hbm>> -> memref<2x2000xi32, #tpu.memory_space<hbm>>
    tpu.wait_dma2 semaphore(%arg11 : memref<!tpu.dma_semaphore, #tpu.memory_space<semaphore_mem>>) src(%dma_wait3A_48 : memref<2x2000xi32, #tpu.memory_space<hbm>>) dst(%arg7 : memref<2x2000xi32, #tpu.memory_space<vmem>>)
    %add3A_49 = arith.constant 4000 : i32
    %add3A_50 = arith.addi %mul3A_2, %add3A_49 : i32
    %dma_start3A_51 = arith.constant 0 : i32
    %dma_start3A_52 = tpu.memref_slice %arg3[%dma_start3A_51, %add3A_50] : memref<2x320000xi32, #tpu.memory_space<hbm>> -> memref<2x2000xi32, #tpu.memory_space<hbm>>
    %dma_start3A_53 = arith.constant 0 : i32
    %dma_start3A_54 = tpu.memref_slice %arg3[%dma_start3A_53, %add3A_50] : memref<2x320000xi32, #tpu.memory_space<hbm>> -> memref<2x2000xi32, #tpu.memory_space<hbm>>
    tpu.enqueue_dma source(%dma_start3A_54 : memref<2x2000xi32, #tpu.memory_space<hbm>>) target(%arg6 : memref<2x2000xi32, #tpu.memory_space<vmem>>) target_semaphore(%arg10 : memref<!tpu.dma_semaphore, #tpu.memory_space<semaphore_mem>>)
    %scan3A_55 = arith.constant 0 : i32
    %scan3A_56 = arith.constant 0 : i32
    %scan3A_57 = arith.constant 25 : i32
    %scan3A_58 = arith.addi %scan3A_56, %scan3A_57 : i32
    %scan3A_59 = arith.constant 1 : i32
    scf.for %scan3A_147 = %scan3A_56 to %scan3A_58 step %scan3A_59  : i32 {
      %mul3A_148 = arith.constant 5 : i32
      %mul3A_149 = arith.muli %scan3A_147, %mul3A_148 : i32
      %add3A_150 = arith.constant 0 : i32
      %add3A_151 = arith.addi %mul3A_149, %add3A_150 : i32
      %mul3A_152 = arith.constant 16 : i32
      %mul3A_153 = arith.muli %add3A_151, %mul3A_152 : i32
      %add3A_154 = vector.broadcast %mul3A_153 : i32 to vector<16xi32>
      %add3A_155 = arith.addi %iota3A, %add3A_154 : vector<16xi32>
      %gather3A = tpu.vector_load_idx %arg7[%broadcast_in_dim3A_6, %add3A_155] : memref<2x2000xi32, #tpu.memory_space<vmem>>[vector<16xi32>, vector<16xi32>], vector<16xi32>,
      %gather3A_156 = tpu.vector_load_idx %arg7[%broadcast_in_dim3A_8, %add3A_155] : memref<2x2000xi32, #tpu.memory_space<vmem>>[vector<16xi32>, vector<16xi32>], vector<16xi32>,
      %gather3A_157 = tpu.vector_load_idx %arg5[%gather3A, %broadcast_in_dim3A_10] : memref<10000x8xf32, #tpu.memory_space<vmem>>[vector<16xi32>, vector<16xi32>], vector<16xf32>,
      %gather3A_158 = tpu.vector_load_idx %arg5[%gather3A_156, %broadcast_in_dim3A_18] : memref<10000x8xf32, #tpu.memory_space<vmem>>[vector<16xi32>, vector<16xi32>], vector<16xf32>,
      %add3A_159 = arith.addf %gather3A_157, %gather3A_158 : vector<16xf32>
      %gather3A_160 = tpu.vector_load_idx %arg5[%gather3A, %broadcast_in_dim3A_12] : memref<10000x8xf32, #tpu.memory_space<vmem>>[vector<16xi32>, vector<16xi32>], vector<16xf32>,
      %gather3A_161 = tpu.vector_load_idx %arg5[%gather3A_156, %broadcast_in_dim3A_20] : memref<10000x8xf32, #tpu.memory_space<vmem>>[vector<16xi32>, vector<16xi32>], vector<16xf32>,
      %add3A_162 = arith.addf %gather3A_160, %gather3A_161 : vector<16xf32>
      %gather3A_163 = tpu.vector_load_idx %arg5[%gather3A, %broadcast_in_dim3A_14] : memref<10000x8xf32, #tpu.memory_space<vmem>>[vector<16xi32>, vector<16xi32>], vector<16xf32>,
      %gather3A_164 = tpu.vector_load_idx %arg5[%gather3A_156, %broadcast_in_dim3A_22] : memref<10000x8xf32, #tpu.memory_space<vmem>>[vector<16xi32>, vector<16xi32>], vector<16xf32>,
      %add3A_165 = arith.addf %gather3A_163, %gather3A_164 : vector<16xf32>
      %gather3A_166 = tpu.vector_load_idx %arg5[%gather3A, %broadcast_in_dim3A_16] : memref<10000x8xf32, #tpu.memory_space<vmem>>[vector<16xi32>, vector<16xi32>], vector<16xf32>,
      %gather3A_167 = tpu.vector_load_idx %arg5[%gather3A_156, %broadcast_in_dim3A_24] : memref<10000x8xf32, #tpu.memory_space<vmem>>[vector<16xi32>, vector<16xi32>], vector<16xf32>,
      %add3A_168 = arith.addf %gather3A_166, %gather3A_167 : vector<16xf32>
      %max3A = arith.maximumf %add3A_159, %add3A_162 : vector<16xf32>
      %max3A_169 = arith.maximumf %add3A_165, %add3A_168 : vector<16xf32>
      %max3A_170 = arith.maximumf %max3A, %max3A_169 : vector<16xf32>
      %sub3A = arith.subf %add3A_159, %max3A_170 : vector<16xf32>
      %exp3A = math.exp %sub3A : vector<16xf32>
      %sub3A_171 = arith.subf %add3A_162, %max3A_170 : vector<16xf32>
      %exp3A_172 = math.exp %sub3A_171 : vector<16xf32>
      %sub3A_173 = arith.subf %add3A_165, %max3A_170 : vector<16xf32>
      %exp3A_174 = math.exp %sub3A_173 : vector<16xf32>
      %sub3A_175 = arith.subf %add3A_168, %max3A_170 : vector<16xf32>
      %exp3A_176 = math.exp %sub3A_175 : vector<16xf32>
      %add3A_177 = arith.addf %exp3A, %exp3A_172 : vector<16xf32>
      %add3A_178 = arith.addf %add3A_177, %exp3A_174 : vector<16xf32>
      %add3A_179 = arith.addf %add3A_178, %exp3A_176 : vector<16xf32>
      %sub3A_180 = arith.constant 1.000000e+00 : f32
      %sub3A_181 = vector.broadcast %sub3A_180 : f32 to vector<16xf32>
      %sub3A_182 = arith.subf %add3A_179, %sub3A_181 : vector<16xf32>
      %mul3A_183 = arith.constant 2.000000e+00 : f32
      %mul3A_184 = vector.broadcast %mul3A_183 : f32 to vector<16xf32>
      %mul3A_185 = arith.mulf %mul3A_184, %sub3A_182 : vector<16xf32>
      %add3A_186 = arith.constant 1.000000e+00 : f32
      %add3A_187 = vector.broadcast %add3A_186 : f32 to vector<16xf32>
      %add3A_188 = arith.addf %add3A_179, %add3A_187 : vector<16xf32>
      %div3A = arith.divf %mul3A_185, %add3A_188 : vector<16xf32>
      %sub3A_189 = arith.constant 1.000000e+00 : f32
      %sub3A_190 = vector.broadcast %sub3A_189 : f32 to vector<16xf32>
      %sub3A_191 = arith.subf %div3A, %sub3A_190 : vector<16xf32>
      %neg3A = arith.constant 0.000000e+00 : f32
      %neg3A_192 = vector.broadcast %neg3A : f32 to vector<16xf32>
      %neg3A_193 = arith.subf %neg3A_192, %div3A : vector<16xf32>
      %exp3A_194 = math.exp %neg3A_193 : vector<16xf32>
      %mul3A_195 = arith.mulf %add3A_179, %exp3A_194 : vector<16xf32>
      %add3A_196 = arith.addf %sub3A_191, %mul3A_195 : vector<16xf32>
      %sub3A_197 = arith.constant 1.000000e+00 : f32
      %sub3A_198 = vector.broadcast %sub3A_197 : f32 to vector<16xf32>
      %sub3A_199 = arith.subf %add3A_196, %sub3A_198 : vector<16xf32>
      %neg3A_200 = arith.constant 0.000000e+00 : f32
      %neg3A_201 = vector.broadcast %neg3A_200 : f32 to vector<16xf32>
      %neg3A_202 = arith.subf %neg3A_201, %add3A_196 : vector<16xf32>
      %exp3A_203 = math.exp %neg3A_202 : vector<16xf32>
      %mul3A_204 = arith.mulf %add3A_179, %exp3A_203 : vector<16xf32>
      %add3A_205 = arith.addf %sub3A_199, %mul3A_204 : vector<16xf32>
      %sub3A_206 = arith.constant 1.000000e+00 : f32
      %sub3A_207 = vector.broadcast %sub3A_206 : f32 to vector<16xf32>
      %sub3A_208 = arith.subf %add3A_205, %sub3A_207 : vector<16xf32>
      %neg3A_209 = arith.constant 0.000000e+00 : f32
      %neg3A_210 = vector.broadcast %neg3A_209 : f32 to vector<16xf32>
      %neg3A_211 = arith.subf %neg3A_210, %add3A_205 : vector<16xf32>
      %exp3A_212 = math.exp %neg3A_211 : vector<16xf32>
      %mul3A_213 = arith.mulf %add3A_179, %exp3A_212 : vector<16xf32>
      %add3A_214 = arith.addf %sub3A_208, %mul3A_213 : vector<16xf32>
      %sub3A_215 = arith.subf %add3A_159, %max3A_170 : vector<16xf32>
      %sub3A_216 = arith.subf %sub3A_215, %add3A_214 : vector<16xf32>
      tpu.vector_store_idx %arg9[%add3A_155, %broadcast_in_dim3A_10], %sub3A_216 : memref<2000x4xf32, #tpu.memory_space<vmem>>[vector<16xi32>, vector<16xi32>], vector<16xf32>,
      %sub3A_217 = arith.subf %add3A_162, %max3A_170 : vector<16xf32>
      %sub3A_218 = arith.subf %sub3A_217, %add3A_214 : vector<16xf32>
      tpu.vector_store_idx %arg9[%add3A_155, %broadcast_in_dim3A_12], %sub3A_218 : memref<2000x4xf32, #tpu.memory_space<vmem>>[vector<16xi32>, vector<16xi32>], vector<16xf32>,
      %sub3A_219 = arith.subf %add3A_165, %max3A_170 : vector<16xf32>
      %sub3A_220 = arith.subf %sub3A_219, %add3A_214 : vector<16xf32>
      tpu.vector_store_idx %arg9[%add3A_155, %broadcast_in_dim3A_14], %sub3A_220 : memref<2000x4xf32, #tpu.memory_space<vmem>>[vector<16xi32>, vector<16xi32>], vector<16xf32>,
      %sub3A_221 = arith.subf %add3A_168, %max3A_170 : vector<16xf32>
      %sub3A_222 = arith.subf %sub3A_221, %add3A_214 : vector<16xf32>
      tpu.vector_store_idx %arg9[%add3A_155, %broadcast_in_dim3A_16], %sub3A_222 : memref<2000x4xf32, #tpu.memory_space<vmem>>[vector<16xi32>, vector<16xi32>], vector<16xf32>,
      %mul3A_223 = arith.constant 5 : i32
      %mul3A_224 = arith.muli %scan3A_147, %mul3A_223 : i32
      %add3A_225 = arith.constant 1 : i32
      %add3A_226 = arith.addi %mul3A_224, %add3A_225 : i32
      %mul3A_227 = arith.constant 16 : i32
      %mul3A_228 = arith.muli %add3A_226, %mul3A_227 : i32
      %add3A_229 = vector.broadcast %mul3A_228 : i32 to vector<16xi32>
      %add3A_230 = arith.addi %iota3A, %add3A_229 : vector<16xi32>
      %gather3A_231 = tpu.vector_load_idx %arg7[%broadcast_in_dim3A_6, %add3A_230] : memref<2x2000xi32, #tpu.memory_space<vmem>>[vector<16xi32>, vector<16xi32>], vector<16xi32>,
      %gather3A_232 = tpu.vector_load_idx %arg7[%broadcast_in_dim3A_8, %add3A_230] : memref<2x2000xi32, #tpu.memory_space<vmem>>[vector<16xi32>, vector<16xi32>], vector<16xi32>,
      %gather3A_233 = tpu.vector_load_idx %arg5[%gather3A_231, %broadcast_in_dim3A_10] : memref<10000x8xf32, #tpu.memory_space<vmem>>[vector<16xi32>, vector<16xi32>], vector<16xf32>,
      %gather3A_234 = tpu.vector_load_idx %arg5[%gather3A_232, %broadcast_in_dim3A_18] : memref<10000x8xf32, #tpu.memory_space<vmem>>[vector<16xi32>, vector<16xi32>], vector<16xf32>,
      %add3A_235 = arith.addf %gather3A_233, %gather3A_234 : vector<16xf32>
      %gather3A_236 = tpu.vector_load_idx %arg5[%gather3A_231, %broadcast_in_dim3A_12] : memref<10000x8xf32, #tpu.memory_space<vmem>>[vector<16xi32>, vector<16xi32>], vector<16xf32>,
      %gather3A_237 = tpu.vector_load_idx %arg5[%gather3A_232, %broadcast_in_dim3A_20] : memref<10000x8xf32, #tpu.memory_space<vmem>>[vector<16xi32>, vector<16xi32>], vector<16xf32>,
      %add3A_238 = arith.addf %gather3A_236, %gather3A_237 : vector<16xf32>
      %gather3A_239 = tpu.vector_load_idx %arg5[%gather3A_231, %broadcast_in_dim3A_14] : memref<10000x8xf32, #tpu.memory_space<vmem>>[vector<16xi32>, vector<16xi32>], vector<16xf32>,
      %gather3A_240 = tpu.vector_load_idx %arg5[%gather3A_232, %broadcast_in_dim3A_22] : memref<10000x8xf32, #tpu.memory_space<vmem>>[vector<16xi32>, vector<16xi32>], vector<16xf32>,
      %add3A_241 = arith.addf %gather3A_239, %gather3A_240 : vector<16xf32>
      %gather3A_242 = tpu.vector_load_idx %arg5[%gather3A_231, %broadcast_in_dim3A_16] : memref<10000x8xf32, #tpu.memory_space<vmem>>[vector<16xi32>, vector<16xi32>], vector<16xf32>,
      %gather3A_243 = tpu.vector_load_idx %arg5[%gather3A_232, %broadcast_in_dim3A_24] : memref<10000x8xf32, #tpu.memory_space<vmem>>[vector<16xi32>, vector<16xi32>], vector<16xf32>,
      %add3A_244 = arith.addf %gather3A_242, %gather3A_243 : vector<16xf32>
      %max3A_245 = arith.maximumf %add3A_235, %add3A_238 : vector<16xf32>
      %max3A_246 = arith.maximumf %add3A_241, %add3A_244 : vector<16xf32>
      %max3A_247 = arith.maximumf %max3A_245, %max3A_246 : vector<16xf32>
      %sub3A_248 = arith.subf %add3A_235, %max3A_247 : vector<16xf32>
      %exp3A_249 = math.exp %sub3A_248 : vector<16xf32>
      %sub3A_250 = arith.subf %add3A_238, %max3A_247 : vector<16xf32>
      %exp3A_251 = math.exp %sub3A_250 : vector<16xf32>
      %sub3A_252 = arith.subf %add3A_241, %max3A_247 : vector<16xf32>
      %exp3A_253 = math.exp %sub3A_252 : vector<16xf32>
      %sub3A_254 = arith.subf %add3A_244, %max3A_247 : vector<16xf32>
      %exp3A_255 = math.exp %sub3A_254 : vector<16xf32>
      %add3A_256 = arith.addf %exp3A_249, %exp3A_251 : vector<16xf32>
      %add3A_257 = arith.addf %add3A_256, %exp3A_253 : vector<16xf32>
      %add3A_258 = arith.addf %add3A_257, %exp3A_255 : vector<16xf32>
      %sub3A_259 = arith.constant 1.000000e+00 : f32
      %sub3A_260 = vector.broadcast %sub3A_259 : f32 to vector<16xf32>
      %sub3A_261 = arith.subf %add3A_258, %sub3A_260 : vector<16xf32>
      %mul3A_262 = arith.constant 2.000000e+00 : f32
      %mul3A_263 = vector.broadcast %mul3A_262 : f32 to vector<16xf32>
      %mul3A_264 = arith.mulf %mul3A_263, %sub3A_261 : vector<16xf32>
      %add3A_265 = arith.constant 1.000000e+00 : f32
      %add3A_266 = vector.broadcast %add3A_265 : f32 to vector<16xf32>
      %add3A_267 = arith.addf %add3A_258, %add3A_266 : vector<16xf32>
      %div3A_268 = arith.divf %mul3A_264, %add3A_267 : vector<16xf32>
      %sub3A_269 = arith.constant 1.000000e+00 : f32
      %sub3A_270 = vector.broadcast %sub3A_269 : f32 to vector<16xf32>
      %sub3A_271 = arith.subf %div3A_268, %sub3A_270 : vector<16xf32>
      %neg3A_272 = arith.constant 0.000000e+00 : f32
      %neg3A_273 = vector.broadcast %neg3A_272 : f32 to vector<16xf32>
      %neg3A_274 = arith.subf %neg3A_273, %div3A_268 : vector<16xf32>
      %exp3A_275 = math.exp %neg3A_274 : vector<16xf32>
      %mul3A_276 = arith.mulf %add3A_258, %exp3A_275 : vector<16xf32>
      %add3A_277 = arith.addf %sub3A_271, %mul3A_276 : vector<16xf32>
      %sub3A_278 = arith.constant 1.000000e+00 : f32
      %sub3A_279 = vector.broadcast %sub3A_278 : f32 to vector<16xf32>
      %sub3A_280 = arith.subf %add3A_277, %sub3A_279 : vector<16xf32>
      %neg3A_281 = arith.constant 0.000000e+00 : f32
      %neg3A_282 = vector.broadcast %neg3A_281 : f32 to vector<16xf32>
      %neg3A_283 = arith.subf %neg3A_282, %add3A_277 : vector<16xf32>
      %exp3A_284 = math.exp %neg3A_283 : vector<16xf32>
      %mul3A_285 = arith.mulf %add3A_258, %exp3A_284 : vector<16xf32>
      %add3A_286 = arith.addf %sub3A_280, %mul3A_285 : vector<16xf32>
      %sub3A_287 = arith.constant 1.000000e+00 : f32
      %sub3A_288 = vector.broadcast %sub3A_287 : f32 to vector<16xf32>
      %sub3A_289 = arith.subf %add3A_286, %sub3A_288 : vector<16xf32>
      %neg3A_290 = arith.constant 0.000000e+00 : f32
      %neg3A_291 = vector.broadcast %neg3A_290 : f32 to vector<16xf32>
      %neg3A_292 = arith.subf %neg3A_291, %add3A_286 : vector<16xf32>
      %exp3A_293 = math.exp %neg3A_292 : vector<16xf32>
      %mul3A_294 = arith.mulf %add3A_258, %exp3A_293 : vector<16xf32>
      %add3A_295 = arith.addf %sub3A_289, %mul3A_294 : vector<16xf32>
      %sub3A_296 = arith.subf %add3A_235, %max3A_247 : vector<16xf32>
      %sub3A_297 = arith.subf %sub3A_296, %add3A_295 : vector<16xf32>
      tpu.vector_store_idx %arg9[%add3A_230, %broadcast_in_dim3A_10], %sub3A_297 : memref<2000x4xf32, #tpu.memory_space<vmem>>[vector<16xi32>, vector<16xi32>], vector<16xf32>,
      %sub3A_298 = arith.subf %add3A_238, %max3A_247 : vector<16xf32>
      %sub3A_299 = arith.subf %sub3A_298, %add3A_295 : vector<16xf32>
      tpu.vector_store_idx %arg9[%add3A_230, %broadcast_in_dim3A_12], %sub3A_299 : memref<2000x4xf32, #tpu.memory_space<vmem>>[vector<16xi32>, vector<16xi32>], vector<16xf32>,
      %sub3A_300 = arith.subf %add3A_241, %max3A_247 : vector<16xf32>
      %sub3A_301 = arith.subf %sub3A_300, %add3A_295 : vector<16xf32>
      tpu.vector_store_idx %arg9[%add3A_230, %broadcast_in_dim3A_14], %sub3A_301 : memref<2000x4xf32, #tpu.memory_space<vmem>>[vector<16xi32>, vector<16xi32>], vector<16xf32>,
      %sub3A_302 = arith.subf %add3A_244, %max3A_247 : vector<16xf32>
      %sub3A_303 = arith.subf %sub3A_302, %add3A_295 : vector<16xf32>
      tpu.vector_store_idx %arg9[%add3A_230, %broadcast_in_dim3A_16], %sub3A_303 : memref<2000x4xf32, #tpu.memory_space<vmem>>[vector<16xi32>, vector<16xi32>], vector<16xf32>,
      %mul3A_304 = arith.constant 5 : i32
      %mul3A_305 = arith.muli %scan3A_147, %mul3A_304 : i32
      %add3A_306 = arith.constant 2 : i32
      %add3A_307 = arith.addi %mul3A_305, %add3A_306 : i32
      %mul3A_308 = arith.constant 16 : i32
      %mul3A_309 = arith.muli %add3A_307, %mul3A_308 : i32
      %add3A_310 = vector.broadcast %mul3A_309 : i32 to vector<16xi32>
      %add3A_311 = arith.addi %iota3A, %add3A_310 : vector<16xi32>
      %gather3A_312 = tpu.vector_load_idx %arg7[%broadcast_in_dim3A_6, %add3A_311] : memref<2x2000xi32, #tpu.memory_space<vmem>>[vector<16xi32>, vector<16xi32>], vector<16xi32>,
      %gather3A_313 = tpu.vector_load_idx %arg7[%broadcast_in_dim3A_8, %add3A_311] : memref<2x2000xi32, #tpu.memory_space<vmem>>[vector<16xi32>, vector<16xi32>], vector<16xi32>,
      %gather3A_314 = tpu.vector_load_idx %arg5[%gather3A_312, %broadcast_in_dim3A_10] : memref<10000x8xf32, #tpu.memory_space<vmem>>[vector<16xi32>, vector<16xi32>], vector<16xf32>,
      %gather3A_315 = tpu.vector_load_idx %arg5[%gather3A_313, %broadcast_in_dim3A_18] : memref<10000x8xf32, #tpu.memory_space<vmem>>[vector<16xi32>, vector<16xi32>], vector<16xf32>,
      %add3A_316 = arith.addf %gather3A_314, %gather3A_315 : vector<16xf32>
      %gather3A_317 = tpu.vector_load_idx %arg5[%gather3A_312, %broadcast_in_dim3A_12] : memref<10000x8xf32, #tpu.memory_space<vmem>>[vector<16xi32>, vector<16xi32>], vector<16xf32>,
      %gather3A_318 = tpu.vector_load_idx %arg5[%gather3A_313, %broadcast_in_dim3A_20] : memref<10000x8xf32, #tpu.memory_space<vmem>>[vector<16xi32>, vector<16xi32>], vector<16xf32>,
      %add3A_319 = arith.addf %gather3A_317, %gather3A_318 : vector<16xf32>
      %gather3A_320 = tpu.vector_load_idx %arg5[%gather3A_312, %broadcast_in_dim3A_14] : memref<10000x8xf32, #tpu.memory_space<vmem>>[vector<16xi32>, vector<16xi32>], vector<16xf32>,
      %gather3A_321 = tpu.vector_load_idx %arg5[%gather3A_313, %broadcast_in_dim3A_22] : memref<10000x8xf32, #tpu.memory_space<vmem>>[vector<16xi32>, vector<16xi32>], vector<16xf32>,
      %add3A_322 = arith.addf %gather3A_320, %gather3A_321 : vector<16xf32>
      %gather3A_323 = tpu.vector_load_idx %arg5[%gather3A_312, %broadcast_in_dim3A_16] : memref<10000x8xf32, #tpu.memory_space<vmem>>[vector<16xi32>, vector<16xi32>], vector<16xf32>,
      %gather3A_324 = tpu.vector_load_idx %arg5[%gather3A_313, %broadcast_in_dim3A_24] : memref<10000x8xf32, #tpu.memory_space<vmem>>[vector<16xi32>, vector<16xi32>], vector<16xf32>,
      %add3A_325 = arith.addf %gather3A_323, %gather3A_324 : vector<16xf32>
      %max3A_326 = arith.maximumf %add3A_316, %add3A_319 : vector<16xf32>
      %max3A_327 = arith.maximumf %add3A_322, %add3A_325 : vector<16xf32>
      %max3A_328 = arith.maximumf %max3A_326, %max3A_327 : vector<16xf32>
      %sub3A_329 = arith.subf %add3A_316, %max3A_328 : vector<16xf32>
      %exp3A_330 = math.exp %sub3A_329 : vector<16xf32>
      %sub3A_331 = arith.subf %add3A_319, %max3A_328 : vector<16xf32>
      %exp3A_332 = math.exp %sub3A_331 : vector<16xf32>
      %sub3A_333 = arith.subf %add3A_322, %max3A_328 : vector<16xf32>
      %exp3A_334 = math.exp %sub3A_333 : vector<16xf32>
      %sub3A_335 = arith.subf %add3A_325, %max3A_328 : vector<16xf32>
      %exp3A_336 = math.exp %sub3A_335 : vector<16xf32>
      %add3A_337 = arith.addf %exp3A_330, %exp3A_332 : vector<16xf32>
      %add3A_338 = arith.addf %add3A_337, %exp3A_334 : vector<16xf32>
      %add3A_339 = arith.addf %add3A_338, %exp3A_336 : vector<16xf32>
      %sub3A_340 = arith.constant 1.000000e+00 : f32
      %sub3A_341 = vector.broadcast %sub3A_340 : f32 to vector<16xf32>
      %sub3A_342 = arith.subf %add3A_339, %sub3A_341 : vector<16xf32>
      %mul3A_343 = arith.constant 2.000000e+00 : f32
      %mul3A_344 = vector.broadcast %mul3A_343 : f32 to vector<16xf32>
      %mul3A_345 = arith.mulf %mul3A_344, %sub3A_342 : vector<16xf32>
      %add3A_346 = arith.constant 1.000000e+00 : f32
      %add3A_347 = vector.broadcast %add3A_346 : f32 to vector<16xf32>
      %add3A_348 = arith.addf %add3A_339, %add3A_347 : vector<16xf32>
      %div3A_349 = arith.divf %mul3A_345, %add3A_348 : vector<16xf32>
      %sub3A_350 = arith.constant 1.000000e+00 : f32
      %sub3A_351 = vector.broadcast %sub3A_350 : f32 to vector<16xf32>
      %sub3A_352 = arith.subf %div3A_349, %sub3A_351 : vector<16xf32>
      %neg3A_353 = arith.constant 0.000000e+00 : f32
      %neg3A_354 = vector.broadcast %neg3A_353 : f32 to vector<16xf32>
      %neg3A_355 = arith.subf %neg3A_354, %div3A_349 : vector<16xf32>
      %exp3A_356 = math.exp %neg3A_355 : vector<16xf32>
      %mul3A_357 = arith.mulf %add3A_339, %exp3A_356 : vector<16xf32>
      %add3A_358 = arith.addf %sub3A_352, %mul3A_357 : vector<16xf32>
      %sub3A_359 = arith.constant 1.000000e+00 : f32
      %sub3A_360 = vector.broadcast %sub3A_359 : f32 to vector<16xf32>
      %sub3A_361 = arith.subf %add3A_358, %sub3A_360 : vector<16xf32>
      %neg3A_362 = arith.constant 0.000000e+00 : f32
      %neg3A_363 = vector.broadcast %neg3A_362 : f32 to vector<16xf32>
      %neg3A_364 = arith.subf %neg3A_363, %add3A_358 : vector<16xf32>
      %exp3A_365 = math.exp %neg3A_364 : vector<16xf32>
      %mul3A_366 = arith.mulf %add3A_339, %exp3A_365 : vector<16xf32>
      %add3A_367 = arith.addf %sub3A_361, %mul3A_366 : vector<16xf32>
      %sub3A_368 = arith.constant 1.000000e+00 : f32
      %sub3A_369 = vector.broadcast %sub3A_368 : f32 to vector<16xf32>
      %sub3A_370 = arith.subf %add3A_367, %sub3A_369 : vector<16xf32>
      %neg3A_371 = arith.constant 0.000000e+00 : f32
      %neg3A_372 = vector.broadcast %neg3A_371 : f32 to vector<16xf32>
      %neg3A_373 = arith.subf %neg3A_372, %add3A_367 : vector<16xf32>
      %exp3A_374 = math.exp %neg3A_373 : vector<16xf32>
      %mul3A_375 = arith.mulf %add3A_339, %exp3A_374 : vector<16xf32>
      %add3A_376 = arith.addf %sub3A_370, %mul3A_375 : vector<16xf32>
      %sub3A_377 = arith.subf %add3A_316, %max3A_328 : vector<16xf32>
      %sub3A_378 = arith.subf %sub3A_377, %add3A_376 : vector<16xf32>
      tpu.vector_store_idx %arg9[%add3A_311, %broadcast_in_dim3A_10], %sub3A_378 : memref<2000x4xf32, #tpu.memory_space<vmem>>[vector<16xi32>, vector<16xi32>], vector<16xf32>,
      %sub3A_379 = arith.subf %add3A_319, %max3A_328 : vector<16xf32>
      %sub3A_380 = arith.subf %sub3A_379, %add3A_376 : vector<16xf32>
      tpu.vector_store_idx %arg9[%add3A_311, %broadcast_in_dim3A_12], %sub3A_380 : memref<2000x4xf32, #tpu.memory_space<vmem>>[vector<16xi32>, vector<16xi32>], vector<16xf32>,
      %sub3A_381 = arith.subf %add3A_322, %max3A_328 : vector<16xf32>
      %sub3A_382 = arith.subf %sub3A_381, %add3A_376 : vector<16xf32>
      tpu.vector_store_idx %arg9[%add3A_311, %broadcast_in_dim3A_14], %sub3A_382 : memref<2000x4xf32, #tpu.memory_space<vmem>>[vector<16xi32>, vector<16xi32>], vector<16xf32>,
      %sub3A_383 = arith.subf %add3A_325, %max3A_328 : vector<16xf32>
      %sub3A_384 = arith.subf %sub3A_383, %add3A_376 : vector<16xf32>
      tpu.vector_store_idx %arg9[%add3A_311, %broadcast_in_dim3A_16], %sub3A_384 : memref<2000x4xf32, #tpu.memory_space<vmem>>[vector<16xi32>, vector<16xi32>], vector<16xf32>,
      %mul3A_385 = arith.constant 5 : i32
      %mul3A_386 = arith.muli %scan3A_147, %mul3A_385 : i32
      %add3A_387 = arith.constant 3 : i32
      %add3A_388 = arith.addi %mul3A_386, %add3A_387 : i32
      %mul3A_389 = arith.constant 16 : i32
      %mul3A_390 = arith.muli %add3A_388, %mul3A_389 : i32
      %add3A_391 = vector.broadcast %mul3A_390 : i32 to vector<16xi32>
      %add3A_392 = arith.addi %iota3A, %add3A_391 : vector<16xi32>
      %gather3A_393 = tpu.vector_load_idx %arg7[%broadcast_in_dim3A_6, %add3A_392] : memref<2x2000xi32, #tpu.memory_space<vmem>>[vector<16xi32>, vector<16xi32>], vector<16xi32>,
      %gather3A_394 = tpu.vector_load_idx %arg7[%broadcast_in_dim3A_8, %add3A_392] : memref<2x2000xi32, #tpu.memory_space<vmem>>[vector<16xi32>, vector<16xi32>], vector<16xi32>,
      %gather3A_395 = tpu.vector_load_idx %arg5[%gather3A_393, %broadcast_in_dim3A_10] : memref<10000x8xf32, #tpu.memory_space<vmem>>[vector<16xi32>, vector<16xi32>], vector<16xf32>,
      %gather3A_396 = tpu.vector_load_idx %arg5[%gather3A_394, %broadcast_in_dim3A_18] : memref<10000x8xf32, #tpu.memory_space<vmem>>[vector<16xi32>, vector<16xi32>], vector<16xf32>,
      %add3A_397 = arith.addf %gather3A_395, %gather3A_396 : vector<16xf32>
      %gather3A_398 = tpu.vector_load_idx %arg5[%gather3A_393, %broadcast_in_dim3A_12] : memref<10000x8xf32, #tpu.memory_space<vmem>>[vector<16xi32>, vector<16xi32>], vector<16xf32>,
      %gather3A_399 = tpu.vector_load_idx %arg5[%gather3A_394, %broadcast_in_dim3A_20] : memref<10000x8xf32, #tpu.memory_space<vmem>>[vector<16xi32>, vector<16xi32>], vector<16xf32>,
      %add3A_400 = arith.addf %gather3A_398, %gather3A_399 : vector<16xf32>
      %gather3A_401 = tpu.vector_load_idx %arg5[%gather3A_393, %broadcast_in_dim3A_14] : memref<10000x8xf32, #tpu.memory_space<vmem>>[vector<16xi32>, vector<16xi32>], vector<16xf32>,
      %gather3A_402 = tpu.vector_load_idx %arg5[%gather3A_394, %broadcast_in_dim3A_22] : memref<10000x8xf32, #tpu.memory_space<vmem>>[vector<16xi32>, vector<16xi32>], vector<16xf32>,
      %add3A_403 = arith.addf %gather3A_401, %gather3A_402 : vector<16xf32>
      %gather3A_404 = tpu.vector_load_idx %arg5[%gather3A_393, %broadcast_in_dim3A_16] : memref<10000x8xf32, #tpu.memory_space<vmem>>[vector<16xi32>, vector<16xi32>], vector<16xf32>,
      %gather3A_405 = tpu.vector_load_idx %arg5[%gather3A_394, %broadcast_in_dim3A_24] : memref<10000x8xf32, #tpu.memory_space<vmem>>[vector<16xi32>, vector<16xi32>], vector<16xf32>,
      %add3A_406 = arith.addf %gather3A_404, %gather3A_405 : vector<16xf32>
      %max3A_407 = arith.maximumf %add3A_397, %add3A_400 : vector<16xf32>
      %max3A_408 = arith.maximumf %add3A_403, %add3A_406 : vector<16xf32>
      %max3A_409 = arith.maximumf %max3A_407, %max3A_408 : vector<16xf32>
      %sub3A_410 = arith.subf %add3A_397, %max3A_409 : vector<16xf32>
      %exp3A_411 = math.exp %sub3A_410 : vector<16xf32>
      %sub3A_412 = arith.subf %add3A_400, %max3A_409 : vector<16xf32>
      %exp3A_413 = math.exp %sub3A_412 : vector<16xf32>
      %sub3A_414 = arith.subf %add3A_403, %max3A_409 : vector<16xf32>
      %exp3A_415 = math.exp %sub3A_414 : vector<16xf32>
      %sub3A_416 = arith.subf %add3A_406, %max3A_409 : vector<16xf32>
      %exp3A_417 = math.exp %sub3A_416 : vector<16xf32>
      %add3A_418 = arith.addf %exp3A_411, %exp3A_413 : vector<16xf32>
      %add3A_419 = arith.addf %add3A_418, %exp3A_415 : vector<16xf32>
      %add3A_420 = arith.addf %add3A_419, %exp3A_417 : vector<16xf32>
      %sub3A_421 = arith.constant 1.000000e+00 : f32
      %sub3A_422 = vector.broadcast %sub3A_421 : f32 to vector<16xf32>
      %sub3A_423 = arith.subf %add3A_420, %sub3A_422 : vector<16xf32>
      %mul3A_424 = arith.constant 2.000000e+00 : f32
      %mul3A_425 = vector.broadcast %mul3A_424 : f32 to vector<16xf32>
      %mul3A_426 = arith.mulf %mul3A_425, %sub3A_423 : vector<16xf32>
      %add3A_427 = arith.constant 1.000000e+00 : f32
      %add3A_428 = vector.broadcast %add3A_427 : f32 to vector<16xf32>
      %add3A_429 = arith.addf %add3A_420, %add3A_428 : vector<16xf32>
      %div3A_430 = arith.divf %mul3A_426, %add3A_429 : vector<16xf32>
      %sub3A_431 = arith.constant 1.000000e+00 : f32
      %sub3A_432 = vector.broadcast %sub3A_431 : f32 to vector<16xf32>
      %sub3A_433 = arith.subf %div3A_430, %sub3A_432 : vector<16xf32>
      %neg3A_434 = arith.constant 0.000000e+00 : f32
      %neg3A_435 = vector.broadcast %neg3A_434 : f32 to vector<16xf32>
      %neg3A_436 = arith.subf %neg3A_435, %div3A_430 : vector<16xf32>
      %exp3A_437 = math.exp %neg3A_436 : vector<16xf32>
      %mul3A_438 = arith.mulf %add3A_420, %exp3A_437 : vector<16xf32>
      %add3A_439 = arith.addf %sub3A_433, %mul3A_438 : vector<16xf32>
      %sub3A_440 = arith.constant 1.000000e+00 : f32
      %sub3A_441 = vector.broadcast %sub3A_440 : f32 to vector<16xf32>
      %sub3A_442 = arith.subf %add3A_439, %sub3A_441 : vector<16xf32>
      %neg3A_443 = arith.constant 0.000000e+00 : f32
      %neg3A_444 = vector.broadcast %neg3A_443 : f32 to vector<16xf32>
      %neg3A_445 = arith.subf %neg3A_444, %add3A_439 : vector<16xf32>
      %exp3A_446 = math.exp %neg3A_445 : vector<16xf32>
      %mul3A_447 = arith.mulf %add3A_420, %exp3A_446 : vector<16xf32>
      %add3A_448 = arith.addf %sub3A_442, %mul3A_447 : vector<16xf32>
      %sub3A_449 = arith.constant 1.000000e+00 : f32
      %sub3A_450 = vector.broadcast %sub3A_449 : f32 to vector<16xf32>
      %sub3A_451 = arith.subf %add3A_448, %sub3A_450 : vector<16xf32>
      %neg3A_452 = arith.constant 0.000000e+00 : f32
      %neg3A_453 = vector.broadcast %neg3A_452 : f32 to vector<16xf32>
      %neg3A_454 = arith.subf %neg3A_453, %add3A_448 : vector<16xf32>
      %exp3A_455 = math.exp %neg3A_454 : vector<16xf32>
      %mul3A_456 = arith.mulf %add3A_420, %exp3A_455 : vector<16xf32>
      %add3A_457 = arith.addf %sub3A_451, %mul3A_456 : vector<16xf32>
      %sub3A_458 = arith.subf %add3A_397, %max3A_409 : vector<16xf32>
      %sub3A_459 = arith.subf %sub3A_458, %add3A_457 : vector<16xf32>
      tpu.vector_store_idx %arg9[%add3A_392, %broadcast_in_dim3A_10], %sub3A_459 : memref<2000x4xf32, #tpu.memory_space<vmem>>[vector<16xi32>, vector<16xi32>], vector<16xf32>,
      %sub3A_460 = arith.subf %add3A_400, %max3A_409 : vector<16xf32>
      %sub3A_461 = arith.subf %sub3A_460, %add3A_457 : vector<16xf32>
      tpu.vector_store_idx %arg9[%add3A_392, %broadcast_in_dim3A_12], %sub3A_461 : memref<2000x4xf32, #tpu.memory_space<vmem>>[vector<16xi32>, vector<16xi32>], vector<16xf32>,
      %sub3A_462 = arith.subf %add3A_403, %max3A_409 : vector<16xf32>
      %sub3A_463 = arith.subf %sub3A_462, %add3A_457 : vector<16xf32>
      tpu.vector_store_idx %arg9[%add3A_392, %broadcast_in_dim3A_14], %sub3A_463 : memref<2000x4xf32, #tpu.memory_space<vmem>>[vector<16xi32>, vector<16xi32>], vector<16xf32>,
      %sub3A_464 = arith.subf %add3A_406, %max3A_409 : vector<16xf32>
      %sub3A_465 = arith.subf %sub3A_464, %add3A_457 : vector<16xf32>
      tpu.vector_store_idx %arg9[%add3A_392, %broadcast_in_dim3A_16], %sub3A_465 : memref<2000x4xf32, #tpu.memory_space<vmem>>[vector<16xi32>, vector<16xi32>], vector<16xf32>,
      %mul3A_466 = arith.constant 5 : i32
      %mul3A_467 = arith.muli %scan3A_147, %mul3A_466 : i32
      %add3A_468 = arith.constant 4 : i32
      %add3A_469 = arith.addi %mul3A_467, %add3A_468 : i32
      %mul3A_470 = arith.constant 16 : i32
      %mul3A_471 = arith.muli %add3A_469, %mul3A_470 : i32
      %add3A_472 = vector.broadcast %mul3A_471 : i32 to vector<16xi32>
      %add3A_473 = arith.addi %iota3A, %add3A_472 : vector<16xi32>
      %gather3A_474 = tpu.vector_load_idx %arg7[%broadcast_in_dim3A_6, %add3A_473] : memref<2x2000xi32, #tpu.memory_space<vmem>>[vector<16xi32>, vector<16xi32>], vector<16xi32>,
      %gather3A_475 = tpu.vector_load_idx %arg7[%broadcast_in_dim3A_8, %add3A_473] : memref<2x2000xi32, #tpu.memory_space<vmem>>[vector<16xi32>, vector<16xi32>], vector<16xi32>,
      %gather3A_476 = tpu.vector_load_idx %arg5[%gather3A_474, %broadcast_in_dim3A_10] : memref<10000x8xf32, #tpu.memory_space<vmem>>[vector<16xi32>, vector<16xi32>], vector<16xf32>,
      %gather3A_477 = tpu.vector_load_idx %arg5[%gather3A_475, %broadcast_in_dim3A_18] : memref<10000x8xf32, #tpu.memory_space<vmem>>[vector<16xi32>, vector<16xi32>], vector<16xf32>,
      %add3A_478 = arith.addf %gather3A_476, %gather3A_477 : vector<16xf32>
      %gather3A_479 = tpu.vector_load_idx %arg5[%gather3A_474, %broadcast_in_dim3A_12] : memref<10000x8xf32, #tpu.memory_space<vmem>>[vector<16xi32>, vector<16xi32>], vector<16xf32>,
      %gather3A_480 = tpu.vector_load_idx %arg5[%gather3A_475, %broadcast_in_dim3A_20] : memref<10000x8xf32, #tpu.memory_space<vmem>>[vector<16xi32>, vector<16xi32>], vector<16xf32>,
      %add3A_481 = arith.addf %gather3A_479, %gather3A_480 : vector<16xf32>
      %gather3A_482 = tpu.vector_load_idx %arg5[%gather3A_474, %broadcast_in_dim3A_14] : memref<10000x8xf32, #tpu.memory_space<vmem>>[vector<16xi32>, vector<16xi32>], vector<16xf32>,
      %gather3A_483 = tpu.vector_load_idx %arg5[%gather3A_475, %broadcast_in_dim3A_22] : memref<10000x8xf32, #tpu.memory_space<vmem>>[vector<16xi32>, vector<16xi32>], vector<16xf32>,
      %add3A_484 = arith.addf %gather3A_482, %gather3A_483 : vector<16xf32>
      %gather3A_485 = tpu.vector_load_idx %arg5[%gather3A_474, %broadcast_in_dim3A_16] : memref<10000x8xf32, #tpu.memory_space<vmem>>[vector<16xi32>, vector<16xi32>], vector<16xf32>,
      %gather3A_486 = tpu.vector_load_idx %arg5[%gather3A_475, %broadcast_in_dim3A_24] : memref<10000x8xf32, #tpu.memory_space<vmem>>[vector<16xi32>, vector<16xi32>], vector<16xf32>,
      %add3A_487 = arith.addf %gather3A_485, %gather3A_486 : vector<16xf32>
      %max3A_488 = arith.maximumf %add3A_478, %add3A_481 : vector<16xf32>
      %max3A_489 = arith.maximumf %add3A_484, %add3A_487 : vector<16xf32>
      %max3A_490 = arith.maximumf %max3A_488, %max3A_489 : vector<16xf32>
      %sub3A_491 = arith.subf %add3A_478, %max3A_490 : vector<16xf32>
      %exp3A_492 = math.exp %sub3A_491 : vector<16xf32>
      %sub3A_493 = arith.subf %add3A_481, %max3A_490 : vector<16xf32>
      %exp3A_494 = math.exp %sub3A_493 : vector<16xf32>
      %sub3A_495 = arith.subf %add3A_484, %max3A_490 : vector<16xf32>
      %exp3A_496 = math.exp %sub3A_495 : vector<16xf32>
      %sub3A_497 = arith.subf %add3A_487, %max3A_490 : vector<16xf32>
      %exp3A_498 = math.exp %sub3A_497 : vector<16xf32>
      %add3A_499 = arith.addf %exp3A_492, %exp3A_494 : vector<16xf32>
      %add3A_500 = arith.addf %add3A_499, %exp3A_496 : vector<16xf32>
      %add3A_501 = arith.addf %add3A_500, %exp3A_498 : vector<16xf32>
      %sub3A_502 = arith.constant 1.000000e+00 : f32
      %sub3A_503 = vector.broadcast %sub3A_502 : f32 to vector<16xf32>
      %sub3A_504 = arith.subf %add3A_501, %sub3A_503 : vector<16xf32>
      %mul3A_505 = arith.constant 2.000000e+00 : f32
      %mul3A_506 = vector.broadcast %mul3A_505 : f32 to vector<16xf32>
      %mul3A_507 = arith.mulf %mul3A_506, %sub3A_504 : vector<16xf32>
      %add3A_508 = arith.constant 1.000000e+00 : f32
      %add3A_509 = vector.broadcast %add3A_508 : f32 to vector<16xf32>
      %add3A_510 = arith.addf %add3A_501, %add3A_509 : vector<16xf32>
      %div3A_511 = arith.divf %mul3A_507, %add3A_510 : vector<16xf32>
      %sub3A_512 = arith.constant 1.000000e+00 : f32
      %sub3A_513 = vector.broadcast %sub3A_512 : f32 to vector<16xf32>
      %sub3A_514 = arith.subf %div3A_511, %sub3A_513 : vector<16xf32>
      %neg3A_515 = arith.constant 0.000000e+00 : f32
      %neg3A_516 = vector.broadcast %neg3A_515 : f32 to vector<16xf32>
      %neg3A_517 = arith.subf %neg3A_516, %div3A_511 : vector<16xf32>
      %exp3A_518 = math.exp %neg3A_517 : vector<16xf32>
      %mul3A_519 = arith.mulf %add3A_501, %exp3A_518 : vector<16xf32>
      %add3A_520 = arith.addf %sub3A_514, %mul3A_519 : vector<16xf32>
      %sub3A_521 = arith.constant 1.000000e+00 : f32
      %sub3A_522 = vector.broadcast %sub3A_521 : f32 to vector<16xf32>
      %sub3A_523 = arith.subf %add3A_520, %sub3A_522 : vector<16xf32>
      %neg3A_524 = arith.constant 0.000000e+00 : f32
      %neg3A_525 = vector.broadcast %neg3A_524 : f32 to vector<16xf32>
      %neg3A_526 = arith.subf %neg3A_525, %add3A_520 : vector<16xf32>
      %exp3A_527 = math.exp %neg3A_526 : vector<16xf32>
      %mul3A_528 = arith.mulf %add3A_501, %exp3A_527 : vector<16xf32>
      %add3A_529 = arith.addf %sub3A_523, %mul3A_528 : vector<16xf32>
      %sub3A_530 = arith.constant 1.000000e+00 : f32
      %sub3A_531 = vector.broadcast %sub3A_530 : f32 to vector<16xf32>
      %sub3A_532 = arith.subf %add3A_529, %sub3A_531 : vector<16xf32>
      %neg3A_533 = arith.constant 0.000000e+00 : f32
      %neg3A_534 = vector.broadcast %neg3A_533 : f32 to vector<16xf32>
      %neg3A_535 = arith.subf %neg3A_534, %add3A_529 : vector<16xf32>
      %exp3A_536 = math.exp %neg3A_535 : vector<16xf32>
      %mul3A_537 = arith.mulf %add3A_501, %exp3A_536 : vector<16xf32>
      %add3A_538 = arith.addf %sub3A_532, %mul3A_537 : vector<16xf32>
      %sub3A_539 = arith.subf %add3A_478, %max3A_490 : vector<16xf32>
      %sub3A_540 = arith.subf %sub3A_539, %add3A_538 : vector<16xf32>
      tpu.vector_store_idx %arg9[%add3A_473, %broadcast_in_dim3A_10], %sub3A_540 : memref<2000x4xf32, #tpu.memory_space<vmem>>[vector<16xi32>, vector<16xi32>], vector<16xf32>,
      %sub3A_541 = arith.subf %add3A_481, %max3A_490 : vector<16xf32>
      %sub3A_542 = arith.subf %sub3A_541, %add3A_538 : vector<16xf32>
      tpu.vector_store_idx %arg9[%add3A_473, %broadcast_in_dim3A_12], %sub3A_542 : memref<2000x4xf32, #tpu.memory_space<vmem>>[vector<16xi32>, vector<16xi32>], vector<16xf32>,
      %sub3A_543 = arith.subf %add3A_484, %max3A_490 : vector<16xf32>
      %sub3A_544 = arith.subf %sub3A_543, %add3A_538 : vector<16xf32>
      tpu.vector_store_idx %arg9[%add3A_473, %broadcast_in_dim3A_14], %sub3A_544 : memref<2000x4xf32, #tpu.memory_space<vmem>>[vector<16xi32>, vector<16xi32>], vector<16xf32>,
      %sub3A_545 = arith.subf %add3A_487, %max3A_490 : vector<16xf32>
      %sub3A_546 = arith.subf %sub3A_545, %add3A_538 : vector<16xf32>
      tpu.vector_store_idx %arg9[%add3A_473, %broadcast_in_dim3A_16], %sub3A_546 : memref<2000x4xf32, #tpu.memory_space<vmem>>[vector<16xi32>, vector<16xi32>], vector<16xf32>,
    }
    %scan3A_60 = arith.constant 25 : i32
    %add3A_61 = arith.constant 2000 : i32
    %add3A_62 = arith.addi %mul3A_2, %add3A_61 : i32
    %dma_start3A_63 = arith.constant 0 : i32
    %dma_start3A_64 = tpu.memref_slice %arg4[%add3A_62, %dma_start3A_63] : memref<320000x4xf32, #tpu.memory_space<hbm>> -> memref<2000x4xf32, #tpu.memory_space<hbm>>
    %dma_start3A_65 = arith.constant 0 : i32
    %dma_start3A_66 = tpu.memref_slice %arg4[%add3A_62, %dma_start3A_65] : memref<320000x4xf32, #tpu.memory_space<hbm>> -> memref<2000x4xf32, #tpu.memory_space<hbm>>
    tpu.enqueue_dma source(%arg9 : memref<2000x4xf32, #tpu.memory_space<vmem>>) target(%dma_start3A_66 : memref<2000x4xf32, #tpu.memory_space<hbm>>) target_semaphore(%arg13 : memref<!tpu.dma_semaphore, #tpu.memory_space<semaphore_mem>>)
    %dma_wait3A_67 = arith.constant 0 : i32
    %dma_wait3A_68 = tpu.memref_slice %arg3[%dma_wait3A_67, %add3A_50] : memref<2x320000xi32, #tpu.memory_space<hbm>> -> memref<2x2000xi32, #tpu.memory_space<hbm>>
    %dma_wait3A_69 = arith.constant 0 : i32
    %dma_wait3A_70 = tpu.memref_slice %arg3[%dma_wait3A_69, %add3A_50] : memref<2x320000xi32, #tpu.memory_space<hbm>> -> memref<2x2000xi32, #tpu.memory_space<hbm>>
    tpu.wait_dma2 semaphore(%arg10 : memref<!tpu.dma_semaphore, #tpu.memory_space<semaphore_mem>>) src(%dma_wait3A_70 : memref<2x2000xi32, #tpu.memory_space<hbm>>) dst(%arg6 : memref<2x2000xi32, #tpu.memory_space<vmem>>)
    %add3A_71 = arith.constant 6000 : i32
    %add3A_72 = arith.addi %mul3A_2, %add3A_71 : i32
    %dma_start3A_73 = arith.constant 0 : i32
    %dma_start3A_74 = tpu.memref_slice %arg3[%dma_start3A_73, %add3A_72] : memref<2x320000xi32, #tpu.memory_space<hbm>> -> memref<2x2000xi32, #tpu.memory_space<hbm>>
    %dma_start3A_75 = arith.constant 0 : i32
    %dma_start3A_76 = tpu.memref_slice %arg3[%dma_start3A_75, %add3A_72] : memref<2x320000xi32, #tpu.memory_space<hbm>> -> memref<2x2000xi32, #tpu.memory_space<hbm>>
    tpu.enqueue_dma source(%dma_start3A_76 : memref<2x2000xi32, #tpu.memory_space<hbm>>) target(%arg7 : memref<2x2000xi32, #tpu.memory_space<vmem>>) target_semaphore(%arg11 : memref<!tpu.dma_semaphore, #tpu.memory_space<semaphore_mem>>)
    %dma_wait3A_77 = arith.constant 0 : i32
    %dma_wait3A_78 = tpu.memref_slice %arg4[%add3A_40, %dma_wait3A_77] : memref<320000x4xf32, #tpu.memory_space<hbm>> -> memref<2000x4xf32, #tpu.memory_space<hbm>>
    %dma_wait3A_79 = arith.constant 0 : i32
    %dma_wait3A_80 = tpu.memref_slice %arg4[%add3A_40, %dma_wait3A_79] : memref<320000x4xf32, #tpu.memory_space<hbm>> -> memref<2000x4xf32, #tpu.memory_space<hbm>>
    tpu.wait_dma2 semaphore(%arg12 : memref<!tpu.dma_semaphore, #tpu.memory_space<semaphore_mem>>) src(%arg8 : memref<2000x4xf32, #tpu.memory_space<vmem>>) dst(%dma_wait3A_80 : memref<2000x4xf32, #tpu.memory_space<hbm>>)
    %scan3A_81 = arith.constant 0 : i32
    %scan3A_82 = arith.constant 0 : i32
    %scan3A_83 = arith.constant 25 : i32
    %scan3A_84 = arith.addi %scan3A_82, %scan3A_83 : i32
    %scan3A_85 = arith.constant 1 : i32
    scf.for %scan3A_147 = %scan3A_82 to %scan3A_84 step %scan3A_85  : i32 {
      %mul3A_148 = arith.constant 5 : i32
      %mul3A_149 = arith.muli %scan3A_147, %mul3A_148 : i32
      %add3A_150 = arith.constant 0 : i32
      %add3A_151 = arith.addi %mul3A_149, %add3A_150 : i32
      %mul3A_152 = arith.constant 16 : i32
      %mul3A_153 = arith.muli %add3A_151, %mul3A_152 : i32
      %add3A_154 = vector.broadcast %mul3A_153 : i32 to vector<16xi32>
      %add3A_155 = arith.addi %iota3A, %add3A_154 : vector<16xi32>
      %gather3A = tpu.vector_load_idx %arg6[%broadcast_in_dim3A_6, %add3A_155] : memref<2x2000xi32, #tpu.memory_space<vmem>>[vector<16xi32>, vector<16xi32>], vector<16xi32>,
      %gather3A_156 = tpu.vector_load_idx %arg6[%broadcast_in_dim3A_8, %add3A_155] : memref<2x2000xi32, #tpu.memory_space<vmem>>[vector<16xi32>, vector<16xi32>], vector<16xi32>,
      %gather3A_157 = tpu.vector_load_idx %arg5[%gather3A, %broadcast_in_dim3A_10] : memref<10000x8xf32, #tpu.memory_space<vmem>>[vector<16xi32>, vector<16xi32>], vector<16xf32>,
      %gather3A_158 = tpu.vector_load_idx %arg5[%gather3A_156, %broadcast_in_dim3A_18] : memref<10000x8xf32, #tpu.memory_space<vmem>>[vector<16xi32>, vector<16xi32>], vector<16xf32>,
      %add3A_159 = arith.addf %gather3A_157, %gather3A_158 : vector<16xf32>
      %gather3A_160 = tpu.vector_load_idx %arg5[%gather3A, %broadcast_in_dim3A_12] : memref<10000x8xf32, #tpu.memory_space<vmem>>[vector<16xi32>, vector<16xi32>], vector<16xf32>,
      %gather3A_161 = tpu.vector_load_idx %arg5[%gather3A_156, %broadcast_in_dim3A_20] : memref<10000x8xf32, #tpu.memory_space<vmem>>[vector<16xi32>, vector<16xi32>], vector<16xf32>,
      %add3A_162 = arith.addf %gather3A_160, %gather3A_161 : vector<16xf32>
      %gather3A_163 = tpu.vector_load_idx %arg5[%gather3A, %broadcast_in_dim3A_14] : memref<10000x8xf32, #tpu.memory_space<vmem>>[vector<16xi32>, vector<16xi32>], vector<16xf32>,
      %gather3A_164 = tpu.vector_load_idx %arg5[%gather3A_156, %broadcast_in_dim3A_22] : memref<10000x8xf32, #tpu.memory_space<vmem>>[vector<16xi32>, vector<16xi32>], vector<16xf32>,
      %add3A_165 = arith.addf %gather3A_163, %gather3A_164 : vector<16xf32>
      %gather3A_166 = tpu.vector_load_idx %arg5[%gather3A, %broadcast_in_dim3A_16] : memref<10000x8xf32, #tpu.memory_space<vmem>>[vector<16xi32>, vector<16xi32>], vector<16xf32>,
      %gather3A_167 = tpu.vector_load_idx %arg5[%gather3A_156, %broadcast_in_dim3A_24] : memref<10000x8xf32, #tpu.memory_space<vmem>>[vector<16xi32>, vector<16xi32>], vector<16xf32>,
      %add3A_168 = arith.addf %gather3A_166, %gather3A_167 : vector<16xf32>
      %max3A = arith.maximumf %add3A_159, %add3A_162 : vector<16xf32>
      %max3A_169 = arith.maximumf %add3A_165, %add3A_168 : vector<16xf32>
      %max3A_170 = arith.maximumf %max3A, %max3A_169 : vector<16xf32>
      %sub3A = arith.subf %add3A_159, %max3A_170 : vector<16xf32>
      %exp3A = math.exp %sub3A : vector<16xf32>
      %sub3A_171 = arith.subf %add3A_162, %max3A_170 : vector<16xf32>
      %exp3A_172 = math.exp %sub3A_171 : vector<16xf32>
      %sub3A_173 = arith.subf %add3A_165, %max3A_170 : vector<16xf32>
      %exp3A_174 = math.exp %sub3A_173 : vector<16xf32>
      %sub3A_175 = arith.subf %add3A_168, %max3A_170 : vector<16xf32>
      %exp3A_176 = math.exp %sub3A_175 : vector<16xf32>
      %add3A_177 = arith.addf %exp3A, %exp3A_172 : vector<16xf32>
      %add3A_178 = arith.addf %add3A_177, %exp3A_174 : vector<16xf32>
      %add3A_179 = arith.addf %add3A_178, %exp3A_176 : vector<16xf32>
      %sub3A_180 = arith.constant 1.000000e+00 : f32
      %sub3A_181 = vector.broadcast %sub3A_180 : f32 to vector<16xf32>
      %sub3A_182 = arith.subf %add3A_179, %sub3A_181 : vector<16xf32>
      %mul3A_183 = arith.constant 2.000000e+00 : f32
      %mul3A_184 = vector.broadcast %mul3A_183 : f32 to vector<16xf32>
      %mul3A_185 = arith.mulf %mul3A_184, %sub3A_182 : vector<16xf32>
      %add3A_186 = arith.constant 1.000000e+00 : f32
      %add3A_187 = vector.broadcast %add3A_186 : f32 to vector<16xf32>
      %add3A_188 = arith.addf %add3A_179, %add3A_187 : vector<16xf32>
      %div3A = arith.divf %mul3A_185, %add3A_188 : vector<16xf32>
      %sub3A_189 = arith.constant 1.000000e+00 : f32
      %sub3A_190 = vector.broadcast %sub3A_189 : f32 to vector<16xf32>
      %sub3A_191 = arith.subf %div3A, %sub3A_190 : vector<16xf32>
      %neg3A = arith.constant 0.000000e+00 : f32
      %neg3A_192 = vector.broadcast %neg3A : f32 to vector<16xf32>
      %neg3A_193 = arith.subf %neg3A_192, %div3A : vector<16xf32>
      %exp3A_194 = math.exp %neg3A_193 : vector<16xf32>
      %mul3A_195 = arith.mulf %add3A_179, %exp3A_194 : vector<16xf32>
      %add3A_196 = arith.addf %sub3A_191, %mul3A_195 : vector<16xf32>
      %sub3A_197 = arith.constant 1.000000e+00 : f32
      %sub3A_198 = vector.broadcast %sub3A_197 : f32 to vector<16xf32>
      %sub3A_199 = arith.subf %add3A_196, %sub3A_198 : vector<16xf32>
      %neg3A_200 = arith.constant 0.000000e+00 : f32
      %neg3A_201 = vector.broadcast %neg3A_200 : f32 to vector<16xf32>
      %neg3A_202 = arith.subf %neg3A_201, %add3A_196 : vector<16xf32>
      %exp3A_203 = math.exp %neg3A_202 : vector<16xf32>
      %mul3A_204 = arith.mulf %add3A_179, %exp3A_203 : vector<16xf32>
      %add3A_205 = arith.addf %sub3A_199, %mul3A_204 : vector<16xf32>
      %sub3A_206 = arith.constant 1.000000e+00 : f32
      %sub3A_207 = vector.broadcast %sub3A_206 : f32 to vector<16xf32>
      %sub3A_208 = arith.subf %add3A_205, %sub3A_207 : vector<16xf32>
      %neg3A_209 = arith.constant 0.000000e+00 : f32
      %neg3A_210 = vector.broadcast %neg3A_209 : f32 to vector<16xf32>
      %neg3A_211 = arith.subf %neg3A_210, %add3A_205 : vector<16xf32>
      %exp3A_212 = math.exp %neg3A_211 : vector<16xf32>
      %mul3A_213 = arith.mulf %add3A_179, %exp3A_212 : vector<16xf32>
      %add3A_214 = arith.addf %sub3A_208, %mul3A_213 : vector<16xf32>
      %sub3A_215 = arith.subf %add3A_159, %max3A_170 : vector<16xf32>
      %sub3A_216 = arith.subf %sub3A_215, %add3A_214 : vector<16xf32>
      tpu.vector_store_idx %arg8[%add3A_155, %broadcast_in_dim3A_10], %sub3A_216 : memref<2000x4xf32, #tpu.memory_space<vmem>>[vector<16xi32>, vector<16xi32>], vector<16xf32>,
      %sub3A_217 = arith.subf %add3A_162, %max3A_170 : vector<16xf32>
      %sub3A_218 = arith.subf %sub3A_217, %add3A_214 : vector<16xf32>
      tpu.vector_store_idx %arg8[%add3A_155, %broadcast_in_dim3A_12], %sub3A_218 : memref<2000x4xf32, #tpu.memory_space<vmem>>[vector<16xi32>, vector<16xi32>], vector<16xf32>,
      %sub3A_219 = arith.subf %add3A_165, %max3A_170 : vector<16xf32>
      %sub3A_220 = arith.subf %sub3A_219, %add3A_214 : vector<16xf32>
      tpu.vector_store_idx %arg8[%add3A_155, %broadcast_in_dim3A_14], %sub3A_220 : memref<2000x4xf32, #tpu.memory_space<vmem>>[vector<16xi32>, vector<16xi32>], vector<16xf32>,
      %sub3A_221 = arith.subf %add3A_168, %max3A_170 : vector<16xf32>
      %sub3A_222 = arith.subf %sub3A_221, %add3A_214 : vector<16xf32>
      tpu.vector_store_idx %arg8[%add3A_155, %broadcast_in_dim3A_16], %sub3A_222 : memref<2000x4xf32, #tpu.memory_space<vmem>>[vector<16xi32>, vector<16xi32>], vector<16xf32>,
      %mul3A_223 = arith.constant 5 : i32
      %mul3A_224 = arith.muli %scan3A_147, %mul3A_223 : i32
      %add3A_225 = arith.constant 1 : i32
      %add3A_226 = arith.addi %mul3A_224, %add3A_225 : i32
      %mul3A_227 = arith.constant 16 : i32
      %mul3A_228 = arith.muli %add3A_226, %mul3A_227 : i32
      %add3A_229 = vector.broadcast %mul3A_228 : i32 to vector<16xi32>
      %add3A_230 = arith.addi %iota3A, %add3A_229 : vector<16xi32>
      %gather3A_231 = tpu.vector_load_idx %arg6[%broadcast_in_dim3A_6, %add3A_230] : memref<2x2000xi32, #tpu.memory_space<vmem>>[vector<16xi32>, vector<16xi32>], vector<16xi32>,
      %gather3A_232 = tpu.vector_load_idx %arg6[%broadcast_in_dim3A_8, %add3A_230] : memref<2x2000xi32, #tpu.memory_space<vmem>>[vector<16xi32>, vector<16xi32>], vector<16xi32>,
      %gather3A_233 = tpu.vector_load_idx %arg5[%gather3A_231, %broadcast_in_dim3A_10] : memref<10000x8xf32, #tpu.memory_space<vmem>>[vector<16xi32>, vector<16xi32>], vector<16xf32>,
      %gather3A_234 = tpu.vector_load_idx %arg5[%gather3A_232, %broadcast_in_dim3A_18] : memref<10000x8xf32, #tpu.memory_space<vmem>>[vector<16xi32>, vector<16xi32>], vector<16xf32>,
      %add3A_235 = arith.addf %gather3A_233, %gather3A_234 : vector<16xf32>
      %gather3A_236 = tpu.vector_load_idx %arg5[%gather3A_231, %broadcast_in_dim3A_12] : memref<10000x8xf32, #tpu.memory_space<vmem>>[vector<16xi32>, vector<16xi32>], vector<16xf32>,
      %gather3A_237 = tpu.vector_load_idx %arg5[%gather3A_232, %broadcast_in_dim3A_20] : memref<10000x8xf32, #tpu.memory_space<vmem>>[vector<16xi32>, vector<16xi32>], vector<16xf32>,
      %add3A_238 = arith.addf %gather3A_236, %gather3A_237 : vector<16xf32>
      %gather3A_239 = tpu.vector_load_idx %arg5[%gather3A_231, %broadcast_in_dim3A_14] : memref<10000x8xf32, #tpu.memory_space<vmem>>[vector<16xi32>, vector<16xi32>], vector<16xf32>,
      %gather3A_240 = tpu.vector_load_idx %arg5[%gather3A_232, %broadcast_in_dim3A_22] : memref<10000x8xf32, #tpu.memory_space<vmem>>[vector<16xi32>, vector<16xi32>], vector<16xf32>,
      %add3A_241 = arith.addf %gather3A_239, %gather3A_240 : vector<16xf32>
      %gather3A_242 = tpu.vector_load_idx %arg5[%gather3A_231, %broadcast_in_dim3A_16] : memref<10000x8xf32, #tpu.memory_space<vmem>>[vector<16xi32>, vector<16xi32>], vector<16xf32>,
      %gather3A_243 = tpu.vector_load_idx %arg5[%gather3A_232, %broadcast_in_dim3A_24] : memref<10000x8xf32, #tpu.memory_space<vmem>>[vector<16xi32>, vector<16xi32>], vector<16xf32>,
      %add3A_244 = arith.addf %gather3A_242, %gather3A_243 : vector<16xf32>
      %max3A_245 = arith.maximumf %add3A_235, %add3A_238 : vector<16xf32>
      %max3A_246 = arith.maximumf %add3A_241, %add3A_244 : vector<16xf32>
      %max3A_247 = arith.maximumf %max3A_245, %max3A_246 : vector<16xf32>
      %sub3A_248 = arith.subf %add3A_235, %max3A_247 : vector<16xf32>
      %exp3A_249 = math.exp %sub3A_248 : vector<16xf32>
      %sub3A_250 = arith.subf %add3A_238, %max3A_247 : vector<16xf32>
      %exp3A_251 = math.exp %sub3A_250 : vector<16xf32>
      %sub3A_252 = arith.subf %add3A_241, %max3A_247 : vector<16xf32>
      %exp3A_253 = math.exp %sub3A_252 : vector<16xf32>
      %sub3A_254 = arith.subf %add3A_244, %max3A_247 : vector<16xf32>
      %exp3A_255 = math.exp %sub3A_254 : vector<16xf32>
      %add3A_256 = arith.addf %exp3A_249, %exp3A_251 : vector<16xf32>
      %add3A_257 = arith.addf %add3A_256, %exp3A_253 : vector<16xf32>
      %add3A_258 = arith.addf %add3A_257, %exp3A_255 : vector<16xf32>
      %sub3A_259 = arith.constant 1.000000e+00 : f32
      %sub3A_260 = vector.broadcast %sub3A_259 : f32 to vector<16xf32>
      %sub3A_261 = arith.subf %add3A_258, %sub3A_260 : vector<16xf32>
      %mul3A_262 = arith.constant 2.000000e+00 : f32
      %mul3A_263 = vector.broadcast %mul3A_262 : f32 to vector<16xf32>
      %mul3A_264 = arith.mulf %mul3A_263, %sub3A_261 : vector<16xf32>
      %add3A_265 = arith.constant 1.000000e+00 : f32
      %add3A_266 = vector.broadcast %add3A_265 : f32 to vector<16xf32>
      %add3A_267 = arith.addf %add3A_258, %add3A_266 : vector<16xf32>
      %div3A_268 = arith.divf %mul3A_264, %add3A_267 : vector<16xf32>
      %sub3A_269 = arith.constant 1.000000e+00 : f32
      %sub3A_270 = vector.broadcast %sub3A_269 : f32 to vector<16xf32>
      %sub3A_271 = arith.subf %div3A_268, %sub3A_270 : vector<16xf32>
      %neg3A_272 = arith.constant 0.000000e+00 : f32
      %neg3A_273 = vector.broadcast %neg3A_272 : f32 to vector<16xf32>
      %neg3A_274 = arith.subf %neg3A_273, %div3A_268 : vector<16xf32>
      %exp3A_275 = math.exp %neg3A_274 : vector<16xf32>
      %mul3A_276 = arith.mulf %add3A_258, %exp3A_275 : vector<16xf32>
      %add3A_277 = arith.addf %sub3A_271, %mul3A_276 : vector<16xf32>
      %sub3A_278 = arith.constant 1.000000e+00 : f32
      %sub3A_279 = vector.broadcast %sub3A_278 : f32 to vector<16xf32>
      %sub3A_280 = arith.subf %add3A_277, %sub3A_279 : vector<16xf32>
      %neg3A_281 = arith.constant 0.000000e+00 : f32
      %neg3A_282 = vector.broadcast %neg3A_281 : f32 to vector<16xf32>
      %neg3A_283 = arith.subf %neg3A_282, %add3A_277 : vector<16xf32>
      %exp3A_284 = math.exp %neg3A_283 : vector<16xf32>
      %mul3A_285 = arith.mulf %add3A_258, %exp3A_284 : vector<16xf32>
      %add3A_286 = arith.addf %sub3A_280, %mul3A_285 : vector<16xf32>
      %sub3A_287 = arith.constant 1.000000e+00 : f32
      %sub3A_288 = vector.broadcast %sub3A_287 : f32 to vector<16xf32>
      %sub3A_289 = arith.subf %add3A_286, %sub3A_288 : vector<16xf32>
      %neg3A_290 = arith.constant 0.000000e+00 : f32
      %neg3A_291 = vector.broadcast %neg3A_290 : f32 to vector<16xf32>
      %neg3A_292 = arith.subf %neg3A_291, %add3A_286 : vector<16xf32>
      %exp3A_293 = math.exp %neg3A_292 : vector<16xf32>
      %mul3A_294 = arith.mulf %add3A_258, %exp3A_293 : vector<16xf32>
      %add3A_295 = arith.addf %sub3A_289, %mul3A_294 : vector<16xf32>
      %sub3A_296 = arith.subf %add3A_235, %max3A_247 : vector<16xf32>
      %sub3A_297 = arith.subf %sub3A_296, %add3A_295 : vector<16xf32>
      tpu.vector_store_idx %arg8[%add3A_230, %broadcast_in_dim3A_10], %sub3A_297 : memref<2000x4xf32, #tpu.memory_space<vmem>>[vector<16xi32>, vector<16xi32>], vector<16xf32>,
      %sub3A_298 = arith.subf %add3A_238, %max3A_247 : vector<16xf32>
      %sub3A_299 = arith.subf %sub3A_298, %add3A_295 : vector<16xf32>
      tpu.vector_store_idx %arg8[%add3A_230, %broadcast_in_dim3A_12], %sub3A_299 : memref<2000x4xf32, #tpu.memory_space<vmem>>[vector<16xi32>, vector<16xi32>], vector<16xf32>,
      %sub3A_300 = arith.subf %add3A_241, %max3A_247 : vector<16xf32>
      %sub3A_301 = arith.subf %sub3A_300, %add3A_295 : vector<16xf32>
      tpu.vector_store_idx %arg8[%add3A_230, %broadcast_in_dim3A_14], %sub3A_301 : memref<2000x4xf32, #tpu.memory_space<vmem>>[vector<16xi32>, vector<16xi32>], vector<16xf32>,
      %sub3A_302 = arith.subf %add3A_244, %max3A_247 : vector<16xf32>
      %sub3A_303 = arith.subf %sub3A_302, %add3A_295 : vector<16xf32>
      tpu.vector_store_idx %arg8[%add3A_230, %broadcast_in_dim3A_16], %sub3A_303 : memref<2000x4xf32, #tpu.memory_space<vmem>>[vector<16xi32>, vector<16xi32>], vector<16xf32>,
      %mul3A_304 = arith.constant 5 : i32
      %mul3A_305 = arith.muli %scan3A_147, %mul3A_304 : i32
      %add3A_306 = arith.constant 2 : i32
      %add3A_307 = arith.addi %mul3A_305, %add3A_306 : i32
      %mul3A_308 = arith.constant 16 : i32
      %mul3A_309 = arith.muli %add3A_307, %mul3A_308 : i32
      %add3A_310 = vector.broadcast %mul3A_309 : i32 to vector<16xi32>
      %add3A_311 = arith.addi %iota3A, %add3A_310 : vector<16xi32>
      %gather3A_312 = tpu.vector_load_idx %arg6[%broadcast_in_dim3A_6, %add3A_311] : memref<2x2000xi32, #tpu.memory_space<vmem>>[vector<16xi32>, vector<16xi32>], vector<16xi32>,
      %gather3A_313 = tpu.vector_load_idx %arg6[%broadcast_in_dim3A_8, %add3A_311] : memref<2x2000xi32, #tpu.memory_space<vmem>>[vector<16xi32>, vector<16xi32>], vector<16xi32>,
      %gather3A_314 = tpu.vector_load_idx %arg5[%gather3A_312, %broadcast_in_dim3A_10] : memref<10000x8xf32, #tpu.memory_space<vmem>>[vector<16xi32>, vector<16xi32>], vector<16xf32>,
      %gather3A_315 = tpu.vector_load_idx %arg5[%gather3A_313, %broadcast_in_dim3A_18] : memref<10000x8xf32, #tpu.memory_space<vmem>>[vector<16xi32>, vector<16xi32>], vector<16xf32>,
      %add3A_316 = arith.addf %gather3A_314, %gather3A_315 : vector<16xf32>
      %gather3A_317 = tpu.vector_load_idx %arg5[%gather3A_312, %broadcast_in_dim3A_12] : memref<10000x8xf32, #tpu.memory_space<vmem>>[vector<16xi32>, vector<16xi32>], vector<16xf32>,
      %gather3A_318 = tpu.vector_load_idx %arg5[%gather3A_313, %broadcast_in_dim3A_20] : memref<10000x8xf32, #tpu.memory_space<vmem>>[vector<16xi32>, vector<16xi32>], vector<16xf32>,
      %add3A_319 = arith.addf %gather3A_317, %gather3A_318 : vector<16xf32>
      %gather3A_320 = tpu.vector_load_idx %arg5[%gather3A_312, %broadcast_in_dim3A_14] : memref<10000x8xf32, #tpu.memory_space<vmem>>[vector<16xi32>, vector<16xi32>], vector<16xf32>,
      %gather3A_321 = tpu.vector_load_idx %arg5[%gather3A_313, %broadcast_in_dim3A_22] : memref<10000x8xf32, #tpu.memory_space<vmem>>[vector<16xi32>, vector<16xi32>], vector<16xf32>,
      %add3A_322 = arith.addf %gather3A_320, %gather3A_321 : vector<16xf32>
      %gather3A_323 = tpu.vector_load_idx %arg5[%gather3A_312, %broadcast_in_dim3A_16] : memref<10000x8xf32, #tpu.memory_space<vmem>>[vector<16xi32>, vector<16xi32>], vector<16xf32>,
      %gather3A_324 = tpu.vector_load_idx %arg5[%gather3A_313, %broadcast_in_dim3A_24] : memref<10000x8xf32, #tpu.memory_space<vmem>>[vector<16xi32>, vector<16xi32>], vector<16xf32>,
      %add3A_325 = arith.addf %gather3A_323, %gather3A_324 : vector<16xf32>
      %max3A_326 = arith.maximumf %add3A_316, %add3A_319 : vector<16xf32>
      %max3A_327 = arith.maximumf %add3A_322, %add3A_325 : vector<16xf32>
      %max3A_328 = arith.maximumf %max3A_326, %max3A_327 : vector<16xf32>
      %sub3A_329 = arith.subf %add3A_316, %max3A_328 : vector<16xf32>
      %exp3A_330 = math.exp %sub3A_329 : vector<16xf32>
      %sub3A_331 = arith.subf %add3A_319, %max3A_328 : vector<16xf32>
      %exp3A_332 = math.exp %sub3A_331 : vector<16xf32>
      %sub3A_333 = arith.subf %add3A_322, %max3A_328 : vector<16xf32>
      %exp3A_334 = math.exp %sub3A_333 : vector<16xf32>
      %sub3A_335 = arith.subf %add3A_325, %max3A_328 : vector<16xf32>
      %exp3A_336 = math.exp %sub3A_335 : vector<16xf32>
      %add3A_337 = arith.addf %exp3A_330, %exp3A_332 : vector<16xf32>
      %add3A_338 = arith.addf %add3A_337, %exp3A_334 : vector<16xf32>
      %add3A_339 = arith.addf %add3A_338, %exp3A_336 : vector<16xf32>
      %sub3A_340 = arith.constant 1.000000e+00 : f32
      %sub3A_341 = vector.broadcast %sub3A_340 : f32 to vector<16xf32>
      %sub3A_342 = arith.subf %add3A_339, %sub3A_341 : vector<16xf32>
      %mul3A_343 = arith.constant 2.000000e+00 : f32
      %mul3A_344 = vector.broadcast %mul3A_343 : f32 to vector<16xf32>
      %mul3A_345 = arith.mulf %mul3A_344, %sub3A_342 : vector<16xf32>
      %add3A_346 = arith.constant 1.000000e+00 : f32
      %add3A_347 = vector.broadcast %add3A_346 : f32 to vector<16xf32>
      %add3A_348 = arith.addf %add3A_339, %add3A_347 : vector<16xf32>
      %div3A_349 = arith.divf %mul3A_345, %add3A_348 : vector<16xf32>
      %sub3A_350 = arith.constant 1.000000e+00 : f32
      %sub3A_351 = vector.broadcast %sub3A_350 : f32 to vector<16xf32>
      %sub3A_352 = arith.subf %div3A_349, %sub3A_351 : vector<16xf32>
      %neg3A_353 = arith.constant 0.000000e+00 : f32
      %neg3A_354 = vector.broadcast %neg3A_353 : f32 to vector<16xf32>
      %neg3A_355 = arith.subf %neg3A_354, %div3A_349 : vector<16xf32>
      %exp3A_356 = math.exp %neg3A_355 : vector<16xf32>
      %mul3A_357 = arith.mulf %add3A_339, %exp3A_356 : vector<16xf32>
      %add3A_358 = arith.addf %sub3A_352, %mul3A_357 : vector<16xf32>
      %sub3A_359 = arith.constant 1.000000e+00 : f32
      %sub3A_360 = vector.broadcast %sub3A_359 : f32 to vector<16xf32>
      %sub3A_361 = arith.subf %add3A_358, %sub3A_360 : vector<16xf32>
      %neg3A_362 = arith.constant 0.000000e+00 : f32
      %neg3A_363 = vector.broadcast %neg3A_362 : f32 to vector<16xf32>
      %neg3A_364 = arith.subf %neg3A_363, %add3A_358 : vector<16xf32>
      %exp3A_365 = math.exp %neg3A_364 : vector<16xf32>
      %mul3A_366 = arith.mulf %add3A_339, %exp3A_365 : vector<16xf32>
      %add3A_367 = arith.addf %sub3A_361, %mul3A_366 : vector<16xf32>
      %sub3A_368 = arith.constant 1.000000e+00 : f32
      %sub3A_369 = vector.broadcast %sub3A_368 : f32 to vector<16xf32>
      %sub3A_370 = arith.subf %add3A_367, %sub3A_369 : vector<16xf32>
      %neg3A_371 = arith.constant 0.000000e+00 : f32
      %neg3A_372 = vector.broadcast %neg3A_371 : f32 to vector<16xf32>
      %neg3A_373 = arith.subf %neg3A_372, %add3A_367 : vector<16xf32>
      %exp3A_374 = math.exp %neg3A_373 : vector<16xf32>
      %mul3A_375 = arith.mulf %add3A_339, %exp3A_374 : vector<16xf32>
      %add3A_376 = arith.addf %sub3A_370, %mul3A_375 : vector<16xf32>
      %sub3A_377 = arith.subf %add3A_316, %max3A_328 : vector<16xf32>
      %sub3A_378 = arith.subf %sub3A_377, %add3A_376 : vector<16xf32>
      tpu.vector_store_idx %arg8[%add3A_311, %broadcast_in_dim3A_10], %sub3A_378 : memref<2000x4xf32, #tpu.memory_space<vmem>>[vector<16xi32>, vector<16xi32>], vector<16xf32>,
      %sub3A_379 = arith.subf %add3A_319, %max3A_328 : vector<16xf32>
      %sub3A_380 = arith.subf %sub3A_379, %add3A_376 : vector<16xf32>
      tpu.vector_store_idx %arg8[%add3A_311, %broadcast_in_dim3A_12], %sub3A_380 : memref<2000x4xf32, #tpu.memory_space<vmem>>[vector<16xi32>, vector<16xi32>], vector<16xf32>,
      %sub3A_381 = arith.subf %add3A_322, %max3A_328 : vector<16xf32>
      %sub3A_382 = arith.subf %sub3A_381, %add3A_376 : vector<16xf32>
      tpu.vector_store_idx %arg8[%add3A_311, %broadcast_in_dim3A_14], %sub3A_382 : memref<2000x4xf32, #tpu.memory_space<vmem>>[vector<16xi32>, vector<16xi32>], vector<16xf32>,
      %sub3A_383 = arith.subf %add3A_325, %max3A_328 : vector<16xf32>
      %sub3A_384 = arith.subf %sub3A_383, %add3A_376 : vector<16xf32>
      tpu.vector_store_idx %arg8[%add3A_311, %broadcast_in_dim3A_16], %sub3A_384 : memref<2000x4xf32, #tpu.memory_space<vmem>>[vector<16xi32>, vector<16xi32>], vector<16xf32>,
      %mul3A_385 = arith.constant 5 : i32
      %mul3A_386 = arith.muli %scan3A_147, %mul3A_385 : i32
      %add3A_387 = arith.constant 3 : i32
      %add3A_388 = arith.addi %mul3A_386, %add3A_387 : i32
      %mul3A_389 = arith.constant 16 : i32
      %mul3A_390 = arith.muli %add3A_388, %mul3A_389 : i32
      %add3A_391 = vector.broadcast %mul3A_390 : i32 to vector<16xi32>
      %add3A_392 = arith.addi %iota3A, %add3A_391 : vector<16xi32>
      %gather3A_393 = tpu.vector_load_idx %arg6[%broadcast_in_dim3A_6, %add3A_392] : memref<2x2000xi32, #tpu.memory_space<vmem>>[vector<16xi32>, vector<16xi32>], vector<16xi32>,
      %gather3A_394 = tpu.vector_load_idx %arg6[%broadcast_in_dim3A_8, %add3A_392] : memref<2x2000xi32, #tpu.memory_space<vmem>>[vector<16xi32>, vector<16xi32>], vector<16xi32>,
      %gather3A_395 = tpu.vector_load_idx %arg5[%gather3A_393, %broadcast_in_dim3A_10] : memref<10000x8xf32, #tpu.memory_space<vmem>>[vector<16xi32>, vector<16xi32>], vector<16xf32>,
      %gather3A_396 = tpu.vector_load_idx %arg5[%gather3A_394, %broadcast_in_dim3A_18] : memref<10000x8xf32, #tpu.memory_space<vmem>>[vector<16xi32>, vector<16xi32>], vector<16xf32>,
      %add3A_397 = arith.addf %gather3A_395, %gather3A_396 : vector<16xf32>
      %gather3A_398 = tpu.vector_load_idx %arg5[%gather3A_393, %broadcast_in_dim3A_12] : memref<10000x8xf32, #tpu.memory_space<vmem>>[vector<16xi32>, vector<16xi32>], vector<16xf32>,
      %gather3A_399 = tpu.vector_load_idx %arg5[%gather3A_394, %broadcast_in_dim3A_20] : memref<10000x8xf32, #tpu.memory_space<vmem>>[vector<16xi32>, vector<16xi32>], vector<16xf32>,
      %add3A_400 = arith.addf %gather3A_398, %gather3A_399 : vector<16xf32>
      %gather3A_401 = tpu.vector_load_idx %arg5[%gather3A_393, %broadcast_in_dim3A_14] : memref<10000x8xf32, #tpu.memory_space<vmem>>[vector<16xi32>, vector<16xi32>], vector<16xf32>,
      %gather3A_402 = tpu.vector_load_idx %arg5[%gather3A_394, %broadcast_in_dim3A_22] : memref<10000x8xf32, #tpu.memory_space<vmem>>[vector<16xi32>, vector<16xi32>], vector<16xf32>,
      %add3A_403 = arith.addf %gather3A_401, %gather3A_402 : vector<16xf32>
      %gather3A_404 = tpu.vector_load_idx %arg5[%gather3A_393, %broadcast_in_dim3A_16] : memref<10000x8xf32, #tpu.memory_space<vmem>>[vector<16xi32>, vector<16xi32>], vector<16xf32>,
      %gather3A_405 = tpu.vector_load_idx %arg5[%gather3A_394, %broadcast_in_dim3A_24] : memref<10000x8xf32, #tpu.memory_space<vmem>>[vector<16xi32>, vector<16xi32>], vector<16xf32>,
      %add3A_406 = arith.addf %gather3A_404, %gather3A_405 : vector<16xf32>
      %max3A_407 = arith.maximumf %add3A_397, %add3A_400 : vector<16xf32>
      %max3A_408 = arith.maximumf %add3A_403, %add3A_406 : vector<16xf32>
      %max3A_409 = arith.maximumf %max3A_407, %max3A_408 : vector<16xf32>
      %sub3A_410 = arith.subf %add3A_397, %max3A_409 : vector<16xf32>
      %exp3A_411 = math.exp %sub3A_410 : vector<16xf32>
      %sub3A_412 = arith.subf %add3A_400, %max3A_409 : vector<16xf32>
      %exp3A_413 = math.exp %sub3A_412 : vector<16xf32>
      %sub3A_414 = arith.subf %add3A_403, %max3A_409 : vector<16xf32>
      %exp3A_415 = math.exp %sub3A_414 : vector<16xf32>
      %sub3A_416 = arith.subf %add3A_406, %max3A_409 : vector<16xf32>
      %exp3A_417 = math.exp %sub3A_416 : vector<16xf32>
      %add3A_418 = arith.addf %exp3A_411, %exp3A_413 : vector<16xf32>
      %add3A_419 = arith.addf %add3A_418, %exp3A_415 : vector<16xf32>
      %add3A_420 = arith.addf %add3A_419, %exp3A_417 : vector<16xf32>
      %sub3A_421 = arith.constant 1.000000e+00 : f32
      %sub3A_422 = vector.broadcast %sub3A_421 : f32 to vector<16xf32>
      %sub3A_423 = arith.subf %add3A_420, %sub3A_422 : vector<16xf32>
      %mul3A_424 = arith.constant 2.000000e+00 : f32
      %mul3A_425 = vector.broadcast %mul3A_424 : f32 to vector<16xf32>
      %mul3A_426 = arith.mulf %mul3A_425, %sub3A_423 : vector<16xf32>
      %add3A_427 = arith.constant 1.000000e+00 : f32
      %add3A_428 = vector.broadcast %add3A_427 : f32 to vector<16xf32>
      %add3A_429 = arith.addf %add3A_420, %add3A_428 : vector<16xf32>
      %div3A_430 = arith.divf %mul3A_426, %add3A_429 : vector<16xf32>
      %sub3A_431 = arith.constant 1.000000e+00 : f32
      %sub3A_432 = vector.broadcast %sub3A_431 : f32 to vector<16xf32>
      %sub3A_433 = arith.subf %div3A_430, %sub3A_432 : vector<16xf32>
      %neg3A_434 = arith.constant 0.000000e+00 : f32
      %neg3A_435 = vector.broadcast %neg3A_434 : f32 to vector<16xf32>
      %neg3A_436 = arith.subf %neg3A_435, %div3A_430 : vector<16xf32>
      %exp3A_437 = math.exp %neg3A_436 : vector<16xf32>
      %mul3A_438 = arith.mulf %add3A_420, %exp3A_437 : vector<16xf32>
      %add3A_439 = arith.addf %sub3A_433, %mul3A_438 : vector<16xf32>
      %sub3A_440 = arith.constant 1.000000e+00 : f32
      %sub3A_441 = vector.broadcast %sub3A_440 : f32 to vector<16xf32>
      %sub3A_442 = arith.subf %add3A_439, %sub3A_441 : vector<16xf32>
      %neg3A_443 = arith.constant 0.000000e+00 : f32
      %neg3A_444 = vector.broadcast %neg3A_443 : f32 to vector<16xf32>
      %neg3A_445 = arith.subf %neg3A_444, %add3A_439 : vector<16xf32>
      %exp3A_446 = math.exp %neg3A_445 : vector<16xf32>
      %mul3A_447 = arith.mulf %add3A_420, %exp3A_446 : vector<16xf32>
      %add3A_448 = arith.addf %sub3A_442, %mul3A_447 : vector<16xf32>
      %sub3A_449 = arith.constant 1.000000e+00 : f32
      %sub3A_450 = vector.broadcast %sub3A_449 : f32 to vector<16xf32>
      %sub3A_451 = arith.subf %add3A_448, %sub3A_450 : vector<16xf32>
      %neg3A_452 = arith.constant 0.000000e+00 : f32
      %neg3A_453 = vector.broadcast %neg3A_452 : f32 to vector<16xf32>
      %neg3A_454 = arith.subf %neg3A_453, %add3A_448 : vector<16xf32>
      %exp3A_455 = math.exp %neg3A_454 : vector<16xf32>
      %mul3A_456 = arith.mulf %add3A_420, %exp3A_455 : vector<16xf32>
      %add3A_457 = arith.addf %sub3A_451, %mul3A_456 : vector<16xf32>
      %sub3A_458 = arith.subf %add3A_397, %max3A_409 : vector<16xf32>
      %sub3A_459 = arith.subf %sub3A_458, %add3A_457 : vector<16xf32>
      tpu.vector_store_idx %arg8[%add3A_392, %broadcast_in_dim3A_10], %sub3A_459 : memref<2000x4xf32, #tpu.memory_space<vmem>>[vector<16xi32>, vector<16xi32>], vector<16xf32>,
      %sub3A_460 = arith.subf %add3A_400, %max3A_409 : vector<16xf32>
      %sub3A_461 = arith.subf %sub3A_460, %add3A_457 : vector<16xf32>
      tpu.vector_store_idx %arg8[%add3A_392, %broadcast_in_dim3A_12], %sub3A_461 : memref<2000x4xf32, #tpu.memory_space<vmem>>[vector<16xi32>, vector<16xi32>], vector<16xf32>,
      %sub3A_462 = arith.subf %add3A_403, %max3A_409 : vector<16xf32>
      %sub3A_463 = arith.subf %sub3A_462, %add3A_457 : vector<16xf32>
      tpu.vector_store_idx %arg8[%add3A_392, %broadcast_in_dim3A_14], %sub3A_463 : memref<2000x4xf32, #tpu.memory_space<vmem>>[vector<16xi32>, vector<16xi32>], vector<16xf32>,
      %sub3A_464 = arith.subf %add3A_406, %max3A_409 : vector<16xf32>
      %sub3A_465 = arith.subf %sub3A_464, %add3A_457 : vector<16xf32>
      tpu.vector_store_idx %arg8[%add3A_392, %broadcast_in_dim3A_16], %sub3A_465 : memref<2000x4xf32, #tpu.memory_space<vmem>>[vector<16xi32>, vector<16xi32>], vector<16xf32>,
      %mul3A_466 = arith.constant 5 : i32
      %mul3A_467 = arith.muli %scan3A_147, %mul3A_466 : i32
      %add3A_468 = arith.constant 4 : i32
      %add3A_469 = arith.addi %mul3A_467, %add3A_468 : i32
      %mul3A_470 = arith.constant 16 : i32
      %mul3A_471 = arith.muli %add3A_469, %mul3A_470 : i32
      %add3A_472 = vector.broadcast %mul3A_471 : i32 to vector<16xi32>
      %add3A_473 = arith.addi %iota3A, %add3A_472 : vector<16xi32>
      %gather3A_474 = tpu.vector_load_idx %arg6[%broadcast_in_dim3A_6, %add3A_473] : memref<2x2000xi32, #tpu.memory_space<vmem>>[vector<16xi32>, vector<16xi32>], vector<16xi32>,
      %gather3A_475 = tpu.vector_load_idx %arg6[%broadcast_in_dim3A_8, %add3A_473] : memref<2x2000xi32, #tpu.memory_space<vmem>>[vector<16xi32>, vector<16xi32>], vector<16xi32>,
      %gather3A_476 = tpu.vector_load_idx %arg5[%gather3A_474, %broadcast_in_dim3A_10] : memref<10000x8xf32, #tpu.memory_space<vmem>>[vector<16xi32>, vector<16xi32>], vector<16xf32>,
      %gather3A_477 = tpu.vector_load_idx %arg5[%gather3A_475, %broadcast_in_dim3A_18] : memref<10000x8xf32, #tpu.memory_space<vmem>>[vector<16xi32>, vector<16xi32>], vector<16xf32>,
      %add3A_478 = arith.addf %gather3A_476, %gather3A_477 : vector<16xf32>
      %gather3A_479 = tpu.vector_load_idx %arg5[%gather3A_474, %broadcast_in_dim3A_12] : memref<10000x8xf32, #tpu.memory_space<vmem>>[vector<16xi32>, vector<16xi32>], vector<16xf32>,
      %gather3A_480 = tpu.vector_load_idx %arg5[%gather3A_475, %broadcast_in_dim3A_20] : memref<10000x8xf32, #tpu.memory_space<vmem>>[vector<16xi32>, vector<16xi32>], vector<16xf32>,
      %add3A_481 = arith.addf %gather3A_479, %gather3A_480 : vector<16xf32>
      %gather3A_482 = tpu.vector_load_idx %arg5[%gather3A_474, %broadcast_in_dim3A_14] : memref<10000x8xf32, #tpu.memory_space<vmem>>[vector<16xi32>, vector<16xi32>], vector<16xf32>,
      %gather3A_483 = tpu.vector_load_idx %arg5[%gather3A_475, %broadcast_in_dim3A_22] : memref<10000x8xf32, #tpu.memory_space<vmem>>[vector<16xi32>, vector<16xi32>], vector<16xf32>,
      %add3A_484 = arith.addf %gather3A_482, %gather3A_483 : vector<16xf32>
      %gather3A_485 = tpu.vector_load_idx %arg5[%gather3A_474, %broadcast_in_dim3A_16] : memref<10000x8xf32, #tpu.memory_space<vmem>>[vector<16xi32>, vector<16xi32>], vector<16xf32>,
      %gather3A_486 = tpu.vector_load_idx %arg5[%gather3A_475, %broadcast_in_dim3A_24] : memref<10000x8xf32, #tpu.memory_space<vmem>>[vector<16xi32>, vector<16xi32>], vector<16xf32>,
      %add3A_487 = arith.addf %gather3A_485, %gather3A_486 : vector<16xf32>
      %max3A_488 = arith.maximumf %add3A_478, %add3A_481 : vector<16xf32>
      %max3A_489 = arith.maximumf %add3A_484, %add3A_487 : vector<16xf32>
      %max3A_490 = arith.maximumf %max3A_488, %max3A_489 : vector<16xf32>
      %sub3A_491 = arith.subf %add3A_478, %max3A_490 : vector<16xf32>
      %exp3A_492 = math.exp %sub3A_491 : vector<16xf32>
      %sub3A_493 = arith.subf %add3A_481, %max3A_490 : vector<16xf32>
      %exp3A_494 = math.exp %sub3A_493 : vector<16xf32>
      %sub3A_495 = arith.subf %add3A_484, %max3A_490 : vector<16xf32>
      %exp3A_496 = math.exp %sub3A_495 : vector<16xf32>
      %sub3A_497 = arith.subf %add3A_487, %max3A_490 : vector<16xf32>
      %exp3A_498 = math.exp %sub3A_497 : vector<16xf32>
      %add3A_499 = arith.addf %exp3A_492, %exp3A_494 : vector<16xf32>
      %add3A_500 = arith.addf %add3A_499, %exp3A_496 : vector<16xf32>
      %add3A_501 = arith.addf %add3A_500, %exp3A_498 : vector<16xf32>
      %sub3A_502 = arith.constant 1.000000e+00 : f32
      %sub3A_503 = vector.broadcast %sub3A_502 : f32 to vector<16xf32>
      %sub3A_504 = arith.subf %add3A_501, %sub3A_503 : vector<16xf32>
      %mul3A_505 = arith.constant 2.000000e+00 : f32
      %mul3A_506 = vector.broadcast %mul3A_505 : f32 to vector<16xf32>
      %mul3A_507 = arith.mulf %mul3A_506, %sub3A_504 : vector<16xf32>
      %add3A_508 = arith.constant 1.000000e+00 : f32
      %add3A_509 = vector.broadcast %add3A_508 : f32 to vector<16xf32>
      %add3A_510 = arith.addf %add3A_501, %add3A_509 : vector<16xf32>
      %div3A_511 = arith.divf %mul3A_507, %add3A_510 : vector<16xf32>
      %sub3A_512 = arith.constant 1.000000e+00 : f32
      %sub3A_513 = vector.broadcast %sub3A_512 : f32 to vector<16xf32>
      %sub3A_514 = arith.subf %div3A_511, %sub3A_513 : vector<16xf32>
      %neg3A_515 = arith.constant 0.000000e+00 : f32
      %neg3A_516 = vector.broadcast %neg3A_515 : f32 to vector<16xf32>
      %neg3A_517 = arith.subf %neg3A_516, %div3A_511 : vector<16xf32>
      %exp3A_518 = math.exp %neg3A_517 : vector<16xf32>
      %mul3A_519 = arith.mulf %add3A_501, %exp3A_518 : vector<16xf32>
      %add3A_520 = arith.addf %sub3A_514, %mul3A_519 : vector<16xf32>
      %sub3A_521 = arith.constant 1.000000e+00 : f32
      %sub3A_522 = vector.broadcast %sub3A_521 : f32 to vector<16xf32>
      %sub3A_523 = arith.subf %add3A_520, %sub3A_522 : vector<16xf32>
      %neg3A_524 = arith.constant 0.000000e+00 : f32
      %neg3A_525 = vector.broadcast %neg3A_524 : f32 to vector<16xf32>
      %neg3A_526 = arith.subf %neg3A_525, %add3A_520 : vector<16xf32>
      %exp3A_527 = math.exp %neg3A_526 : vector<16xf32>
      %mul3A_528 = arith.mulf %add3A_501, %exp3A_527 : vector<16xf32>
      %add3A_529 = arith.addf %sub3A_523, %mul3A_528 : vector<16xf32>
      %sub3A_530 = arith.constant 1.000000e+00 : f32
      %sub3A_531 = vector.broadcast %sub3A_530 : f32 to vector<16xf32>
      %sub3A_532 = arith.subf %add3A_529, %sub3A_531 : vector<16xf32>
      %neg3A_533 = arith.constant 0.000000e+00 : f32
      %neg3A_534 = vector.broadcast %neg3A_533 : f32 to vector<16xf32>
      %neg3A_535 = arith.subf %neg3A_534, %add3A_529 : vector<16xf32>
      %exp3A_536 = math.exp %neg3A_535 : vector<16xf32>
      %mul3A_537 = arith.mulf %add3A_501, %exp3A_536 : vector<16xf32>
      %add3A_538 = arith.addf %sub3A_532, %mul3A_537 : vector<16xf32>
      %sub3A_539 = arith.subf %add3A_478, %max3A_490 : vector<16xf32>
      %sub3A_540 = arith.subf %sub3A_539, %add3A_538 : vector<16xf32>
      tpu.vector_store_idx %arg8[%add3A_473, %broadcast_in_dim3A_10], %sub3A_540 : memref<2000x4xf32, #tpu.memory_space<vmem>>[vector<16xi32>, vector<16xi32>], vector<16xf32>,
      %sub3A_541 = arith.subf %add3A_481, %max3A_490 : vector<16xf32>
      %sub3A_542 = arith.subf %sub3A_541, %add3A_538 : vector<16xf32>
      tpu.vector_store_idx %arg8[%add3A_473, %broadcast_in_dim3A_12], %sub3A_542 : memref<2000x4xf32, #tpu.memory_space<vmem>>[vector<16xi32>, vector<16xi32>], vector<16xf32>,
      %sub3A_543 = arith.subf %add3A_484, %max3A_490 : vector<16xf32>
      %sub3A_544 = arith.subf %sub3A_543, %add3A_538 : vector<16xf32>
      tpu.vector_store_idx %arg8[%add3A_473, %broadcast_in_dim3A_14], %sub3A_544 : memref<2000x4xf32, #tpu.memory_space<vmem>>[vector<16xi32>, vector<16xi32>], vector<16xf32>,
      %sub3A_545 = arith.subf %add3A_487, %max3A_490 : vector<16xf32>
      %sub3A_546 = arith.subf %sub3A_545, %add3A_538 : vector<16xf32>
      tpu.vector_store_idx %arg8[%add3A_473, %broadcast_in_dim3A_16], %sub3A_546 : memref<2000x4xf32, #tpu.memory_space<vmem>>[vector<16xi32>, vector<16xi32>], vector<16xf32>,
    }
    %scan3A_86 = arith.constant 25 : i32
    %add3A_87 = arith.constant 4000 : i32
    %add3A_88 = arith.addi %mul3A_2, %add3A_87 : i32
    %dma_start3A_89 = arith.constant 0 : i32
    %dma_start3A_90 = tpu.memref_slice %arg4[%add3A_88, %dma_start3A_89] : memref<320000x4xf32, #tpu.memory_space<hbm>> -> memref<2000x4xf32, #tpu.memory_space<hbm>>
    %dma_start3A_91 = arith.constant 0 : i32
    %dma_start3A_92 = tpu.memref_slice %arg4[%add3A_88, %dma_start3A_91] : memref<320000x4xf32, #tpu.memory_space<hbm>> -> memref<2000x4xf32, #tpu.memory_space<hbm>>
    tpu.enqueue_dma source(%arg8 : memref<2000x4xf32, #tpu.memory_space<vmem>>) target(%dma_start3A_92 : memref<2000x4xf32, #tpu.memory_space<hbm>>) target_semaphore(%arg12 : memref<!tpu.dma_semaphore, #tpu.memory_space<semaphore_mem>>)
    %dma_wait3A_93 = arith.constant 0 : i32
    %dma_wait3A_94 = tpu.memref_slice %arg3[%dma_wait3A_93, %add3A_72] : memref<2x320000xi32, #tpu.memory_space<hbm>> -> memref<2x2000xi32, #tpu.memory_space<hbm>>
    %dma_wait3A_95 = arith.constant 0 : i32
    %dma_wait3A_96 = tpu.memref_slice %arg3[%dma_wait3A_95, %add3A_72] : memref<2x320000xi32, #tpu.memory_space<hbm>> -> memref<2x2000xi32, #tpu.memory_space<hbm>>
    tpu.wait_dma2 semaphore(%arg11 : memref<!tpu.dma_semaphore, #tpu.memory_space<semaphore_mem>>) src(%dma_wait3A_96 : memref<2x2000xi32, #tpu.memory_space<hbm>>) dst(%arg7 : memref<2x2000xi32, #tpu.memory_space<vmem>>)
    %add3A_97 = arith.constant 8000 : i32
    %add3A_98 = arith.addi %mul3A_2, %add3A_97 : i32
    %dma_start3A_99 = arith.constant 0 : i32
    %dma_start3A_100 = tpu.memref_slice %arg3[%dma_start3A_99, %add3A_98] : memref<2x320000xi32, #tpu.memory_space<hbm>> -> memref<2x2000xi32, #tpu.memory_space<hbm>>
    %dma_start3A_101 = arith.constant 0 : i32
    %dma_start3A_102 = tpu.memref_slice %arg3[%dma_start3A_101, %add3A_98] : memref<2x320000xi32, #tpu.memory_space<hbm>> -> memref<2x2000xi32, #tpu.memory_space<hbm>>
    tpu.enqueue_dma source(%dma_start3A_102 : memref<2x2000xi32, #tpu.memory_space<hbm>>) target(%arg6 : memref<2x2000xi32, #tpu.memory_space<vmem>>) target_semaphore(%arg10 : memref<!tpu.dma_semaphore, #tpu.memory_space<semaphore_mem>>)
    %dma_wait3A_103 = arith.constant 0 : i32
    %dma_wait3A_104 = tpu.memref_slice %arg4[%add3A_62, %dma_wait3A_103] : memref<320000x4xf32, #tpu.memory_space<hbm>> -> memref<2000x4xf32, #tpu.memory_space<hbm>>
    %dma_wait3A_105 = arith.constant 0 : i32
    %dma_wait3A_106 = tpu.memref_slice %arg4[%add3A_62, %dma_wait3A_105] : memref<320000x4xf32, #tpu.memory_space<hbm>> -> memref<2000x4xf32, #tpu.memory_space<hbm>>
    tpu.wait_dma2 semaphore(%arg13 : memref<!tpu.dma_semaphore, #tpu.memory_space<semaphore_mem>>) src(%arg9 : memref<2000x4xf32, #tpu.memory_space<vmem>>) dst(%dma_wait3A_106 : memref<2000x4xf32, #tpu.memory_space<hbm>>)
    %scan3A_107 = arith.constant 0 : i32
    %scan3A_108 = arith.constant 0 : i32
    %scan3A_109 = arith.constant 25 : i32
    %scan3A_110 = arith.addi %scan3A_108, %scan3A_109 : i32
    %scan3A_111 = arith.constant 1 : i32
    scf.for %scan3A_147 = %scan3A_108 to %scan3A_110 step %scan3A_111  : i32 {
      %mul3A_148 = arith.constant 5 : i32
      %mul3A_149 = arith.muli %scan3A_147, %mul3A_148 : i32
      %add3A_150 = arith.constant 0 : i32
      %add3A_151 = arith.addi %mul3A_149, %add3A_150 : i32
      %mul3A_152 = arith.constant 16 : i32
      %mul3A_153 = arith.muli %add3A_151, %mul3A_152 : i32
      %add3A_154 = vector.broadcast %mul3A_153 : i32 to vector<16xi32>
      %add3A_155 = arith.addi %iota3A, %add3A_154 : vector<16xi32>
      %gather3A = tpu.vector_load_idx %arg7[%broadcast_in_dim3A_6, %add3A_155] : memref<2x2000xi32, #tpu.memory_space<vmem>>[vector<16xi32>, vector<16xi32>], vector<16xi32>,
      %gather3A_156 = tpu.vector_load_idx %arg7[%broadcast_in_dim3A_8, %add3A_155] : memref<2x2000xi32, #tpu.memory_space<vmem>>[vector<16xi32>, vector<16xi32>], vector<16xi32>,
      %gather3A_157 = tpu.vector_load_idx %arg5[%gather3A, %broadcast_in_dim3A_10] : memref<10000x8xf32, #tpu.memory_space<vmem>>[vector<16xi32>, vector<16xi32>], vector<16xf32>,
      %gather3A_158 = tpu.vector_load_idx %arg5[%gather3A_156, %broadcast_in_dim3A_18] : memref<10000x8xf32, #tpu.memory_space<vmem>>[vector<16xi32>, vector<16xi32>], vector<16xf32>,
      %add3A_159 = arith.addf %gather3A_157, %gather3A_158 : vector<16xf32>
      %gather3A_160 = tpu.vector_load_idx %arg5[%gather3A, %broadcast_in_dim3A_12] : memref<10000x8xf32, #tpu.memory_space<vmem>>[vector<16xi32>, vector<16xi32>], vector<16xf32>,
      %gather3A_161 = tpu.vector_load_idx %arg5[%gather3A_156, %broadcast_in_dim3A_20] : memref<10000x8xf32, #tpu.memory_space<vmem>>[vector<16xi32>, vector<16xi32>], vector<16xf32>,
      %add3A_162 = arith.addf %gather3A_160, %gather3A_161 : vector<16xf32>
      %gather3A_163 = tpu.vector_load_idx %arg5[%gather3A, %broadcast_in_dim3A_14] : memref<10000x8xf32, #tpu.memory_space<vmem>>[vector<16xi32>, vector<16xi32>], vector<16xf32>,
      %gather3A_164 = tpu.vector_load_idx %arg5[%gather3A_156, %broadcast_in_dim3A_22] : memref<10000x8xf32, #tpu.memory_space<vmem>>[vector<16xi32>, vector<16xi32>], vector<16xf32>,
      %add3A_165 = arith.addf %gather3A_163, %gather3A_164 : vector<16xf32>
      %gather3A_166 = tpu.vector_load_idx %arg5[%gather3A, %broadcast_in_dim3A_16] : memref<10000x8xf32, #tpu.memory_space<vmem>>[vector<16xi32>, vector<16xi32>], vector<16xf32>,
      %gather3A_167 = tpu.vector_load_idx %arg5[%gather3A_156, %broadcast_in_dim3A_24] : memref<10000x8xf32, #tpu.memory_space<vmem>>[vector<16xi32>, vector<16xi32>], vector<16xf32>,
      %add3A_168 = arith.addf %gather3A_166, %gather3A_167 : vector<16xf32>
      %max3A = arith.maximumf %add3A_159, %add3A_162 : vector<16xf32>
      %max3A_169 = arith.maximumf %add3A_165, %add3A_168 : vector<16xf32>
      %max3A_170 = arith.maximumf %max3A, %max3A_169 : vector<16xf32>
      %sub3A = arith.subf %add3A_159, %max3A_170 : vector<16xf32>
      %exp3A = math.exp %sub3A : vector<16xf32>
      %sub3A_171 = arith.subf %add3A_162, %max3A_170 : vector<16xf32>
      %exp3A_172 = math.exp %sub3A_171 : vector<16xf32>
      %sub3A_173 = arith.subf %add3A_165, %max3A_170 : vector<16xf32>
      %exp3A_174 = math.exp %sub3A_173 : vector<16xf32>
      %sub3A_175 = arith.subf %add3A_168, %max3A_170 : vector<16xf32>
      %exp3A_176 = math.exp %sub3A_175 : vector<16xf32>
      %add3A_177 = arith.addf %exp3A, %exp3A_172 : vector<16xf32>
      %add3A_178 = arith.addf %add3A_177, %exp3A_174 : vector<16xf32>
      %add3A_179 = arith.addf %add3A_178, %exp3A_176 : vector<16xf32>
      %sub3A_180 = arith.constant 1.000000e+00 : f32
      %sub3A_181 = vector.broadcast %sub3A_180 : f32 to vector<16xf32>
      %sub3A_182 = arith.subf %add3A_179, %sub3A_181 : vector<16xf32>
      %mul3A_183 = arith.constant 2.000000e+00 : f32
      %mul3A_184 = vector.broadcast %mul3A_183 : f32 to vector<16xf32>
      %mul3A_185 = arith.mulf %mul3A_184, %sub3A_182 : vector<16xf32>
      %add3A_186 = arith.constant 1.000000e+00 : f32
      %add3A_187 = vector.broadcast %add3A_186 : f32 to vector<16xf32>
      %add3A_188 = arith.addf %add3A_179, %add3A_187 : vector<16xf32>
      %div3A = arith.divf %mul3A_185, %add3A_188 : vector<16xf32>
      %sub3A_189 = arith.constant 1.000000e+00 : f32
      %sub3A_190 = vector.broadcast %sub3A_189 : f32 to vector<16xf32>
      %sub3A_191 = arith.subf %div3A, %sub3A_190 : vector<16xf32>
      %neg3A = arith.constant 0.000000e+00 : f32
      %neg3A_192 = vector.broadcast %neg3A : f32 to vector<16xf32>
      %neg3A_193 = arith.subf %neg3A_192, %div3A : vector<16xf32>
      %exp3A_194 = math.exp %neg3A_193 : vector<16xf32>
      %mul3A_195 = arith.mulf %add3A_179, %exp3A_194 : vector<16xf32>
      %add3A_196 = arith.addf %sub3A_191, %mul3A_195 : vector<16xf32>
      %sub3A_197 = arith.constant 1.000000e+00 : f32
      %sub3A_198 = vector.broadcast %sub3A_197 : f32 to vector<16xf32>
      %sub3A_199 = arith.subf %add3A_196, %sub3A_198 : vector<16xf32>
      %neg3A_200 = arith.constant 0.000000e+00 : f32
      %neg3A_201 = vector.broadcast %neg3A_200 : f32 to vector<16xf32>
      %neg3A_202 = arith.subf %neg3A_201, %add3A_196 : vector<16xf32>
      %exp3A_203 = math.exp %neg3A_202 : vector<16xf32>
      %mul3A_204 = arith.mulf %add3A_179, %exp3A_203 : vector<16xf32>
      %add3A_205 = arith.addf %sub3A_199, %mul3A_204 : vector<16xf32>
      %sub3A_206 = arith.constant 1.000000e+00 : f32
      %sub3A_207 = vector.broadcast %sub3A_206 : f32 to vector<16xf32>
      %sub3A_208 = arith.subf %add3A_205, %sub3A_207 : vector<16xf32>
      %neg3A_209 = arith.constant 0.000000e+00 : f32
      %neg3A_210 = vector.broadcast %neg3A_209 : f32 to vector<16xf32>
      %neg3A_211 = arith.subf %neg3A_210, %add3A_205 : vector<16xf32>
      %exp3A_212 = math.exp %neg3A_211 : vector<16xf32>
      %mul3A_213 = arith.mulf %add3A_179, %exp3A_212 : vector<16xf32>
      %add3A_214 = arith.addf %sub3A_208, %mul3A_213 : vector<16xf32>
      %sub3A_215 = arith.subf %add3A_159, %max3A_170 : vector<16xf32>
      %sub3A_216 = arith.subf %sub3A_215, %add3A_214 : vector<16xf32>
      tpu.vector_store_idx %arg9[%add3A_155, %broadcast_in_dim3A_10], %sub3A_216 : memref<2000x4xf32, #tpu.memory_space<vmem>>[vector<16xi32>, vector<16xi32>], vector<16xf32>,
      %sub3A_217 = arith.subf %add3A_162, %max3A_170 : vector<16xf32>
      %sub3A_218 = arith.subf %sub3A_217, %add3A_214 : vector<16xf32>
      tpu.vector_store_idx %arg9[%add3A_155, %broadcast_in_dim3A_12], %sub3A_218 : memref<2000x4xf32, #tpu.memory_space<vmem>>[vector<16xi32>, vector<16xi32>], vector<16xf32>,
      %sub3A_219 = arith.subf %add3A_165, %max3A_170 : vector<16xf32>
      %sub3A_220 = arith.subf %sub3A_219, %add3A_214 : vector<16xf32>
      tpu.vector_store_idx %arg9[%add3A_155, %broadcast_in_dim3A_14], %sub3A_220 : memref<2000x4xf32, #tpu.memory_space<vmem>>[vector<16xi32>, vector<16xi32>], vector<16xf32>,
      %sub3A_221 = arith.subf %add3A_168, %max3A_170 : vector<16xf32>
      %sub3A_222 = arith.subf %sub3A_221, %add3A_214 : vector<16xf32>
      tpu.vector_store_idx %arg9[%add3A_155, %broadcast_in_dim3A_16], %sub3A_222 : memref<2000x4xf32, #tpu.memory_space<vmem>>[vector<16xi32>, vector<16xi32>], vector<16xf32>,
      %mul3A_223 = arith.constant 5 : i32
      %mul3A_224 = arith.muli %scan3A_147, %mul3A_223 : i32
      %add3A_225 = arith.constant 1 : i32
      %add3A_226 = arith.addi %mul3A_224, %add3A_225 : i32
      %mul3A_227 = arith.constant 16 : i32
      %mul3A_228 = arith.muli %add3A_226, %mul3A_227 : i32
      %add3A_229 = vector.broadcast %mul3A_228 : i32 to vector<16xi32>
      %add3A_230 = arith.addi %iota3A, %add3A_229 : vector<16xi32>
      %gather3A_231 = tpu.vector_load_idx %arg7[%broadcast_in_dim3A_6, %add3A_230] : memref<2x2000xi32, #tpu.memory_space<vmem>>[vector<16xi32>, vector<16xi32>], vector<16xi32>,
      %gather3A_232 = tpu.vector_load_idx %arg7[%broadcast_in_dim3A_8, %add3A_230] : memref<2x2000xi32, #tpu.memory_space<vmem>>[vector<16xi32>, vector<16xi32>], vector<16xi32>,
      %gather3A_233 = tpu.vector_load_idx %arg5[%gather3A_231, %broadcast_in_dim3A_10] : memref<10000x8xf32, #tpu.memory_space<vmem>>[vector<16xi32>, vector<16xi32>], vector<16xf32>,
      %gather3A_234 = tpu.vector_load_idx %arg5[%gather3A_232, %broadcast_in_dim3A_18] : memref<10000x8xf32, #tpu.memory_space<vmem>>[vector<16xi32>, vector<16xi32>], vector<16xf32>,
      %add3A_235 = arith.addf %gather3A_233, %gather3A_234 : vector<16xf32>
      %gather3A_236 = tpu.vector_load_idx %arg5[%gather3A_231, %broadcast_in_dim3A_12] : memref<10000x8xf32, #tpu.memory_space<vmem>>[vector<16xi32>, vector<16xi32>], vector<16xf32>,
      %gather3A_237 = tpu.vector_load_idx %arg5[%gather3A_232, %broadcast_in_dim3A_20] : memref<10000x8xf32, #tpu.memory_space<vmem>>[vector<16xi32>, vector<16xi32>], vector<16xf32>,
      %add3A_238 = arith.addf %gather3A_236, %gather3A_237 : vector<16xf32>
      %gather3A_239 = tpu.vector_load_idx %arg5[%gather3A_231, %broadcast_in_dim3A_14] : memref<10000x8xf32, #tpu.memory_space<vmem>>[vector<16xi32>, vector<16xi32>], vector<16xf32>,
      %gather3A_240 = tpu.vector_load_idx %arg5[%gather3A_232, %broadcast_in_dim3A_22] : memref<10000x8xf32, #tpu.memory_space<vmem>>[vector<16xi32>, vector<16xi32>], vector<16xf32>,
      %add3A_241 = arith.addf %gather3A_239, %gather3A_240 : vector<16xf32>
      %gather3A_242 = tpu.vector_load_idx %arg5[%gather3A_231, %broadcast_in_dim3A_16] : memref<10000x8xf32, #tpu.memory_space<vmem>>[vector<16xi32>, vector<16xi32>], vector<16xf32>,
      %gather3A_243 = tpu.vector_load_idx %arg5[%gather3A_232, %broadcast_in_dim3A_24] : memref<10000x8xf32, #tpu.memory_space<vmem>>[vector<16xi32>, vector<16xi32>], vector<16xf32>,
      %add3A_244 = arith.addf %gather3A_242, %gather3A_243 : vector<16xf32>
      %max3A_245 = arith.maximumf %add3A_235, %add3A_238 : vector<16xf32>
      %max3A_246 = arith.maximumf %add3A_241, %add3A_244 : vector<16xf32>
      %max3A_247 = arith.maximumf %max3A_245, %max3A_246 : vector<16xf32>
      %sub3A_248 = arith.subf %add3A_235, %max3A_247 : vector<16xf32>
      %exp3A_249 = math.exp %sub3A_248 : vector<16xf32>
      %sub3A_250 = arith.subf %add3A_238, %max3A_247 : vector<16xf32>
      %exp3A_251 = math.exp %sub3A_250 : vector<16xf32>
      %sub3A_252 = arith.subf %add3A_241, %max3A_247 : vector<16xf32>
      %exp3A_253 = math.exp %sub3A_252 : vector<16xf32>
      %sub3A_254 = arith.subf %add3A_244, %max3A_247 : vector<16xf32>
      %exp3A_255 = math.exp %sub3A_254 : vector<16xf32>
      %add3A_256 = arith.addf %exp3A_249, %exp3A_251 : vector<16xf32>
      %add3A_257 = arith.addf %add3A_256, %exp3A_253 : vector<16xf32>
      %add3A_258 = arith.addf %add3A_257, %exp3A_255 : vector<16xf32>
      %sub3A_259 = arith.constant 1.000000e+00 : f32
      %sub3A_260 = vector.broadcast %sub3A_259 : f32 to vector<16xf32>
      %sub3A_261 = arith.subf %add3A_258, %sub3A_260 : vector<16xf32>
      %mul3A_262 = arith.constant 2.000000e+00 : f32
      %mul3A_263 = vector.broadcast %mul3A_262 : f32 to vector<16xf32>
      %mul3A_264 = arith.mulf %mul3A_263, %sub3A_261 : vector<16xf32>
      %add3A_265 = arith.constant 1.000000e+00 : f32
      %add3A_266 = vector.broadcast %add3A_265 : f32 to vector<16xf32>
      %add3A_267 = arith.addf %add3A_258, %add3A_266 : vector<16xf32>
      %div3A_268 = arith.divf %mul3A_264, %add3A_267 : vector<16xf32>
      %sub3A_269 = arith.constant 1.000000e+00 : f32
      %sub3A_270 = vector.broadcast %sub3A_269 : f32 to vector<16xf32>
      %sub3A_271 = arith.subf %div3A_268, %sub3A_270 : vector<16xf32>
      %neg3A_272 = arith.constant 0.000000e+00 : f32
      %neg3A_273 = vector.broadcast %neg3A_272 : f32 to vector<16xf32>
      %neg3A_274 = arith.subf %neg3A_273, %div3A_268 : vector<16xf32>
      %exp3A_275 = math.exp %neg3A_274 : vector<16xf32>
      %mul3A_276 = arith.mulf %add3A_258, %exp3A_275 : vector<16xf32>
      %add3A_277 = arith.addf %sub3A_271, %mul3A_276 : vector<16xf32>
      %sub3A_278 = arith.constant 1.000000e+00 : f32
      %sub3A_279 = vector.broadcast %sub3A_278 : f32 to vector<16xf32>
      %sub3A_280 = arith.subf %add3A_277, %sub3A_279 : vector<16xf32>
      %neg3A_281 = arith.constant 0.000000e+00 : f32
      %neg3A_282 = vector.broadcast %neg3A_281 : f32 to vector<16xf32>
      %neg3A_283 = arith.subf %neg3A_282, %add3A_277 : vector<16xf32>
      %exp3A_284 = math.exp %neg3A_283 : vector<16xf32>
      %mul3A_285 = arith.mulf %add3A_258, %exp3A_284 : vector<16xf32>
      %add3A_286 = arith.addf %sub3A_280, %mul3A_285 : vector<16xf32>
      %sub3A_287 = arith.constant 1.000000e+00 : f32
      %sub3A_288 = vector.broadcast %sub3A_287 : f32 to vector<16xf32>
      %sub3A_289 = arith.subf %add3A_286, %sub3A_288 : vector<16xf32>
      %neg3A_290 = arith.constant 0.000000e+00 : f32
      %neg3A_291 = vector.broadcast %neg3A_290 : f32 to vector<16xf32>
      %neg3A_292 = arith.subf %neg3A_291, %add3A_286 : vector<16xf32>
      %exp3A_293 = math.exp %neg3A_292 : vector<16xf32>
      %mul3A_294 = arith.mulf %add3A_258, %exp3A_293 : vector<16xf32>
      %add3A_295 = arith.addf %sub3A_289, %mul3A_294 : vector<16xf32>
      %sub3A_296 = arith.subf %add3A_235, %max3A_247 : vector<16xf32>
      %sub3A_297 = arith.subf %sub3A_296, %add3A_295 : vector<16xf32>
      tpu.vector_store_idx %arg9[%add3A_230, %broadcast_in_dim3A_10], %sub3A_297 : memref<2000x4xf32, #tpu.memory_space<vmem>>[vector<16xi32>, vector<16xi32>], vector<16xf32>,
      %sub3A_298 = arith.subf %add3A_238, %max3A_247 : vector<16xf32>
      %sub3A_299 = arith.subf %sub3A_298, %add3A_295 : vector<16xf32>
      tpu.vector_store_idx %arg9[%add3A_230, %broadcast_in_dim3A_12], %sub3A_299 : memref<2000x4xf32, #tpu.memory_space<vmem>>[vector<16xi32>, vector<16xi32>], vector<16xf32>,
      %sub3A_300 = arith.subf %add3A_241, %max3A_247 : vector<16xf32>
      %sub3A_301 = arith.subf %sub3A_300, %add3A_295 : vector<16xf32>
      tpu.vector_store_idx %arg9[%add3A_230, %broadcast_in_dim3A_14], %sub3A_301 : memref<2000x4xf32, #tpu.memory_space<vmem>>[vector<16xi32>, vector<16xi32>], vector<16xf32>,
      %sub3A_302 = arith.subf %add3A_244, %max3A_247 : vector<16xf32>
      %sub3A_303 = arith.subf %sub3A_302, %add3A_295 : vector<16xf32>
      tpu.vector_store_idx %arg9[%add3A_230, %broadcast_in_dim3A_16], %sub3A_303 : memref<2000x4xf32, #tpu.memory_space<vmem>>[vector<16xi32>, vector<16xi32>], vector<16xf32>,
      %mul3A_304 = arith.constant 5 : i32
      %mul3A_305 = arith.muli %scan3A_147, %mul3A_304 : i32
      %add3A_306 = arith.constant 2 : i32
      %add3A_307 = arith.addi %mul3A_305, %add3A_306 : i32
      %mul3A_308 = arith.constant 16 : i32
      %mul3A_309 = arith.muli %add3A_307, %mul3A_308 : i32
      %add3A_310 = vector.broadcast %mul3A_309 : i32 to vector<16xi32>
      %add3A_311 = arith.addi %iota3A, %add3A_310 : vector<16xi32>
      %gather3A_312 = tpu.vector_load_idx %arg7[%broadcast_in_dim3A_6, %add3A_311] : memref<2x2000xi32, #tpu.memory_space<vmem>>[vector<16xi32>, vector<16xi32>], vector<16xi32>,
      %gather3A_313 = tpu.vector_load_idx %arg7[%broadcast_in_dim3A_8, %add3A_311] : memref<2x2000xi32, #tpu.memory_space<vmem>>[vector<16xi32>, vector<16xi32>], vector<16xi32>,
      %gather3A_314 = tpu.vector_load_idx %arg5[%gather3A_312, %broadcast_in_dim3A_10] : memref<10000x8xf32, #tpu.memory_space<vmem>>[vector<16xi32>, vector<16xi32>], vector<16xf32>,
      %gather3A_315 = tpu.vector_load_idx %arg5[%gather3A_313, %broadcast_in_dim3A_18] : memref<10000x8xf32, #tpu.memory_space<vmem>>[vector<16xi32>, vector<16xi32>], vector<16xf32>,
      %add3A_316 = arith.addf %gather3A_314, %gather3A_315 : vector<16xf32>
      %gather3A_317 = tpu.vector_load_idx %arg5[%gather3A_312, %broadcast_in_dim3A_12] : memref<10000x8xf32, #tpu.memory_space<vmem>>[vector<16xi32>, vector<16xi32>], vector<16xf32>,
      %gather3A_318 = tpu.vector_load_idx %arg5[%gather3A_313, %broadcast_in_dim3A_20] : memref<10000x8xf32, #tpu.memory_space<vmem>>[vector<16xi32>, vector<16xi32>], vector<16xf32>,
      %add3A_319 = arith.addf %gather3A_317, %gather3A_318 : vector<16xf32>
      %gather3A_320 = tpu.vector_load_idx %arg5[%gather3A_312, %broadcast_in_dim3A_14] : memref<10000x8xf32, #tpu.memory_space<vmem>>[vector<16xi32>, vector<16xi32>], vector<16xf32>,
      %gather3A_321 = tpu.vector_load_idx %arg5[%gather3A_313, %broadcast_in_dim3A_22] : memref<10000x8xf32, #tpu.memory_space<vmem>>[vector<16xi32>, vector<16xi32>], vector<16xf32>,
      %add3A_322 = arith.addf %gather3A_320, %gather3A_321 : vector<16xf32>
      %gather3A_323 = tpu.vector_load_idx %arg5[%gather3A_312, %broadcast_in_dim3A_16] : memref<10000x8xf32, #tpu.memory_space<vmem>>[vector<16xi32>, vector<16xi32>], vector<16xf32>,
      %gather3A_324 = tpu.vector_load_idx %arg5[%gather3A_313, %broadcast_in_dim3A_24] : memref<10000x8xf32, #tpu.memory_space<vmem>>[vector<16xi32>, vector<16xi32>], vector<16xf32>,
      %add3A_325 = arith.addf %gather3A_323, %gather3A_324 : vector<16xf32>
      %max3A_326 = arith.maximumf %add3A_316, %add3A_319 : vector<16xf32>
      %max3A_327 = arith.maximumf %add3A_322, %add3A_325 : vector<16xf32>
      %max3A_328 = arith.maximumf %max3A_326, %max3A_327 : vector<16xf32>
      %sub3A_329 = arith.subf %add3A_316, %max3A_328 : vector<16xf32>
      %exp3A_330 = math.exp %sub3A_329 : vector<16xf32>
      %sub3A_331 = arith.subf %add3A_319, %max3A_328 : vector<16xf32>
      %exp3A_332 = math.exp %sub3A_331 : vector<16xf32>
      %sub3A_333 = arith.subf %add3A_322, %max3A_328 : vector<16xf32>
      %exp3A_334 = math.exp %sub3A_333 : vector<16xf32>
      %sub3A_335 = arith.subf %add3A_325, %max3A_328 : vector<16xf32>
      %exp3A_336 = math.exp %sub3A_335 : vector<16xf32>
      %add3A_337 = arith.addf %exp3A_330, %exp3A_332 : vector<16xf32>
      %add3A_338 = arith.addf %add3A_337, %exp3A_334 : vector<16xf32>
      %add3A_339 = arith.addf %add3A_338, %exp3A_336 : vector<16xf32>
      %sub3A_340 = arith.constant 1.000000e+00 : f32
      %sub3A_341 = vector.broadcast %sub3A_340 : f32 to vector<16xf32>
      %sub3A_342 = arith.subf %add3A_339, %sub3A_341 : vector<16xf32>
      %mul3A_343 = arith.constant 2.000000e+00 : f32
      %mul3A_344 = vector.broadcast %mul3A_343 : f32 to vector<16xf32>
      %mul3A_345 = arith.mulf %mul3A_344, %sub3A_342 : vector<16xf32>
      %add3A_346 = arith.constant 1.000000e+00 : f32
      %add3A_347 = vector.broadcast %add3A_346 : f32 to vector<16xf32>
      %add3A_348 = arith.addf %add3A_339, %add3A_347 : vector<16xf32>
      %div3A_349 = arith.divf %mul3A_345, %add3A_348 : vector<16xf32>
      %sub3A_350 = arith.constant 1.000000e+00 : f32
      %sub3A_351 = vector.broadcast %sub3A_350 : f32 to vector<16xf32>
      %sub3A_352 = arith.subf %div3A_349, %sub3A_351 : vector<16xf32>
      %neg3A_353 = arith.constant 0.000000e+00 : f32
      %neg3A_354 = vector.broadcast %neg3A_353 : f32 to vector<16xf32>
      %neg3A_355 = arith.subf %neg3A_354, %div3A_349 : vector<16xf32>
      %exp3A_356 = math.exp %neg3A_355 : vector<16xf32>
      %mul3A_357 = arith.mulf %add3A_339, %exp3A_356 : vector<16xf32>
      %add3A_358 = arith.addf %sub3A_352, %mul3A_357 : vector<16xf32>
      %sub3A_359 = arith.constant 1.000000e+00 : f32
      %sub3A_360 = vector.broadcast %sub3A_359 : f32 to vector<16xf32>
      %sub3A_361 = arith.subf %add3A_358, %sub3A_360 : vector<16xf32>
      %neg3A_362 = arith.constant 0.000000e+00 : f32
      %neg3A_363 = vector.broadcast %neg3A_362 : f32 to vector<16xf32>
      %neg3A_364 = arith.subf %neg3A_363, %add3A_358 : vector<16xf32>
      %exp3A_365 = math.exp %neg3A_364 : vector<16xf32>
      %mul3A_366 = arith.mulf %add3A_339, %exp3A_365 : vector<16xf32>
      %add3A_367 = arith.addf %sub3A_361, %mul3A_366 : vector<16xf32>
      %sub3A_368 = arith.constant 1.000000e+00 : f32
      %sub3A_369 = vector.broadcast %sub3A_368 : f32 to vector<16xf32>
      %sub3A_370 = arith.subf %add3A_367, %sub3A_369 : vector<16xf32>
      %neg3A_371 = arith.constant 0.000000e+00 : f32
      %neg3A_372 = vector.broadcast %neg3A_371 : f32 to vector<16xf32>
      %neg3A_373 = arith.subf %neg3A_372, %add3A_367 : vector<16xf32>
      %exp3A_374 = math.exp %neg3A_373 : vector<16xf32>
      %mul3A_375 = arith.mulf %add3A_339, %exp3A_374 : vector<16xf32>
      %add3A_376 = arith.addf %sub3A_370, %mul3A_375 : vector<16xf32>
      %sub3A_377 = arith.subf %add3A_316, %max3A_328 : vector<16xf32>
      %sub3A_378 = arith.subf %sub3A_377, %add3A_376 : vector<16xf32>
      tpu.vector_store_idx %arg9[%add3A_311, %broadcast_in_dim3A_10], %sub3A_378 : memref<2000x4xf32, #tpu.memory_space<vmem>>[vector<16xi32>, vector<16xi32>], vector<16xf32>,
      %sub3A_379 = arith.subf %add3A_319, %max3A_328 : vector<16xf32>
      %sub3A_380 = arith.subf %sub3A_379, %add3A_376 : vector<16xf32>
      tpu.vector_store_idx %arg9[%add3A_311, %broadcast_in_dim3A_12], %sub3A_380 : memref<2000x4xf32, #tpu.memory_space<vmem>>[vector<16xi32>, vector<16xi32>], vector<16xf32>,
      %sub3A_381 = arith.subf %add3A_322, %max3A_328 : vector<16xf32>
      %sub3A_382 = arith.subf %sub3A_381, %add3A_376 : vector<16xf32>
      tpu.vector_store_idx %arg9[%add3A_311, %broadcast_in_dim3A_14], %sub3A_382 : memref<2000x4xf32, #tpu.memory_space<vmem>>[vector<16xi32>, vector<16xi32>], vector<16xf32>,
      %sub3A_383 = arith.subf %add3A_325, %max3A_328 : vector<16xf32>
      %sub3A_384 = arith.subf %sub3A_383, %add3A_376 : vector<16xf32>
      tpu.vector_store_idx %arg9[%add3A_311, %broadcast_in_dim3A_16], %sub3A_384 : memref<2000x4xf32, #tpu.memory_space<vmem>>[vector<16xi32>, vector<16xi32>], vector<16xf32>,
      %mul3A_385 = arith.constant 5 : i32
      %mul3A_386 = arith.muli %scan3A_147, %mul3A_385 : i32
      %add3A_387 = arith.constant 3 : i32
      %add3A_388 = arith.addi %mul3A_386, %add3A_387 : i32
      %mul3A_389 = arith.constant 16 : i32
      %mul3A_390 = arith.muli %add3A_388, %mul3A_389 : i32
      %add3A_391 = vector.broadcast %mul3A_390 : i32 to vector<16xi32>
      %add3A_392 = arith.addi %iota3A, %add3A_391 : vector<16xi32>
      %gather3A_393 = tpu.vector_load_idx %arg7[%broadcast_in_dim3A_6, %add3A_392] : memref<2x2000xi32, #tpu.memory_space<vmem>>[vector<16xi32>, vector<16xi32>], vector<16xi32>,
      %gather3A_394 = tpu.vector_load_idx %arg7[%broadcast_in_dim3A_8, %add3A_392] : memref<2x2000xi32, #tpu.memory_space<vmem>>[vector<16xi32>, vector<16xi32>], vector<16xi32>,
      %gather3A_395 = tpu.vector_load_idx %arg5[%gather3A_393, %broadcast_in_dim3A_10] : memref<10000x8xf32, #tpu.memory_space<vmem>>[vector<16xi32>, vector<16xi32>], vector<16xf32>,
      %gather3A_396 = tpu.vector_load_idx %arg5[%gather3A_394, %broadcast_in_dim3A_18] : memref<10000x8xf32, #tpu.memory_space<vmem>>[vector<16xi32>, vector<16xi32>], vector<16xf32>,
      %add3A_397 = arith.addf %gather3A_395, %gather3A_396 : vector<16xf32>
      %gather3A_398 = tpu.vector_load_idx %arg5[%gather3A_393, %broadcast_in_dim3A_12] : memref<10000x8xf32, #tpu.memory_space<vmem>>[vector<16xi32>, vector<16xi32>], vector<16xf32>,
      %gather3A_399 = tpu.vector_load_idx %arg5[%gather3A_394, %broadcast_in_dim3A_20] : memref<10000x8xf32, #tpu.memory_space<vmem>>[vector<16xi32>, vector<16xi32>], vector<16xf32>,
      %add3A_400 = arith.addf %gather3A_398, %gather3A_399 : vector<16xf32>
      %gather3A_401 = tpu.vector_load_idx %arg5[%gather3A_393, %broadcast_in_dim3A_14] : memref<10000x8xf32, #tpu.memory_space<vmem>>[vector<16xi32>, vector<16xi32>], vector<16xf32>,
      %gather3A_402 = tpu.vector_load_idx %arg5[%gather3A_394, %broadcast_in_dim3A_22] : memref<10000x8xf32, #tpu.memory_space<vmem>>[vector<16xi32>, vector<16xi32>], vector<16xf32>,
      %add3A_403 = arith.addf %gather3A_401, %gather3A_402 : vector<16xf32>
      %gather3A_404 = tpu.vector_load_idx %arg5[%gather3A_393, %broadcast_in_dim3A_16] : memref<10000x8xf32, #tpu.memory_space<vmem>>[vector<16xi32>, vector<16xi32>], vector<16xf32>,
      %gather3A_405 = tpu.vector_load_idx %arg5[%gather3A_394, %broadcast_in_dim3A_24] : memref<10000x8xf32, #tpu.memory_space<vmem>>[vector<16xi32>, vector<16xi32>], vector<16xf32>,
      %add3A_406 = arith.addf %gather3A_404, %gather3A_405 : vector<16xf32>
      %max3A_407 = arith.maximumf %add3A_397, %add3A_400 : vector<16xf32>
      %max3A_408 = arith.maximumf %add3A_403, %add3A_406 : vector<16xf32>
      %max3A_409 = arith.maximumf %max3A_407, %max3A_408 : vector<16xf32>
      %sub3A_410 = arith.subf %add3A_397, %max3A_409 : vector<16xf32>
      %exp3A_411 = math.exp %sub3A_410 : vector<16xf32>
      %sub3A_412 = arith.subf %add3A_400, %max3A_409 : vector<16xf32>
      %exp3A_413 = math.exp %sub3A_412 : vector<16xf32>
      %sub3A_414 = arith.subf %add3A_403, %max3A_409 : vector<16xf32>
      %exp3A_415 = math.exp %sub3A_414 : vector<16xf32>
      %sub3A_416 = arith.subf %add3A_406, %max3A_409 : vector<16xf32>
      %exp3A_417 = math.exp %sub3A_416 : vector<16xf32>
      %add3A_418 = arith.addf %exp3A_411, %exp3A_413 : vector<16xf32>
      %add3A_419 = arith.addf %add3A_418, %exp3A_415 : vector<16xf32>
      %add3A_420 = arith.addf %add3A_419, %exp3A_417 : vector<16xf32>
      %sub3A_421 = arith.constant 1.000000e+00 : f32
      %sub3A_422 = vector.broadcast %sub3A_421 : f32 to vector<16xf32>
      %sub3A_423 = arith.subf %add3A_420, %sub3A_422 : vector<16xf32>
      %mul3A_424 = arith.constant 2.000000e+00 : f32
      %mul3A_425 = vector.broadcast %mul3A_424 : f32 to vector<16xf32>
      %mul3A_426 = arith.mulf %mul3A_425, %sub3A_423 : vector<16xf32>
      %add3A_427 = arith.constant 1.000000e+00 : f32
      %add3A_428 = vector.broadcast %add3A_427 : f32 to vector<16xf32>
      %add3A_429 = arith.addf %add3A_420, %add3A_428 : vector<16xf32>
      %div3A_430 = arith.divf %mul3A_426, %add3A_429 : vector<16xf32>
      %sub3A_431 = arith.constant 1.000000e+00 : f32
      %sub3A_432 = vector.broadcast %sub3A_431 : f32 to vector<16xf32>
      %sub3A_433 = arith.subf %div3A_430, %sub3A_432 : vector<16xf32>
      %neg3A_434 = arith.constant 0.000000e+00 : f32
      %neg3A_435 = vector.broadcast %neg3A_434 : f32 to vector<16xf32>
      %neg3A_436 = arith.subf %neg3A_435, %div3A_430 : vector<16xf32>
      %exp3A_437 = math.exp %neg3A_436 : vector<16xf32>
      %mul3A_438 = arith.mulf %add3A_420, %exp3A_437 : vector<16xf32>
      %add3A_439 = arith.addf %sub3A_433, %mul3A_438 : vector<16xf32>
      %sub3A_440 = arith.constant 1.000000e+00 : f32
      %sub3A_441 = vector.broadcast %sub3A_440 : f32 to vector<16xf32>
      %sub3A_442 = arith.subf %add3A_439, %sub3A_441 : vector<16xf32>
      %neg3A_443 = arith.constant 0.000000e+00 : f32
      %neg3A_444 = vector.broadcast %neg3A_443 : f32 to vector<16xf32>
      %neg3A_445 = arith.subf %neg3A_444, %add3A_439 : vector<16xf32>
      %exp3A_446 = math.exp %neg3A_445 : vector<16xf32>
      %mul3A_447 = arith.mulf %add3A_420, %exp3A_446 : vector<16xf32>
      %add3A_448 = arith.addf %sub3A_442, %mul3A_447 : vector<16xf32>
      %sub3A_449 = arith.constant 1.000000e+00 : f32
      %sub3A_450 = vector.broadcast %sub3A_449 : f32 to vector<16xf32>
      %sub3A_451 = arith.subf %add3A_448, %sub3A_450 : vector<16xf32>
      %neg3A_452 = arith.constant 0.000000e+00 : f32
      %neg3A_453 = vector.broadcast %neg3A_452 : f32 to vector<16xf32>
      %neg3A_454 = arith.subf %neg3A_453, %add3A_448 : vector<16xf32>
      %exp3A_455 = math.exp %neg3A_454 : vector<16xf32>
      %mul3A_456 = arith.mulf %add3A_420, %exp3A_455 : vector<16xf32>
      %add3A_457 = arith.addf %sub3A_451, %mul3A_456 : vector<16xf32>
      %sub3A_458 = arith.subf %add3A_397, %max3A_409 : vector<16xf32>
      %sub3A_459 = arith.subf %sub3A_458, %add3A_457 : vector<16xf32>
      tpu.vector_store_idx %arg9[%add3A_392, %broadcast_in_dim3A_10], %sub3A_459 : memref<2000x4xf32, #tpu.memory_space<vmem>>[vector<16xi32>, vector<16xi32>], vector<16xf32>,
      %sub3A_460 = arith.subf %add3A_400, %max3A_409 : vector<16xf32>
      %sub3A_461 = arith.subf %sub3A_460, %add3A_457 : vector<16xf32>
      tpu.vector_store_idx %arg9[%add3A_392, %broadcast_in_dim3A_12], %sub3A_461 : memref<2000x4xf32, #tpu.memory_space<vmem>>[vector<16xi32>, vector<16xi32>], vector<16xf32>,
      %sub3A_462 = arith.subf %add3A_403, %max3A_409 : vector<16xf32>
      %sub3A_463 = arith.subf %sub3A_462, %add3A_457 : vector<16xf32>
      tpu.vector_store_idx %arg9[%add3A_392, %broadcast_in_dim3A_14], %sub3A_463 : memref<2000x4xf32, #tpu.memory_space<vmem>>[vector<16xi32>, vector<16xi32>], vector<16xf32>,
      %sub3A_464 = arith.subf %add3A_406, %max3A_409 : vector<16xf32>
      %sub3A_465 = arith.subf %sub3A_464, %add3A_457 : vector<16xf32>
      tpu.vector_store_idx %arg9[%add3A_392, %broadcast_in_dim3A_16], %sub3A_465 : memref<2000x4xf32, #tpu.memory_space<vmem>>[vector<16xi32>, vector<16xi32>], vector<16xf32>,
      %mul3A_466 = arith.constant 5 : i32
      %mul3A_467 = arith.muli %scan3A_147, %mul3A_466 : i32
      %add3A_468 = arith.constant 4 : i32
      %add3A_469 = arith.addi %mul3A_467, %add3A_468 : i32
      %mul3A_470 = arith.constant 16 : i32
      %mul3A_471 = arith.muli %add3A_469, %mul3A_470 : i32
      %add3A_472 = vector.broadcast %mul3A_471 : i32 to vector<16xi32>
      %add3A_473 = arith.addi %iota3A, %add3A_472 : vector<16xi32>
      %gather3A_474 = tpu.vector_load_idx %arg7[%broadcast_in_dim3A_6, %add3A_473] : memref<2x2000xi32, #tpu.memory_space<vmem>>[vector<16xi32>, vector<16xi32>], vector<16xi32>,
      %gather3A_475 = tpu.vector_load_idx %arg7[%broadcast_in_dim3A_8, %add3A_473] : memref<2x2000xi32, #tpu.memory_space<vmem>>[vector<16xi32>, vector<16xi32>], vector<16xi32>,
      %gather3A_476 = tpu.vector_load_idx %arg5[%gather3A_474, %broadcast_in_dim3A_10] : memref<10000x8xf32, #tpu.memory_space<vmem>>[vector<16xi32>, vector<16xi32>], vector<16xf32>,
      %gather3A_477 = tpu.vector_load_idx %arg5[%gather3A_475, %broadcast_in_dim3A_18] : memref<10000x8xf32, #tpu.memory_space<vmem>>[vector<16xi32>, vector<16xi32>], vector<16xf32>,
      %add3A_478 = arith.addf %gather3A_476, %gather3A_477 : vector<16xf32>
      %gather3A_479 = tpu.vector_load_idx %arg5[%gather3A_474, %broadcast_in_dim3A_12] : memref<10000x8xf32, #tpu.memory_space<vmem>>[vector<16xi32>, vector<16xi32>], vector<16xf32>,
      %gather3A_480 = tpu.vector_load_idx %arg5[%gather3A_475, %broadcast_in_dim3A_20] : memref<10000x8xf32, #tpu.memory_space<vmem>>[vector<16xi32>, vector<16xi32>], vector<16xf32>,
      %add3A_481 = arith.addf %gather3A_479, %gather3A_480 : vector<16xf32>
      %gather3A_482 = tpu.vector_load_idx %arg5[%gather3A_474, %broadcast_in_dim3A_14] : memref<10000x8xf32, #tpu.memory_space<vmem>>[vector<16xi32>, vector<16xi32>], vector<16xf32>,
      %gather3A_483 = tpu.vector_load_idx %arg5[%gather3A_475, %broadcast_in_dim3A_22] : memref<10000x8xf32, #tpu.memory_space<vmem>>[vector<16xi32>, vector<16xi32>], vector<16xf32>,
      %add3A_484 = arith.addf %gather3A_482, %gather3A_483 : vector<16xf32>
      %gather3A_485 = tpu.vector_load_idx %arg5[%gather3A_474, %broadcast_in_dim3A_16] : memref<10000x8xf32, #tpu.memory_space<vmem>>[vector<16xi32>, vector<16xi32>], vector<16xf32>,
      %gather3A_486 = tpu.vector_load_idx %arg5[%gather3A_475, %broadcast_in_dim3A_24] : memref<10000x8xf32, #tpu.memory_space<vmem>>[vector<16xi32>, vector<16xi32>], vector<16xf32>,
      %add3A_487 = arith.addf %gather3A_485, %gather3A_486 : vector<16xf32>
      %max3A_488 = arith.maximumf %add3A_478, %add3A_481 : vector<16xf32>
      %max3A_489 = arith.maximumf %add3A_484, %add3A_487 : vector<16xf32>
      %max3A_490 = arith.maximumf %max3A_488, %max3A_489 : vector<16xf32>
      %sub3A_491 = arith.subf %add3A_478, %max3A_490 : vector<16xf32>
      %exp3A_492 = math.exp %sub3A_491 : vector<16xf32>
      %sub3A_493 = arith.subf %add3A_481, %max3A_490 : vector<16xf32>
      %exp3A_494 = math.exp %sub3A_493 : vector<16xf32>
      %sub3A_495 = arith.subf %add3A_484, %max3A_490 : vector<16xf32>
      %exp3A_496 = math.exp %sub3A_495 : vector<16xf32>
      %sub3A_497 = arith.subf %add3A_487, %max3A_490 : vector<16xf32>
      %exp3A_498 = math.exp %sub3A_497 : vector<16xf32>
      %add3A_499 = arith.addf %exp3A_492, %exp3A_494 : vector<16xf32>
      %add3A_500 = arith.addf %add3A_499, %exp3A_496 : vector<16xf32>
      %add3A_501 = arith.addf %add3A_500, %exp3A_498 : vector<16xf32>
      %sub3A_502 = arith.constant 1.000000e+00 : f32
      %sub3A_503 = vector.broadcast %sub3A_502 : f32 to vector<16xf32>
      %sub3A_504 = arith.subf %add3A_501, %sub3A_503 : vector<16xf32>
      %mul3A_505 = arith.constant 2.000000e+00 : f32
      %mul3A_506 = vector.broadcast %mul3A_505 : f32 to vector<16xf32>
      %mul3A_507 = arith.mulf %mul3A_506, %sub3A_504 : vector<16xf32>
      %add3A_508 = arith.constant 1.000000e+00 : f32
      %add3A_509 = vector.broadcast %add3A_508 : f32 to vector<16xf32>
      %add3A_510 = arith.addf %add3A_501, %add3A_509 : vector<16xf32>
      %div3A_511 = arith.divf %mul3A_507, %add3A_510 : vector<16xf32>
      %sub3A_512 = arith.constant 1.000000e+00 : f32
      %sub3A_513 = vector.broadcast %sub3A_512 : f32 to vector<16xf32>
      %sub3A_514 = arith.subf %div3A_511, %sub3A_513 : vector<16xf32>
      %neg3A_515 = arith.constant 0.000000e+00 : f32
      %neg3A_516 = vector.broadcast %neg3A_515 : f32 to vector<16xf32>
      %neg3A_517 = arith.subf %neg3A_516, %div3A_511 : vector<16xf32>
      %exp3A_518 = math.exp %neg3A_517 : vector<16xf32>
      %mul3A_519 = arith.mulf %add3A_501, %exp3A_518 : vector<16xf32>
      %add3A_520 = arith.addf %sub3A_514, %mul3A_519 : vector<16xf32>
      %sub3A_521 = arith.constant 1.000000e+00 : f32
      %sub3A_522 = vector.broadcast %sub3A_521 : f32 to vector<16xf32>
      %sub3A_523 = arith.subf %add3A_520, %sub3A_522 : vector<16xf32>
      %neg3A_524 = arith.constant 0.000000e+00 : f32
      %neg3A_525 = vector.broadcast %neg3A_524 : f32 to vector<16xf32>
      %neg3A_526 = arith.subf %neg3A_525, %add3A_520 : vector<16xf32>
      %exp3A_527 = math.exp %neg3A_526 : vector<16xf32>
      %mul3A_528 = arith.mulf %add3A_501, %exp3A_527 : vector<16xf32>
      %add3A_529 = arith.addf %sub3A_523, %mul3A_528 : vector<16xf32>
      %sub3A_530 = arith.constant 1.000000e+00 : f32
      %sub3A_531 = vector.broadcast %sub3A_530 : f32 to vector<16xf32>
      %sub3A_532 = arith.subf %add3A_529, %sub3A_531 : vector<16xf32>
      %neg3A_533 = arith.constant 0.000000e+00 : f32
      %neg3A_534 = vector.broadcast %neg3A_533 : f32 to vector<16xf32>
      %neg3A_535 = arith.subf %neg3A_534, %add3A_529 : vector<16xf32>
      %exp3A_536 = math.exp %neg3A_535 : vector<16xf32>
      %mul3A_537 = arith.mulf %add3A_501, %exp3A_536 : vector<16xf32>
      %add3A_538 = arith.addf %sub3A_532, %mul3A_537 : vector<16xf32>
      %sub3A_539 = arith.subf %add3A_478, %max3A_490 : vector<16xf32>
      %sub3A_540 = arith.subf %sub3A_539, %add3A_538 : vector<16xf32>
      tpu.vector_store_idx %arg9[%add3A_473, %broadcast_in_dim3A_10], %sub3A_540 : memref<2000x4xf32, #tpu.memory_space<vmem>>[vector<16xi32>, vector<16xi32>], vector<16xf32>,
      %sub3A_541 = arith.subf %add3A_481, %max3A_490 : vector<16xf32>
      %sub3A_542 = arith.subf %sub3A_541, %add3A_538 : vector<16xf32>
      tpu.vector_store_idx %arg9[%add3A_473, %broadcast_in_dim3A_12], %sub3A_542 : memref<2000x4xf32, #tpu.memory_space<vmem>>[vector<16xi32>, vector<16xi32>], vector<16xf32>,
      %sub3A_543 = arith.subf %add3A_484, %max3A_490 : vector<16xf32>
      %sub3A_544 = arith.subf %sub3A_543, %add3A_538 : vector<16xf32>
      tpu.vector_store_idx %arg9[%add3A_473, %broadcast_in_dim3A_14], %sub3A_544 : memref<2000x4xf32, #tpu.memory_space<vmem>>[vector<16xi32>, vector<16xi32>], vector<16xf32>,
      %sub3A_545 = arith.subf %add3A_487, %max3A_490 : vector<16xf32>
      %sub3A_546 = arith.subf %sub3A_545, %add3A_538 : vector<16xf32>
      tpu.vector_store_idx %arg9[%add3A_473, %broadcast_in_dim3A_16], %sub3A_546 : memref<2000x4xf32, #tpu.memory_space<vmem>>[vector<16xi32>, vector<16xi32>], vector<16xf32>,
    }
    %scan3A_112 = arith.constant 25 : i32
    %add3A_113 = arith.constant 6000 : i32
    %add3A_114 = arith.addi %mul3A_2, %add3A_113 : i32
    %dma_start3A_115 = arith.constant 0 : i32
    %dma_start3A_116 = tpu.memref_slice %arg4[%add3A_114, %dma_start3A_115] : memref<320000x4xf32, #tpu.memory_space<hbm>> -> memref<2000x4xf32, #tpu.memory_space<hbm>>
    %dma_start3A_117 = arith.constant 0 : i32
    %dma_start3A_118 = tpu.memref_slice %arg4[%add3A_114, %dma_start3A_117] : memref<320000x4xf32, #tpu.memory_space<hbm>> -> memref<2000x4xf32, #tpu.memory_space<hbm>>
    tpu.enqueue_dma source(%arg9 : memref<2000x4xf32, #tpu.memory_space<vmem>>) target(%dma_start3A_118 : memref<2000x4xf32, #tpu.memory_space<hbm>>) target_semaphore(%arg13 : memref<!tpu.dma_semaphore, #tpu.memory_space<semaphore_mem>>)
    %dma_wait3A_119 = arith.constant 0 : i32
    %dma_wait3A_120 = tpu.memref_slice %arg3[%dma_wait3A_119, %add3A_98] : memref<2x320000xi32, #tpu.memory_space<hbm>> -> memref<2x2000xi32, #tpu.memory_space<hbm>>
    %dma_wait3A_121 = arith.constant 0 : i32
    %dma_wait3A_122 = tpu.memref_slice %arg3[%dma_wait3A_121, %add3A_98] : memref<2x320000xi32, #tpu.memory_space<hbm>> -> memref<2x2000xi32, #tpu.memory_space<hbm>>
    tpu.wait_dma2 semaphore(%arg10 : memref<!tpu.dma_semaphore, #tpu.memory_space<semaphore_mem>>) src(%dma_wait3A_122 : memref<2x2000xi32, #tpu.memory_space<hbm>>) dst(%arg6 : memref<2x2000xi32, #tpu.memory_space<vmem>>)
    %dma_wait3A_123 = arith.constant 0 : i32
    %dma_wait3A_124 = tpu.memref_slice %arg4[%add3A_88, %dma_wait3A_123] : memref<320000x4xf32, #tpu.memory_space<hbm>> -> memref<2000x4xf32, #tpu.memory_space<hbm>>
    %dma_wait3A_125 = arith.constant 0 : i32
    %dma_wait3A_126 = tpu.memref_slice %arg4[%add3A_88, %dma_wait3A_125] : memref<320000x4xf32, #tpu.memory_space<hbm>> -> memref<2000x4xf32, #tpu.memory_space<hbm>>
    tpu.wait_dma2 semaphore(%arg12 : memref<!tpu.dma_semaphore, #tpu.memory_space<semaphore_mem>>) src(%arg8 : memref<2000x4xf32, #tpu.memory_space<vmem>>) dst(%dma_wait3A_126 : memref<2000x4xf32, #tpu.memory_space<hbm>>)
    %scan3A_127 = arith.constant 0 : i32
    %scan3A_128 = arith.constant 0 : i32
    %scan3A_129 = arith.constant 25 : i32
    %scan3A_130 = arith.addi %scan3A_128, %scan3A_129 : i32
    %scan3A_131 = arith.constant 1 : i32
    scf.for %scan3A_147 = %scan3A_128 to %scan3A_130 step %scan3A_131  : i32 {
      %mul3A_148 = arith.constant 5 : i32
      %mul3A_149 = arith.muli %scan3A_147, %mul3A_148 : i32
      %add3A_150 = arith.constant 0 : i32
      %add3A_151 = arith.addi %mul3A_149, %add3A_150 : i32
      %mul3A_152 = arith.constant 16 : i32
      %mul3A_153 = arith.muli %add3A_151, %mul3A_152 : i32
      %add3A_154 = vector.broadcast %mul3A_153 : i32 to vector<16xi32>
      %add3A_155 = arith.addi %iota3A, %add3A_154 : vector<16xi32>
      %gather3A = tpu.vector_load_idx %arg6[%broadcast_in_dim3A_6, %add3A_155] : memref<2x2000xi32, #tpu.memory_space<vmem>>[vector<16xi32>, vector<16xi32>], vector<16xi32>,
      %gather3A_156 = tpu.vector_load_idx %arg6[%broadcast_in_dim3A_8, %add3A_155] : memref<2x2000xi32, #tpu.memory_space<vmem>>[vector<16xi32>, vector<16xi32>], vector<16xi32>,
      %gather3A_157 = tpu.vector_load_idx %arg5[%gather3A, %broadcast_in_dim3A_10] : memref<10000x8xf32, #tpu.memory_space<vmem>>[vector<16xi32>, vector<16xi32>], vector<16xf32>,
      %gather3A_158 = tpu.vector_load_idx %arg5[%gather3A_156, %broadcast_in_dim3A_18] : memref<10000x8xf32, #tpu.memory_space<vmem>>[vector<16xi32>, vector<16xi32>], vector<16xf32>,
      %add3A_159 = arith.addf %gather3A_157, %gather3A_158 : vector<16xf32>
      %gather3A_160 = tpu.vector_load_idx %arg5[%gather3A, %broadcast_in_dim3A_12] : memref<10000x8xf32, #tpu.memory_space<vmem>>[vector<16xi32>, vector<16xi32>], vector<16xf32>,
      %gather3A_161 = tpu.vector_load_idx %arg5[%gather3A_156, %broadcast_in_dim3A_20] : memref<10000x8xf32, #tpu.memory_space<vmem>>[vector<16xi32>, vector<16xi32>], vector<16xf32>,
      %add3A_162 = arith.addf %gather3A_160, %gather3A_161 : vector<16xf32>
      %gather3A_163 = tpu.vector_load_idx %arg5[%gather3A, %broadcast_in_dim3A_14] : memref<10000x8xf32, #tpu.memory_space<vmem>>[vector<16xi32>, vector<16xi32>], vector<16xf32>,
      %gather3A_164 = tpu.vector_load_idx %arg5[%gather3A_156, %broadcast_in_dim3A_22] : memref<10000x8xf32, #tpu.memory_space<vmem>>[vector<16xi32>, vector<16xi32>], vector<16xf32>,
      %add3A_165 = arith.addf %gather3A_163, %gather3A_164 : vector<16xf32>
      %gather3A_166 = tpu.vector_load_idx %arg5[%gather3A, %broadcast_in_dim3A_16] : memref<10000x8xf32, #tpu.memory_space<vmem>>[vector<16xi32>, vector<16xi32>], vector<16xf32>,
      %gather3A_167 = tpu.vector_load_idx %arg5[%gather3A_156, %broadcast_in_dim3A_24] : memref<10000x8xf32, #tpu.memory_space<vmem>>[vector<16xi32>, vector<16xi32>], vector<16xf32>,
      %add3A_168 = arith.addf %gather3A_166, %gather3A_167 : vector<16xf32>
      %max3A = arith.maximumf %add3A_159, %add3A_162 : vector<16xf32>
      %max3A_169 = arith.maximumf %add3A_165, %add3A_168 : vector<16xf32>
      %max3A_170 = arith.maximumf %max3A, %max3A_169 : vector<16xf32>
      %sub3A = arith.subf %add3A_159, %max3A_170 : vector<16xf32>
      %exp3A = math.exp %sub3A : vector<16xf32>
      %sub3A_171 = arith.subf %add3A_162, %max3A_170 : vector<16xf32>
      %exp3A_172 = math.exp %sub3A_171 : vector<16xf32>
      %sub3A_173 = arith.subf %add3A_165, %max3A_170 : vector<16xf32>
      %exp3A_174 = math.exp %sub3A_173 : vector<16xf32>
      %sub3A_175 = arith.subf %add3A_168, %max3A_170 : vector<16xf32>
      %exp3A_176 = math.exp %sub3A_175 : vector<16xf32>
      %add3A_177 = arith.addf %exp3A, %exp3A_172 : vector<16xf32>
      %add3A_178 = arith.addf %add3A_177, %exp3A_174 : vector<16xf32>
      %add3A_179 = arith.addf %add3A_178, %exp3A_176 : vector<16xf32>
      %sub3A_180 = arith.constant 1.000000e+00 : f32
      %sub3A_181 = vector.broadcast %sub3A_180 : f32 to vector<16xf32>
      %sub3A_182 = arith.subf %add3A_179, %sub3A_181 : vector<16xf32>
      %mul3A_183 = arith.constant 2.000000e+00 : f32
      %mul3A_184 = vector.broadcast %mul3A_183 : f32 to vector<16xf32>
      %mul3A_185 = arith.mulf %mul3A_184, %sub3A_182 : vector<16xf32>
      %add3A_186 = arith.constant 1.000000e+00 : f32
      %add3A_187 = vector.broadcast %add3A_186 : f32 to vector<16xf32>
      %add3A_188 = arith.addf %add3A_179, %add3A_187 : vector<16xf32>
      %div3A = arith.divf %mul3A_185, %add3A_188 : vector<16xf32>
      %sub3A_189 = arith.constant 1.000000e+00 : f32
      %sub3A_190 = vector.broadcast %sub3A_189 : f32 to vector<16xf32>
      %sub3A_191 = arith.subf %div3A, %sub3A_190 : vector<16xf32>
      %neg3A = arith.constant 0.000000e+00 : f32
      %neg3A_192 = vector.broadcast %neg3A : f32 to vector<16xf32>
      %neg3A_193 = arith.subf %neg3A_192, %div3A : vector<16xf32>
      %exp3A_194 = math.exp %neg3A_193 : vector<16xf32>
      %mul3A_195 = arith.mulf %add3A_179, %exp3A_194 : vector<16xf32>
      %add3A_196 = arith.addf %sub3A_191, %mul3A_195 : vector<16xf32>
      %sub3A_197 = arith.constant 1.000000e+00 : f32
      %sub3A_198 = vector.broadcast %sub3A_197 : f32 to vector<16xf32>
      %sub3A_199 = arith.subf %add3A_196, %sub3A_198 : vector<16xf32>
      %neg3A_200 = arith.constant 0.000000e+00 : f32
      %neg3A_201 = vector.broadcast %neg3A_200 : f32 to vector<16xf32>
      %neg3A_202 = arith.subf %neg3A_201, %add3A_196 : vector<16xf32>
      %exp3A_203 = math.exp %neg3A_202 : vector<16xf32>
      %mul3A_204 = arith.mulf %add3A_179, %exp3A_203 : vector<16xf32>
      %add3A_205 = arith.addf %sub3A_199, %mul3A_204 : vector<16xf32>
      %sub3A_206 = arith.constant 1.000000e+00 : f32
      %sub3A_207 = vector.broadcast %sub3A_206 : f32 to vector<16xf32>
      %sub3A_208 = arith.subf %add3A_205, %sub3A_207 : vector<16xf32>
      %neg3A_209 = arith.constant 0.000000e+00 : f32
      %neg3A_210 = vector.broadcast %neg3A_209 : f32 to vector<16xf32>
      %neg3A_211 = arith.subf %neg3A_210, %add3A_205 : vector<16xf32>
      %exp3A_212 = math.exp %neg3A_211 : vector<16xf32>
      %mul3A_213 = arith.mulf %add3A_179, %exp3A_212 : vector<16xf32>
      %add3A_214 = arith.addf %sub3A_208, %mul3A_213 : vector<16xf32>
      %sub3A_215 = arith.subf %add3A_159, %max3A_170 : vector<16xf32>
      %sub3A_216 = arith.subf %sub3A_215, %add3A_214 : vector<16xf32>
      tpu.vector_store_idx %arg8[%add3A_155, %broadcast_in_dim3A_10], %sub3A_216 : memref<2000x4xf32, #tpu.memory_space<vmem>>[vector<16xi32>, vector<16xi32>], vector<16xf32>,
      %sub3A_217 = arith.subf %add3A_162, %max3A_170 : vector<16xf32>
      %sub3A_218 = arith.subf %sub3A_217, %add3A_214 : vector<16xf32>
      tpu.vector_store_idx %arg8[%add3A_155, %broadcast_in_dim3A_12], %sub3A_218 : memref<2000x4xf32, #tpu.memory_space<vmem>>[vector<16xi32>, vector<16xi32>], vector<16xf32>,
      %sub3A_219 = arith.subf %add3A_165, %max3A_170 : vector<16xf32>
      %sub3A_220 = arith.subf %sub3A_219, %add3A_214 : vector<16xf32>
      tpu.vector_store_idx %arg8[%add3A_155, %broadcast_in_dim3A_14], %sub3A_220 : memref<2000x4xf32, #tpu.memory_space<vmem>>[vector<16xi32>, vector<16xi32>], vector<16xf32>,
      %sub3A_221 = arith.subf %add3A_168, %max3A_170 : vector<16xf32>
      %sub3A_222 = arith.subf %sub3A_221, %add3A_214 : vector<16xf32>
      tpu.vector_store_idx %arg8[%add3A_155, %broadcast_in_dim3A_16], %sub3A_222 : memref<2000x4xf32, #tpu.memory_space<vmem>>[vector<16xi32>, vector<16xi32>], vector<16xf32>,
      %mul3A_223 = arith.constant 5 : i32
      %mul3A_224 = arith.muli %scan3A_147, %mul3A_223 : i32
      %add3A_225 = arith.constant 1 : i32
      %add3A_226 = arith.addi %mul3A_224, %add3A_225 : i32
      %mul3A_227 = arith.constant 16 : i32
      %mul3A_228 = arith.muli %add3A_226, %mul3A_227 : i32
      %add3A_229 = vector.broadcast %mul3A_228 : i32 to vector<16xi32>
      %add3A_230 = arith.addi %iota3A, %add3A_229 : vector<16xi32>
      %gather3A_231 = tpu.vector_load_idx %arg6[%broadcast_in_dim3A_6, %add3A_230] : memref<2x2000xi32, #tpu.memory_space<vmem>>[vector<16xi32>, vector<16xi32>], vector<16xi32>,
      %gather3A_232 = tpu.vector_load_idx %arg6[%broadcast_in_dim3A_8, %add3A_230] : memref<2x2000xi32, #tpu.memory_space<vmem>>[vector<16xi32>, vector<16xi32>], vector<16xi32>,
      %gather3A_233 = tpu.vector_load_idx %arg5[%gather3A_231, %broadcast_in_dim3A_10] : memref<10000x8xf32, #tpu.memory_space<vmem>>[vector<16xi32>, vector<16xi32>], vector<16xf32>,
      %gather3A_234 = tpu.vector_load_idx %arg5[%gather3A_232, %broadcast_in_dim3A_18] : memref<10000x8xf32, #tpu.memory_space<vmem>>[vector<16xi32>, vector<16xi32>], vector<16xf32>,
      %add3A_235 = arith.addf %gather3A_233, %gather3A_234 : vector<16xf32>
      %gather3A_236 = tpu.vector_load_idx %arg5[%gather3A_231, %broadcast_in_dim3A_12] : memref<10000x8xf32, #tpu.memory_space<vmem>>[vector<16xi32>, vector<16xi32>], vector<16xf32>,
      %gather3A_237 = tpu.vector_load_idx %arg5[%gather3A_232, %broadcast_in_dim3A_20] : memref<10000x8xf32, #tpu.memory_space<vmem>>[vector<16xi32>, vector<16xi32>], vector<16xf32>,
      %add3A_238 = arith.addf %gather3A_236, %gather3A_237 : vector<16xf32>
      %gather3A_239 = tpu.vector_load_idx %arg5[%gather3A_231, %broadcast_in_dim3A_14] : memref<10000x8xf32, #tpu.memory_space<vmem>>[vector<16xi32>, vector<16xi32>], vector<16xf32>,
      %gather3A_240 = tpu.vector_load_idx %arg5[%gather3A_232, %broadcast_in_dim3A_22] : memref<10000x8xf32, #tpu.memory_space<vmem>>[vector<16xi32>, vector<16xi32>], vector<16xf32>,
      %add3A_241 = arith.addf %gather3A_239, %gather3A_240 : vector<16xf32>
      %gather3A_242 = tpu.vector_load_idx %arg5[%gather3A_231, %broadcast_in_dim3A_16] : memref<10000x8xf32, #tpu.memory_space<vmem>>[vector<16xi32>, vector<16xi32>], vector<16xf32>,
      %gather3A_243 = tpu.vector_load_idx %arg5[%gather3A_232, %broadcast_in_dim3A_24] : memref<10000x8xf32, #tpu.memory_space<vmem>>[vector<16xi32>, vector<16xi32>], vector<16xf32>,
      %add3A_244 = arith.addf %gather3A_242, %gather3A_243 : vector<16xf32>
      %max3A_245 = arith.maximumf %add3A_235, %add3A_238 : vector<16xf32>
      %max3A_246 = arith.maximumf %add3A_241, %add3A_244 : vector<16xf32>
      %max3A_247 = arith.maximumf %max3A_245, %max3A_246 : vector<16xf32>
      %sub3A_248 = arith.subf %add3A_235, %max3A_247 : vector<16xf32>
      %exp3A_249 = math.exp %sub3A_248 : vector<16xf32>
      %sub3A_250 = arith.subf %add3A_238, %max3A_247 : vector<16xf32>
      %exp3A_251 = math.exp %sub3A_250 : vector<16xf32>
      %sub3A_252 = arith.subf %add3A_241, %max3A_247 : vector<16xf32>
      %exp3A_253 = math.exp %sub3A_252 : vector<16xf32>
      %sub3A_254 = arith.subf %add3A_244, %max3A_247 : vector<16xf32>
      %exp3A_255 = math.exp %sub3A_254 : vector<16xf32>
      %add3A_256 = arith.addf %exp3A_249, %exp3A_251 : vector<16xf32>
      %add3A_257 = arith.addf %add3A_256, %exp3A_253 : vector<16xf32>
      %add3A_258 = arith.addf %add3A_257, %exp3A_255 : vector<16xf32>
      %sub3A_259 = arith.constant 1.000000e+00 : f32
      %sub3A_260 = vector.broadcast %sub3A_259 : f32 to vector<16xf32>
      %sub3A_261 = arith.subf %add3A_258, %sub3A_260 : vector<16xf32>
      %mul3A_262 = arith.constant 2.000000e+00 : f32
      %mul3A_263 = vector.broadcast %mul3A_262 : f32 to vector<16xf32>
      %mul3A_264 = arith.mulf %mul3A_263, %sub3A_261 : vector<16xf32>
      %add3A_265 = arith.constant 1.000000e+00 : f32
      %add3A_266 = vector.broadcast %add3A_265 : f32 to vector<16xf32>
      %add3A_267 = arith.addf %add3A_258, %add3A_266 : vector<16xf32>
      %div3A_268 = arith.divf %mul3A_264, %add3A_267 : vector<16xf32>
      %sub3A_269 = arith.constant 1.000000e+00 : f32
      %sub3A_270 = vector.broadcast %sub3A_269 : f32 to vector<16xf32>
      %sub3A_271 = arith.subf %div3A_268, %sub3A_270 : vector<16xf32>
      %neg3A_272 = arith.constant 0.000000e+00 : f32
      %neg3A_273 = vector.broadcast %neg3A_272 : f32 to vector<16xf32>
      %neg3A_274 = arith.subf %neg3A_273, %div3A_268 : vector<16xf32>
      %exp3A_275 = math.exp %neg3A_274 : vector<16xf32>
      %mul3A_276 = arith.mulf %add3A_258, %exp3A_275 : vector<16xf32>
      %add3A_277 = arith.addf %sub3A_271, %mul3A_276 : vector<16xf32>
      %sub3A_278 = arith.constant 1.000000e+00 : f32
      %sub3A_279 = vector.broadcast %sub3A_278 : f32 to vector<16xf32>
      %sub3A_280 = arith.subf %add3A_277, %sub3A_279 : vector<16xf32>
      %neg3A_281 = arith.constant 0.000000e+00 : f32
      %neg3A_282 = vector.broadcast %neg3A_281 : f32 to vector<16xf32>
      %neg3A_283 = arith.subf %neg3A_282, %add3A_277 : vector<16xf32>
      %exp3A_284 = math.exp %neg3A_283 : vector<16xf32>
      %mul3A_285 = arith.mulf %add3A_258, %exp3A_284 : vector<16xf32>
      %add3A_286 = arith.addf %sub3A_280, %mul3A_285 : vector<16xf32>
      %sub3A_287 = arith.constant 1.000000e+00 : f32
      %sub3A_288 = vector.broadcast %sub3A_287 : f32 to vector<16xf32>
      %sub3A_289 = arith.subf %add3A_286, %sub3A_288 : vector<16xf32>
      %neg3A_290 = arith.constant 0.000000e+00 : f32
      %neg3A_291 = vector.broadcast %neg3A_290 : f32 to vector<16xf32>
      %neg3A_292 = arith.subf %neg3A_291, %add3A_286 : vector<16xf32>
      %exp3A_293 = math.exp %neg3A_292 : vector<16xf32>
      %mul3A_294 = arith.mulf %add3A_258, %exp3A_293 : vector<16xf32>
      %add3A_295 = arith.addf %sub3A_289, %mul3A_294 : vector<16xf32>
      %sub3A_296 = arith.subf %add3A_235, %max3A_247 : vector<16xf32>
      %sub3A_297 = arith.subf %sub3A_296, %add3A_295 : vector<16xf32>
      tpu.vector_store_idx %arg8[%add3A_230, %broadcast_in_dim3A_10], %sub3A_297 : memref<2000x4xf32, #tpu.memory_space<vmem>>[vector<16xi32>, vector<16xi32>], vector<16xf32>,
      %sub3A_298 = arith.subf %add3A_238, %max3A_247 : vector<16xf32>
      %sub3A_299 = arith.subf %sub3A_298, %add3A_295 : vector<16xf32>
      tpu.vector_store_idx %arg8[%add3A_230, %broadcast_in_dim3A_12], %sub3A_299 : memref<2000x4xf32, #tpu.memory_space<vmem>>[vector<16xi32>, vector<16xi32>], vector<16xf32>,
      %sub3A_300 = arith.subf %add3A_241, %max3A_247 : vector<16xf32>
      %sub3A_301 = arith.subf %sub3A_300, %add3A_295 : vector<16xf32>
      tpu.vector_store_idx %arg8[%add3A_230, %broadcast_in_dim3A_14], %sub3A_301 : memref<2000x4xf32, #tpu.memory_space<vmem>>[vector<16xi32>, vector<16xi32>], vector<16xf32>,
      %sub3A_302 = arith.subf %add3A_244, %max3A_247 : vector<16xf32>
      %sub3A_303 = arith.subf %sub3A_302, %add3A_295 : vector<16xf32>
      tpu.vector_store_idx %arg8[%add3A_230, %broadcast_in_dim3A_16], %sub3A_303 : memref<2000x4xf32, #tpu.memory_space<vmem>>[vector<16xi32>, vector<16xi32>], vector<16xf32>,
      %mul3A_304 = arith.constant 5 : i32
      %mul3A_305 = arith.muli %scan3A_147, %mul3A_304 : i32
      %add3A_306 = arith.constant 2 : i32
      %add3A_307 = arith.addi %mul3A_305, %add3A_306 : i32
      %mul3A_308 = arith.constant 16 : i32
      %mul3A_309 = arith.muli %add3A_307, %mul3A_308 : i32
      %add3A_310 = vector.broadcast %mul3A_309 : i32 to vector<16xi32>
      %add3A_311 = arith.addi %iota3A, %add3A_310 : vector<16xi32>
      %gather3A_312 = tpu.vector_load_idx %arg6[%broadcast_in_dim3A_6, %add3A_311] : memref<2x2000xi32, #tpu.memory_space<vmem>>[vector<16xi32>, vector<16xi32>], vector<16xi32>,
      %gather3A_313 = tpu.vector_load_idx %arg6[%broadcast_in_dim3A_8, %add3A_311] : memref<2x2000xi32, #tpu.memory_space<vmem>>[vector<16xi32>, vector<16xi32>], vector<16xi32>,
      %gather3A_314 = tpu.vector_load_idx %arg5[%gather3A_312, %broadcast_in_dim3A_10] : memref<10000x8xf32, #tpu.memory_space<vmem>>[vector<16xi32>, vector<16xi32>], vector<16xf32>,
      %gather3A_315 = tpu.vector_load_idx %arg5[%gather3A_313, %broadcast_in_dim3A_18] : memref<10000x8xf32, #tpu.memory_space<vmem>>[vector<16xi32>, vector<16xi32>], vector<16xf32>,
      %add3A_316 = arith.addf %gather3A_314, %gather3A_315 : vector<16xf32>
      %gather3A_317 = tpu.vector_load_idx %arg5[%gather3A_312, %broadcast_in_dim3A_12] : memref<10000x8xf32, #tpu.memory_space<vmem>>[vector<16xi32>, vector<16xi32>], vector<16xf32>,
      %gather3A_318 = tpu.vector_load_idx %arg5[%gather3A_313, %broadcast_in_dim3A_20] : memref<10000x8xf32, #tpu.memory_space<vmem>>[vector<16xi32>, vector<16xi32>], vector<16xf32>,
      %add3A_319 = arith.addf %gather3A_317, %gather3A_318 : vector<16xf32>
      %gather3A_320 = tpu.vector_load_idx %arg5[%gather3A_312, %broadcast_in_dim3A_14] : memref<10000x8xf32, #tpu.memory_space<vmem>>[vector<16xi32>, vector<16xi32>], vector<16xf32>,
      %gather3A_321 = tpu.vector_load_idx %arg5[%gather3A_313, %broadcast_in_dim3A_22] : memref<10000x8xf32, #tpu.memory_space<vmem>>[vector<16xi32>, vector<16xi32>], vector<16xf32>,
      %add3A_322 = arith.addf %gather3A_320, %gather3A_321 : vector<16xf32>
      %gather3A_323 = tpu.vector_load_idx %arg5[%gather3A_312, %broadcast_in_dim3A_16] : memref<10000x8xf32, #tpu.memory_space<vmem>>[vector<16xi32>, vector<16xi32>], vector<16xf32>,
      %gather3A_324 = tpu.vector_load_idx %arg5[%gather3A_313, %broadcast_in_dim3A_24] : memref<10000x8xf32, #tpu.memory_space<vmem>>[vector<16xi32>, vector<16xi32>], vector<16xf32>,
      %add3A_325 = arith.addf %gather3A_323, %gather3A_324 : vector<16xf32>
      %max3A_326 = arith.maximumf %add3A_316, %add3A_319 : vector<16xf32>
      %max3A_327 = arith.maximumf %add3A_322, %add3A_325 : vector<16xf32>
      %max3A_328 = arith.maximumf %max3A_326, %max3A_327 : vector<16xf32>
      %sub3A_329 = arith.subf %add3A_316, %max3A_328 : vector<16xf32>
      %exp3A_330 = math.exp %sub3A_329 : vector<16xf32>
      %sub3A_331 = arith.subf %add3A_319, %max3A_328 : vector<16xf32>
      %exp3A_332 = math.exp %sub3A_331 : vector<16xf32>
      %sub3A_333 = arith.subf %add3A_322, %max3A_328 : vector<16xf32>
      %exp3A_334 = math.exp %sub3A_333 : vector<16xf32>
      %sub3A_335 = arith.subf %add3A_325, %max3A_328 : vector<16xf32>
      %exp3A_336 = math.exp %sub3A_335 : vector<16xf32>
      %add3A_337 = arith.addf %exp3A_330, %exp3A_332 : vector<16xf32>
      %add3A_338 = arith.addf %add3A_337, %exp3A_334 : vector<16xf32>
      %add3A_339 = arith.addf %add3A_338, %exp3A_336 : vector<16xf32>
      %sub3A_340 = arith.constant 1.000000e+00 : f32
      %sub3A_341 = vector.broadcast %sub3A_340 : f32 to vector<16xf32>
      %sub3A_342 = arith.subf %add3A_339, %sub3A_341 : vector<16xf32>
      %mul3A_343 = arith.constant 2.000000e+00 : f32
      %mul3A_344 = vector.broadcast %mul3A_343 : f32 to vector<16xf32>
      %mul3A_345 = arith.mulf %mul3A_344, %sub3A_342 : vector<16xf32>
      %add3A_346 = arith.constant 1.000000e+00 : f32
      %add3A_347 = vector.broadcast %add3A_346 : f32 to vector<16xf32>
      %add3A_348 = arith.addf %add3A_339, %add3A_347 : vector<16xf32>
      %div3A_349 = arith.divf %mul3A_345, %add3A_348 : vector<16xf32>
      %sub3A_350 = arith.constant 1.000000e+00 : f32
      %sub3A_351 = vector.broadcast %sub3A_350 : f32 to vector<16xf32>
      %sub3A_352 = arith.subf %div3A_349, %sub3A_351 : vector<16xf32>
      %neg3A_353 = arith.constant 0.000000e+00 : f32
      %neg3A_354 = vector.broadcast %neg3A_353 : f32 to vector<16xf32>
      %neg3A_355 = arith.subf %neg3A_354, %div3A_349 : vector<16xf32>
      %exp3A_356 = math.exp %neg3A_355 : vector<16xf32>
      %mul3A_357 = arith.mulf %add3A_339, %exp3A_356 : vector<16xf32>
      %add3A_358 = arith.addf %sub3A_352, %mul3A_357 : vector<16xf32>
      %sub3A_359 = arith.constant 1.000000e+00 : f32
      %sub3A_360 = vector.broadcast %sub3A_359 : f32 to vector<16xf32>
      %sub3A_361 = arith.subf %add3A_358, %sub3A_360 : vector<16xf32>
      %neg3A_362 = arith.constant 0.000000e+00 : f32
      %neg3A_363 = vector.broadcast %neg3A_362 : f32 to vector<16xf32>
      %neg3A_364 = arith.subf %neg3A_363, %add3A_358 : vector<16xf32>
      %exp3A_365 = math.exp %neg3A_364 : vector<16xf32>
      %mul3A_366 = arith.mulf %add3A_339, %exp3A_365 : vector<16xf32>
      %add3A_367 = arith.addf %sub3A_361, %mul3A_366 : vector<16xf32>
      %sub3A_368 = arith.constant 1.000000e+00 : f32
      %sub3A_369 = vector.broadcast %sub3A_368 : f32 to vector<16xf32>
      %sub3A_370 = arith.subf %add3A_367, %sub3A_369 : vector<16xf32>
      %neg3A_371 = arith.constant 0.000000e+00 : f32
      %neg3A_372 = vector.broadcast %neg3A_371 : f32 to vector<16xf32>
      %neg3A_373 = arith.subf %neg3A_372, %add3A_367 : vector<16xf32>
      %exp3A_374 = math.exp %neg3A_373 : vector<16xf32>
      %mul3A_375 = arith.mulf %add3A_339, %exp3A_374 : vector<16xf32>
      %add3A_376 = arith.addf %sub3A_370, %mul3A_375 : vector<16xf32>
      %sub3A_377 = arith.subf %add3A_316, %max3A_328 : vector<16xf32>
      %sub3A_378 = arith.subf %sub3A_377, %add3A_376 : vector<16xf32>
      tpu.vector_store_idx %arg8[%add3A_311, %broadcast_in_dim3A_10], %sub3A_378 : memref<2000x4xf32, #tpu.memory_space<vmem>>[vector<16xi32>, vector<16xi32>], vector<16xf32>,
      %sub3A_379 = arith.subf %add3A_319, %max3A_328 : vector<16xf32>
      %sub3A_380 = arith.subf %sub3A_379, %add3A_376 : vector<16xf32>
      tpu.vector_store_idx %arg8[%add3A_311, %broadcast_in_dim3A_12], %sub3A_380 : memref<2000x4xf32, #tpu.memory_space<vmem>>[vector<16xi32>, vector<16xi32>], vector<16xf32>,
      %sub3A_381 = arith.subf %add3A_322, %max3A_328 : vector<16xf32>
      %sub3A_382 = arith.subf %sub3A_381, %add3A_376 : vector<16xf32>
      tpu.vector_store_idx %arg8[%add3A_311, %broadcast_in_dim3A_14], %sub3A_382 : memref<2000x4xf32, #tpu.memory_space<vmem>>[vector<16xi32>, vector<16xi32>], vector<16xf32>,
      %sub3A_383 = arith.subf %add3A_325, %max3A_328 : vector<16xf32>
      %sub3A_384 = arith.subf %sub3A_383, %add3A_376 : vector<16xf32>
      tpu.vector_store_idx %arg8[%add3A_311, %broadcast_in_dim3A_16], %sub3A_384 : memref<2000x4xf32, #tpu.memory_space<vmem>>[vector<16xi32>, vector<16xi32>], vector<16xf32>,
      %mul3A_385 = arith.constant 5 : i32
      %mul3A_386 = arith.muli %scan3A_147, %mul3A_385 : i32
      %add3A_387 = arith.constant 3 : i32
      %add3A_388 = arith.addi %mul3A_386, %add3A_387 : i32
      %mul3A_389 = arith.constant 16 : i32
      %mul3A_390 = arith.muli %add3A_388, %mul3A_389 : i32
      %add3A_391 = vector.broadcast %mul3A_390 : i32 to vector<16xi32>
      %add3A_392 = arith.addi %iota3A, %add3A_391 : vector<16xi32>
      %gather3A_393 = tpu.vector_load_idx %arg6[%broadcast_in_dim3A_6, %add3A_392] : memref<2x2000xi32, #tpu.memory_space<vmem>>[vector<16xi32>, vector<16xi32>], vector<16xi32>,
      %gather3A_394 = tpu.vector_load_idx %arg6[%broadcast_in_dim3A_8, %add3A_392] : memref<2x2000xi32, #tpu.memory_space<vmem>>[vector<16xi32>, vector<16xi32>], vector<16xi32>,
      %gather3A_395 = tpu.vector_load_idx %arg5[%gather3A_393, %broadcast_in_dim3A_10] : memref<10000x8xf32, #tpu.memory_space<vmem>>[vector<16xi32>, vector<16xi32>], vector<16xf32>,
      %gather3A_396 = tpu.vector_load_idx %arg5[%gather3A_394, %broadcast_in_dim3A_18] : memref<10000x8xf32, #tpu.memory_space<vmem>>[vector<16xi32>, vector<16xi32>], vector<16xf32>,
      %add3A_397 = arith.addf %gather3A_395, %gather3A_396 : vector<16xf32>
      %gather3A_398 = tpu.vector_load_idx %arg5[%gather3A_393, %broadcast_in_dim3A_12] : memref<10000x8xf32, #tpu.memory_space<vmem>>[vector<16xi32>, vector<16xi32>], vector<16xf32>,
      %gather3A_399 = tpu.vector_load_idx %arg5[%gather3A_394, %broadcast_in_dim3A_20] : memref<10000x8xf32, #tpu.memory_space<vmem>>[vector<16xi32>, vector<16xi32>], vector<16xf32>,
      %add3A_400 = arith.addf %gather3A_398, %gather3A_399 : vector<16xf32>
      %gather3A_401 = tpu.vector_load_idx %arg5[%gather3A_393, %broadcast_in_dim3A_14] : memref<10000x8xf32, #tpu.memory_space<vmem>>[vector<16xi32>, vector<16xi32>], vector<16xf32>,
      %gather3A_402 = tpu.vector_load_idx %arg5[%gather3A_394, %broadcast_in_dim3A_22] : memref<10000x8xf32, #tpu.memory_space<vmem>>[vector<16xi32>, vector<16xi32>], vector<16xf32>,
      %add3A_403 = arith.addf %gather3A_401, %gather3A_402 : vector<16xf32>
      %gather3A_404 = tpu.vector_load_idx %arg5[%gather3A_393, %broadcast_in_dim3A_16] : memref<10000x8xf32, #tpu.memory_space<vmem>>[vector<16xi32>, vector<16xi32>], vector<16xf32>,
      %gather3A_405 = tpu.vector_load_idx %arg5[%gather3A_394, %broadcast_in_dim3A_24] : memref<10000x8xf32, #tpu.memory_space<vmem>>[vector<16xi32>, vector<16xi32>], vector<16xf32>,
      %add3A_406 = arith.addf %gather3A_404, %gather3A_405 : vector<16xf32>
      %max3A_407 = arith.maximumf %add3A_397, %add3A_400 : vector<16xf32>
      %max3A_408 = arith.maximumf %add3A_403, %add3A_406 : vector<16xf32>
      %max3A_409 = arith.maximumf %max3A_407, %max3A_408 : vector<16xf32>
      %sub3A_410 = arith.subf %add3A_397, %max3A_409 : vector<16xf32>
      %exp3A_411 = math.exp %sub3A_410 : vector<16xf32>
      %sub3A_412 = arith.subf %add3A_400, %max3A_409 : vector<16xf32>
      %exp3A_413 = math.exp %sub3A_412 : vector<16xf32>
      %sub3A_414 = arith.subf %add3A_403, %max3A_409 : vector<16xf32>
      %exp3A_415 = math.exp %sub3A_414 : vector<16xf32>
      %sub3A_416 = arith.subf %add3A_406, %max3A_409 : vector<16xf32>
      %exp3A_417 = math.exp %sub3A_416 : vector<16xf32>
      %add3A_418 = arith.addf %exp3A_411, %exp3A_413 : vector<16xf32>
      %add3A_419 = arith.addf %add3A_418, %exp3A_415 : vector<16xf32>
      %add3A_420 = arith.addf %add3A_419, %exp3A_417 : vector<16xf32>
      %sub3A_421 = arith.constant 1.000000e+00 : f32
      %sub3A_422 = vector.broadcast %sub3A_421 : f32 to vector<16xf32>
      %sub3A_423 = arith.subf %add3A_420, %sub3A_422 : vector<16xf32>
      %mul3A_424 = arith.constant 2.000000e+00 : f32
      %mul3A_425 = vector.broadcast %mul3A_424 : f32 to vector<16xf32>
      %mul3A_426 = arith.mulf %mul3A_425, %sub3A_423 : vector<16xf32>
      %add3A_427 = arith.constant 1.000000e+00 : f32
      %add3A_428 = vector.broadcast %add3A_427 : f32 to vector<16xf32>
      %add3A_429 = arith.addf %add3A_420, %add3A_428 : vector<16xf32>
      %div3A_430 = arith.divf %mul3A_426, %add3A_429 : vector<16xf32>
      %sub3A_431 = arith.constant 1.000000e+00 : f32
      %sub3A_432 = vector.broadcast %sub3A_431 : f32 to vector<16xf32>
      %sub3A_433 = arith.subf %div3A_430, %sub3A_432 : vector<16xf32>
      %neg3A_434 = arith.constant 0.000000e+00 : f32
      %neg3A_435 = vector.broadcast %neg3A_434 : f32 to vector<16xf32>
      %neg3A_436 = arith.subf %neg3A_435, %div3A_430 : vector<16xf32>
      %exp3A_437 = math.exp %neg3A_436 : vector<16xf32>
      %mul3A_438 = arith.mulf %add3A_420, %exp3A_437 : vector<16xf32>
      %add3A_439 = arith.addf %sub3A_433, %mul3A_438 : vector<16xf32>
      %sub3A_440 = arith.constant 1.000000e+00 : f32
      %sub3A_441 = vector.broadcast %sub3A_440 : f32 to vector<16xf32>
      %sub3A_442 = arith.subf %add3A_439, %sub3A_441 : vector<16xf32>
      %neg3A_443 = arith.constant 0.000000e+00 : f32
      %neg3A_444 = vector.broadcast %neg3A_443 : f32 to vector<16xf32>
      %neg3A_445 = arith.subf %neg3A_444, %add3A_439 : vector<16xf32>
      %exp3A_446 = math.exp %neg3A_445 : vector<16xf32>
      %mul3A_447 = arith.mulf %add3A_420, %exp3A_446 : vector<16xf32>
      %add3A_448 = arith.addf %sub3A_442, %mul3A_447 : vector<16xf32>
      %sub3A_449 = arith.constant 1.000000e+00 : f32
      %sub3A_450 = vector.broadcast %sub3A_449 : f32 to vector<16xf32>
      %sub3A_451 = arith.subf %add3A_448, %sub3A_450 : vector<16xf32>
      %neg3A_452 = arith.constant 0.000000e+00 : f32
      %neg3A_453 = vector.broadcast %neg3A_452 : f32 to vector<16xf32>
      %neg3A_454 = arith.subf %neg3A_453, %add3A_448 : vector<16xf32>
      %exp3A_455 = math.exp %neg3A_454 : vector<16xf32>
      %mul3A_456 = arith.mulf %add3A_420, %exp3A_455 : vector<16xf32>
      %add3A_457 = arith.addf %sub3A_451, %mul3A_456 : vector<16xf32>
      %sub3A_458 = arith.subf %add3A_397, %max3A_409 : vector<16xf32>
      %sub3A_459 = arith.subf %sub3A_458, %add3A_457 : vector<16xf32>
      tpu.vector_store_idx %arg8[%add3A_392, %broadcast_in_dim3A_10], %sub3A_459 : memref<2000x4xf32, #tpu.memory_space<vmem>>[vector<16xi32>, vector<16xi32>], vector<16xf32>,
      %sub3A_460 = arith.subf %add3A_400, %max3A_409 : vector<16xf32>
      %sub3A_461 = arith.subf %sub3A_460, %add3A_457 : vector<16xf32>
      tpu.vector_store_idx %arg8[%add3A_392, %broadcast_in_dim3A_12], %sub3A_461 : memref<2000x4xf32, #tpu.memory_space<vmem>>[vector<16xi32>, vector<16xi32>], vector<16xf32>,
      %sub3A_462 = arith.subf %add3A_403, %max3A_409 : vector<16xf32>
      %sub3A_463 = arith.subf %sub3A_462, %add3A_457 : vector<16xf32>
      tpu.vector_store_idx %arg8[%add3A_392, %broadcast_in_dim3A_14], %sub3A_463 : memref<2000x4xf32, #tpu.memory_space<vmem>>[vector<16xi32>, vector<16xi32>], vector<16xf32>,
      %sub3A_464 = arith.subf %add3A_406, %max3A_409 : vector<16xf32>
      %sub3A_465 = arith.subf %sub3A_464, %add3A_457 : vector<16xf32>
      tpu.vector_store_idx %arg8[%add3A_392, %broadcast_in_dim3A_16], %sub3A_465 : memref<2000x4xf32, #tpu.memory_space<vmem>>[vector<16xi32>, vector<16xi32>], vector<16xf32>,
      %mul3A_466 = arith.constant 5 : i32
      %mul3A_467 = arith.muli %scan3A_147, %mul3A_466 : i32
      %add3A_468 = arith.constant 4 : i32
      %add3A_469 = arith.addi %mul3A_467, %add3A_468 : i32
      %mul3A_470 = arith.constant 16 : i32
      %mul3A_471 = arith.muli %add3A_469, %mul3A_470 : i32
      %add3A_472 = vector.broadcast %mul3A_471 : i32 to vector<16xi32>
      %add3A_473 = arith.addi %iota3A, %add3A_472 : vector<16xi32>
      %gather3A_474 = tpu.vector_load_idx %arg6[%broadcast_in_dim3A_6, %add3A_473] : memref<2x2000xi32, #tpu.memory_space<vmem>>[vector<16xi32>, vector<16xi32>], vector<16xi32>,
      %gather3A_475 = tpu.vector_load_idx %arg6[%broadcast_in_dim3A_8, %add3A_473] : memref<2x2000xi32, #tpu.memory_space<vmem>>[vector<16xi32>, vector<16xi32>], vector<16xi32>,
      %gather3A_476 = tpu.vector_load_idx %arg5[%gather3A_474, %broadcast_in_dim3A_10] : memref<10000x8xf32, #tpu.memory_space<vmem>>[vector<16xi32>, vector<16xi32>], vector<16xf32>,
      %gather3A_477 = tpu.vector_load_idx %arg5[%gather3A_475, %broadcast_in_dim3A_18] : memref<10000x8xf32, #tpu.memory_space<vmem>>[vector<16xi32>, vector<16xi32>], vector<16xf32>,
      %add3A_478 = arith.addf %gather3A_476, %gather3A_477 : vector<16xf32>
      %gather3A_479 = tpu.vector_load_idx %arg5[%gather3A_474, %broadcast_in_dim3A_12] : memref<10000x8xf32, #tpu.memory_space<vmem>>[vector<16xi32>, vector<16xi32>], vector<16xf32>,
      %gather3A_480 = tpu.vector_load_idx %arg5[%gather3A_475, %broadcast_in_dim3A_20] : memref<10000x8xf32, #tpu.memory_space<vmem>>[vector<16xi32>, vector<16xi32>], vector<16xf32>,
      %add3A_481 = arith.addf %gather3A_479, %gather3A_480 : vector<16xf32>
      %gather3A_482 = tpu.vector_load_idx %arg5[%gather3A_474, %broadcast_in_dim3A_14] : memref<10000x8xf32, #tpu.memory_space<vmem>>[vector<16xi32>, vector<16xi32>], vector<16xf32>,
      %gather3A_483 = tpu.vector_load_idx %arg5[%gather3A_475, %broadcast_in_dim3A_22] : memref<10000x8xf32, #tpu.memory_space<vmem>>[vector<16xi32>, vector<16xi32>], vector<16xf32>,
      %add3A_484 = arith.addf %gather3A_482, %gather3A_483 : vector<16xf32>
      %gather3A_485 = tpu.vector_load_idx %arg5[%gather3A_474, %broadcast_in_dim3A_16] : memref<10000x8xf32, #tpu.memory_space<vmem>>[vector<16xi32>, vector<16xi32>], vector<16xf32>,
      %gather3A_486 = tpu.vector_load_idx %arg5[%gather3A_475, %broadcast_in_dim3A_24] : memref<10000x8xf32, #tpu.memory_space<vmem>>[vector<16xi32>, vector<16xi32>], vector<16xf32>,
      %add3A_487 = arith.addf %gather3A_485, %gather3A_486 : vector<16xf32>
      %max3A_488 = arith.maximumf %add3A_478, %add3A_481 : vector<16xf32>
      %max3A_489 = arith.maximumf %add3A_484, %add3A_487 : vector<16xf32>
      %max3A_490 = arith.maximumf %max3A_488, %max3A_489 : vector<16xf32>
      %sub3A_491 = arith.subf %add3A_478, %max3A_490 : vector<16xf32>
      %exp3A_492 = math.exp %sub3A_491 : vector<16xf32>
      %sub3A_493 = arith.subf %add3A_481, %max3A_490 : vector<16xf32>
      %exp3A_494 = math.exp %sub3A_493 : vector<16xf32>
      %sub3A_495 = arith.subf %add3A_484, %max3A_490 : vector<16xf32>
      %exp3A_496 = math.exp %sub3A_495 : vector<16xf32>
      %sub3A_497 = arith.subf %add3A_487, %max3A_490 : vector<16xf32>
      %exp3A_498 = math.exp %sub3A_497 : vector<16xf32>
      %add3A_499 = arith.addf %exp3A_492, %exp3A_494 : vector<16xf32>
      %add3A_500 = arith.addf %add3A_499, %exp3A_496 : vector<16xf32>
      %add3A_501 = arith.addf %add3A_500, %exp3A_498 : vector<16xf32>
      %sub3A_502 = arith.constant 1.000000e+00 : f32
      %sub3A_503 = vector.broadcast %sub3A_502 : f32 to vector<16xf32>
      %sub3A_504 = arith.subf %add3A_501, %sub3A_503 : vector<16xf32>
      %mul3A_505 = arith.constant 2.000000e+00 : f32
      %mul3A_506 = vector.broadcast %mul3A_505 : f32 to vector<16xf32>
      %mul3A_507 = arith.mulf %mul3A_506, %sub3A_504 : vector<16xf32>
      %add3A_508 = arith.constant 1.000000e+00 : f32
      %add3A_509 = vector.broadcast %add3A_508 : f32 to vector<16xf32>
      %add3A_510 = arith.addf %add3A_501, %add3A_509 : vector<16xf32>
      %div3A_511 = arith.divf %mul3A_507, %add3A_510 : vector<16xf32>
      %sub3A_512 = arith.constant 1.000000e+00 : f32
      %sub3A_513 = vector.broadcast %sub3A_512 : f32 to vector<16xf32>
      %sub3A_514 = arith.subf %div3A_511, %sub3A_513 : vector<16xf32>
      %neg3A_515 = arith.constant 0.000000e+00 : f32
      %neg3A_516 = vector.broadcast %neg3A_515 : f32 to vector<16xf32>
      %neg3A_517 = arith.subf %neg3A_516, %div3A_511 : vector<16xf32>
      %exp3A_518 = math.exp %neg3A_517 : vector<16xf32>
      %mul3A_519 = arith.mulf %add3A_501, %exp3A_518 : vector<16xf32>
      %add3A_520 = arith.addf %sub3A_514, %mul3A_519 : vector<16xf32>
      %sub3A_521 = arith.constant 1.000000e+00 : f32
      %sub3A_522 = vector.broadcast %sub3A_521 : f32 to vector<16xf32>
      %sub3A_523 = arith.subf %add3A_520, %sub3A_522 : vector<16xf32>
      %neg3A_524 = arith.constant 0.000000e+00 : f32
      %neg3A_525 = vector.broadcast %neg3A_524 : f32 to vector<16xf32>
      %neg3A_526 = arith.subf %neg3A_525, %add3A_520 : vector<16xf32>
      %exp3A_527 = math.exp %neg3A_526 : vector<16xf32>
      %mul3A_528 = arith.mulf %add3A_501, %exp3A_527 : vector<16xf32>
      %add3A_529 = arith.addf %sub3A_523, %mul3A_528 : vector<16xf32>
      %sub3A_530 = arith.constant 1.000000e+00 : f32
      %sub3A_531 = vector.broadcast %sub3A_530 : f32 to vector<16xf32>
      %sub3A_532 = arith.subf %add3A_529, %sub3A_531 : vector<16xf32>
      %neg3A_533 = arith.constant 0.000000e+00 : f32
      %neg3A_534 = vector.broadcast %neg3A_533 : f32 to vector<16xf32>
      %neg3A_535 = arith.subf %neg3A_534, %add3A_529 : vector<16xf32>
      %exp3A_536 = math.exp %neg3A_535 : vector<16xf32>
      %mul3A_537 = arith.mulf %add3A_501, %exp3A_536 : vector<16xf32>
      %add3A_538 = arith.addf %sub3A_532, %mul3A_537 : vector<16xf32>
      %sub3A_539 = arith.subf %add3A_478, %max3A_490 : vector<16xf32>
      %sub3A_540 = arith.subf %sub3A_539, %add3A_538 : vector<16xf32>
      tpu.vector_store_idx %arg8[%add3A_473, %broadcast_in_dim3A_10], %sub3A_540 : memref<2000x4xf32, #tpu.memory_space<vmem>>[vector<16xi32>, vector<16xi32>], vector<16xf32>,
      %sub3A_541 = arith.subf %add3A_481, %max3A_490 : vector<16xf32>
      %sub3A_542 = arith.subf %sub3A_541, %add3A_538 : vector<16xf32>
      tpu.vector_store_idx %arg8[%add3A_473, %broadcast_in_dim3A_12], %sub3A_542 : memref<2000x4xf32, #tpu.memory_space<vmem>>[vector<16xi32>, vector<16xi32>], vector<16xf32>,
      %sub3A_543 = arith.subf %add3A_484, %max3A_490 : vector<16xf32>
      %sub3A_544 = arith.subf %sub3A_543, %add3A_538 : vector<16xf32>
      tpu.vector_store_idx %arg8[%add3A_473, %broadcast_in_dim3A_14], %sub3A_544 : memref<2000x4xf32, #tpu.memory_space<vmem>>[vector<16xi32>, vector<16xi32>], vector<16xf32>,
      %sub3A_545 = arith.subf %add3A_487, %max3A_490 : vector<16xf32>
      %sub3A_546 = arith.subf %sub3A_545, %add3A_538 : vector<16xf32>
      tpu.vector_store_idx %arg8[%add3A_473, %broadcast_in_dim3A_16], %sub3A_546 : memref<2000x4xf32, #tpu.memory_space<vmem>>[vector<16xi32>, vector<16xi32>], vector<16xf32>,
    }
    %scan3A_132 = arith.constant 25 : i32
    %add3A_133 = arith.constant 8000 : i32
    %add3A_134 = arith.addi %mul3A_2, %add3A_133 : i32
    %dma_start3A_135 = arith.constant 0 : i32
    %dma_start3A_136 = tpu.memref_slice %arg4[%add3A_134, %dma_start3A_135] : memref<320000x4xf32, #tpu.memory_space<hbm>> -> memref<2000x4xf32, #tpu.memory_space<hbm>>
    %dma_start3A_137 = arith.constant 0 : i32
    %dma_start3A_138 = tpu.memref_slice %arg4[%add3A_134, %dma_start3A_137] : memref<320000x4xf32, #tpu.memory_space<hbm>> -> memref<2000x4xf32, #tpu.memory_space<hbm>>
    tpu.enqueue_dma source(%arg8 : memref<2000x4xf32, #tpu.memory_space<vmem>>) target(%dma_start3A_138 : memref<2000x4xf32, #tpu.memory_space<hbm>>) target_semaphore(%arg12 : memref<!tpu.dma_semaphore, #tpu.memory_space<semaphore_mem>>)
    %dma_wait3A_139 = arith.constant 0 : i32
    %dma_wait3A_140 = tpu.memref_slice %arg4[%add3A_134, %dma_wait3A_139] : memref<320000x4xf32, #tpu.memory_space<hbm>> -> memref<2000x4xf32, #tpu.memory_space<hbm>>
    %dma_wait3A_141 = arith.constant 0 : i32
    %dma_wait3A_142 = tpu.memref_slice %arg4[%add3A_134, %dma_wait3A_141] : memref<320000x4xf32, #tpu.memory_space<hbm>> -> memref<2000x4xf32, #tpu.memory_space<hbm>>
    tpu.wait_dma2 semaphore(%arg12 : memref<!tpu.dma_semaphore, #tpu.memory_space<semaphore_mem>>) src(%arg8 : memref<2000x4xf32, #tpu.memory_space<vmem>>) dst(%dma_wait3A_142 : memref<2000x4xf32, #tpu.memory_space<hbm>>)
    %dma_wait3A_143 = arith.constant 0 : i32
    %dma_wait3A_144 = tpu.memref_slice %arg4[%add3A_114, %dma_wait3A_143] : memref<320000x4xf32, #tpu.memory_space<hbm>> -> memref<2000x4xf32, #tpu.memory_space<hbm>>
    %dma_wait3A_145 = arith.constant 0 : i32
    %dma_wait3A_146 = tpu.memref_slice %arg4[%add3A_114, %dma_wait3A_145] : memref<320000x4xf32, #tpu.memory_space<hbm>> -> memref<2000x4xf32, #tpu.memory_space<hbm>>
    tpu.wait_dma2 semaphore(%arg13 : memref<!tpu.dma_semaphore, #tpu.memory_space<semaphore_mem>>) src(%arg9 : memref<2000x4xf32, #tpu.memory_space<vmem>>) dst(%dma_wait3A_146 : memref<2000x4xf32, #tpu.memory_space<hbm>>)
    return
  }
}

#map = affine_map<(d0, d1) -> (0, 0)>
#map1 = affine_map<(d0, d1) -> (0)>
#map2 = affine_map<(d0, d1) -> (0, 0, 0)>
module attributes {stable_mosaic.version = 14 : i64} {
  func.func @body(%arg0: i32, %arg1: i32, %arg2: memref<10000x16xf32, #tpu.memory_space<hbm>>, %arg3: memref<2x320000xi32, #tpu.memory_space<hbm>>, %arg4: memref<625x16xf32, #tpu.memory_space<hbm>>, %arg5: memref<640xf32, #tpu.memory_space<hbm>>, %arg6: memref<2x10000x16xf32, #tpu.memory_space<hbm>>, %arg7: memref<2x2000xi32, #tpu.memory_space<vmem>>, %arg8: memref<2x2000xi32, #tpu.memory_space<vmem>>, %arg9: memref<2000x16xf32, #tpu.memory_space<vmem>>, %arg10: memref<2000x16xf32, #tpu.memory_space<vmem>>, %arg11: memref<10000x16xf32, #tpu.memory_space<vmem_shared>>, %arg12: memref<!tpu.dma_semaphore, #tpu.memory_space<semaphore_mem>>, %arg13: memref<!tpu.dma_semaphore, #tpu.memory_space<semaphore_mem>>, %arg14: memref<!tpu.dma_semaphore, #tpu.memory_space<semaphore_mem>>, %arg15: memref<!tpu.dma_semaphore, #tpu.memory_space<semaphore_mem>>) attributes {dimension_semantics = [#tpu.dimension_semantics<core_parallel>, #tpu.dimension_semantics<subcore_parallel>], iteration_bounds = array<i64: 2, 16>, scalar_prefetch = 0 : i64, scratch_operands = 9 : i64, tpu.core_type = #tpu.core_type<sc_vector_subcore>, window_params = [{transform_indices = #map}, {transform_indices = #map}, {transform_indices = #map}, {transform_indices = #map1}, {transform_indices = #map2}]} {
    %mul3A = arith.constant 16 : i32
    %mul3A_0 = arith.muli %arg0, %mul3A : i32
    %add3A = arith.addi %mul3A_0, %arg1 : i32
    %mul3A_1 = arith.constant 625 : i32
    %mul3A_2 = arith.muli %arg1, %mul3A_1 : i32
    "tpu.region"() ({
      %run_scoped3A_130 = tpu.sem_alloc : memref<!tpu.dma_semaphore, #tpu.memory_space<semaphore_mem>>
      %dma_start3A_131 = arith.constant 0 : i32
      %dma_start3A_132 = tpu.memref_slice %arg11[%mul3A_2, %dma_start3A_131] : memref<10000x16xf32, #tpu.memory_space<vmem_shared>> -> memref<625x16xf32, #tpu.memory_space<vmem_shared>>
      tpu.enqueue_dma source(%arg4 : memref<625x16xf32, #tpu.memory_space<hbm>>) target(%dma_start3A_132 : memref<625x16xf32, #tpu.memory_space<vmem_shared>>) target_semaphore(%run_scoped3A_130 : memref<!tpu.dma_semaphore, #tpu.memory_space<semaphore_mem>>)
      %dma_wait3A_133 = arith.constant 0 : i32
      %dma_wait3A_134 = tpu.memref_slice %arg11[%mul3A_2, %dma_wait3A_133] : memref<10000x16xf32, #tpu.memory_space<vmem_shared>> -> memref<625x16xf32, #tpu.memory_space<vmem_shared>>
      tpu.wait_dma2 semaphore(%run_scoped3A_130 : memref<!tpu.dma_semaphore, #tpu.memory_space<semaphore_mem>>) src(%arg4 : memref<625x16xf32, #tpu.memory_space<hbm>>) dst(%dma_wait3A_134 : memref<625x16xf32, #tpu.memory_space<vmem_shared>>)
      tpu.yield
    }) : () -> ()
    %barrier3A = arith.constant 0 : index
    tpu.barrier barrier_id(%barrier3A)
    %mul3A_3 = arith.constant 10000 : i32
    %mul3A_4 = arith.muli %add3A, %mul3A_3 : i32
    %dma_start3A = arith.constant 0 : i32
    %dma_start3A_5 = tpu.memref_slice %arg3[%dma_start3A, %mul3A_4] : memref<2x320000xi32, #tpu.memory_space<hbm>> -> memref<2x2000xi32, #tpu.memory_space<hbm>>
    %dma_start3A_6 = arith.constant 0 : i32
    %dma_start3A_7 = tpu.memref_slice %arg3[%dma_start3A_6, %mul3A_4] : memref<2x320000xi32, #tpu.memory_space<hbm>> -> memref<2x2000xi32, #tpu.memory_space<hbm>>
    tpu.enqueue_dma source(%dma_start3A_7 : memref<2x2000xi32, #tpu.memory_space<hbm>>) target(%arg7 : memref<2x2000xi32, #tpu.memory_space<vmem>>) target_semaphore(%arg12 : memref<!tpu.dma_semaphore, #tpu.memory_space<semaphore_mem>>)
    %dma_wait3A = arith.constant 0 : i32
    %dma_wait3A_8 = tpu.memref_slice %arg3[%dma_wait3A, %mul3A_4] : memref<2x320000xi32, #tpu.memory_space<hbm>> -> memref<2x2000xi32, #tpu.memory_space<hbm>>
    %dma_wait3A_9 = arith.constant 0 : i32
    %dma_wait3A_10 = tpu.memref_slice %arg3[%dma_wait3A_9, %mul3A_4] : memref<2x320000xi32, #tpu.memory_space<hbm>> -> memref<2x2000xi32, #tpu.memory_space<hbm>>
    tpu.wait_dma2 semaphore(%arg12 : memref<!tpu.dma_semaphore, #tpu.memory_space<semaphore_mem>>) src(%dma_wait3A_10 : memref<2x2000xi32, #tpu.memory_space<hbm>>) dst(%arg7 : memref<2x2000xi32, #tpu.memory_space<vmem>>)
    %dma_start3A_11 = arith.constant 0 : i32
    %dma_start3A_12 = arith.constant 0 : i32
    %dma_start3A_13 = tpu.memref_slice %arg7[%dma_start3A_11, %dma_start3A_12] : memref<2x2000xi32, #tpu.memory_space<vmem>> -> memref<1x2000xi32, #tpu.memory_space<vmem>>
    %dma_start3A_14 = tpu.memref_squeeze %dma_start3A_13 : memref<1x2000xi32, #tpu.memory_space<vmem>> -> memref<2000xi32, #tpu.memory_space<vmem>>
    %dma_start3A_15 = arith.constant 0 : i32
    %dma_start3A_16 = arith.constant 0 : i32
    %dma_start3A_17 = tpu.memref_slice %arg2[%dma_start3A_15, %dma_start3A_16] : memref<10000x16xf32, #tpu.memory_space<hbm>> -> memref<10000x16xf32, #tpu.memory_space<hbm>>
    tpu.enqueue_indirect_dma source(%dma_start3A_17 : memref<10000x16xf32, #tpu.memory_space<hbm>>) target(%arg9 : memref<2000x16xf32, #tpu.memory_space<vmem>>) offsets(%dma_start3A_14 : memref<2000xi32, #tpu.memory_space<vmem>>) semaphore(%arg14 : memref<!tpu.dma_semaphore, #tpu.memory_space<semaphore_mem>>)
    %add3A_18 = arith.constant 2000 : i32
    %add3A_19 = arith.addi %mul3A_4, %add3A_18 : i32
    %dma_start3A_20 = arith.constant 0 : i32
    %dma_start3A_21 = tpu.memref_slice %arg3[%dma_start3A_20, %add3A_19] : memref<2x320000xi32, #tpu.memory_space<hbm>> -> memref<2x2000xi32, #tpu.memory_space<hbm>>
    %dma_start3A_22 = arith.constant 0 : i32
    %dma_start3A_23 = tpu.memref_slice %arg3[%dma_start3A_22, %add3A_19] : memref<2x320000xi32, #tpu.memory_space<hbm>> -> memref<2x2000xi32, #tpu.memory_space<hbm>>
    tpu.enqueue_dma source(%dma_start3A_23 : memref<2x2000xi32, #tpu.memory_space<hbm>>) target(%arg8 : memref<2x2000xi32, #tpu.memory_space<vmem>>) target_semaphore(%arg13 : memref<!tpu.dma_semaphore, #tpu.memory_space<semaphore_mem>>)
    %dma_wait3A_24 = arith.constant 0 : i32
    %dma_wait3A_25 = tpu.memref_slice %arg3[%dma_wait3A_24, %add3A_19] : memref<2x320000xi32, #tpu.memory_space<hbm>> -> memref<2x2000xi32, #tpu.memory_space<hbm>>
    %dma_wait3A_26 = arith.constant 0 : i32
    %dma_wait3A_27 = tpu.memref_slice %arg3[%dma_wait3A_26, %add3A_19] : memref<2x320000xi32, #tpu.memory_space<hbm>> -> memref<2x2000xi32, #tpu.memory_space<hbm>>
    tpu.wait_dma2 semaphore(%arg13 : memref<!tpu.dma_semaphore, #tpu.memory_space<semaphore_mem>>) src(%dma_wait3A_27 : memref<2x2000xi32, #tpu.memory_space<hbm>>) dst(%arg8 : memref<2x2000xi32, #tpu.memory_space<vmem>>)
    %dma_start3A_28 = arith.constant 0 : i32
    %dma_start3A_29 = arith.constant 0 : i32
    %dma_start3A_30 = tpu.memref_slice %arg8[%dma_start3A_28, %dma_start3A_29] : memref<2x2000xi32, #tpu.memory_space<vmem>> -> memref<1x2000xi32, #tpu.memory_space<vmem>>
    %dma_start3A_31 = tpu.memref_squeeze %dma_start3A_30 : memref<1x2000xi32, #tpu.memory_space<vmem>> -> memref<2000xi32, #tpu.memory_space<vmem>>
    %dma_start3A_32 = arith.constant 0 : i32
    %dma_start3A_33 = arith.constant 0 : i32
    %dma_start3A_34 = tpu.memref_slice %arg2[%dma_start3A_32, %dma_start3A_33] : memref<10000x16xf32, #tpu.memory_space<hbm>> -> memref<10000x16xf32, #tpu.memory_space<hbm>>
    tpu.enqueue_indirect_dma source(%dma_start3A_34 : memref<10000x16xf32, #tpu.memory_space<hbm>>) target(%arg10 : memref<2000x16xf32, #tpu.memory_space<vmem>>) offsets(%dma_start3A_31 : memref<2000xi32, #tpu.memory_space<vmem>>) semaphore(%arg15 : memref<!tpu.dma_semaphore, #tpu.memory_space<semaphore_mem>>)
    %dma_wait3A_35 = arith.constant 0 : i32
    %dma_wait3A_36 = arith.constant 0 : i32
    %dma_wait3A_37 = tpu.memref_slice %arg7[%dma_wait3A_35, %dma_wait3A_36] : memref<2x2000xi32, #tpu.memory_space<vmem>> -> memref<1x2000xi32, #tpu.memory_space<vmem>>
    %dma_wait3A_38 = tpu.memref_squeeze %dma_wait3A_37 : memref<1x2000xi32, #tpu.memory_space<vmem>> -> memref<2000xi32, #tpu.memory_space<vmem>>
    %dma_wait3A_39 = arith.constant 0 : i32
    %dma_wait3A_40 = arith.constant 0 : i32
    %dma_wait3A_41 = tpu.memref_slice %arg2[%dma_wait3A_39, %dma_wait3A_40] : memref<10000x16xf32, #tpu.memory_space<hbm>> -> memref<10000x16xf32, #tpu.memory_space<hbm>>
    tpu.wait_indirect_dma semaphore(%arg14 : memref<!tpu.dma_semaphore, #tpu.memory_space<semaphore_mem>>) src(%dma_wait3A_41 : memref<10000x16xf32, #tpu.memory_space<hbm>>) dst(%arg9 : memref<2000x16xf32, #tpu.memory_space<vmem>>)
    %run_scoped3A = arith.constant 1 : i32
    "tpu.region"() ({
      %run_scoped3A_130 = tpu.sem_alloc : memref<!tpu.dma_semaphore, #tpu.memory_space<semaphore_mem>>
      %dma_start3A_131 = arith.constant 0 : i32
      %dma_start3A_132 = tpu.memref_slice %arg7[%run_scoped3A, %dma_start3A_131] : memref<2x2000xi32, #tpu.memory_space<vmem>> -> memref<1x2000xi32, #tpu.memory_space<vmem>>
      %dma_start3A_133 = tpu.memref_squeeze %dma_start3A_132 : memref<1x2000xi32, #tpu.memory_space<vmem>> -> memref<2000xi32, #tpu.memory_space<vmem>>
      %dma_start3A_134 = arith.constant 0 : i32
      %dma_start3A_135 = arith.constant 0 : i32
      %dma_start3A_136 = tpu.memref_slice %arg11[%dma_start3A_134, %dma_start3A_135] : memref<10000x16xf32, #tpu.memory_space<vmem_shared>> -> memref<10000x16xf32, #tpu.memory_space<vmem_shared>>
      tpu.enqueue_indirect_dma source(%arg9 : memref<2000x16xf32, #tpu.memory_space<vmem>>) target(%dma_start3A_136 : memref<10000x16xf32, #tpu.memory_space<vmem_shared>>) offsets(%dma_start3A_133 : memref<2000xi32, #tpu.memory_space<vmem>>) semaphore(%run_scoped3A_130 : memref<!tpu.dma_semaphore, #tpu.memory_space<semaphore_mem>>) {add = true}
      %dma_wait3A_137 = arith.constant 0 : i32
      %dma_wait3A_138 = tpu.memref_slice %arg7[%run_scoped3A, %dma_wait3A_137] : memref<2x2000xi32, #tpu.memory_space<vmem>> -> memref<1x2000xi32, #tpu.memory_space<vmem>>
      %dma_wait3A_139 = tpu.memref_squeeze %dma_wait3A_138 : memref<1x2000xi32, #tpu.memory_space<vmem>> -> memref<2000xi32, #tpu.memory_space<vmem>>
      %dma_wait3A_140 = arith.constant 0 : i32
      %dma_wait3A_141 = arith.constant 0 : i32
      %dma_wait3A_142 = tpu.memref_slice %arg11[%dma_wait3A_140, %dma_wait3A_141] : memref<10000x16xf32, #tpu.memory_space<vmem_shared>> -> memref<10000x16xf32, #tpu.memory_space<vmem_shared>>
      tpu.wait_indirect_dma semaphore(%run_scoped3A_130 : memref<!tpu.dma_semaphore, #tpu.memory_space<semaphore_mem>>) src(%arg9 : memref<2000x16xf32, #tpu.memory_space<vmem>>) dst(%dma_wait3A_142 : memref<10000x16xf32, #tpu.memory_space<vmem_shared>>)
      tpu.yield
    }) : () -> ()
    %add3A_42 = arith.constant 4000 : i32
    %add3A_43 = arith.addi %mul3A_4, %add3A_42 : i32
    %dma_start3A_44 = arith.constant 0 : i32
    %dma_start3A_45 = tpu.memref_slice %arg3[%dma_start3A_44, %add3A_43] : memref<2x320000xi32, #tpu.memory_space<hbm>> -> memref<2x2000xi32, #tpu.memory_space<hbm>>
    %dma_start3A_46 = arith.constant 0 : i32
    %dma_start3A_47 = tpu.memref_slice %arg3[%dma_start3A_46, %add3A_43] : memref<2x320000xi32, #tpu.memory_space<hbm>> -> memref<2x2000xi32, #tpu.memory_space<hbm>>
    tpu.enqueue_dma source(%dma_start3A_47 : memref<2x2000xi32, #tpu.memory_space<hbm>>) target(%arg7 : memref<2x2000xi32, #tpu.memory_space<vmem>>) target_semaphore(%arg12 : memref<!tpu.dma_semaphore, #tpu.memory_space<semaphore_mem>>)
    %dma_wait3A_48 = arith.constant 0 : i32
    %dma_wait3A_49 = tpu.memref_slice %arg3[%dma_wait3A_48, %add3A_43] : memref<2x320000xi32, #tpu.memory_space<hbm>> -> memref<2x2000xi32, #tpu.memory_space<hbm>>
    %dma_wait3A_50 = arith.constant 0 : i32
    %dma_wait3A_51 = tpu.memref_slice %arg3[%dma_wait3A_50, %add3A_43] : memref<2x320000xi32, #tpu.memory_space<hbm>> -> memref<2x2000xi32, #tpu.memory_space<hbm>>
    tpu.wait_dma2 semaphore(%arg12 : memref<!tpu.dma_semaphore, #tpu.memory_space<semaphore_mem>>) src(%dma_wait3A_51 : memref<2x2000xi32, #tpu.memory_space<hbm>>) dst(%arg7 : memref<2x2000xi32, #tpu.memory_space<vmem>>)
    %dma_start3A_52 = arith.constant 0 : i32
    %dma_start3A_53 = arith.constant 0 : i32
    %dma_start3A_54 = tpu.memref_slice %arg7[%dma_start3A_52, %dma_start3A_53] : memref<2x2000xi32, #tpu.memory_space<vmem>> -> memref<1x2000xi32, #tpu.memory_space<vmem>>
    %dma_start3A_55 = tpu.memref_squeeze %dma_start3A_54 : memref<1x2000xi32, #tpu.memory_space<vmem>> -> memref<2000xi32, #tpu.memory_space<vmem>>
    %dma_start3A_56 = arith.constant 0 : i32
    %dma_start3A_57 = arith.constant 0 : i32
    %dma_start3A_58 = tpu.memref_slice %arg2[%dma_start3A_56, %dma_start3A_57] : memref<10000x16xf32, #tpu.memory_space<hbm>> -> memref<10000x16xf32, #tpu.memory_space<hbm>>
    tpu.enqueue_indirect_dma source(%dma_start3A_58 : memref<10000x16xf32, #tpu.memory_space<hbm>>) target(%arg9 : memref<2000x16xf32, #tpu.memory_space<vmem>>) offsets(%dma_start3A_55 : memref<2000xi32, #tpu.memory_space<vmem>>) semaphore(%arg14 : memref<!tpu.dma_semaphore, #tpu.memory_space<semaphore_mem>>)
    %dma_wait3A_59 = arith.constant 0 : i32
    %dma_wait3A_60 = arith.constant 0 : i32
    %dma_wait3A_61 = tpu.memref_slice %arg8[%dma_wait3A_59, %dma_wait3A_60] : memref<2x2000xi32, #tpu.memory_space<vmem>> -> memref<1x2000xi32, #tpu.memory_space<vmem>>
    %dma_wait3A_62 = tpu.memref_squeeze %dma_wait3A_61 : memref<1x2000xi32, #tpu.memory_space<vmem>> -> memref<2000xi32, #tpu.memory_space<vmem>>
    %dma_wait3A_63 = arith.constant 0 : i32
    %dma_wait3A_64 = arith.constant 0 : i32
    %dma_wait3A_65 = tpu.memref_slice %arg2[%dma_wait3A_63, %dma_wait3A_64] : memref<10000x16xf32, #tpu.memory_space<hbm>> -> memref<10000x16xf32, #tpu.memory_space<hbm>>
    tpu.wait_indirect_dma semaphore(%arg15 : memref<!tpu.dma_semaphore, #tpu.memory_space<semaphore_mem>>) src(%dma_wait3A_65 : memref<10000x16xf32, #tpu.memory_space<hbm>>) dst(%arg10 : memref<2000x16xf32, #tpu.memory_space<vmem>>)
    %run_scoped3A_66 = arith.constant 1 : i32
    "tpu.region"() ({
      %run_scoped3A_130 = tpu.sem_alloc : memref<!tpu.dma_semaphore, #tpu.memory_space<semaphore_mem>>
      %dma_start3A_131 = arith.constant 0 : i32
      %dma_start3A_132 = tpu.memref_slice %arg8[%run_scoped3A_66, %dma_start3A_131] : memref<2x2000xi32, #tpu.memory_space<vmem>> -> memref<1x2000xi32, #tpu.memory_space<vmem>>
      %dma_start3A_133 = tpu.memref_squeeze %dma_start3A_132 : memref<1x2000xi32, #tpu.memory_space<vmem>> -> memref<2000xi32, #tpu.memory_space<vmem>>
      %dma_start3A_134 = arith.constant 0 : i32
      %dma_start3A_135 = arith.constant 0 : i32
      %dma_start3A_136 = tpu.memref_slice %arg11[%dma_start3A_134, %dma_start3A_135] : memref<10000x16xf32, #tpu.memory_space<vmem_shared>> -> memref<10000x16xf32, #tpu.memory_space<vmem_shared>>
      tpu.enqueue_indirect_dma source(%arg10 : memref<2000x16xf32, #tpu.memory_space<vmem>>) target(%dma_start3A_136 : memref<10000x16xf32, #tpu.memory_space<vmem_shared>>) offsets(%dma_start3A_133 : memref<2000xi32, #tpu.memory_space<vmem>>) semaphore(%run_scoped3A_130 : memref<!tpu.dma_semaphore, #tpu.memory_space<semaphore_mem>>) {add = true}
      %dma_wait3A_137 = arith.constant 0 : i32
      %dma_wait3A_138 = tpu.memref_slice %arg8[%run_scoped3A_66, %dma_wait3A_137] : memref<2x2000xi32, #tpu.memory_space<vmem>> -> memref<1x2000xi32, #tpu.memory_space<vmem>>
      %dma_wait3A_139 = tpu.memref_squeeze %dma_wait3A_138 : memref<1x2000xi32, #tpu.memory_space<vmem>> -> memref<2000xi32, #tpu.memory_space<vmem>>
      %dma_wait3A_140 = arith.constant 0 : i32
      %dma_wait3A_141 = arith.constant 0 : i32
      %dma_wait3A_142 = tpu.memref_slice %arg11[%dma_wait3A_140, %dma_wait3A_141] : memref<10000x16xf32, #tpu.memory_space<vmem_shared>> -> memref<10000x16xf32, #tpu.memory_space<vmem_shared>>
      tpu.wait_indirect_dma semaphore(%run_scoped3A_130 : memref<!tpu.dma_semaphore, #tpu.memory_space<semaphore_mem>>) src(%arg10 : memref<2000x16xf32, #tpu.memory_space<vmem>>) dst(%dma_wait3A_142 : memref<10000x16xf32, #tpu.memory_space<vmem_shared>>)
      tpu.yield
    }) : () -> ()
    %add3A_67 = arith.constant 6000 : i32
    %add3A_68 = arith.addi %mul3A_4, %add3A_67 : i32
    %dma_start3A_69 = arith.constant 0 : i32
    %dma_start3A_70 = tpu.memref_slice %arg3[%dma_start3A_69, %add3A_68] : memref<2x320000xi32, #tpu.memory_space<hbm>> -> memref<2x2000xi32, #tpu.memory_space<hbm>>
    %dma_start3A_71 = arith.constant 0 : i32
    %dma_start3A_72 = tpu.memref_slice %arg3[%dma_start3A_71, %add3A_68] : memref<2x320000xi32, #tpu.memory_space<hbm>> -> memref<2x2000xi32, #tpu.memory_space<hbm>>
    tpu.enqueue_dma source(%dma_start3A_72 : memref<2x2000xi32, #tpu.memory_space<hbm>>) target(%arg8 : memref<2x2000xi32, #tpu.memory_space<vmem>>) target_semaphore(%arg13 : memref<!tpu.dma_semaphore, #tpu.memory_space<semaphore_mem>>)
    %dma_wait3A_73 = arith.constant 0 : i32
    %dma_wait3A_74 = tpu.memref_slice %arg3[%dma_wait3A_73, %add3A_68] : memref<2x320000xi32, #tpu.memory_space<hbm>> -> memref<2x2000xi32, #tpu.memory_space<hbm>>
    %dma_wait3A_75 = arith.constant 0 : i32
    %dma_wait3A_76 = tpu.memref_slice %arg3[%dma_wait3A_75, %add3A_68] : memref<2x320000xi32, #tpu.memory_space<hbm>> -> memref<2x2000xi32, #tpu.memory_space<hbm>>
    tpu.wait_dma2 semaphore(%arg13 : memref<!tpu.dma_semaphore, #tpu.memory_space<semaphore_mem>>) src(%dma_wait3A_76 : memref<2x2000xi32, #tpu.memory_space<hbm>>) dst(%arg8 : memref<2x2000xi32, #tpu.memory_space<vmem>>)
    %dma_start3A_77 = arith.constant 0 : i32
    %dma_start3A_78 = arith.constant 0 : i32
    %dma_start3A_79 = tpu.memref_slice %arg8[%dma_start3A_77, %dma_start3A_78] : memref<2x2000xi32, #tpu.memory_space<vmem>> -> memref<1x2000xi32, #tpu.memory_space<vmem>>
    %dma_start3A_80 = tpu.memref_squeeze %dma_start3A_79 : memref<1x2000xi32, #tpu.memory_space<vmem>> -> memref<2000xi32, #tpu.memory_space<vmem>>
    %dma_start3A_81 = arith.constant 0 : i32
    %dma_start3A_82 = arith.constant 0 : i32
    %dma_start3A_83 = tpu.memref_slice %arg2[%dma_start3A_81, %dma_start3A_82] : memref<10000x16xf32, #tpu.memory_space<hbm>> -> memref<10000x16xf32, #tpu.memory_space<hbm>>
    tpu.enqueue_indirect_dma source(%dma_start3A_83 : memref<10000x16xf32, #tpu.memory_space<hbm>>) target(%arg10 : memref<2000x16xf32, #tpu.memory_space<vmem>>) offsets(%dma_start3A_80 : memref<2000xi32, #tpu.memory_space<vmem>>) semaphore(%arg15 : memref<!tpu.dma_semaphore, #tpu.memory_space<semaphore_mem>>)
    %dma_wait3A_84 = arith.constant 0 : i32
    %dma_wait3A_85 = arith.constant 0 : i32
    %dma_wait3A_86 = tpu.memref_slice %arg7[%dma_wait3A_84, %dma_wait3A_85] : memref<2x2000xi32, #tpu.memory_space<vmem>> -> memref<1x2000xi32, #tpu.memory_space<vmem>>
    %dma_wait3A_87 = tpu.memref_squeeze %dma_wait3A_86 : memref<1x2000xi32, #tpu.memory_space<vmem>> -> memref<2000xi32, #tpu.memory_space<vmem>>
    %dma_wait3A_88 = arith.constant 0 : i32
    %dma_wait3A_89 = arith.constant 0 : i32
    %dma_wait3A_90 = tpu.memref_slice %arg2[%dma_wait3A_88, %dma_wait3A_89] : memref<10000x16xf32, #tpu.memory_space<hbm>> -> memref<10000x16xf32, #tpu.memory_space<hbm>>
    tpu.wait_indirect_dma semaphore(%arg14 : memref<!tpu.dma_semaphore, #tpu.memory_space<semaphore_mem>>) src(%dma_wait3A_90 : memref<10000x16xf32, #tpu.memory_space<hbm>>) dst(%arg9 : memref<2000x16xf32, #tpu.memory_space<vmem>>)
    %run_scoped3A_91 = arith.constant 1 : i32
    "tpu.region"() ({
      %run_scoped3A_130 = tpu.sem_alloc : memref<!tpu.dma_semaphore, #tpu.memory_space<semaphore_mem>>
      %dma_start3A_131 = arith.constant 0 : i32
      %dma_start3A_132 = tpu.memref_slice %arg7[%run_scoped3A_91, %dma_start3A_131] : memref<2x2000xi32, #tpu.memory_space<vmem>> -> memref<1x2000xi32, #tpu.memory_space<vmem>>
      %dma_start3A_133 = tpu.memref_squeeze %dma_start3A_132 : memref<1x2000xi32, #tpu.memory_space<vmem>> -> memref<2000xi32, #tpu.memory_space<vmem>>
      %dma_start3A_134 = arith.constant 0 : i32
      %dma_start3A_135 = arith.constant 0 : i32
      %dma_start3A_136 = tpu.memref_slice %arg11[%dma_start3A_134, %dma_start3A_135] : memref<10000x16xf32, #tpu.memory_space<vmem_shared>> -> memref<10000x16xf32, #tpu.memory_space<vmem_shared>>
      tpu.enqueue_indirect_dma source(%arg9 : memref<2000x16xf32, #tpu.memory_space<vmem>>) target(%dma_start3A_136 : memref<10000x16xf32, #tpu.memory_space<vmem_shared>>) offsets(%dma_start3A_133 : memref<2000xi32, #tpu.memory_space<vmem>>) semaphore(%run_scoped3A_130 : memref<!tpu.dma_semaphore, #tpu.memory_space<semaphore_mem>>) {add = true}
      %dma_wait3A_137 = arith.constant 0 : i32
      %dma_wait3A_138 = tpu.memref_slice %arg7[%run_scoped3A_91, %dma_wait3A_137] : memref<2x2000xi32, #tpu.memory_space<vmem>> -> memref<1x2000xi32, #tpu.memory_space<vmem>>
      %dma_wait3A_139 = tpu.memref_squeeze %dma_wait3A_138 : memref<1x2000xi32, #tpu.memory_space<vmem>> -> memref<2000xi32, #tpu.memory_space<vmem>>
      %dma_wait3A_140 = arith.constant 0 : i32
      %dma_wait3A_141 = arith.constant 0 : i32
      %dma_wait3A_142 = tpu.memref_slice %arg11[%dma_wait3A_140, %dma_wait3A_141] : memref<10000x16xf32, #tpu.memory_space<vmem_shared>> -> memref<10000x16xf32, #tpu.memory_space<vmem_shared>>
      tpu.wait_indirect_dma semaphore(%run_scoped3A_130 : memref<!tpu.dma_semaphore, #tpu.memory_space<semaphore_mem>>) src(%arg9 : memref<2000x16xf32, #tpu.memory_space<vmem>>) dst(%dma_wait3A_142 : memref<10000x16xf32, #tpu.memory_space<vmem_shared>>)
      tpu.yield
    }) : () -> ()
    %add3A_92 = arith.constant 8000 : i32
    %add3A_93 = arith.addi %mul3A_4, %add3A_92 : i32
    %dma_start3A_94 = arith.constant 0 : i32
    %dma_start3A_95 = tpu.memref_slice %arg3[%dma_start3A_94, %add3A_93] : memref<2x320000xi32, #tpu.memory_space<hbm>> -> memref<2x2000xi32, #tpu.memory_space<hbm>>
    %dma_start3A_96 = arith.constant 0 : i32
    %dma_start3A_97 = tpu.memref_slice %arg3[%dma_start3A_96, %add3A_93] : memref<2x320000xi32, #tpu.memory_space<hbm>> -> memref<2x2000xi32, #tpu.memory_space<hbm>>
    tpu.enqueue_dma source(%dma_start3A_97 : memref<2x2000xi32, #tpu.memory_space<hbm>>) target(%arg7 : memref<2x2000xi32, #tpu.memory_space<vmem>>) target_semaphore(%arg12 : memref<!tpu.dma_semaphore, #tpu.memory_space<semaphore_mem>>)
    %dma_wait3A_98 = arith.constant 0 : i32
    %dma_wait3A_99 = tpu.memref_slice %arg3[%dma_wait3A_98, %add3A_93] : memref<2x320000xi32, #tpu.memory_space<hbm>> -> memref<2x2000xi32, #tpu.memory_space<hbm>>
    %dma_wait3A_100 = arith.constant 0 : i32
    %dma_wait3A_101 = tpu.memref_slice %arg3[%dma_wait3A_100, %add3A_93] : memref<2x320000xi32, #tpu.memory_space<hbm>> -> memref<2x2000xi32, #tpu.memory_space<hbm>>
    tpu.wait_dma2 semaphore(%arg12 : memref<!tpu.dma_semaphore, #tpu.memory_space<semaphore_mem>>) src(%dma_wait3A_101 : memref<2x2000xi32, #tpu.memory_space<hbm>>) dst(%arg7 : memref<2x2000xi32, #tpu.memory_space<vmem>>)
    %dma_start3A_102 = arith.constant 0 : i32
    %dma_start3A_103 = arith.constant 0 : i32
    %dma_start3A_104 = tpu.memref_slice %arg7[%dma_start3A_102, %dma_start3A_103] : memref<2x2000xi32, #tpu.memory_space<vmem>> -> memref<1x2000xi32, #tpu.memory_space<vmem>>
    %dma_start3A_105 = tpu.memref_squeeze %dma_start3A_104 : memref<1x2000xi32, #tpu.memory_space<vmem>> -> memref<2000xi32, #tpu.memory_space<vmem>>
    %dma_start3A_106 = arith.constant 0 : i32
    %dma_start3A_107 = arith.constant 0 : i32
    %dma_start3A_108 = tpu.memref_slice %arg2[%dma_start3A_106, %dma_start3A_107] : memref<10000x16xf32, #tpu.memory_space<hbm>> -> memref<10000x16xf32, #tpu.memory_space<hbm>>
    tpu.enqueue_indirect_dma source(%dma_start3A_108 : memref<10000x16xf32, #tpu.memory_space<hbm>>) target(%arg9 : memref<2000x16xf32, #tpu.memory_space<vmem>>) offsets(%dma_start3A_105 : memref<2000xi32, #tpu.memory_space<vmem>>) semaphore(%arg14 : memref<!tpu.dma_semaphore, #tpu.memory_space<semaphore_mem>>)
    %dma_wait3A_109 = arith.constant 0 : i32
    %dma_wait3A_110 = arith.constant 0 : i32
    %dma_wait3A_111 = tpu.memref_slice %arg8[%dma_wait3A_109, %dma_wait3A_110] : memref<2x2000xi32, #tpu.memory_space<vmem>> -> memref<1x2000xi32, #tpu.memory_space<vmem>>
    %dma_wait3A_112 = tpu.memref_squeeze %dma_wait3A_111 : memref<1x2000xi32, #tpu.memory_space<vmem>> -> memref<2000xi32, #tpu.memory_space<vmem>>
    %dma_wait3A_113 = arith.constant 0 : i32
    %dma_wait3A_114 = arith.constant 0 : i32
    %dma_wait3A_115 = tpu.memref_slice %arg2[%dma_wait3A_113, %dma_wait3A_114] : memref<10000x16xf32, #tpu.memory_space<hbm>> -> memref<10000x16xf32, #tpu.memory_space<hbm>>
    tpu.wait_indirect_dma semaphore(%arg15 : memref<!tpu.dma_semaphore, #tpu.memory_space<semaphore_mem>>) src(%dma_wait3A_115 : memref<10000x16xf32, #tpu.memory_space<hbm>>) dst(%arg10 : memref<2000x16xf32, #tpu.memory_space<vmem>>)
    %run_scoped3A_116 = arith.constant 1 : i32
    "tpu.region"() ({
      %run_scoped3A_130 = tpu.sem_alloc : memref<!tpu.dma_semaphore, #tpu.memory_space<semaphore_mem>>
      %dma_start3A_131 = arith.constant 0 : i32
      %dma_start3A_132 = tpu.memref_slice %arg8[%run_scoped3A_116, %dma_start3A_131] : memref<2x2000xi32, #tpu.memory_space<vmem>> -> memref<1x2000xi32, #tpu.memory_space<vmem>>
      %dma_start3A_133 = tpu.memref_squeeze %dma_start3A_132 : memref<1x2000xi32, #tpu.memory_space<vmem>> -> memref<2000xi32, #tpu.memory_space<vmem>>
      %dma_start3A_134 = arith.constant 0 : i32
      %dma_start3A_135 = arith.constant 0 : i32
      %dma_start3A_136 = tpu.memref_slice %arg11[%dma_start3A_134, %dma_start3A_135] : memref<10000x16xf32, #tpu.memory_space<vmem_shared>> -> memref<10000x16xf32, #tpu.memory_space<vmem_shared>>
      tpu.enqueue_indirect_dma source(%arg10 : memref<2000x16xf32, #tpu.memory_space<vmem>>) target(%dma_start3A_136 : memref<10000x16xf32, #tpu.memory_space<vmem_shared>>) offsets(%dma_start3A_133 : memref<2000xi32, #tpu.memory_space<vmem>>) semaphore(%run_scoped3A_130 : memref<!tpu.dma_semaphore, #tpu.memory_space<semaphore_mem>>) {add = true}
      %dma_wait3A_137 = arith.constant 0 : i32
      %dma_wait3A_138 = tpu.memref_slice %arg8[%run_scoped3A_116, %dma_wait3A_137] : memref<2x2000xi32, #tpu.memory_space<vmem>> -> memref<1x2000xi32, #tpu.memory_space<vmem>>
      %dma_wait3A_139 = tpu.memref_squeeze %dma_wait3A_138 : memref<1x2000xi32, #tpu.memory_space<vmem>> -> memref<2000xi32, #tpu.memory_space<vmem>>
      %dma_wait3A_140 = arith.constant 0 : i32
      %dma_wait3A_141 = arith.constant 0 : i32
      %dma_wait3A_142 = tpu.memref_slice %arg11[%dma_wait3A_140, %dma_wait3A_141] : memref<10000x16xf32, #tpu.memory_space<vmem_shared>> -> memref<10000x16xf32, #tpu.memory_space<vmem_shared>>
      tpu.wait_indirect_dma semaphore(%run_scoped3A_130 : memref<!tpu.dma_semaphore, #tpu.memory_space<semaphore_mem>>) src(%arg10 : memref<2000x16xf32, #tpu.memory_space<vmem>>) dst(%dma_wait3A_142 : memref<10000x16xf32, #tpu.memory_space<vmem_shared>>)
      tpu.yield
    }) : () -> ()
    %dma_wait3A_117 = arith.constant 0 : i32
    %dma_wait3A_118 = arith.constant 0 : i32
    %dma_wait3A_119 = tpu.memref_slice %arg7[%dma_wait3A_117, %dma_wait3A_118] : memref<2x2000xi32, #tpu.memory_space<vmem>> -> memref<1x2000xi32, #tpu.memory_space<vmem>>
    %dma_wait3A_120 = tpu.memref_squeeze %dma_wait3A_119 : memref<1x2000xi32, #tpu.memory_space<vmem>> -> memref<2000xi32, #tpu.memory_space<vmem>>
    %dma_wait3A_121 = arith.constant 0 : i32
    %dma_wait3A_122 = arith.constant 0 : i32
    %dma_wait3A_123 = tpu.memref_slice %arg2[%dma_wait3A_121, %dma_wait3A_122] : memref<10000x16xf32, #tpu.memory_space<hbm>> -> memref<10000x16xf32, #tpu.memory_space<hbm>>
    tpu.wait_indirect_dma semaphore(%arg14 : memref<!tpu.dma_semaphore, #tpu.memory_space<semaphore_mem>>) src(%dma_wait3A_123 : memref<10000x16xf32, #tpu.memory_space<hbm>>) dst(%arg9 : memref<2000x16xf32, #tpu.memory_space<vmem>>)
    %run_scoped3A_124 = arith.constant 1 : i32
    "tpu.region"() ({
      %run_scoped3A_130 = tpu.sem_alloc : memref<!tpu.dma_semaphore, #tpu.memory_space<semaphore_mem>>
      %dma_start3A_131 = arith.constant 0 : i32
      %dma_start3A_132 = tpu.memref_slice %arg7[%run_scoped3A_124, %dma_start3A_131] : memref<2x2000xi32, #tpu.memory_space<vmem>> -> memref<1x2000xi32, #tpu.memory_space<vmem>>
      %dma_start3A_133 = tpu.memref_squeeze %dma_start3A_132 : memref<1x2000xi32, #tpu.memory_space<vmem>> -> memref<2000xi32, #tpu.memory_space<vmem>>
      %dma_start3A_134 = arith.constant 0 : i32
      %dma_start3A_135 = arith.constant 0 : i32
      %dma_start3A_136 = tpu.memref_slice %arg11[%dma_start3A_134, %dma_start3A_135] : memref<10000x16xf32, #tpu.memory_space<vmem_shared>> -> memref<10000x16xf32, #tpu.memory_space<vmem_shared>>
      tpu.enqueue_indirect_dma source(%arg9 : memref<2000x16xf32, #tpu.memory_space<vmem>>) target(%dma_start3A_136 : memref<10000x16xf32, #tpu.memory_space<vmem_shared>>) offsets(%dma_start3A_133 : memref<2000xi32, #tpu.memory_space<vmem>>) semaphore(%run_scoped3A_130 : memref<!tpu.dma_semaphore, #tpu.memory_space<semaphore_mem>>) {add = true}
      %dma_wait3A_137 = arith.constant 0 : i32
      %dma_wait3A_138 = tpu.memref_slice %arg7[%run_scoped3A_124, %dma_wait3A_137] : memref<2x2000xi32, #tpu.memory_space<vmem>> -> memref<1x2000xi32, #tpu.memory_space<vmem>>
      %dma_wait3A_139 = tpu.memref_squeeze %dma_wait3A_138 : memref<1x2000xi32, #tpu.memory_space<vmem>> -> memref<2000xi32, #tpu.memory_space<vmem>>
      %dma_wait3A_140 = arith.constant 0 : i32
      %dma_wait3A_141 = arith.constant 0 : i32
      %dma_wait3A_142 = tpu.memref_slice %arg11[%dma_wait3A_140, %dma_wait3A_141] : memref<10000x16xf32, #tpu.memory_space<vmem_shared>> -> memref<10000x16xf32, #tpu.memory_space<vmem_shared>>
      tpu.wait_indirect_dma semaphore(%run_scoped3A_130 : memref<!tpu.dma_semaphore, #tpu.memory_space<semaphore_mem>>) src(%arg9 : memref<2000x16xf32, #tpu.memory_space<vmem>>) dst(%dma_wait3A_142 : memref<10000x16xf32, #tpu.memory_space<vmem_shared>>)
      tpu.yield
    }) : () -> ()
    %barrier3A_125 = arith.constant 0 : index
    tpu.barrier barrier_id(%barrier3A_125)
    %mul3A_126 = arith.constant 625 : i32
    %mul3A_127 = arith.muli %arg1, %mul3A_126 : i32
    %mul3A_128 = arith.constant 625 : i32
    %mul3A_129 = arith.muli %arg1, %mul3A_128 : i32
    "tpu.region"() ({
      %run_scoped3A_130 = tpu.sem_alloc : memref<!tpu.dma_semaphore, #tpu.memory_space<semaphore_mem>>
      %dma_start3A_131 = arith.constant 0 : i32
      %dma_start3A_132 = tpu.memref_slice %arg6[%arg0, %mul3A_129, %dma_start3A_131] : memref<2x10000x16xf32, #tpu.memory_space<hbm>> -> memref<1x625x16xf32, #tpu.memory_space<hbm>>
      %dma_start3A_133 = tpu.memref_squeeze %dma_start3A_132 : memref<1x625x16xf32, #tpu.memory_space<hbm>> -> memref<625x16xf32, #tpu.memory_space<hbm>>
      %dma_start3A_134 = arith.constant 0 : i32
      %dma_start3A_135 = tpu.memref_slice %arg11[%mul3A_127, %dma_start3A_134] : memref<10000x16xf32, #tpu.memory_space<vmem_shared>> -> memref<625x16xf32, #tpu.memory_space<vmem_shared>>
      tpu.enqueue_dma source(%dma_start3A_135 : memref<625x16xf32, #tpu.memory_space<vmem_shared>>) target(%dma_start3A_133 : memref<625x16xf32, #tpu.memory_space<hbm>>) target_semaphore(%run_scoped3A_130 : memref<!tpu.dma_semaphore, #tpu.memory_space<semaphore_mem>>)
      %dma_wait3A_136 = arith.constant 0 : i32
      %dma_wait3A_137 = tpu.memref_slice %arg6[%arg0, %mul3A_129, %dma_wait3A_136] : memref<2x10000x16xf32, #tpu.memory_space<hbm>> -> memref<1x625x16xf32, #tpu.memory_space<hbm>>
      %dma_wait3A_138 = tpu.memref_squeeze %dma_wait3A_137 : memref<1x625x16xf32, #tpu.memory_space<hbm>> -> memref<625x16xf32, #tpu.memory_space<hbm>>
      %dma_wait3A_139 = arith.constant 0 : i32
      %dma_wait3A_140 = tpu.memref_slice %arg11[%mul3A_127, %dma_wait3A_139] : memref<10000x16xf32, #tpu.memory_space<vmem_shared>> -> memref<625x16xf32, #tpu.memory_space<vmem_shared>>
      tpu.wait_dma2 semaphore(%run_scoped3A_130 : memref<!tpu.dma_semaphore, #tpu.memory_space<semaphore_mem>>) src(%dma_wait3A_140 : memref<625x16xf32, #tpu.memory_space<vmem_shared>>) dst(%dma_wait3A_138 : memref<625x16xf32, #tpu.memory_space<hbm>>)
      tpu.yield
    }) : () -> ()
    return
  }
}

module attributes {stable_mosaic.version = 14 : i64} {
  func.func @body(%arg0: i32, %arg1: memref<1000x128xf32, #tpu.memory_space<vmem>>, %arg2: memref<128x16xf32, #tpu.memory_space<vmem>>, %arg3: memref<128x16xf32, #tpu.memory_space<vmem>>, %arg4: memref<1x16xf32, #tpu.memory_space<vmem>>, %arg5: memref<1000x16xf32, #tpu.memory_space<vmem>>, %arg6: memref<1000x16xf32, #tpu.memory_space<vmem>>) attributes {dimension_semantics = [#tpu.dimension_semantics<arbitrary>], iteration_bounds = array<i64: 10>, scalar_prefetch = 0 : i64, scratch_operands = 0 : i64, tpu.core_type = #tpu.core_type<tc>, window_params = [{transform_indices = @transform_0, window_bounds = array<i64: 1000, 128>}, {pipeline_mode = #tpu.pipeline_mode<synchronous>, transform_indices = @transform_1, window_bounds = array<i64: 128, 16>}, {pipeline_mode = #tpu.pipeline_mode<synchronous>, transform_indices = @transform_2, window_bounds = array<i64: 128, 16>}, {pipeline_mode = #tpu.pipeline_mode<synchronous>, transform_indices = @transform_3, window_bounds = array<i64: 1, 16>}, {transform_indices = @transform_4, window_bounds = array<i64: 1000, 16>}, {transform_indices = @transform_5, window_bounds = array<i64: 1000, 16>}]} {
    %get3A = arith.constant 0 : index
    %get3A_0 = arith.constant 0 : index
    %get3A_1 = vector.load %arg1[%get3A, %get3A_0] : memref<1000x128xf32, #tpu.memory_space<vmem>>, vector<1000x128xf32>
    %get3A_2 = arith.constant 0 : index
    %get3A_3 = arith.constant 0 : index
    %get3A_4 = vector.load %arg2[%get3A_2, %get3A_3] : memref<128x16xf32, #tpu.memory_space<vmem>>, vector<128x16xf32>
    %dot_general3A = arith.constant dense<0.000000e+00> : vector<1000x16xf32>
    %dot_general3A_5 = tpu.matmul %get3A_1, %get3A_4, %dot_general3A {dimension_numbers = #tpu.dot_dimension_numbers<[1], [0], [0], [1], [0, 0, 1, 1], [], []>, transpose_lhs_hint = false} : vector<1000x128xf32>, vector<128x16xf32>, vector<1000x16xf32> -> vector<1000x16xf32>
    %swap3A = arith.constant 0 : index
    %swap3A_6 = arith.constant 0 : index
    %swap3A_7 = vector.load %arg5[%swap3A, %swap3A_6] : memref<1000x16xf32, #tpu.memory_space<vmem>>, vector<1000x16xf32>
    tpu.vector_store %arg5[%swap3A, %swap3A_6], %dot_general3A_5 {strides = array<i32>} : memref<1000x16xf32, #tpu.memory_space<vmem>>, vector<1000x16xf32>,
    %get3A_8 = arith.constant 0 : index
    %get3A_9 = arith.constant 0 : index
    %get3A_10 = vector.load %arg3[%get3A_8, %get3A_9] : memref<128x16xf32, #tpu.memory_space<vmem>>, vector<128x16xf32>
    %dot_general3A_11 = arith.constant dense<0.000000e+00> : vector<1000x16xf32>
    %dot_general3A_12 = tpu.matmul %get3A_1, %get3A_10, %dot_general3A_11 {dimension_numbers = #tpu.dot_dimension_numbers<[1], [0], [0], [1], [0, 0, 1, 1], [], []>, transpose_lhs_hint = false} : vector<1000x128xf32>, vector<128x16xf32>, vector<1000x16xf32> -> vector<1000x16xf32>
    %get3A_13 = arith.constant 0 : index
    %get3A_14 = arith.constant 0 : index
    %get3A_15 = vector.load %arg4[%get3A_13, %get3A_14] : memref<1x16xf32, #tpu.memory_space<vmem>>, vector<1x16xf32>
    %add3A = vector.broadcast %get3A_15 : vector<1x16xf32> to vector<1000x16xf32>
    %add3A_16 = arith.addf %dot_general3A_12, %add3A : vector<1000x16xf32>
    %swap3A_17 = arith.constant 0 : index
    %swap3A_18 = arith.constant 0 : index
    %swap3A_19 = vector.load %arg6[%swap3A_17, %swap3A_18] : memref<1000x16xf32, #tpu.memory_space<vmem>>, vector<1000x16xf32>
    tpu.vector_store %arg6[%swap3A_17, %swap3A_18], %add3A_16 {strides = array<i32>} : memref<1000x16xf32, #tpu.memory_space<vmem>>, vector<1000x16xf32>,
    return
  }
  func.func @transform_0(%arg0: i32) -> (i32, i32) {
    %c0_i32 = arith.constant 0 : i32
    %c0_i32_0 = arith.constant 0 : i32
    return %arg0, %c0_i32 : i32, i32
  }
  func.func @transform_1(%arg0: i32) -> (i32, i32) {
    %c0_i32 = arith.constant 0 : i32
    %c0_i32_0 = arith.constant 0 : i32
    %c0_i32_1 = arith.constant 0 : i32
    return %c0_i32, %c0_i32_0 : i32, i32
  }
  func.func @transform_2(%arg0: i32) -> (i32, i32) {
    %c0_i32 = arith.constant 0 : i32
    %c0_i32_0 = arith.constant 0 : i32
    %c0_i32_1 = arith.constant 0 : i32
    return %c0_i32, %c0_i32_0 : i32, i32
  }
  func.func @transform_3(%arg0: i32) -> (i32, i32) {
    %c0_i32 = arith.constant 0 : i32
    %c0_i32_0 = arith.constant 0 : i32
    %c0_i32_1 = arith.constant 0 : i32
    return %c0_i32, %c0_i32_0 : i32, i32
  }
  func.func @transform_4(%arg0: i32) -> (i32, i32) {
    %c0_i32 = arith.constant 0 : i32
    %c0_i32_0 = arith.constant 0 : i32
    return %arg0, %c0_i32 : i32, i32
  }
  func.func @transform_5(%arg0: i32) -> (i32, i32) {
    %c0_i32 = arith.constant 0 : i32
    %c0_i32_0 = arith.constant 0 : i32
    return %arg0, %c0_i32 : i32, i32
  }
}

module attributes {stable_mosaic.version = 14 : i64} {
  func.func @body(%arg0: i32, %arg1: memref<1000x16xf32, #tpu.memory_space<vmem>>, %arg2: memref<1000x16xf32, #tpu.memory_space<vmem>>, %arg3: memref<1000x1xf32, #tpu.memory_space<vmem>>, %arg4: memref<1000x1xf32, #tpu.memory_space<vmem>>, %arg5: memref<1000x16xf32, #tpu.memory_space<vmem>>, %arg6: memref<16x16xf32, #tpu.memory_space<vmem>>, %arg7: memref<16x16xf32, #tpu.memory_space<vmem>>, %arg8: memref<1x16xf32, #tpu.memory_space<vmem>>, %arg9: memref<1000x16xf32, #tpu.memory_space<vmem>>, %arg10: memref<1000x16xf32, #tpu.memory_space<vmem>>) attributes {dimension_semantics = [#tpu.dimension_semantics<arbitrary>], iteration_bounds = array<i64: 10>, scalar_prefetch = 0 : i64, scratch_operands = 0 : i64, tpu.core_type = #tpu.core_type<tc>, window_params = [{transform_indices = @transform_0, window_bounds = array<i64: 1000, 16>}, {transform_indices = @transform_1, window_bounds = array<i64: 1000, 16>}, {transform_indices = @transform_2, window_bounds = array<i64: 1000, 1>}, {transform_indices = @transform_3, window_bounds = array<i64: 1000, 1>}, {transform_indices = @transform_4, window_bounds = array<i64: 1000, 16>}, {pipeline_mode = #tpu.pipeline_mode<synchronous>, transform_indices = @transform_5, window_bounds = array<i64: 16, 16>}, {pipeline_mode = #tpu.pipeline_mode<synchronous>, transform_indices = @transform_6, window_bounds = array<i64: 16, 16>}, {pipeline_mode = #tpu.pipeline_mode<synchronous>, transform_indices = @transform_7, window_bounds = array<i64: 1, 16>}, {transform_indices = @transform_8, window_bounds = array<i64: 1000, 16>}, {transform_indices = @transform_9, window_bounds = array<i64: 1000, 16>}]} {
    %get3A = arith.constant 0 : index
    %get3A_0 = arith.constant 0 : index
    %get3A_1 = vector.load %arg3[%get3A, %get3A_0] : memref<1000x1xf32, #tpu.memory_space<vmem>>, vector<1000x1xf32>
    %get3A_2 = arith.constant 0 : index
    %get3A_3 = arith.constant 0 : index
    %get3A_4 = vector.load %arg4[%get3A_2, %get3A_3] : memref<1000x1xf32, #tpu.memory_space<vmem>>, vector<1000x1xf32>
    %add3A = arith.addf %get3A_1, %get3A_4 : vector<1000x1xf32>
    %max3A = arith.constant 1.000000e+00 : f32
    %max3A_5 = vector.broadcast %max3A : f32 to vector<1000x1xf32>
    %max3A_6 = arith.maximumf %add3A, %max3A_5 : vector<1000x1xf32>
    %get3A_7 = arith.constant 0 : index
    %get3A_8 = arith.constant 0 : index
    %get3A_9 = vector.load %arg1[%get3A_7, %get3A_8] : memref<1000x16xf32, #tpu.memory_space<vmem>>, vector<1000x16xf32>
    %get3A_10 = arith.constant 0 : index
    %get3A_11 = arith.constant 0 : index
    %get3A_12 = vector.load %arg2[%get3A_10, %get3A_11] : memref<1000x16xf32, #tpu.memory_space<vmem>>, vector<1000x16xf32>
    %add3A_13 = arith.addf %get3A_9, %get3A_12 : vector<1000x16xf32>
    %div3A = vector.broadcast %max3A_6 : vector<1000x1xf32> to vector<1000x16xf32>
    %div3A_14 = arith.divf %add3A_13, %div3A : vector<1000x16xf32>
    %get3A_15 = arith.constant 0 : index
    %get3A_16 = arith.constant 0 : index
    %get3A_17 = vector.load %arg5[%get3A_15, %get3A_16] : memref<1000x16xf32, #tpu.memory_space<vmem>>, vector<1000x16xf32>
    %add3A_18 = arith.addf %div3A_14, %get3A_17 : vector<1000x16xf32>
    %max3A_19 = arith.constant 0.000000e+00 : f32
    %max3A_20 = vector.broadcast %max3A_19 : f32 to vector<1000x16xf32>
    %max3A_21 = arith.maximumf %add3A_18, %max3A_20 : vector<1000x16xf32>
    %get3A_22 = arith.constant 0 : index
    %get3A_23 = arith.constant 0 : index
    %get3A_24 = vector.load %arg6[%get3A_22, %get3A_23] : memref<16x16xf32, #tpu.memory_space<vmem>>, vector<16x16xf32>
    %dot_general3A = arith.constant dense<0.000000e+00> : vector<1000x16xf32>
    %dot_general3A_25 = tpu.matmul %max3A_21, %get3A_24, %dot_general3A {dimension_numbers = #tpu.dot_dimension_numbers<[1], [0], [0], [1], [0, 0, 1, 1], [], []>, transpose_lhs_hint = false} : vector<1000x16xf32>, vector<16x16xf32>, vector<1000x16xf32> -> vector<1000x16xf32>
    %swap3A = arith.constant 0 : index
    %swap3A_26 = arith.constant 0 : index
    %swap3A_27 = vector.load %arg9[%swap3A, %swap3A_26] : memref<1000x16xf32, #tpu.memory_space<vmem>>, vector<1000x16xf32>
    tpu.vector_store %arg9[%swap3A, %swap3A_26], %dot_general3A_25 {strides = array<i32>} : memref<1000x16xf32, #tpu.memory_space<vmem>>, vector<1000x16xf32>,
    %get3A_28 = arith.constant 0 : index
    %get3A_29 = arith.constant 0 : index
    %get3A_30 = vector.load %arg7[%get3A_28, %get3A_29] : memref<16x16xf32, #tpu.memory_space<vmem>>, vector<16x16xf32>
    %dot_general3A_31 = arith.constant dense<0.000000e+00> : vector<1000x16xf32>
    %dot_general3A_32 = tpu.matmul %max3A_21, %get3A_30, %dot_general3A_31 {dimension_numbers = #tpu.dot_dimension_numbers<[1], [0], [0], [1], [0, 0, 1, 1], [], []>, transpose_lhs_hint = false} : vector<1000x16xf32>, vector<16x16xf32>, vector<1000x16xf32> -> vector<1000x16xf32>
    %get3A_33 = arith.constant 0 : index
    %get3A_34 = arith.constant 0 : index
    %get3A_35 = vector.load %arg8[%get3A_33, %get3A_34] : memref<1x16xf32, #tpu.memory_space<vmem>>, vector<1x16xf32>
    %add3A_36 = vector.broadcast %get3A_35 : vector<1x16xf32> to vector<1000x16xf32>
    %add3A_37 = arith.addf %dot_general3A_32, %add3A_36 : vector<1000x16xf32>
    %swap3A_38 = arith.constant 0 : index
    %swap3A_39 = arith.constant 0 : index
    %swap3A_40 = vector.load %arg10[%swap3A_38, %swap3A_39] : memref<1000x16xf32, #tpu.memory_space<vmem>>, vector<1000x16xf32>
    tpu.vector_store %arg10[%swap3A_38, %swap3A_39], %add3A_37 {strides = array<i32>} : memref<1000x16xf32, #tpu.memory_space<vmem>>, vector<1000x16xf32>,
    return
  }
  func.func @transform_0(%arg0: i32) -> (i32, i32) {
    %c0_i32 = arith.constant 0 : i32
    %c0_i32_0 = arith.constant 0 : i32
    return %arg0, %c0_i32 : i32, i32
  }
  func.func @transform_1(%arg0: i32) -> (i32, i32) {
    %c0_i32 = arith.constant 0 : i32
    %c0_i32_0 = arith.constant 0 : i32
    return %arg0, %c0_i32 : i32, i32
  }
  func.func @transform_2(%arg0: i32) -> (i32, i32) {
    %c0_i32 = arith.constant 0 : i32
    %c0_i32_0 = arith.constant 0 : i32
    return %arg0, %c0_i32 : i32, i32
  }
  func.func @transform_3(%arg0: i32) -> (i32, i32) {
    %c0_i32 = arith.constant 0 : i32
    %c0_i32_0 = arith.constant 0 : i32
    return %arg0, %c0_i32 : i32, i32
  }
  func.func @transform_4(%arg0: i32) -> (i32, i32) {
    %c0_i32 = arith.constant 0 : i32
    %c0_i32_0 = arith.constant 0 : i32
    return %arg0, %c0_i32 : i32, i32
  }
  func.func @transform_5(%arg0: i32) -> (i32, i32) {
    %c0_i32 = arith.constant 0 : i32
    %c0_i32_0 = arith.constant 0 : i32
    %c0_i32_1 = arith.constant 0 : i32
    return %c0_i32, %c0_i32_0 : i32, i32
  }
  func.func @transform_6(%arg0: i32) -> (i32, i32) {
    %c0_i32 = arith.constant 0 : i32
    %c0_i32_0 = arith.constant 0 : i32
    %c0_i32_1 = arith.constant 0 : i32
    return %c0_i32, %c0_i32_0 : i32, i32
  }
  func.func @transform_7(%arg0: i32) -> (i32, i32) {
    %c0_i32 = arith.constant 0 : i32
    %c0_i32_0 = arith.constant 0 : i32
    %c0_i32_1 = arith.constant 0 : i32
    return %c0_i32, %c0_i32_0 : i32, i32
  }
  func.func @transform_8(%arg0: i32) -> (i32, i32) {
    %c0_i32 = arith.constant 0 : i32
    %c0_i32_0 = arith.constant 0 : i32
    return %arg0, %c0_i32 : i32, i32
  }
  func.func @transform_9(%arg0: i32) -> (i32, i32) {
    %c0_i32 = arith.constant 0 : i32
    %c0_i32_0 = arith.constant 0 : i32
    return %arg0, %c0_i32 : i32, i32
  }
}

module attributes {stable_mosaic.version = 14 : i64} {
  func.func @body(%arg0: i32, %arg1: memref<1000x16xf32, #tpu.memory_space<vmem>>, %arg2: memref<1000x16xf32, #tpu.memory_space<vmem>>, %arg3: memref<1000x1xf32, #tpu.memory_space<vmem>>, %arg4: memref<1000x1xf32, #tpu.memory_space<vmem>>, %arg5: memref<1000x16xf32, #tpu.memory_space<vmem>>, %arg6: memref<32x4xf32, #tpu.memory_space<vmem>>, %arg7: memref<1x4xf32, #tpu.memory_space<vmem>>, %arg8: memref<1000x8xf32, #tpu.memory_space<vmem>>) attributes {dimension_semantics = [#tpu.dimension_semantics<arbitrary>], iteration_bounds = array<i64: 10>, scalar_prefetch = 0 : i64, scratch_operands = 0 : i64, tpu.core_type = #tpu.core_type<tc>, window_params = [{transform_indices = @transform_0, window_bounds = array<i64: 1000, 16>}, {transform_indices = @transform_1, window_bounds = array<i64: 1000, 16>}, {transform_indices = @transform_2, window_bounds = array<i64: 1000, 1>}, {transform_indices = @transform_3, window_bounds = array<i64: 1000, 1>}, {transform_indices = @transform_4, window_bounds = array<i64: 1000, 16>}, {pipeline_mode = #tpu.pipeline_mode<synchronous>, transform_indices = @transform_5, window_bounds = array<i64: 32, 4>}, {pipeline_mode = #tpu.pipeline_mode<synchronous>, transform_indices = @transform_6, window_bounds = array<i64: 1, 4>}, {transform_indices = @transform_7, window_bounds = array<i64: 1000, 8>}]} {
    %get3A = arith.constant 0 : index
    %get3A_0 = arith.constant 0 : index
    %get3A_1 = vector.load %arg3[%get3A, %get3A_0] : memref<1000x1xf32, #tpu.memory_space<vmem>>, vector<1000x1xf32>
    %get3A_2 = arith.constant 0 : index
    %get3A_3 = arith.constant 0 : index
    %get3A_4 = vector.load %arg4[%get3A_2, %get3A_3] : memref<1000x1xf32, #tpu.memory_space<vmem>>, vector<1000x1xf32>
    %add3A = arith.addf %get3A_1, %get3A_4 : vector<1000x1xf32>
    %max3A = arith.constant 1.000000e+00 : f32
    %max3A_5 = vector.broadcast %max3A : f32 to vector<1000x1xf32>
    %max3A_6 = arith.maximumf %add3A, %max3A_5 : vector<1000x1xf32>
    %get3A_7 = arith.constant 0 : index
    %get3A_8 = arith.constant 0 : index
    %get3A_9 = vector.load %arg1[%get3A_7, %get3A_8] : memref<1000x16xf32, #tpu.memory_space<vmem>>, vector<1000x16xf32>
    %get3A_10 = arith.constant 0 : index
    %get3A_11 = arith.constant 0 : index
    %get3A_12 = vector.load %arg2[%get3A_10, %get3A_11] : memref<1000x16xf32, #tpu.memory_space<vmem>>, vector<1000x16xf32>
    %add3A_13 = arith.addf %get3A_9, %get3A_12 : vector<1000x16xf32>
    %div3A = vector.broadcast %max3A_6 : vector<1000x1xf32> to vector<1000x16xf32>
    %div3A_14 = arith.divf %add3A_13, %div3A : vector<1000x16xf32>
    %get3A_15 = arith.constant 0 : index
    %get3A_16 = arith.constant 0 : index
    %get3A_17 = vector.load %arg5[%get3A_15, %get3A_16] : memref<1000x16xf32, #tpu.memory_space<vmem>>, vector<1000x16xf32>
    %add3A_18 = arith.addf %div3A_14, %get3A_17 : vector<1000x16xf32>
    %max3A_19 = arith.constant 0.000000e+00 : f32
    %max3A_20 = vector.broadcast %max3A_19 : f32 to vector<1000x16xf32>
    %max3A_21 = arith.maximumf %add3A_18, %max3A_20 : vector<1000x16xf32>
    %get3A_22 = arith.constant 0 : index
    %get3A_23 = arith.constant 0 : index
    %get3A_24 = vector.load %arg6[%get3A_22, %get3A_23] : memref<32x4xf32, #tpu.memory_space<vmem>>, vector<32x4xf32>
    %slice3A = vector.extract_strided_slice %get3A_24 {offsets = [0, 0], sizes = [16, 4], strides = [1, 1]} : vector<32x4xf32> to vector<16x4xf32>
    %dot_general3A = arith.constant dense<0.000000e+00> : vector<1000x4xf32>
    %dot_general3A_25 = tpu.matmul %max3A_21, %slice3A, %dot_general3A {dimension_numbers = #tpu.dot_dimension_numbers<[1], [0], [0], [1], [0, 0, 1, 1], [], []>, transpose_lhs_hint = false} : vector<1000x16xf32>, vector<16x4xf32>, vector<1000x4xf32> -> vector<1000x4xf32>
    %get3A_26 = arith.constant 0 : index
    %get3A_27 = arith.constant 0 : index
    %get3A_28 = vector.load %arg7[%get3A_26, %get3A_27] : memref<1x4xf32, #tpu.memory_space<vmem>>, vector<1x4xf32>
    %add3A_29 = vector.broadcast %get3A_28 : vector<1x4xf32> to vector<1000x4xf32>
    %add3A_30 = arith.addf %dot_general3A_25, %add3A_29 : vector<1000x4xf32>
    %slice3A_31 = vector.extract_strided_slice %get3A_24 {offsets = [16, 0], sizes = [16, 4], strides = [1, 1]} : vector<32x4xf32> to vector<16x4xf32>
    %dot_general3A_32 = arith.constant dense<0.000000e+00> : vector<1000x4xf32>
    %dot_general3A_33 = tpu.matmul %max3A_21, %slice3A_31, %dot_general3A_32 {dimension_numbers = #tpu.dot_dimension_numbers<[1], [0], [0], [1], [0, 0, 1, 1], [], []>, transpose_lhs_hint = false} : vector<1000x16xf32>, vector<16x4xf32>, vector<1000x4xf32> -> vector<1000x4xf32>
    %concatenate3A = tpu.concatenate %add3A_30, %dot_general3A_33 in 1 : vector<1000x4xf32>, vector<1000x4xf32> -> vector<1000x8xf32>
    %swap3A = arith.constant 0 : index
    %swap3A_34 = arith.constant 0 : index
    %swap3A_35 = vector.load %arg8[%swap3A, %swap3A_34] : memref<1000x8xf32, #tpu.memory_space<vmem>>, vector<1000x8xf32>
    tpu.vector_store %arg8[%swap3A, %swap3A_34], %concatenate3A {strides = array<i32>} : memref<1000x8xf32, #tpu.memory_space<vmem>>, vector<1000x8xf32>,
    return
  }
  func.func @transform_0(%arg0: i32) -> (i32, i32) {
    %c0_i32 = arith.constant 0 : i32
    %c0_i32_0 = arith.constant 0 : i32
    return %arg0, %c0_i32 : i32, i32
  }
  func.func @transform_1(%arg0: i32) -> (i32, i32) {
    %c0_i32 = arith.constant 0 : i32
    %c0_i32_0 = arith.constant 0 : i32
    return %arg0, %c0_i32 : i32, i32
  }
  func.func @transform_2(%arg0: i32) -> (i32, i32) {
    %c0_i32 = arith.constant 0 : i32
    %c0_i32_0 = arith.constant 0 : i32
    return %arg0, %c0_i32 : i32, i32
  }
  func.func @transform_3(%arg0: i32) -> (i32, i32) {
    %c0_i32 = arith.constant 0 : i32
    %c0_i32_0 = arith.constant 0 : i32
    return %arg0, %c0_i32 : i32, i32
  }
  func.func @transform_4(%arg0: i32) -> (i32, i32) {
    %c0_i32 = arith.constant 0 : i32
    %c0_i32_0 = arith.constant 0 : i32
    return %arg0, %c0_i32 : i32, i32
  }
  func.func @transform_5(%arg0: i32) -> (i32, i32) {
    %c0_i32 = arith.constant 0 : i32
    %c0_i32_0 = arith.constant 0 : i32
    %c0_i32_1 = arith.constant 0 : i32
    return %c0_i32, %c0_i32_0 : i32, i32
  }
  func.func @transform_6(%arg0: i32) -> (i32, i32) {
    %c0_i32 = arith.constant 0 : i32
    %c0_i32_0 = arith.constant 0 : i32
    %c0_i32_1 = arith.constant 0 : i32
    return %c0_i32, %c0_i32_0 : i32, i32
  }
  func.func @transform_7(%arg0: i32) -> (i32, i32) {
    %c0_i32 = arith.constant 0 : i32
    %c0_i32_0 = arith.constant 0 : i32
    return %arg0, %c0_i32 : i32, i32
  }
}

</mosaic_0001>

<sc_bundles>
// kernel: kernel.11.cloned.1.call-start
scs
__scs_entry_jumppad:
0x0: {  	(pc) =	sbr.rel $0x88, $3  }
0x1: {  	(tag) =	ssettag $0x0;
	lr =	simm.s32 $0x1  }
0x2: {  	[smem:$0x3F97] =	sst lr;
	_ =	strace $0xD0000000  }
0x3: {  	_ = 	snop  }
0x4: {  	_ = 	snop  }
0x5: {  	_ = 	snop  }
0x6: {  	_ = 	snop  }
0x7: {  	_ = 	snop  }
__scs_overlays_trampoline_lowered:
0x8: {  	[smem:$0x3FA6] =	sst s0  }
0x9: {  	[smem:$0x3FA7] =	sst s1  }
0xa: {  	[smem:$0x3FA8] =	sst s2  }
0xb: {  	[smem:$0x3FA9] =	sst s3  }
0xc: {  	[smem:$0x3FAA] =	sst s4  }
0xd: {  	[smem:$0x3FAB] =	sst s5  }
0xe: {  	[smem:$0x3FAC] =	sst s6  }
0xf: {  	[smem:$0x3FAD] =	sst s7  }
0x10: {  	[smem:$0x3FAE] =	sst s8  }
0x11: {  	[smem:$0x3FAF] =	sst s9;
	s0 =	simm.s32 @!p0 $0x0  }
0x12: {  	s1 =	sld [smem:$0x3F95];
	s0 =	simm.s32 @p0 $0x1  }
0x13: {  	[smem:$0x3FB0] =	sst s0;
	s0 =	simm.s32 @!p1 $0x0  }
0x14: {  	s2 =	sld [smem:$0x3F94];
	s0 =	simm.s32 @p1 $0x1  }
0x15: {  	[smem:$0x3FB1] =	sst s0;
	s0 =	simm.s32 @!p2 $0x0  }
0x16: {  	s3 =	sld [smem:$0x3FDB];
	s0 =	simm.s32 @p2 $0x1  }
0x17: {  	s4 =	simm.s32 $0x1BF5;
	[smem:$0x3FB3] =	sst s0  }
0x18: {  	s0 =	sld [smem:$0x3F96];
	_ =	swait.ge [sflag:s4], $0x0  }
0x19: {  	s7 =	sld [smem:$0x3F97]  }
0x1a: {  	s8 =	sadd.s32 $0xFFFFE003, lr  }
0x1b: {  	s9 =	sadd.s32 $0xFFFFFEF7, lr;
	s5 =	simm.s32 $0xFFFFFFFF;
	p2 =	slt.u32 s8, $0xFFFFF086  }
0x1c: {  	p1 =	slt.u32 s9, $0xF7A;
	s5 =	simm.s32 @!p2 $0x0  }
0x1d: {  	s5 =	simm.s32 @p1 $0x1;
	p0 =	seq.s32 s7, s2  }
0x1e: {  	s7 =	smul.u32 @!p0 $0xF7A, s2;
	p2 =	seq.s32 @!p0 s5, $0x0  }
0x1f: {  	s9 =	smul.u32 $0xF7A, s1;
	s8 =	simm.s32 @!p0 $0x1BF5;
	p2 =	por !p2, p0  }
0x20: {  	[sflag:s8] =	ssyncset.s32 @!p0 $0xFFFFF086;
	s6 =	sadd.s32 @!p0 s3, s7;
	s7 =	simm.s32 @!p0 $0x108  }
0x21: {  	s3 =	sadd.s32 s3, s9;
	s6 =	sadd.s32 @!p0 $0x88, s6;
	s7 =	simm.s32 @p2 $0x1082  }
0x22: {  	[simem:s7], [sflag:s8] =	dma.local @!p0 [hbm:s6], $0xF7A  }
0x23: {  	s9 =	sor.u32 $0xD0000000, s2;
	s6 =	simm.s32 $0x108;
	_ =	swait.ge @!p0 [sflag:s8], $0x0  }
0x24: {  	s3 =	sadd.s32 $0x88, s3;
	s6 =	simm.s32 @!p1 $0x1082;
	[sflag:s4] =	ssyncset.s32 $0xFFFFF086  }
0x25: {  	[simem:s6], [sflag:s4] =	dma.local [hbm:s3], $0xF7A  }
0x26: {  	[smem:$0x3F97] =	sst s1;
	(tag) =	ssettag s2;
	_ =	strace s9  }
0x27: {  	s1 =	sld [smem:$0x3FA7]  }
0x28: {  	s2 =	sld [smem:$0x3FA8]  }
0x29: {  	s4 =	sld [smem:$0x3FAA]  }
0x2a: {  	p0 =	seq.s32 s5, $0x0;
	s5 =	sld [smem:$0x3FAB]  }
0x2b: {  	s6 =	sld [smem:$0x3FAC]  }
0x2c: {  	s7 =	sld [smem:$0x3FAD]  }
0x2d: {  	s3 =	simm.s32 $0x108;
	s8 =	sld [smem:$0x3FAE]  }
0x2e: {  	s3 =	simm.s32 @!p0 $0x1082;
	s9 =	sld [smem:$0x3FAF]  }
0x2f: {  	lr =	sadd.s32 s0, s3;
	s0 =	sld [smem:$0x3FA6]  }
0x30: {  	s3 =	sld [smem:$0x3FA9]  }
0x31: {  	[smem:$0x3FB2] =	sst s10  }
0x32: {  	s10 =	sld [smem:$0x3FB0];
	_ =	sdelay $0x3  }
0x33: {  	p0 =	seq.s32 s10, $0x1;
	s10 =	sld [smem:$0x3FB2];
	_ =	sdelay $0x3  }
0x34: {  	[smem:$0x3FB2] =	sst s10  }
0x35: {  	s10 =	sld [smem:$0x3FB1];
	_ =	sdelay $0x3  }
0x36: {  	p1 =	seq.s32 s10, $0x1;
	s10 =	sld [smem:$0x3FB2];
	_ =	sdelay $0x3  }
0x37: {  	[smem:$0x3FB2] =	sst s10  }
0x38: {  	s10 =	sld [smem:$0x3FB3]  }
0x39: {  	_ = 	snop;
	(pc) =	sbr.ind lr, $3  }
0x3a: {  	_ = 	snop  }
0x3b: {  	_ = 	snop  }
0x3c: {  	p2 =	seq.s32 s10, $0x1;
	s10 =	sld [smem:$0x3FB2]  }
0x3d: {  	_ =	shalt  }
0x3e: {  	_ =	shalt  }
0x3f: {  	_ =	shalt  }
0x40: {  	_ =	shalt  }
0x41: {  	_ =	shalt  }
0x42: {  	_ =	shalt  }
0x43: {  	_ =	shalt  }
0x44: {  	_ =	shalt  }
0x45: {  	_ =	shalt  }
0x46: {  	_ =	shalt  }
0x47: {  	_ =	shalt  }
0x48: {  	_ =	shalt  }
0x49: {  	_ =	shalt  }
0x4a: {  	_ =	shalt  }
0x4b: {  	_ =	shalt  }
0x4c: {  	_ =	shalt  }
0x4d: {  	_ =	shalt  }
0x4e: {  	_ =	shalt  }
0x4f: {  	_ =	shalt  }
0x50: {  	_ =	shalt  }
0x51: {  	_ =	shalt  }
0x52: {  	_ =	shalt  }
0x53: {  	_ =	shalt  }
0x54: {  	_ =	shalt  }
0x55: {  	_ =	shalt  }
0x56: {  	_ =	shalt  }
0x57: {  	_ =	shalt  }
0x58: {  	_ =	shalt  }
0x59: {  	_ =	shalt  }
0x5a: {  	_ =	shalt  }
0x5b: {  	_ =	shalt  }
0x5c: {  	_ =	shalt  }
0x5d: {  	_ =	shalt  }
0x5e: {  	_ =	shalt  }
0x5f: {  	_ =	shalt  }
0x60: {  	_ =	shalt  }
0x61: {  	_ =	shalt  }
0x62: {  	_ =	shalt  }
0x63: {  	_ =	shalt  }
0x64: {  	_ =	shalt  }
0x65: {  	_ =	shalt  }
0x66: {  	_ =	shalt  }
0x67: {  	_ =	shalt  }
0x68: {  	_ =	shalt  }
0x69: {  	_ =	shalt  }
0x6a: {  	_ =	shalt  }
0x6b: {  	_ =	shalt  }
0x6c: {  	_ =	shalt  }
0x6d: {  	_ =	shalt  }
0x6e: {  	_ =	shalt  }
0x6f: {  	_ =	shalt  }
0x70: {  	_ =	shalt  }
0x71: {  	_ =	shalt  }
0x72: {  	_ =	shalt  }
0x73: {  	_ =	shalt  }
0x74: {  	_ =	shalt  }
0x75: {  	_ =	shalt  }
0x76: {  	_ =	shalt  }
0x77: {  	_ =	shalt  }
0x78: {  	_ =	shalt  }
0x79: {  	_ =	shalt  }
0x7a: {  	_ =	shalt  }
0x7b: {  	_ =	shalt  }
0x7c: {  	_ =	shalt  }
0x7d: {  	_ =	shalt  }
0x7e: {  	_ =	shalt  }
0x7f: {  	_ =	shalt  }
0x80: {  	_ =	shalt  }
0x81: {  	_ =	shalt  }
0x82: {  	_ =	shalt  }
0x83: {  	_ =	shalt  }
0x84: {  	_ =	shalt  }
0x85: {  	_ =	shalt  }
0x86: {  	_ =	shalt  }
0x87: {  	_ =	shalt  }
.Lfunc_end0:
.L_simem_size_0:
called_computation.1_lowered:
.L_overlay_start_0:
0x88: {  	s2 =	sld [smem:$0x3FD9]  }
0x89: {  	s3 =	sld [smem:$0x3FFE];
	_ =	sdelay $0x1  }
0x8a: {  	s1 =	srdreg.scid  }
0x8b: {  	s0 =	sand.u32 $0x1, s1  }
0x8c: {  	s16 =	sshll.u32 s0, $0xA;
	s2 =	sadd.s32 s3, s2  }
0x8d: {  	s2 =	sadd.s32 s2, s16  }
0x8e: {  	[smem:$0x3FBE] =	sst s2  }
0x8f: {  	_ = 	snop  }
0x90: {  	(tm) =	ssettm $0x1  }
0x91: {  	s17 =	sld [smem:$0x3FFB];
	_ =	sdelay $0x3  }
0x92: {  	_ =	strace s17  }
0x93: {  	s2 =	sld [smem:$0x3FFC];
	_ =	sdelay $0x3  }
0x94: {  	_ =	strace s2  }
0x95: {  	s2 =	sld [smem:$0x3FFD];
	_ =	sdelay $0x3  }
0x96: {  	_ =	strace s2  }
0x97: {  	_ =	strace $0x8FFFFFFF  }
0x98: {  	s18 =	sld [smem:$0x3FDB];
	_ =	sdelay $0x1  }
0x99: {  	s19 =	simm.s32 $_scs_section_size  }
0x9a: {  	s4 =	simm.s32 $_size__tile_overlayer_lowered;
	s5 =	simm.s32 $_tile_overlayer_lowered  }
0x9b: {  	s22 =	simm.s32 $0x1BFF;
	s21 =	sshll.u32 s5, $0x1;
	s2 =	sadd.s32 s19, s18  }
0x9c: {  	s6 =	simm.s32 $0x0;
	s20 =	sshll.u32 s4, $0x1;
	s4 =	sadd.s32 s21, s2  }
0x9d: {  	[timem:s6], [sflag:s22] =	dma.local [hbm:s4], s20  }
0x9e: {  	_ =	swait.ge [sflag:s22], s20  }
0x9f: {  	s3 =	ssub.s32 $0x0, s20;
	[sflag:s22] =	ssyncset.done $0x0  }
0xa0: {  	[sflag:s22] =	ssyncadd.s32 s3;
	_ =	sdelay $0x1  }
0xa1: {  	s23 =	simm.s32 $0x1B8B  }
0xa2: {  	_ =	swait.ge [sflag:s23], $0x1  }
0xa3: {  	[sflag:s23] =	ssyncset.done $0x0  }
0xa4: {  	s25 =	simm.s32 $0x1B8E;
	s24 =	sld [smem:$0x3FFE];
	[sflag:s23] =	ssyncadd.s32 $0xFFFFFFFF  }
0xa5: {  	s26 =	simm.s32 $execute0_lowered;
	[smem:$0x3FD2] =	sst s25  }
0xa6: {  	s4 =	sshll.u32 s26, $0x1;
	_ =	strace $0x80000049;
	[dreg:$0x1] =	wrdreg $0xFFFFFFFF  }
0xa7: {  	s28 =	simm.s32 $_size_execute0_lowered;
	s2 =	sadd.s32 s2, s4;
	[dreg:$0x0] =	wrdreg $0x0  }
0xa8: {  	s4 =	sshll.u32 s28, $0x1;
	[dreg:$0x2] =	wrdreg s2  }
0xa9: {  	[dreg:$0x3] =	wrdreg s4  }
0xaa: {  	[dreg:$0x4] =	wrdreg $0xC0  }
0xab: {  	_ =	task [dreg:s6], $0x5FFFF  }
0xac: {  	[dreg:$0x1] =	wrdreg $0xFFFFFFFF  }
0xad: {  	[dreg:$0x0] =	wrdreg $0x60  }
0xae: {  	[dreg:$0x2] =	wrdreg s24  }
0xaf: {  	[dreg:$0x3] =	wrdreg $0x119400  }
0xb0: {  	[dreg:$0x4] =	wrdreg $0x9  }
0xb1: {  	_ =	task.clear_ibuf [dreg:s6], $0x5FFFF;
	_ =	strace $0x90000049  }
0xb2: {  	s29 =	simm.s32 $0x9;
	_ =	strace $0x8000004B  }
0xb3: {  	_ =	swait.ge [sflag:s29], $0x1  }
0xb4: {  	[sflag:s29] =	ssyncadd.s32 $0xFFFFFFFF  }
0xb5: {  	_ =	strace $0x9000004B  }
0xb6: {  	_ =	sfence  }
0xb7: {  	s30 =	sld [smem:$0x0];
	_ =	sdelay $0x2  }
0xb8: {  	s31 =	sshll.u32 s1, $0xD;
	s1 =	sshrl.u32 s1, $0x2  }
0xb9: {  	s3 =	sand.u32 $0x4000, s31;
	s1 =	sadd.s32 s1, s30  }
0xba: {  	s0 =	sor.u32 s3, s0;
	s1 =	sshll.u32 s1, $0x11  }
0xbb: {  	s0 =	sor.u32 s1, s0  }
0xbc: {  	s0 =	sadd.s32 $0x8F2B, s0  }
0xbd: {  	[sflag:s0] =	ssyncadd.remote.s32 $0x1  }
0xbe: {  	_ =	sfence.sel $0xFFFF  }
0xbf: {  	[dreg:$0x0] =	wrdreg $0xFFFFFFFF;
	(pc) =	sbr.abs _section_cstart, $3  }
0xc0: {  	[dreg:$0x1] =	wrdreg $0xFFFFFFFF  }
0xc1: {  	_ =	task.clear_ibuf [dreg:s6], $0x2FFFF;
	_ =	strace $0x9FFFFFFF  }
0xc2: {  	(tm) =	ssettm $0x7FFFFFFF  }
0xc3: {  	_ =	shalt  }
tec
execute0_lowered:
.L_overlay_start_1:
0x0: {  	(tag) =	ssettag $0x1  }
0x1: {  	s24 =	rddreg [dreg:$0x0]  }
0x2: {  	s2 =	rddreg [dreg:$0x1]  }
0x3: {  	s1 =	srdreg.scid;
	s0 =	rddreg [dreg:$0x2]  }
0x4: {  	s3 =	simm.s32 $0x0;
	s25 =	sand.u32 $0x1, s1;
	s1 =	stileid.u32  }
0x5: {  	[smem:$0x7FF] =	sst s3;
	s4 =	sshll.u32 s25, $0x4;
	s26 =	smul.u32 $0x2710, s1  }
0x6: {  	_ =	strace $0x8000004A;
	s5 =	sshll.u32 s1, $0x6;
	s4 =	sor.u32 s1, s4  }
0x7: {  	s5 =	sor.u32 $0x1C05, s5;
	s8 =	smul.u32 $0x2710, s4;
	s6 =	sadd.s32 s26, s2  }
0x8: {  	s4 =	sadd.s32 $0x3E400, s24;
	s7 =	sshrl.u32 s6, $0x3;
	s6 =	simm.s32 $0x5  }
0x9: {  	[spmem:s7], [sflag:s5] =	dma.local [hbm:s4], $0x4E2  }
0xa: {  	_ =	swait.ge [sflag:s6], $0x4E2  }
0xb: {  	s9 =	simm.s32 $0x7D0;
	s8 =	sshrl.u32 s8, $0x3;
	[sflag:s6] =	ssyncset.done $0x0  }
0xc: {  	s10 =	simm.s32 $0x4E200;
	s23 =	sadd.s32 s8, s24;
	[sflag:s6] =	ssyncadd.s32 $0xFFFFFB1E  }
0xd: {  	s11 =	simm.s32 $0x1;
	s8 =	sadd.s32 $0x3600, s23;
	[bflag:$0x0] =	sbarrier.arrive $0xFFFF  }
0xe: {  	[tilespmem:s3], [sflag:$0x1] =	stream.strided.gather [hbm4b:s8+s9], $0xFA0, s10, s9, $0x38;
	[tilespmem:$0x14050] =	vst v63  }
0xf: {  	_ =	swait.ge [sflag:s11], $0xFA0  }
0x10: {  	[sflag:s11] =	ssyncset.done $0x0  }
0x11: {  	s13 =	simm.s32 $0x1F40;
	s12 =	sadd.s32 $0x3EA00, s24;
	[sflag:s11] =	ssyncadd.s32 $0xFFFFF060  }
0x12: {  	[tilespmem:s13], [sflag:$0x3] =	stream.indirect.gather [hbm4b:s12+s9], $0x10, s3, s9, $0xb8;
	[tilespmem:$0x14050] =	vst v63  }
0x13: {  	s15 =	simm.s32 $0xFA0;
	s16 =	simm.s32 $0x2;
	s14 =	sadd.s32 $0x36FA, s23  }
0x14: {  	[tilespmem:s15], [sflag:$0x2] =	stream.strided.gather [hbm4b:s14+s9], $0xFA0, s10, s9, $0x38;
	[tilespmem:$0x14050] =	vst v63  }
0x15: {  	_ =	swait.ge [sflag:s16], $0xFA0  }
0x16: {  	[sflag:s16] =	ssyncset.done $0x0  }
0x17: {  	s17 =	simm.s32 $0x9C40;
	s18 =	simm.s32 $0x3;
	[sflag:s16] =	ssyncadd.s32 $0xFFFFF060  }
0x18: {  	[tilespmem:s17], [sflag:$0x4] =	stream.indirect.gather [hbm4b:s12+s9], $0x10, s15, s9, $0xb8;
	[tilespmem:$0x14050] =	vst v63  }
0x19: {  	_ =	swait.ge [sflag:s18], $0x7D00  }
0x1a: {  	[sflag:s18] =	ssyncset.done $0x0  }
0x1b: {  	[sflag:s18] =	ssyncadd.s32 $0xFFFF8300  }
0x1c: {  	[spmem:s2] =	stream.indirect.scatter.add.f32 [tilespmem:s13], [sflag:$0x5], $0x10, s9, s9, $0xb8;
	[tilespmem:$0x14050] =	vst v63  }
0x1d: {  	_ =	swait.ge [sflag:s6], $0x7D00  }
0x1e: {  	[sflag:s6] =	ssyncset.done $0x0  }
0x1f: {  	s19 =	sadd.s32 $0x37F4, s23;
	[sflag:s6] =	ssyncadd.s32 $0xFFFF8300  }
0x20: {  	[tilespmem:s3], [sflag:$0x1] =	stream.strided.gather [hbm4b:s19+s9], $0xFA0, s10, s9, $0x38;
	[tilespmem:$0x14050] =	vst v63  }
0x21: {  	_ =	swait.ge [sflag:s11], $0xFA0  }
0x22: {  	[sflag:s11] =	ssyncset.done $0x0  }
0x23: {  	s20 =	simm.s32 $0x4;
	[sflag:s11] =	ssyncadd.s32 $0xFFFFF060  }
0x24: {  	[tilespmem:s13], [sflag:$0x3] =	stream.indirect.gather [hbm4b:s12+s9], $0x10, s3, s9, $0xb8;
	[tilespmem:$0x14050] =	vst v63  }
0x25: {  	_ =	swait.ge [sflag:s20], $0x7D00  }
0x26: {  	[sflag:s20] =	ssyncset.done $0x0  }
0x27: {  	s21 =	simm.s32 $0x1770;
	[sflag:s20] =	ssyncadd.s32 $0xFFFF8300  }
0x28: {  	[spmem:s2] =	stream.indirect.scatter.add.f32 [tilespmem:s17], [sflag:$0x5], $0x10, s21, s9, $0xb8;
	[tilespmem:$0x14050] =	vst v63  }
0x29: {  	_ =	swait.ge [sflag:s6], $0x7D00  }
0x2a: {  	[sflag:s6] =	ssyncset.done $0x0  }
0x2b: {  	s22 =	sadd.s32 $0x38EE, s23;
	[sflag:s6] =	ssyncadd.s32 $0xFFFF8300  }
0x2c: {  	[tilespmem:s15], [sflag:$0x2] =	stream.strided.gather [hbm4b:s22+s9], $0xFA0, s10, s9, $0x38;
	[tilespmem:$0x14050] =	vst v63  }
0x2d: {  	_ =	swait.ge [sflag:s16], $0xFA0  }
0x2e: {  	[sflag:s16] =	ssyncset.done $0x0  }
0x2f: {  	[sflag:s16] =	ssyncadd.s32 $0xFFFFF060  }
0x30: {  	[tilespmem:s17], [sflag:$0x4] =	stream.indirect.gather [hbm4b:s12+s9], $0x10, s15, s9, $0xb8;
	[tilespmem:$0x14050] =	vst v63  }
0x31: {  	_ =	swait.ge [sflag:s18], $0x7D00  }
0x32: {  	[sflag:s18] =	ssyncset.done $0x0  }
0x33: {  	[sflag:s18] =	ssyncadd.s32 $0xFFFF8300  }
0x34: {  	[spmem:s2] =	stream.indirect.scatter.add.f32 [tilespmem:s13], [sflag:$0x5], $0x10, s9, s9, $0xb8;
	[tilespmem:$0x14050] =	vst v63  }
0x35: {  	_ =	swait.ge [sflag:s6], $0x7D00  }
0x36: {  	[sflag:s6] =	ssyncset.done $0x0  }
0x37: {  	s23 =	sadd.s32 $0x39E8, s23;
	[sflag:s6] =	ssyncadd.s32 $0xFFFF8300  }
0x38: {  	[tilespmem:s3], [sflag:$0x1] =	stream.strided.gather [hbm4b:s23+s9], $0xFA0, s10, s9, $0x38;
	[tilespmem:$0x14050] =	vst v63  }
0x39: {  	_ =	swait.ge [sflag:s11], $0xFA0  }
0x3a: {  	[sflag:s11] =	ssyncset.done $0x0  }
0x3b: {  	[sflag:s11] =	ssyncadd.s32 $0xFFFFF060  }
0x3c: {  	[tilespmem:s13], [sflag:$0x3] =	stream.indirect.gather [hbm4b:s12+s9], $0x10, s3, s9, $0xb8;
	[tilespmem:$0x14050] =	vst v63  }
0x3d: {  	_ =	swait.ge [sflag:s20], $0x7D00  }
0x3e: {  	[sflag:s20] =	ssyncset.done $0x0  }
0x3f: {  	[sflag:s20] =	ssyncadd.s32 $0xFFFF8300  }
0x40: {  	[spmem:s2] =	stream.indirect.scatter.add.f32 [tilespmem:s17], [sflag:$0x5], $0x10, s21, s9, $0xb8;
	[tilespmem:$0x14050] =	vst v63  }
0x41: {  	_ =	swait.ge [sflag:s6], $0x7D00  }
0x42: {  	[sflag:s6] =	ssyncset.done $0x0  }
0x43: {  	[sflag:s6] =	ssyncadd.s32 $0xFFFF8300  }
0x44: {  	s28 =	smul.u32 $0x27100, s25;
	s25 =	ssub.s32 $0x2, s25;
	_ =	swait.ge [sflag:s18], $0x7D00  }
0x45: {  	s31 =	sshrl.u32 s25, $0x1;
	[sflag:s18] =	ssyncset.done $0x0  }
0x46: {  	s25 =	ssub.s32 s25, s31;
	[sflag:s18] =	ssyncadd.s32 $0xFFFF8300  }
0x47: {  	[spmem:s2] =	stream.indirect.scatter.add.f32 [tilespmem:s13], [sflag:$0x5], $0x10, s9, s9, $0xb8;
	[tilespmem:$0x14050] =	vst v63  }
0x48: {  	s26 =	sadd.s32 s26, s28;
	s25 =	smax.u32 s25, $0x1;
	_ =	swait.ge [sflag:s6], $0x7D00  }
0x49: {  	s26 =	sshrl.u32 s26, $0x3;
	p0 =	sne.s32 s25, $0x1;
	[sflag:s6] =	ssyncset.done $0x0  }
.Ltmp0:
0x4a: {  	s24 =	sadd.s32 s26, s24;
	[sflag:s6] =	ssyncadd.s32 $0xFFFF8300;
	(pc) =	sbr.rel @!p0 .LBB2_2-.Ltmp0, $4  }
0x4b: {  	s24 =	sadd.s32 $0x70400, s24;
	[bflag:$0x0] =	sbarrier.arrive $0xFFFF  }
0x4c: {  	[hbm:s24], [sflag:s5] =	dma.local [spmem:s7], $0x4E2  }
0x4d: {  	_ =	swait.ge [sflag:s6], $0x4E2  }
0x4e: {  	s25 =	sadd.s32 $0xFFFFFFFF, s25;
	[sflag:s6] =	ssyncset.done $0x0  }
.LBB2_1:
0x4f: {  	p0 =	sne.s32 s25, $0x1;
	s25 =	sadd.s32 $0xFFFFFFFF, s25;
	[sflag:s6] =	ssyncadd.s32 $0xFFFFFB1E  }
0x50: {  	[spmem:s7], [sflag:s5] =	dma.local [hbm:s4], $0x4E2  }
0x51: {  	_ =	swait.ge [sflag:s6], $0x4E2  }
0x52: {  	[sflag:s6] =	ssyncset.done $0x0  }
0x53: {  	[sflag:s6] =	ssyncadd.s32 $0xFFFFFB1E  }
0x54: {  	[bflag:$0x0] =	sbarrier.arrive $0xFFFF  }
0x55: {  	[tilespmem:s3], [sflag:$0x1] =	stream.strided.gather [hbm4b:s8+s9], $0xFA0, s10, s9, $0x38;
	[tilespmem:$0x14050] =	vst v63  }
0x56: {  	_ =	swait.ge [sflag:s11], $0xFA0  }
0x57: {  	[sflag:s11] =	ssyncset.done $0x0  }
0x58: {  	[sflag:s11] =	ssyncadd.s32 $0xFFFFF060  }
0x59: {  	[tilespmem:s13], [sflag:$0x3] =	stream.indirect.gather [hbm4b:s12+s9], $0x10, s3, s9, $0xb8;
	[tilespmem:$0x14050] =	vst v63  }
0x5a: {  	_ = 	snop  }
0x5b: {  	[tilespmem:s15], [sflag:$0x2] =	stream.strided.gather [hbm4b:s14+s9], $0xFA0, s10, s9, $0x38;
	[tilespmem:$0x14050] =	vst v63  }
0x5c: {  	_ =	swait.ge [sflag:s16], $0xFA0  }
0x5d: {  	[sflag:s16] =	ssyncset.done $0x0  }
0x5e: {  	[sflag:s16] =	ssyncadd.s32 $0xFFFFF060  }
0x5f: {  	[tilespmem:s17], [sflag:$0x4] =	stream.indirect.gather [hbm4b:s12+s9], $0x10, s15, s9, $0xb8;
	[tilespmem:$0x14050] =	vst v63  }
0x60: {  	_ =	swait.ge [sflag:s18], $0x7D00  }
0x61: {  	[sflag:s18] =	ssyncset.done $0x0  }
0x62: {  	[sflag:s18] =	ssyncadd.s32 $0xFFFF8300  }
0x63: {  	[spmem:s2] =	stream.indirect.scatter.add.f32 [tilespmem:s13], [sflag:$0x5], $0x10, s9, s9, $0xb8;
	[tilespmem:$0x14050] =	vst v63  }
0x64: {  	_ =	swait.ge [sflag:s6], $0x7D00  }
0x65: {  	[sflag:s6] =	ssyncset.done $0x0  }
0x66: {  	[sflag:s6] =	ssyncadd.s32 $0xFFFF8300  }
0x67: {  	[tilespmem:s3], [sflag:$0x1] =	stream.strided.gather [hbm4b:s19+s9], $0xFA0, s10, s9, $0x38;
	[tilespmem:$0x14050] =	vst v63  }
0x68: {  	_ =	swait.ge [sflag:s11], $0xFA0  }
0x69: {  	[sflag:s11] =	ssyncset.done $0x0  }
0x6a: {  	[sflag:s11] =	ssyncadd.s32 $0xFFFFF060  }
0x6b: {  	[tilespmem:s13], [sflag:$0x3] =	stream.indirect.gather [hbm4b:s12+s9], $0x10, s3, s9, $0xb8;
	[tilespmem:$0x14050] =	vst v63  }
0x6c: {  	_ =	swait.ge [sflag:s20], $0x7D00  }
0x6d: {  	[sflag:s20] =	ssyncset.done $0x0  }
0x6e: {  	[sflag:s20] =	ssyncadd.s32 $0xFFFF8300  }
0x6f: {  	[spmem:s2] =	stream.indirect.scatter.add.f32 [tilespmem:s17], [sflag:$0x5], $0x10, s21, s9, $0xb8;
	[tilespmem:$0x14050] =	vst v63  }
0x70: {  	_ =	swait.ge [sflag:s6], $0x7D00  }
0x71: {  	[sflag:s6] =	ssyncset.done $0x0  }
0x72: {  	[sflag:s6] =	ssyncadd.s32 $0xFFFF8300  }
0x73: {  	[tilespmem:s15], [sflag:$0x2] =	stream.strided.gather [hbm4b:s22+s9], $0xFA0, s10, s9, $0x38;
	[tilespmem:$0x14050] =	vst v63  }
0x74: {  	_ =	swait.ge [sflag:s16], $0xFA0  }
0x75: {  	[sflag:s16] =	ssyncset.done $0x0  }
0x76: {  	[sflag:s16] =	ssyncadd.s32 $0xFFFFF060  }
0x77: {  	[tilespmem:s17], [sflag:$0x4] =	stream.indirect.gather [hbm4b:s12+s9], $0x10, s15, s9, $0xb8;
	[tilespmem:$0x14050] =	vst v63  }
0x78: {  	_ =	swait.ge [sflag:s18], $0x7D00  }
0x79: {  	[sflag:s18] =	ssyncset.done $0x0  }
0x7a: {  	[sflag:s18] =	ssyncadd.s32 $0xFFFF8300  }
0x7b: {  	[spmem:s2] =	stream.indirect.scatter.add.f32 [tilespmem:s13], [sflag:$0x5], $0x10, s9, s9, $0xb8;
	[tilespmem:$0x14050] =	vst v63  }
0x7c: {  	_ =	swait.ge [sflag:s6], $0x7D00  }
0x7d: {  	[sflag:s6] =	ssyncset.done $0x0  }
0x7e: {  	[sflag:s6] =	ssyncadd.s32 $0xFFFF8300  }
0x7f: {  	[tilespmem:s3], [sflag:$0x1] =	stream.strided.gather [hbm4b:s23+s9], $0xFA0, s10, s9, $0x38;
	[tilespmem:$0x14050] =	vst v63  }
0x80: {  	_ =	swait.ge [sflag:s11], $0xFA0  }
0x81: {  	[sflag:s11] =	ssyncset.done $0x0  }
0x82: {  	[sflag:s11] =	ssyncadd.s32 $0xFFFFF060  }
0x83: {  	[tilespmem:s13], [sflag:$0x3] =	stream.indirect.gather [hbm4b:s12+s9], $0x10, s3, s9, $0xb8;
	[tilespmem:$0x14050] =	vst v63  }
0x84: {  	_ =	swait.ge [sflag:s20], $0x7D00  }
0x85: {  	[sflag:s20] =	ssyncset.done $0x0  }
0x86: {  	[sflag:s20] =	ssyncadd.s32 $0xFFFF8300  }
0x87: {  	[spmem:s2] =	stream.indirect.scatter.add.f32 [tilespmem:s17], [sflag:$0x5], $0x10, s21, s9, $0xb8;
	[tilespmem:$0x14050] =	vst v63  }
0x88: {  	_ =	swait.ge [sflag:s6], $0x7D00  }
0x89: {  	[sflag:s6] =	ssyncset.done $0x0  }
0x8a: {  	[sflag:s6] =	ssyncadd.s32 $0xFFFF8300  }
0x8b: {  	_ =	swait.ge [sflag:s18], $0x7D00  }
0x8c: {  	[sflag:s18] =	ssyncset.done $0x0  }
0x8d: {  	[sflag:s18] =	ssyncadd.s32 $0xFFFF8300  }
0x8e: {  	[spmem:s2] =	stream.indirect.scatter.add.f32 [tilespmem:s13], [sflag:$0x5], $0x10, s9, s9, $0xb8;
	[tilespmem:$0x14050] =	vst v63  }
0x8f: {  	_ =	swait.ge [sflag:s6], $0x7D00  }
0x90: {  	[sflag:s6] =	ssyncset.done $0x0  }
.Ltmp1:
0x91: {  	[sflag:s6] =	ssyncadd.s32 $0xFFFF8300;
	(pc) =	sbr.rel @p0 .LBB2_1-.Ltmp1, $4  }
0x92: {  	[bflag:$0x0] =	sbarrier.arrive $0xFFFF  }
0x93: {  	[hbm:s24], [sflag:s5] =	dma.local [spmem:s7], $0x4E2  }
0x94: {  	_ =	swait.ge [sflag:s6], $0x4E2  }
0x95: {  	[sflag:s6] =	ssyncset.done $0x0  }
.LBB2_2:
0x96: {  	[sflag:s6] =	ssyncadd.s32 $0xFFFFFB1E  }
0x97: {  	_ =	sfence.sel $0x180000  }
0x98: {  	[bflag:$0x0] =	sbarrier.arrive $0xFFFF  }
0x99: {  	p0 =	sne.s32 s1, $0x0;
	_ =	strace $0x9000004A  }
0x9a: {  	s0 =	sadd.s32 @!p0 $0x100000, s0;
	[bflag:$0x2] =	sbarrier.arrive $0xFFFF  }
0x9b: {  	[sflag:s0] =	ssyncadd.tile.s32 @!p0 $0x1;
	_ =	shalt  }
.Lfunc_end2:
_tile_overlayer_lowered:
.L_overlay_start_2:
0x9c: {  	(tag) =	ssettag $0x2  }
0x9d: {  	s0 =	rddreg [dreg:$0x0];
	s2 =	stileid.u32  }
0x9e: {  	s1 =	rddreg [dreg:$0x1];
	p0 =	sne.s32 s2, $0x0  }
0x9f: {  	s3 =	rddreg [dreg:$0x2];
	[bflag:$0x3] =	sbarrier.arrive $0xFFFF;
	s2 =	simm.s32 @!p0 $0x1C05  }
0xa0: {  	[timem:s3], [sflag:s2] =	dma.local @!p0 [hbm:s0], s1  }
0xa1: {  	s0 =	simm.s32 @!p0 $0x5  }
0xa2: {  	_ =	swait.ge @!p0 [sflag:s0], s1  }
0xa3: {  	s1 =	ssub.s32 @!p0 $0x0, s1;
	[sflag:s0] =	ssyncset.done @!p0 $0x0  }
0xa4: {  	[sflag:s0] =	ssyncadd.s32 @!p0 s1  }
0xa5: {  	[bflag:$0x3] =	sbarrier.arrive $0xFFFF  }
0xa6: {  	_ =	shalt  }

// kernel: kernel.14.cloned.1.call-start
scs
__scs_entry_jumppad:
0x0: {  	(pc) =	sbr.rel $0x88, $3  }
0x1: {  	(tag) =	ssettag $0x0;
	lr =	simm.s32 $0x1  }
0x2: {  	[smem:$0x3F97] =	sst lr;
	_ =	strace $0xD0000000  }
0x3: {  	_ = 	snop  }
0x4: {  	_ = 	snop  }
0x5: {  	_ = 	snop  }
0x6: {  	_ = 	snop  }
0x7: {  	_ = 	snop  }
__scs_overlays_trampoline_lowered:
0x8: {  	[smem:$0x3FA6] =	sst s0  }
0x9: {  	[smem:$0x3FA7] =	sst s1  }
0xa: {  	[smem:$0x3FA8] =	sst s2  }
0xb: {  	[smem:$0x3FA9] =	sst s3  }
0xc: {  	[smem:$0x3FAA] =	sst s4  }
0xd: {  	[smem:$0x3FAB] =	sst s5  }
0xe: {  	[smem:$0x3FAC] =	sst s6  }
0xf: {  	[smem:$0x3FAD] =	sst s7  }
0x10: {  	[smem:$0x3FAE] =	sst s8  }
0x11: {  	[smem:$0x3FAF] =	sst s9;
	s0 =	simm.s32 @!p0 $0x0  }
0x12: {  	s1 =	sld [smem:$0x3F95];
	s0 =	simm.s32 @p0 $0x1  }
0x13: {  	[smem:$0x3FB0] =	sst s0;
	s0 =	simm.s32 @!p1 $0x0  }
0x14: {  	s2 =	sld [smem:$0x3F94];
	s0 =	simm.s32 @p1 $0x1  }
0x15: {  	[smem:$0x3FB1] =	sst s0;
	s0 =	simm.s32 @!p2 $0x0  }
0x16: {  	s3 =	sld [smem:$0x3FDB];
	s0 =	simm.s32 @p2 $0x1  }
0x17: {  	s4 =	simm.s32 $0x1BF5;
	[smem:$0x3FB3] =	sst s0  }
0x18: {  	s0 =	sld [smem:$0x3F96];
	_ =	swait.ge [sflag:s4], $0x0  }
0x19: {  	s7 =	sld [smem:$0x3F97]  }
0x1a: {  	s8 =	sadd.s32 $0xFFFFE003, lr  }
0x1b: {  	s9 =	sadd.s32 $0xFFFFFEF7, lr;
	s5 =	simm.s32 $0xFFFFFFFF;
	p2 =	slt.u32 s8, $0xFFFFF086  }
0x1c: {  	p1 =	slt.u32 s9, $0xF7A;
	s5 =	simm.s32 @!p2 $0x0  }
0x1d: {  	s5 =	simm.s32 @p1 $0x1;
	p0 =	seq.s32 s7, s2  }
0x1e: {  	s7 =	smul.u32 @!p0 $0xF7A, s2;
	p2 =	seq.s32 @!p0 s5, $0x0  }
0x1f: {  	s9 =	smul.u32 $0xF7A, s1;
	s8 =	simm.s32 @!p0 $0x1BF5;
	p2 =	por !p2, p0  }
0x20: {  	[sflag:s8] =	ssyncset.s32 @!p0 $0xFFFFF086;
	s6 =	sadd.s32 @!p0 s3, s7;
	s7 =	simm.s32 @!p0 $0x108  }
0x21: {  	s3 =	sadd.s32 s3, s9;
	s6 =	sadd.s32 @!p0 $0x88, s6;
	s7 =	simm.s32 @p2 $0x1082  }
0x22: {  	[simem:s7], [sflag:s8] =	dma.local @!p0 [hbm:s6], $0xF7A  }
0x23: {  	s9 =	sor.u32 $0xD0000000, s2;
	s6 =	simm.s32 $0x108;
	_ =	swait.ge @!p0 [sflag:s8], $0x0  }
0x24: {  	s3 =	sadd.s32 $0x88, s3;
	s6 =	simm.s32 @!p1 $0x1082;
	[sflag:s4] =	ssyncset.s32 $0xFFFFF086  }
0x25: {  	[simem:s6], [sflag:s4] =	dma.local [hbm:s3], $0xF7A  }
0x26: {  	[smem:$0x3F97] =	sst s1;
	(tag) =	ssettag s2;
	_ =	strace s9  }
0x27: {  	s1 =	sld [smem:$0x3FA7]  }
0x28: {  	s2 =	sld [smem:$0x3FA8]  }
0x29: {  	s4 =	sld [smem:$0x3FAA]  }
0x2a: {  	p0 =	seq.s32 s5, $0x0;
	s5 =	sld [smem:$0x3FAB]  }
0x2b: {  	s6 =	sld [smem:$0x3FAC]  }
0x2c: {  	s7 =	sld [smem:$0x3FAD]  }
0x2d: {  	s3 =	simm.s32 $0x108;
	s8 =	sld [smem:$0x3FAE]  }
0x2e: {  	s3 =	simm.s32 @!p0 $0x1082;
	s9 =	sld [smem:$0x3FAF]  }
0x2f: {  	lr =	sadd.s32 s0, s3;
	s0 =	sld [smem:$0x3FA6]  }
0x30: {  	s3 =	sld [smem:$0x3FA9]  }
0x31: {  	[smem:$0x3FB2] =	sst s10  }
0x32: {  	s10 =	sld [smem:$0x3FB0];
	_ =	sdelay $0x3  }
0x33: {  	p0 =	seq.s32 s10, $0x1;
	s10 =	sld [smem:$0x3FB2];
	_ =	sdelay $0x3  }
0x34: {  	[smem:$0x3FB2] =	sst s10  }
0x35: {  	s10 =	sld [smem:$0x3FB1];
	_ =	sdelay $0x3  }
0x36: {  	p1 =	seq.s32 s10, $0x1;
	s10 =	sld [smem:$0x3FB2];
	_ =	sdelay $0x3  }
0x37: {  	[smem:$0x3FB2] =	sst s10  }
0x38: {  	s10 =	sld [smem:$0x3FB3]  }
0x39: {  	_ = 	snop;
	(pc) =	sbr.ind lr, $3  }
0x3a: {  	_ = 	snop  }
0x3b: {  	_ = 	snop  }
0x3c: {  	p2 =	seq.s32 s10, $0x1;
	s10 =	sld [smem:$0x3FB2]  }
0x3d: {  	_ =	shalt  }
0x3e: {  	_ =	shalt  }
0x3f: {  	_ =	shalt  }
0x40: {  	_ =	shalt  }
0x41: {  	_ =	shalt  }
0x42: {  	_ =	shalt  }
0x43: {  	_ =	shalt  }
0x44: {  	_ =	shalt  }
0x45: {  	_ =	shalt  }
0x46: {  	_ =	shalt  }
0x47: {  	_ =	shalt  }
0x48: {  	_ =	shalt  }
0x49: {  	_ =	shalt  }
0x4a: {  	_ =	shalt  }
0x4b: {  	_ =	shalt  }
0x4c: {  	_ =	shalt  }
0x4d: {  	_ =	shalt  }
0x4e: {  	_ =	shalt  }
0x4f: {  	_ =	shalt  }
0x50: {  	_ =	shalt  }
0x51: {  	_ =	shalt  }
0x52: {  	_ =	shalt  }
0x53: {  	_ =	shalt  }
0x54: {  	_ =	shalt  }
0x55: {  	_ =	shalt  }
0x56: {  	_ =	shalt  }
0x57: {  	_ =	shalt  }
0x58: {  	_ =	shalt  }
0x59: {  	_ =	shalt  }
0x5a: {  	_ =	shalt  }
0x5b: {  	_ =	shalt  }
0x5c: {  	_ =	shalt  }
0x5d: {  	_ =	shalt  }
0x5e: {  	_ =	shalt  }
0x5f: {  	_ =	shalt  }
0x60: {  	_ =	shalt  }
0x61: {  	_ =	shalt  }
0x62: {  	_ =	shalt  }
0x63: {  	_ =	shalt  }
0x64: {  	_ =	shalt  }
0x65: {  	_ =	shalt  }
0x66: {  	_ =	shalt  }
0x67: {  	_ =	shalt  }
0x68: {  	_ =	shalt  }
0x69: {  	_ =	shalt  }
0x6a: {  	_ =	shalt  }
0x6b: {  	_ =	shalt  }
0x6c: {  	_ =	shalt  }
0x6d: {  	_ =	shalt  }
0x6e: {  	_ =	shalt  }
0x6f: {  	_ =	shalt  }
0x70: {  	_ =	shalt  }
0x71: {  	_ =	shalt  }
0x72: {  	_ =	shalt  }
0x73: {  	_ =	shalt  }
0x74: {  	_ =	shalt  }
0x75: {  	_ =	shalt  }
0x76: {  	_ =	shalt  }
0x77: {  	_ =	shalt  }
0x78: {  	_ =	shalt  }
0x79: {  	_ =	shalt  }
0x7a: {  	_ =	shalt  }
0x7b: {  	_ =	shalt  }
0x7c: {  	_ =	shalt  }
0x7d: {  	_ =	shalt  }
0x7e: {  	_ =	shalt  }
0x7f: {  	_ =	shalt  }
0x80: {  	_ =	shalt  }
0x81: {  	_ =	shalt  }
0x82: {  	_ =	shalt  }
0x83: {  	_ =	shalt  }
0x84: {  	_ =	shalt  }
0x85: {  	_ =	shalt  }
0x86: {  	_ =	shalt  }
0x87: {  	_ =	shalt  }
.Lfunc_end0:
.L_simem_size_0:
called_computation.2_lowered:
.L_overlay_start_0:
0x88: {  	s2 =	sld [smem:$0x3FD9]  }
0x89: {  	s3 =	sld [smem:$0x3FFE];
	_ =	sdelay $0x1  }
0x8a: {  	s1 =	srdreg.scid  }
0x8b: {  	s0 =	sand.u32 $0x1, s1  }
0x8c: {  	s17 =	sshll.u32 s0, $0xA;
	s2 =	sadd.s32 s3, s2  }
0x8d: {  	s2 =	sadd.s32 s2, s17  }
0x8e: {  	[smem:$0x3FBE] =	sst s2  }
0x8f: {  	_ = 	snop  }
0x90: {  	s2 =	sld [smem:$0x3FD0];
	(tm) =	ssettm $0x1  }
0x91: {  	s18 =	sld [smem:$0x3FFB];
	_ =	sdelay $0x3  }
0x92: {  	_ =	strace s18  }
0x93: {  	s3 =	sld [smem:$0x3FFC];
	_ =	sdelay $0x3  }
0x94: {  	_ =	strace s3  }
0x95: {  	s3 =	sld [smem:$0x3FFD];
	_ =	sdelay $0x3  }
0x96: {  	_ =	strace s3  }
0x97: {  	_ =	strace $0x8FFFFFFF  }
0x98: {  	s19 =	sld [smem:$0x3FDB];
	_ =	sdelay $0x1  }
0x99: {  	s4 =	simm.s32 $_scs_section_size  }
0x9a: {  	s5 =	simm.s32 $_size__tile_overlayer_lowered;
	s6 =	simm.s32 $_tile_overlayer_lowered  }
0x9b: {  	s22 =	simm.s32 $0x1BFF;
	s21 =	sshll.u32 s6, $0x1;
	s3 =	sadd.s32 s4, s19  }
0x9c: {  	s7 =	simm.s32 $0x0;
	s20 =	sshll.u32 s5, $0x1;
	s5 =	sadd.s32 s21, s3  }
0x9d: {  	[timem:s7], [sflag:s22] =	dma.local [hbm:s5], s20  }
0x9e: {  	_ =	swait.ge [sflag:s22], s20  }
0x9f: {  	s4 =	ssub.s32 $0x0, s20;
	[sflag:s22] =	ssyncset.done $0x0  }
0xa0: {  	[sflag:s22] =	ssyncadd.s32 s4;
	_ =	sdelay $0x1  }
0xa1: {  	s23 =	simm.s32 $0x1B8B  }
0xa2: {  	_ =	swait.ge [sflag:s23], $0x1  }
0xa3: {  	[sflag:s23] =	ssyncset.done $0x0  }
0xa4: {  	s25 =	simm.s32 $0x1B8E;
	s24 =	sld [smem:$0x3FFE];
	[sflag:s23] =	ssyncadd.s32 $0xFFFFFFFF  }
0xa5: {  	s26 =	simm.s32 $execute0_lowered;
	[smem:$0x3FD2] =	sst s25  }
0xa6: {  	s5 =	sshll.u32 s26, $0x1;
	_ =	strace $0x8000004C;
	[dreg:$0x1] =	wrdreg $0xFFFFFFFF  }
0xa7: {  	s28 =	simm.s32 $_size_execute0_lowered;
	s3 =	sadd.s32 s3, s5;
	[dreg:$0x0] =	wrdreg $0x0  }
0xa8: {  	s5 =	sshll.u32 s28, $0x1;
	[dreg:$0x2] =	wrdreg s3  }
0xa9: {  	[dreg:$0x3] =	wrdreg s5  }
0xaa: {  	[dreg:$0x4] =	wrdreg $0xC0  }
0xab: {  	_ =	task [dreg:s7], $0x5FFFF  }
0xac: {  	[dreg:$0x1] =	wrdreg $0xFFFFFFFF  }
0xad: {  	[dreg:$0x0] =	wrdreg $0x60  }
0xae: {  	[dreg:$0x2] =	wrdreg s2  }
0xaf: {  	[dreg:$0x3] =	wrdreg s24  }
0xb0: {  	[dreg:$0x4] =	wrdreg $0x9  }
0xb1: {  	_ =	task.clear_ibuf [dreg:s7], $0x5FFFF;
	_ =	strace $0x9000004C  }
0xb2: {  	s29 =	simm.s32 $0x9;
	_ =	strace $0x8000004E  }
0xb3: {  	_ =	swait.ge [sflag:s29], $0x1  }
0xb4: {  	[sflag:s29] =	ssyncadd.s32 $0xFFFFFFFF  }
0xb5: {  	_ =	strace $0x9000004E  }
0xb6: {  	_ =	sfence  }
0xb7: {  	s30 =	sld [smem:$0x0];
	_ =	sdelay $0x2  }
0xb8: {  	s31 =	sshll.u32 s1, $0xD;
	s1 =	sshrl.u32 s1, $0x2  }
0xb9: {  	s3 =	sand.u32 $0x4000, s31;
	s1 =	sadd.s32 s1, s30  }
0xba: {  	s0 =	sor.u32 s3, s0;
	s1 =	sshll.u32 s1, $0x11  }
0xbb: {  	s0 =	sor.u32 s1, s0  }
0xbc: {  	s0 =	sadd.s32 $0x8F2B, s0  }
0xbd: {  	[sflag:s0] =	ssyncadd.remote.s32 $0x1  }
0xbe: {  	_ =	sfence.sel $0xFFFF  }
0xbf: {  	[dreg:$0x0] =	wrdreg $0xFFFFFFFF;
	(pc) =	sbr.abs _section_cstart, $3  }
0xc0: {  	[dreg:$0x1] =	wrdreg $0xFFFFFFFF  }
0xc1: {  	_ =	task.clear_ibuf [dreg:s7], $0x2FFFF;
	_ =	strace $0x9FFFFFFF  }
0xc2: {  	(tm) =	ssettm $0x7FFFFFFF  }
0xc3: {  	_ =	shalt  }
tec
execute0_lowered:
.L_overlay_start_1:
0x0: {  	(tag) =	ssettag $0x1  }
0x1: {  	s1 =	rddreg [dreg:$0x0]  }
0x2: {  	s4 =	rddreg [dreg:$0x1]  }
0x3: {  	s2 =	srdreg.scid;
	s0 =	rddreg [dreg:$0x2]  }
0x4: {  	s3 =	simm.s32 $0x0;
	s17 =	simm.s32 $0x13880;
	s18 =	simm.s32 $0x5  }
0x5: {  	s19 =	simm.s32 $0x1;
	s20 =	simm.s32 $0x14820;
	s21 =	simm.s32 $0x157C0  }
0x6: {  	s22 =	simm.s32 $0x2;
	s23 =	simm.s32 $0x19640;
	s24 =	simm.s32 $0x3  }
0x7: {  	s25 =	simm.s32 $0x4;
	s26 =	simm.s32 $0x0;
	s5 =	sand.u32 $0x1, s2  }
0x8: {  	s2 =	stileid.u32;
	s6 =	sshll.u32 s5, $0x4;
	s5 =	ssub.s32 $0x2, s5  }
0x9: {  	[smem:$0x7FF] =	sst s3;
	s6 =	sor.u32 s2, s6;
	s28 =	sshrl.u32 s5, $0x1  }
0xa: {  	s11 =	sadd.s32 $0x3600, s4;
	s8 =	smul.u32 $0x2710, s6;
	s14 =	ssub.s32 s5, s28  }
0xb: {  	s13 =	sadd.s32 $0x17000, s4;
	_ =	strace $0x8000004D;
	s14 =	smax.u32 s14, $0x1  }
0xc: {  	s29 =	sshrl.u32 s8, $0x3;
	s9 =	sadd.s32 $0x7D0, s8;
	s10 =	sadd.s32 $0xFA0, s8  }
0xd: {  	s6 =	sadd.s32 s13, s8;
	s12 =	sadd.s32 $0x1770, s8;
	s15 =	sadd.s32 $0x1F40, s8  }
0xe: {  	s4 =	sadd.s32 s11, s29;
	s30 =	sshrl.u32 s9, $0x3;
	s7 =	sshrl.u32 s10, $0x3  }
0xf: {  	s8 =	sadd.s32 s13, s9;
	s31 =	sshrl.u32 s12, $0x3;
	s16 =	sshrl.u32 s15, $0x3  }
0x10: {  	v0 =	vlaneseq.u32;
	s10 =	sadd.s32 s13, s10;
	s12 =	sadd.s32 s13, s12;
	s13 =	sadd.s32 s13, s15  }
0x11: {  	v2 =	vand.u32 $0x7, v0;
	s15 =	simm.s32 $0x7D0;
	s5 =	sadd.s32 s11, s30;
	s7 =	sadd.s32 s11, s7  }
0x12: {  	v1 =	vor.u32 $0xFFFFFFF8, v2;
	v2 =	vor.u32 $0x7D0, v2;
	s9 =	sadd.s32 s11, s31;
	s11 =	sadd.s32 s11, s16;
	s16 =	simm.s32 $0x4E200  }
.LBB2_1:
0x13: {  	[tilespmem:s17], [sflag:$0x1] =	stream.strided.gather [hbm4b:s4+s15], $0xFA0, s16, s15, $0x38;
	[tilespmem:$0x1D4C0] =	vst v63  }
0x14: {  	_ = 	snop  }
0x15: {  	[tilespmem:s3], [sflag:$0x5] =	stream.linear.gather [hbm4b:s1+s3], $0x13880, $0x38;
	[tilespmem:$0x1D4C0] =	vst v63  }
0x16: {  	_ =	swait.ge [sflag:s18], $0x13880  }
0x17: {  	[sflag:s18] =	ssyncset.done $0x0  }
0x18: {  	[sflag:s18] =	ssyncadd.s32 $0xFFFEC780  }
0x19: {  	_ =	swait.ge [sflag:s19], $0xFA0  }
0x1a: {  	[sflag:s19] =	ssyncset.done $0x0  }
0x1b: {  	s28 =	simm.s32 $0x0;
	[sflag:s19] =	ssyncadd.s32 $0xFFFFF060  }
0x1c: {  	[tilespmem:s20], [sflag:$0x2] =	stream.strided.gather [hbm4b:s5+s15], $0xFA0, s16, s15, $0x38;
	[tilespmem:$0x1D4C0] =	vst v63  }
.LBB2_2:
0x1d: {  	v3 =	vor.u32 s28, v0  }
0x1e: {  	v5 =	vand.u32 v1, v3  }
0x1f: {  	v4 =	vand.u32 $0xFF8, v3  }
0x20: {  	v4 =	vadd.s32 v2, v4;
	_ =	sdelay $0x2  }
0x21: {  	v5 =	vld.idx.msk [tilespmem:v5+s17+$0x0], $0xffff;
	_ =	sdelay $0x1  }
0x22: {  	v4 =	vld.idx.msk [tilespmem:v4+s17+$0x0], $0xffff;
	_ =	sdelay $0x2  }
0x23: {  	v5 =	vshll.u32 v5, $0x3  }
0x24: {  	v7 =	vor.u32 $0x1, v5  }
0x25: {  	v4 =	vshll.u32 v4, $0x3;
	v9 =	vor.u32 $0x2, v5  }
0x26: {  	v6 =	vor.u32 $0x4, v4  }
0x27: {  	v8 =	vor.u32 $0x5, v4  }
0x28: {  	v11 =	vor.u32 $0x6, v4;
	v10 =	vld.idx.msk [tilespmem:v5+s3+$0x0], $0xffff  }
0x29: {  	v4 =	vor.u32 $0x7, v4;
	v7 =	vld.idx.msk [tilespmem:v7+s3+$0x0], $0xffff  }
0x2a: {  	v5 =	vor.u32 $0x3, v5;
	v9 =	vld.idx.msk [tilespmem:v9+s3+$0x0], $0xffff  }
0x2b: {  	v6 =	vld.idx.msk [tilespmem:v6+s3+$0x0], $0xffff  }
0x2c: {  	v8 =	vld.idx.msk [tilespmem:v8+s3+$0x0], $0xffff  }
0x2d: {  	v11 =	vld.idx.msk [tilespmem:v11+s3+$0x0], $0xffff  }
0x2e: {  	v4 =	vld.idx.msk [tilespmem:v4+s3+$0x0], $0xffff  }
0x2f: {  	v5 =	vld.idx.msk [tilespmem:v5+s3+$0x0], $0xffff;
	_ =	sdelay $0x3  }
0x30: {  	v6 =	vadd.f32 v6, v10;
	v7 =	vadd.f32 v8, v7  }
0x31: {  	v50 =	vadd.f32 v11, v9;
	v4 =	vadd.f32 v4, v5;
	_ =	sdelay $0x1  }
0x32: {  	v51 =	vmax.f32 v6, v7;
	v9 =	vmax.f32 v50, v4  }
0x33: {  	v5 =	vmax.f32 v51, v9  }
0x34: {  	v6 =	vsub.f32 v6, v5  }
0x35: {  	v7 =	vsub.f32 v7, v5  }
0x36: {  	v52 =	vmul.f32 $1.442695020e+00, v6  }
0x37: {  	v8 =	vsub.f32 v50, v5;
	v53 =	vmul.f32 $1.442695020e+00, v7  }
0x38: {  	(erf) = vpow2.f32 v52  }
0x39: {  	v4 =	vsub.f32 v4, v5;
	v54 =	vmul.f32 $1.442695020e+00, v8;
	(erf) = vpow2.f32 v53;
	_ =	sdelay $0x1  }
0x3a: {  	v5 =	vmul.f32 $1.442695020e+00, v4;
	(erf) = vpow2.f32 v54;
	_ =	sdelay $0x1  }
0x3b: {  	(erf) = vpow2.f32 v5;
	_ =	sdelay $0x3  }
0x3c: {  	v55 =	vpop (erf)  }
0x3d: {  	v56 =	vpop (erf)  }
0x3e: {  	v5 =	vadd.f32 v56, v55  }
0x3f: {  	v57 =	vpop (erf)  }
0x40: {  	v5 =	vadd.f32 v5, v57  }
0x41: {  	v58 =	vpop (erf)  }
0x42: {  	v5 =	vadd.f32 v5, v58;
	_ =	sdelay $0x1  }
0x43: {  	v9 =	vadd.f32 $1.000000000e+00, v5;
	_ =	sdelay $0x1  }
0x44: {  	(erf) = vrcp.f32 v9;
	_ =	sdelay $0x5  }
0x45: {  	v59 =	vadd.f32 $-1.000000000e+00, v5;
	_ =	sdelay $0x1  }
0x46: {  	v9 =	vadd.f32 v59, v59  }
0x47: {  	v60 =	vpop (erf)  }
0x48: {  	v9 =	vmul.f32 v60, v9;
	_ =	sdelay $0x1  }
0x49: {  	v10 =	vsub.f32 $0.0e+00, v9;
	_ =	sdelay $0x1  }
0x4a: {  	v10 =	vmul.f32 $1.442695020e+00, v10;
	_ =	sdelay $0x1  }
0x4b: {  	(erf) = vpow2.f32 v10;
	_ =	sdelay $0x8  }
0x4c: {  	v10 =	vpop (erf)  }
0x4d: {  	v9 =	vadd.f32 $-1.000000000e+00, v9;
	v10 =	vmul.f32 v10, v5;
	_ =	sdelay $0x1  }
0x4e: {  	v9 =	vadd.f32 v10, v9;
	_ =	sdelay $0x1  }
0x4f: {  	v10 =	vsub.f32 $0.0e+00, v9;
	_ =	sdelay $0x1  }
0x50: {  	v10 =	vmul.f32 $1.442695020e+00, v10;
	_ =	sdelay $0x1  }
0x51: {  	(erf) = vpow2.f32 v10;
	_ =	sdelay $0x8  }
0x52: {  	v10 =	vpop (erf)  }
0x53: {  	v9 =	vadd.f32 $-1.000000000e+00, v9;
	v10 =	vmul.f32 v10, v5;
	_ =	sdelay $0x1  }
0x54: {  	v9 =	vadd.f32 v10, v9;
	_ =	sdelay $0x1  }
0x55: {  	v10 =	vsub.f32 $0.0e+00, v9;
	_ =	sdelay $0x1  }
0x56: {  	v10 =	vmul.f32 $1.442695020e+00, v10;
	_ =	sdelay $0x1  }
0x57: {  	(erf) = vpow2.f32 v10;
	_ =	sdelay $0x8  }
0x58: {  	v10 =	vpop (erf)  }
0x59: {  	v9 =	vadd.f32 $-1.000000000e+00, v9;
	v5 =	vmul.f32 v10, v5  }
0x5a: {  	v3 =	vshll.u32 v3, $0x3  }
0x5b: {  	v61 =	vor.u32 $0x1, v3;
	v5 =	vadd.f32 v5, v9  }
0x5c: {  	s29 =	sadd.s32 $0x10, s28;
	v62 =	vor.u32 $0x2, v3  }
0x5d: {  	v12 =	vor.u32 s29, v0;
	v63 =	vor.u32 $0x3, v3;
	v6 =	vsub.f32 v6, v5  }
0x5e: {  	v13 =	vand.u32 $0x1FF8, v12;
	v14 =	vand.u32 v1, v12;
	v7 =	vsub.f32 v7, v5  }
0x5f: {  	v13 =	vadd.s32 v2, v13;
	[tilespmem:v3+s21+$0x0] =	vst.idx.msk $0xffff, v6;
	v3 =	vsub.f32 v8, v5  }
0x60: {  	v4 =	vsub.f32 v4, v5;
	[tilespmem:v61+s21+$0x0] =	vst.idx.msk $0xffff, v7  }
0x61: {  	[tilespmem:v62+s21+$0x0] =	vst.idx.msk $0xffff, v3  }
0x62: {  	[tilespmem:v63+s21+$0x0] =	vst.idx.msk $0xffff, v4  }
0x63: {  	v3 =	vld.idx.msk [tilespmem:v14+s17+$0x0], $0xffff  }
0x64: {  	v4 =	vld.idx.msk [tilespmem:v13+s17+$0x0], $0xffff;
	_ =	sdelay $0x4  }
0x65: {  	v3 =	vshll.u32 v3, $0x3;
	v4 =	vshll.u32 v4, $0x3  }
0x66: {  	v15 =	vor.u32 $0x4, v4  }
0x67: {  	v16 =	vor.u32 $0x1, v3  }
0x68: {  	v17 =	vor.u32 $0x5, v4  }
0x69: {  	v18 =	vor.u32 $0x2, v3  }
0x6a: {  	v19 =	vor.u32 $0x6, v4;
	v9 =	vld.idx.msk [tilespmem:v3+s3+$0x0], $0xffff  }
0x6b: {  	v4 =	vor.u32 $0x7, v4;
	v5 =	vld.idx.msk [tilespmem:v15+s3+$0x0], $0xffff  }
0x6c: {  	v3 =	vor.u32 $0x3, v3;
	v6 =	vld.idx.msk [tilespmem:v16+s3+$0x0], $0xffff  }
0x6d: {  	v7 =	vld.idx.msk [tilespmem:v17+s3+$0x0], $0xffff  }
0x6e: {  	v8 =	vld.idx.msk [tilespmem:v18+s3+$0x0], $0xffff  }
0x6f: {  	v10 =	vld.idx.msk [tilespmem:v19+s3+$0x0], $0xffff  }
0x70: {  	v4 =	vld.idx.msk [tilespmem:v4+s3+$0x0], $0xffff  }
0x71: {  	v3 =	vld.idx.msk [tilespmem:v3+s3+$0x0], $0xffff;
	_ =	sdelay $0x3  }
0x72: {  	v5 =	vadd.f32 v5, v9;
	v6 =	vadd.f32 v7, v6  }
0x73: {  	v20 =	vadd.f32 v10, v8;
	v3 =	vadd.f32 v4, v3;
	_ =	sdelay $0x1  }
0x74: {  	v21 =	vmax.f32 v5, v6;
	v8 =	vmax.f32 v20, v3  }
0x75: {  	v4 =	vmax.f32 v21, v8  }
0x76: {  	v5 =	vsub.f32 v5, v4  }
0x77: {  	v6 =	vsub.f32 v6, v4  }
0x78: {  	v22 =	vmul.f32 $1.442695020e+00, v5  }
0x79: {  	v7 =	vsub.f32 v20, v4;
	v23 =	vmul.f32 $1.442695020e+00, v6  }
0x7a: {  	(erf) = vpow2.f32 v22  }
0x7b: {  	v3 =	vsub.f32 v3, v4;
	v24 =	vmul.f32 $1.442695020e+00, v7;
	(erf) = vpow2.f32 v23;
	_ =	sdelay $0x1  }
0x7c: {  	v4 =	vmul.f32 $1.442695020e+00, v3;
	(erf) = vpow2.f32 v24;
	_ =	sdelay $0x1  }
0x7d: {  	(erf) = vpow2.f32 v4;
	_ =	sdelay $0x3  }
0x7e: {  	v25 =	vpop (erf)  }
0x7f: {  	v26 =	vpop (erf)  }
0x80: {  	v4 =	vadd.f32 v26, v25  }
0x81: {  	v27 =	vpop (erf)  }
0x82: {  	v4 =	vadd.f32 v4, v27  }
0x83: {  	v28 =	vpop (erf)  }
0x84: {  	v4 =	vadd.f32 v4, v28;
	_ =	sdelay $0x1  }
0x85: {  	v8 =	vadd.f32 $1.000000000e+00, v4;
	_ =	sdelay $0x1  }
0x86: {  	(erf) = vrcp.f32 v8;
	_ =	sdelay $0x5  }
0x87: {  	v29 =	vadd.f32 $-1.000000000e+00, v4;
	_ =	sdelay $0x1  }
0x88: {  	v8 =	vadd.f32 v29, v29  }
0x89: {  	v30 =	vpop (erf)  }
0x8a: {  	v8 =	vmul.f32 v30, v8;
	_ =	sdelay $0x1  }
0x8b: {  	v9 =	vsub.f32 $0.0e+00, v8;
	_ =	sdelay $0x1  }
0x8c: {  	v9 =	vmul.f32 $1.442695020e+00, v9;
	_ =	sdelay $0x1  }
0x8d: {  	(erf) = vpow2.f32 v9;
	_ =	sdelay $0x8  }
0x8e: {  	v9 =	vpop (erf)  }
0x8f: {  	v8 =	vadd.f32 $-1.000000000e+00, v8;
	v9 =	vmul.f32 v9, v4;
	_ =	sdelay $0x1  }
0x90: {  	v8 =	vadd.f32 v9, v8;
	_ =	sdelay $0x1  }
0x91: {  	v9 =	vsub.f32 $0.0e+00, v8;
	_ =	sdelay $0x1  }
0x92: {  	v9 =	vmul.f32 $1.442695020e+00, v9;
	_ =	sdelay $0x1  }
0x93: {  	(erf) = vpow2.f32 v9;
	_ =	sdelay $0x8  }
0x94: {  	v9 =	vpop (erf)  }
0x95: {  	v8 =	vadd.f32 $-1.000000000e+00, v8;
	v9 =	vmul.f32 v9, v4;
	_ =	sdelay $0x1  }
0x96: {  	v8 =	vadd.f32 v9, v8;
	_ =	sdelay $0x1  }
0x97: {  	v9 =	vsub.f32 $0.0e+00, v8;
	_ =	sdelay $0x1  }
0x98: {  	v9 =	vmul.f32 $1.442695020e+00, v9;
	_ =	sdelay $0x1  }
0x99: {  	(erf) = vpow2.f32 v9;
	_ =	sdelay $0x8  }
0x9a: {  	v9 =	vpop (erf)  }
0x9b: {  	v8 =	vadd.f32 $-1.000000000e+00, v8;
	v4 =	vmul.f32 v9, v4  }
0x9c: {  	v31 =	vshll.u32 v12, $0x3  }
0x9d: {  	v32 =	vor.u32 $0x1, v31;
	v4 =	vadd.f32 v4, v8  }
0x9e: {  	s31 =	sadd.s32 $0x20, s28;
	v33 =	vor.u32 $0x2, v31  }
0x9f: {  	v35 =	vor.u32 s31, v0;
	v34 =	vor.u32 $0x3, v31;
	v5 =	vsub.f32 v5, v4  }
0xa0: {  	v36 =	vand.u32 $0x1FF8, v35;
	v37 =	vand.u32 v1, v35;
	v6 =	vsub.f32 v6, v4  }
0xa1: {  	v39 =	vadd.s32 v2, v36;
	v38 =	vsub.f32 v7, v4;
	[tilespmem:v31+s21+$0x0] =	vst.idx.msk $0xffff, v5  }
0xa2: {  	v3 =	vsub.f32 v3, v4;
	[tilespmem:v32+s21+$0x0] =	vst.idx.msk $0xffff, v6  }
0xa3: {  	[tilespmem:v33+s21+$0x0] =	vst.idx.msk $0xffff, v38  }
0xa4: {  	[tilespmem:v34+s21+$0x0] =	vst.idx.msk $0xffff, v3  }
0xa5: {  	v3 =	vld.idx.msk [tilespmem:v37+s17+$0x0], $0xffff  }
0xa6: {  	v40 =	vld.idx.msk [tilespmem:v39+s17+$0x0], $0xffff;
	_ =	sdelay $0x4  }
0xa7: {  	v3 =	vshll.u32 v3, $0x3;
	v4 =	vshll.u32 v40, $0x3  }
0xa8: {  	v41 =	vor.u32 $0x4, v4  }
0xa9: {  	v42 =	vor.u32 $0x1, v3  }
0xaa: {  	v43 =	vor.u32 $0x5, v4  }
0xab: {  	v44 =	vor.u32 $0x2, v3  }
0xac: {  	v45 =	vor.u32 $0x6, v4;
	v9 =	vld.idx.msk [tilespmem:v3+s3+$0x0], $0xffff  }
0xad: {  	v4 =	vor.u32 $0x7, v4;
	v5 =	vld.idx.msk [tilespmem:v41+s3+$0x0], $0xffff  }
0xae: {  	v3 =	vor.u32 $0x3, v3;
	v6 =	vld.idx.msk [tilespmem:v42+s3+$0x0], $0xffff  }
0xaf: {  	v7 =	vld.idx.msk [tilespmem:v43+s3+$0x0], $0xffff  }
0xb0: {  	v8 =	vld.idx.msk [tilespmem:v44+s3+$0x0], $0xffff  }
0xb1: {  	v10 =	vld.idx.msk [tilespmem:v45+s3+$0x0], $0xffff  }
0xb2: {  	v4 =	vld.idx.msk [tilespmem:v4+s3+$0x0], $0xffff  }
0xb3: {  	v3 =	vld.idx.msk [tilespmem:v3+s3+$0x0], $0xffff;
	_ =	sdelay $0x3  }
0xb4: {  	v5 =	vadd.f32 v5, v9;
	v6 =	vadd.f32 v7, v6  }
0xb5: {  	v46 =	vadd.f32 v10, v8;
	v3 =	vadd.f32 v4, v3;
	_ =	sdelay $0x1  }
0xb6: {  	v47 =	vmax.f32 v5, v6;
	v8 =	vmax.f32 v46, v3  }
0xb7: {  	v4 =	vmax.f32 v47, v8  }
0xb8: {  	v5 =	vsub.f32 v5, v4  }
0xb9: {  	v6 =	vsub.f32 v6, v4  }
0xba: {  	v48 =	vmul.f32 $1.442695020e+00, v5  }
0xbb: {  	v7 =	vsub.f32 v46, v4;
	v49 =	vmul.f32 $1.442695020e+00, v6  }
0xbc: {  	(erf) = vpow2.f32 v48  }
0xbd: {  	v3 =	vsub.f32 v3, v4;
	v50 =	vmul.f32 $1.442695020e+00, v7;
	(erf) = vpow2.f32 v49;
	_ =	sdelay $0x1  }
0xbe: {  	v4 =	vmul.f32 $1.442695020e+00, v3;
	(erf) = vpow2.f32 v50;
	_ =	sdelay $0x1  }
0xbf: {  	(erf) = vpow2.f32 v4;
	_ =	sdelay $0x3  }
0xc0: {  	v51 =	vpop (erf)  }
0xc1: {  	v52 =	vpop (erf)  }
0xc2: {  	v4 =	vadd.f32 v52, v51  }
0xc3: {  	v53 =	vpop (erf)  }
0xc4: {  	v4 =	vadd.f32 v4, v53  }
0xc5: {  	v54 =	vpop (erf)  }
0xc6: {  	v4 =	vadd.f32 v4, v54;
	_ =	sdelay $0x1  }
0xc7: {  	v8 =	vadd.f32 $1.000000000e+00, v4;
	_ =	sdelay $0x1  }
0xc8: {  	(erf) = vrcp.f32 v8;
	_ =	sdelay $0x5  }
0xc9: {  	v55 =	vadd.f32 $-1.000000000e+00, v4;
	_ =	sdelay $0x1  }
0xca: {  	v8 =	vadd.f32 v55, v55  }
0xcb: {  	v56 =	vpop (erf)  }
0xcc: {  	v8 =	vmul.f32 v56, v8;
	_ =	sdelay $0x1  }
0xcd: {  	v9 =	vsub.f32 $0.0e+00, v8;
	_ =	sdelay $0x1  }
0xce: {  	v9 =	vmul.f32 $1.442695020e+00, v9;
	_ =	sdelay $0x1  }
0xcf: {  	(erf) = vpow2.f32 v9;
	_ =	sdelay $0x8  }
0xd0: {  	v9 =	vpop (erf)  }
0xd1: {  	v8 =	vadd.f32 $-1.000000000e+00, v8;
	v9 =	vmul.f32 v9, v4;
	_ =	sdelay $0x1  }
0xd2: {  	v8 =	vadd.f32 v9, v8;
	_ =	sdelay $0x1  }
0xd3: {  	v9 =	vsub.f32 $0.0e+00, v8;
	_ =	sdelay $0x1  }
0xd4: {  	v9 =	vmul.f32 $1.442695020e+00, v9;
	_ =	sdelay $0x1  }
0xd5: {  	(erf) = vpow2.f32 v9;
	_ =	sdelay $0x8  }
0xd6: {  	v9 =	vpop (erf)  }
0xd7: {  	v8 =	vadd.f32 $-1.000000000e+00, v8;
	v9 =	vmul.f32 v9, v4;
	_ =	sdelay $0x1  }
0xd8: {  	v8 =	vadd.f32 v9, v8;
	_ =	sdelay $0x1  }
0xd9: {  	v9 =	vsub.f32 $0.0e+00, v8;
	_ =	sdelay $0x1  }
0xda: {  	v9 =	vmul.f32 $1.442695020e+00, v9;
	_ =	sdelay $0x1  }
0xdb: {  	(erf) = vpow2.f32 v9;
	_ =	sdelay $0x8  }
0xdc: {  	v9 =	vpop (erf)  }
0xdd: {  	v8 =	vadd.f32 $-1.000000000e+00, v8;
	v4 =	vmul.f32 v9, v4  }
0xde: {  	v57 =	vshll.u32 v35, $0x3  }
0xdf: {  	v58 =	vor.u32 $0x1, v57;
	v4 =	vadd.f32 v4, v8  }
0xe0: {  	s30 =	sadd.s32 $0x30, s28;
	v59 =	vor.u32 $0x2, v57  }
0xe1: {  	v60 =	vor.u32 $0x3, v57;
	v61 =	vor.u32 s30, v0;
	v5 =	vsub.f32 v5, v4  }
0xe2: {  	v62 =	vand.u32 $0x1FF8, v61;
	v63 =	vand.u32 v1, v61;
	v6 =	vsub.f32 v6, v4  }
0xe3: {  	v15 =	vadd.s32 v2, v62;
	v9 =	vsub.f32 v7, v4;
	[tilespmem:v57+s21+$0x0] =	vst.idx.msk $0xffff, v5  }
0xe4: {  	v3 =	vsub.f32 v3, v4;
	[tilespmem:v58+s21+$0x0] =	vst.idx.msk $0xffff, v6  }
0xe5: {  	[tilespmem:v59+s21+$0x0] =	vst.idx.msk $0xffff, v9  }
0xe6: {  	[tilespmem:v60+s21+$0x0] =	vst.idx.msk $0xffff, v3  }
0xe7: {  	v3 =	vld.idx.msk [tilespmem:v63+s17+$0x0], $0xffff  }
0xe8: {  	v16 =	vld.idx.msk [tilespmem:v15+s17+$0x0], $0xffff;
	_ =	sdelay $0x4  }
0xe9: {  	v3 =	vshll.u32 v3, $0x3;
	v4 =	vshll.u32 v16, $0x3  }
0xea: {  	v17 =	vor.u32 $0x4, v4  }
0xeb: {  	v18 =	vor.u32 $0x1, v3  }
0xec: {  	v19 =	vor.u32 $0x5, v4  }
0xed: {  	v20 =	vor.u32 $0x2, v3  }
0xee: {  	v21 =	vor.u32 $0x6, v4;
	v9 =	vld.idx.msk [tilespmem:v3+s3+$0x0], $0xffff  }
0xef: {  	v4 =	vor.u32 $0x7, v4;
	v5 =	vld.idx.msk [tilespmem:v17+s3+$0x0], $0xffff  }
0xf0: {  	v3 =	vor.u32 $0x3, v3;
	v6 =	vld.idx.msk [tilespmem:v18+s3+$0x0], $0xffff  }
0xf1: {  	v7 =	vld.idx.msk [tilespmem:v19+s3+$0x0], $0xffff  }
0xf2: {  	v8 =	vld.idx.msk [tilespmem:v20+s3+$0x0], $0xffff  }
0xf3: {  	v10 =	vld.idx.msk [tilespmem:v21+s3+$0x0], $0xffff  }
0xf4: {  	v4 =	vld.idx.msk [tilespmem:v4+s3+$0x0], $0xffff  }
0xf5: {  	v3 =	vld.idx.msk [tilespmem:v3+s3+$0x0], $0xffff;
	_ =	sdelay $0x3  }
0xf6: {  	v5 =	vadd.f32 v5, v9;
	v6 =	vadd.f32 v7, v6  }
0xf7: {  	v22 =	vadd.f32 v10, v8;
	v3 =	vadd.f32 v4, v3;
	_ =	sdelay $0x1  }
0xf8: {  	v23 =	vmax.f32 v5, v6;
	v8 =	vmax.f32 v22, v3  }
0xf9: {  	v4 =	vmax.f32 v23, v8  }
0xfa: {  	v5 =	vsub.f32 v5, v4  }
0xfb: {  	v6 =	vsub.f32 v6, v4  }
0xfc: {  	v24 =	vmul.f32 $1.442695020e+00, v5  }
0xfd: {  	v7 =	vsub.f32 v22, v4;
	v25 =	vmul.f32 $1.442695020e+00, v6  }
0xfe: {  	(erf) = vpow2.f32 v24  }
0xff: {  	v3 =	vsub.f32 v3, v4;
	v26 =	vmul.f32 $1.442695020e+00, v7;
	(erf) = vpow2.f32 v25;
	_ =	sdelay $0x1  }
0x100: {  	v4 =	vmul.f32 $1.442695020e+00, v3;
	(erf) = vpow2.f32 v26;
	_ =	sdelay $0x1  }
0x101: {  	(erf) = vpow2.f32 v4;
	_ =	sdelay $0x3  }
0x102: {  	v27 =	vpop (erf)  }
0x103: {  	v28 =	vpop (erf)  }
0x104: {  	v4 =	vadd.f32 v28, v27  }
0x105: {  	v29 =	vpop (erf)  }
0x106: {  	v4 =	vadd.f32 v4, v29  }
0x107: {  	v30 =	vpop (erf)  }
0x108: {  	v4 =	vadd.f32 v4, v30;
	_ =	sdelay $0x1  }
0x109: {  	v8 =	vadd.f32 $1.000000000e+00, v4;
	_ =	sdelay $0x1  }
0x10a: {  	(erf) = vrcp.f32 v8;
	_ =	sdelay $0x5  }
0x10b: {  	v31 =	vadd.f32 $-1.000000000e+00, v4;
	_ =	sdelay $0x1  }
0x10c: {  	v8 =	vadd.f32 v31, v31  }
0x10d: {  	v32 =	vpop (erf)  }
0x10e: {  	v8 =	vmul.f32 v32, v8;
	_ =	sdelay $0x1  }
0x10f: {  	v9 =	vsub.f32 $0.0e+00, v8;
	_ =	sdelay $0x1  }
0x110: {  	v9 =	vmul.f32 $1.442695020e+00, v9;
	_ =	sdelay $0x1  }
0x111: {  	(erf) = vpow2.f32 v9;
	_ =	sdelay $0x8  }
0x112: {  	v9 =	vpop (erf)  }
0x113: {  	v8 =	vadd.f32 $-1.000000000e+00, v8;
	v9 =	vmul.f32 v9, v4;
	_ =	sdelay $0x1  }
0x114: {  	v8 =	vadd.f32 v9, v8;
	_ =	sdelay $0x1  }
0x115: {  	v9 =	vsub.f32 $0.0e+00, v8;
	_ =	sdelay $0x1  }
0x116: {  	v9 =	vmul.f32 $1.442695020e+00, v9;
	_ =	sdelay $0x1  }
0x117: {  	(erf) = vpow2.f32 v9;
	_ =	sdelay $0x8  }
0x118: {  	v9 =	vpop (erf)  }
0x119: {  	v8 =	vadd.f32 $-1.000000000e+00, v8;
	v9 =	vmul.f32 v9, v4;
	_ =	sdelay $0x1  }
0x11a: {  	v8 =	vadd.f32 v9, v8;
	_ =	sdelay $0x1  }
0x11b: {  	v9 =	vsub.f32 $0.0e+00, v8;
	_ =	sdelay $0x1  }
0x11c: {  	v9 =	vmul.f32 $1.442695020e+00, v9;
	_ =	sdelay $0x1  }
0x11d: {  	(erf) = vpow2.f32 v9;
	_ =	sdelay $0x8  }
0x11e: {  	v9 =	vpop (erf)  }
0x11f: {  	v8 =	vadd.f32 $-1.000000000e+00, v8;
	v4 =	vmul.f32 v9, v4  }
0x120: {  	v33 =	vshll.u32 v61, $0x3  }
0x121: {  	v34 =	vor.u32 $0x1, v33;
	v4 =	vadd.f32 v4, v8  }
0x122: {  	s31 =	sadd.s32 $0x40, s28;
	v35 =	vor.u32 $0x2, v33  }
0x123: {  	v36 =	vor.u32 $0x3, v33;
	v37 =	vor.u32 s31, v0;
	v5 =	vsub.f32 v5, v4  }
0x124: {  	v38 =	vand.u32 $0x1FF8, v37;
	v39 =	vand.u32 v1, v37;
	v6 =	vsub.f32 v6, v4  }
0x125: {  	v41 =	vadd.s32 v2, v38;
	v40 =	vsub.f32 v7, v4;
	[tilespmem:v33+s21+$0x0] =	vst.idx.msk $0xffff, v5  }
0x126: {  	v3 =	vsub.f32 v3, v4;
	[tilespmem:v34+s21+$0x0] =	vst.idx.msk $0xffff, v6  }
0x127: {  	[tilespmem:v35+s21+$0x0] =	vst.idx.msk $0xffff, v40  }
0x128: {  	[tilespmem:v36+s21+$0x0] =	vst.idx.msk $0xffff, v3  }
0x129: {  	v3 =	vld.idx.msk [tilespmem:v39+s17+$0x0], $0xffff  }
0x12a: {  	v42 =	vld.idx.msk [tilespmem:v41+s17+$0x0], $0xffff;
	_ =	sdelay $0x4  }
0x12b: {  	v3 =	vshll.u32 v3, $0x3;
	v4 =	vshll.u32 v42, $0x3  }
0x12c: {  	v43 =	vor.u32 $0x4, v4  }
0x12d: {  	v44 =	vor.u32 $0x1, v3  }
0x12e: {  	v45 =	vor.u32 $0x5, v4  }
0x12f: {  	v46 =	vor.u32 $0x2, v3  }
0x130: {  	v47 =	vor.u32 $0x6, v4;
	v9 =	vld.idx.msk [tilespmem:v3+s3+$0x0], $0xffff  }
0x131: {  	v4 =	vor.u32 $0x7, v4;
	v5 =	vld.idx.msk [tilespmem:v43+s3+$0x0], $0xffff  }
0x132: {  	v3 =	vor.u32 $0x3, v3;
	v6 =	vld.idx.msk [tilespmem:v44+s3+$0x0], $0xffff  }
0x133: {  	v7 =	vld.idx.msk [tilespmem:v45+s3+$0x0], $0xffff  }
0x134: {  	v8 =	vld.idx.msk [tilespmem:v46+s3+$0x0], $0xffff  }
0x135: {  	v10 =	vld.idx.msk [tilespmem:v47+s3+$0x0], $0xffff  }
0x136: {  	v4 =	vld.idx.msk [tilespmem:v4+s3+$0x0], $0xffff  }
0x137: {  	v3 =	vld.idx.msk [tilespmem:v3+s3+$0x0], $0xffff;
	_ =	sdelay $0x3  }
0x138: {  	v5 =	vadd.f32 v5, v9;
	v6 =	vadd.f32 v7, v6  }
0x139: {  	v48 =	vadd.f32 v10, v8;
	v3 =	vadd.f32 v4, v3;
	_ =	sdelay $0x1  }
0x13a: {  	v49 =	vmax.f32 v5, v6;
	v8 =	vmax.f32 v48, v3  }
0x13b: {  	v4 =	vmax.f32 v49, v8  }
0x13c: {  	v5 =	vsub.f32 v5, v4  }
0x13d: {  	v6 =	vsub.f32 v6, v4  }
0x13e: {  	v50 =	vmul.f32 $1.442695020e+00, v5  }
0x13f: {  	v7 =	vsub.f32 v48, v4;
	v51 =	vmul.f32 $1.442695020e+00, v6  }
0x140: {  	(erf) = vpow2.f32 v50  }
0x141: {  	v3 =	vsub.f32 v3, v4;
	v52 =	vmul.f32 $1.442695020e+00, v7;
	(erf) = vpow2.f32 v51;
	_ =	sdelay $0x1  }
0x142: {  	v4 =	vmul.f32 $1.442695020e+00, v3;
	(erf) = vpow2.f32 v52;
	_ =	sdelay $0x1  }
0x143: {  	(erf) = vpow2.f32 v4;
	_ =	sdelay $0x3  }
0x144: {  	v53 =	vpop (erf)  }
0x145: {  	v54 =	vpop (erf)  }
0x146: {  	v4 =	vadd.f32 v54, v53  }
0x147: {  	v55 =	vpop (erf)  }
0x148: {  	v4 =	vadd.f32 v4, v55  }
0x149: {  	v56 =	vpop (erf)  }
0x14a: {  	v4 =	vadd.f32 v4, v56;
	_ =	sdelay $0x1  }
0x14b: {  	v8 =	vadd.f32 $1.000000000e+00, v4;
	_ =	sdelay $0x1  }
0x14c: {  	(erf) = vrcp.f32 v8;
	_ =	sdelay $0x5  }
0x14d: {  	v57 =	vadd.f32 $-1.000000000e+00, v4;
	_ =	sdelay $0x1  }
0x14e: {  	v8 =	vadd.f32 v57, v57  }
0x14f: {  	v58 =	vpop (erf)  }
0x150: {  	v8 =	vmul.f32 v58, v8;
	_ =	sdelay $0x1  }
0x151: {  	v9 =	vsub.f32 $0.0e+00, v8;
	_ =	sdelay $0x1  }
0x152: {  	v9 =	vmul.f32 $1.442695020e+00, v9;
	_ =	sdelay $0x1  }
0x153: {  	(erf) = vpow2.f32 v9;
	_ =	sdelay $0x8  }
0x154: {  	v9 =	vpop (erf)  }
0x155: {  	v8 =	vadd.f32 $-1.000000000e+00, v8;
	v9 =	vmul.f32 v9, v4;
	_ =	sdelay $0x1  }
0x156: {  	v8 =	vadd.f32 v9, v8;
	_ =	sdelay $0x1  }
0x157: {  	v9 =	vsub.f32 $0.0e+00, v8;
	_ =	sdelay $0x1  }
0x158: {  	v9 =	vmul.f32 $1.442695020e+00, v9;
	_ =	sdelay $0x1  }
0x159: {  	(erf) = vpow2.f32 v9;
	_ =	sdelay $0x8  }
0x15a: {  	v9 =	vpop (erf)  }
0x15b: {  	v8 =	vadd.f32 $-1.000000000e+00, v8;
	v9 =	vmul.f32 v9, v4;
	_ =	sdelay $0x1  }
0x15c: {  	v8 =	vadd.f32 v9, v8;
	_ =	sdelay $0x1  }
0x15d: {  	v9 =	vsub.f32 $0.0e+00, v8;
	_ =	sdelay $0x1  }
0x15e: {  	v9 =	vmul.f32 $1.442695020e+00, v9;
	_ =	sdelay $0x1  }
0x15f: {  	(erf) = vpow2.f32 v9;
	_ =	sdelay $0x8  }
0x160: {  	v9 =	vpop (erf)  }
0x161: {  	v8 =	vadd.f32 $-1.000000000e+00, v8;
	v4 =	vmul.f32 v9, v4  }
0x162: {  	v59 =	vshll.u32 v37, $0x3  }
0x163: {  	v60 =	vor.u32 $0x1, v59;
	v4 =	vadd.f32 v4, v8  }
0x164: {  	v61 =	vor.u32 $0x2, v59  }
0x165: {  	p0 =	sne.s32 s28, $0x780;
	v62 =	vor.u32 $0x3, v59;
	v5 =	vsub.f32 v5, v4  }
.Ltmp0:
0x166: {  	v6 =	vsub.f32 v6, v4;
	(pc) =	sbr.rel @p0 .LBB2_2-.Ltmp0, $4  }
0x167: {  	v63 =	vsub.f32 v7, v4;
	[tilespmem:v59+s21+$0x0] =	vst.idx.msk $0xffff, v5  }
0x168: {  	v3 =	vsub.f32 v3, v4;
	[tilespmem:v60+s21+$0x0] =	vst.idx.msk $0xffff, v6  }
0x169: {  	[tilespmem:v61+s21+$0x0] =	vst.idx.msk $0xffff, v63  }
0x16a: {  	s28 =	sadd.s32 $0x50, s28;
	[tilespmem:v62+s21+$0x0] =	vst.idx.msk $0xffff, v3  }
0x16b: {  	s28 =	simm.s32 $0x0  }
0x16c: {  	[hbm4b:s6+s28] =	stream.linear.scatter [tilespmem:s21], [sflag:$0x3], $0x3E80, $0x38;
	[tilespmem:$0x1D4C0] =	vst v63  }
0x16d: {  	_ =	swait.ge [sflag:s22], $0xFA0  }
0x16e: {  	[sflag:s22] =	ssyncset.done $0x0  }
0x16f: {  	[sflag:s22] =	ssyncadd.s32 $0xFFFFF060  }
0x170: {  	[tilespmem:s17], [sflag:$0x1] =	stream.strided.gather [hbm4b:s7+s15], $0xFA0, s16, s15, $0x38;
	[tilespmem:$0x1D4C0] =	vst v63  }
.LBB2_4:
0x171: {  	v3 =	vor.u32 s28, v0  }
0x172: {  	v5 =	vand.u32 v1, v3  }
0x173: {  	v4 =	vand.u32 $0xFF8, v3  }
0x174: {  	v4 =	vadd.s32 v2, v4;
	_ =	sdelay $0x2  }
0x175: {  	v5 =	vld.idx.msk [tilespmem:v5+s20+$0x0], $0xffff;
	_ =	sdelay $0x1  }
0x176: {  	v4 =	vld.idx.msk [tilespmem:v4+s20+$0x0], $0xffff;
	_ =	sdelay $0x2  }
0x177: {  	v5 =	vshll.u32 v5, $0x3  }
0x178: {  	v7 =	vor.u32 $0x1, v5  }
0x179: {  	v4 =	vshll.u32 v4, $0x3;
	v9 =	vor.u32 $0x2, v5  }
0x17a: {  	v6 =	vor.u32 $0x4, v4  }
0x17b: {  	v8 =	vor.u32 $0x5, v4  }
0x17c: {  	v11 =	vor.u32 $0x6, v4;
	v10 =	vld.idx.msk [tilespmem:v5+s3+$0x0], $0xffff  }
0x17d: {  	v4 =	vor.u32 $0x7, v4;
	v7 =	vld.idx.msk [tilespmem:v7+s3+$0x0], $0xffff  }
0x17e: {  	v5 =	vor.u32 $0x3, v5;
	v9 =	vld.idx.msk [tilespmem:v9+s3+$0x0], $0xffff  }
0x17f: {  	v6 =	vld.idx.msk [tilespmem:v6+s3+$0x0], $0xffff  }
0x180: {  	v8 =	vld.idx.msk [tilespmem:v8+s3+$0x0], $0xffff  }
0x181: {  	v11 =	vld.idx.msk [tilespmem:v11+s3+$0x0], $0xffff  }
0x182: {  	v4 =	vld.idx.msk [tilespmem:v4+s3+$0x0], $0xffff  }
0x183: {  	v5 =	vld.idx.msk [tilespmem:v5+s3+$0x0], $0xffff;
	_ =	sdelay $0x3  }
0x184: {  	v6 =	vadd.f32 v6, v10;
	v7 =	vadd.f32 v8, v7  }
0x185: {  	v50 =	vadd.f32 v11, v9;
	v4 =	vadd.f32 v4, v5;
	_ =	sdelay $0x1  }
0x186: {  	v51 =	vmax.f32 v6, v7;
	v9 =	vmax.f32 v50, v4  }
0x187: {  	v5 =	vmax.f32 v51, v9  }
0x188: {  	v6 =	vsub.f32 v6, v5  }
0x189: {  	v7 =	vsub.f32 v7, v5  }
0x18a: {  	v52 =	vmul.f32 $1.442695020e+00, v6  }
0x18b: {  	v8 =	vsub.f32 v50, v5;
	v53 =	vmul.f32 $1.442695020e+00, v7  }
0x18c: {  	(erf) = vpow2.f32 v52  }
0x18d: {  	v4 =	vsub.f32 v4, v5;
	v54 =	vmul.f32 $1.442695020e+00, v8;
	(erf) = vpow2.f32 v53;
	_ =	sdelay $0x1  }
0x18e: {  	v5 =	vmul.f32 $1.442695020e+00, v4;
	(erf) = vpow2.f32 v54;
	_ =	sdelay $0x1  }
0x18f: {  	(erf) = vpow2.f32 v5;
	_ =	sdelay $0x3  }
0x190: {  	v55 =	vpop (erf)  }
0x191: {  	v56 =	vpop (erf)  }
0x192: {  	v5 =	vadd.f32 v56, v55  }
0x193: {  	v57 =	vpop (erf)  }
0x194: {  	v5 =	vadd.f32 v5, v57  }
0x195: {  	v58 =	vpop (erf)  }
0x196: {  	v5 =	vadd.f32 v5, v58;
	_ =	sdelay $0x1  }
0x197: {  	v9 =	vadd.f32 $1.000000000e+00, v5;
	_ =	sdelay $0x1  }
0x198: {  	(erf) = vrcp.f32 v9;
	_ =	sdelay $0x5  }
0x199: {  	v59 =	vadd.f32 $-1.000000000e+00, v5;
	_ =	sdelay $0x1  }
0x19a: {  	v9 =	vadd.f32 v59, v59  }
0x19b: {  	v60 =	vpop (erf)  }
0x19c: {  	v9 =	vmul.f32 v60, v9;
	_ =	sdelay $0x1  }
0x19d: {  	v10 =	vsub.f32 $0.0e+00, v9;
	_ =	sdelay $0x1  }
0x19e: {  	v10 =	vmul.f32 $1.442695020e+00, v10;
	_ =	sdelay $0x1  }
0x19f: {  	(erf) = vpow2.f32 v10;
	_ =	sdelay $0x8  }
0x1a0: {  	v10 =	vpop (erf)  }
0x1a1: {  	v9 =	vadd.f32 $-1.000000000e+00, v9;
	v10 =	vmul.f32 v10, v5;
	_ =	sdelay $0x1  }
0x1a2: {  	v9 =	vadd.f32 v10, v9;
	_ =	sdelay $0x1  }
0x1a3: {  	v10 =	vsub.f32 $0.0e+00, v9;
	_ =	sdelay $0x1  }
0x1a4: {  	v10 =	vmul.f32 $1.442695020e+00, v10;
	_ =	sdelay $0x1  }
0x1a5: {  	(erf) = vpow2.f32 v10;
	_ =	sdelay $0x8  }
0x1a6: {  	v10 =	vpop (erf)  }
0x1a7: {  	v9 =	vadd.f32 $-1.000000000e+00, v9;
	v10 =	vmul.f32 v10, v5;
	_ =	sdelay $0x1  }
0x1a8: {  	v9 =	vadd.f32 v10, v9;
	_ =	sdelay $0x1  }
0x1a9: {  	v10 =	vsub.f32 $0.0e+00, v9;
	_ =	sdelay $0x1  }
0x1aa: {  	v10 =	vmul.f32 $1.442695020e+00, v10;
	_ =	sdelay $0x1  }
0x1ab: {  	(erf) = vpow2.f32 v10;
	_ =	sdelay $0x8  }
0x1ac: {  	v10 =	vpop (erf)  }
0x1ad: {  	v9 =	vadd.f32 $-1.000000000e+00, v9;
	v5 =	vmul.f32 v10, v5  }
0x1ae: {  	v3 =	vshll.u32 v3, $0x3  }
0x1af: {  	v61 =	vor.u32 $0x1, v3;
	v5 =	vadd.f32 v5, v9  }
0x1b0: {  	s29 =	sadd.s32 $0x10, s28;
	v62 =	vor.u32 $0x2, v3  }
0x1b1: {  	v12 =	vor.u32 s29, v0;
	v63 =	vor.u32 $0x3, v3;
	v6 =	vsub.f32 v6, v5  }
0x1b2: {  	v13 =	vand.u32 $0x1FF8, v12;
	v14 =	vand.u32 v1, v12;
	v7 =	vsub.f32 v7, v5  }
0x1b3: {  	v13 =	vadd.s32 v2, v13;
	[tilespmem:v3+s23+$0x0] =	vst.idx.msk $0xffff, v6;
	v3 =	vsub.f32 v8, v5  }
0x1b4: {  	v4 =	vsub.f32 v4, v5;
	[tilespmem:v61+s23+$0x0] =	vst.idx.msk $0xffff, v7  }
0x1b5: {  	[tilespmem:v62+s23+$0x0] =	vst.idx.msk $0xffff, v3  }
0x1b6: {  	[tilespmem:v63+s23+$0x0] =	vst.idx.msk $0xffff, v4  }
0x1b7: {  	v3 =	vld.idx.msk [tilespmem:v14+s20+$0x0], $0xffff  }
0x1b8: {  	v4 =	vld.idx.msk [tilespmem:v13+s20+$0x0], $0xffff;
	_ =	sdelay $0x4  }
0x1b9: {  	v3 =	vshll.u32 v3, $0x3;
	v4 =	vshll.u32 v4, $0x3  }
0x1ba: {  	v15 =	vor.u32 $0x4, v4  }
0x1bb: {  	v16 =	vor.u32 $0x1, v3  }
0x1bc: {  	v17 =	vor.u32 $0x5, v4  }
0x1bd: {  	v18 =	vor.u32 $0x2, v3  }
0x1be: {  	v19 =	vor.u32 $0x6, v4;
	v9 =	vld.idx.msk [tilespmem:v3+s3+$0x0], $0xffff  }
0x1bf: {  	v4 =	vor.u32 $0x7, v4;
	v5 =	vld.idx.msk [tilespmem:v15+s3+$0x0], $0xffff  }
0x1c0: {  	v3 =	vor.u32 $0x3, v3;
	v6 =	vld.idx.msk [tilespmem:v16+s3+$0x0], $0xffff  }
0x1c1: {  	v7 =	vld.idx.msk [tilespmem:v17+s3+$0x0], $0xffff  }
0x1c2: {  	v8 =	vld.idx.msk [tilespmem:v18+s3+$0x0], $0xffff  }
0x1c3: {  	v10 =	vld.idx.msk [tilespmem:v19+s3+$0x0], $0xffff  }
0x1c4: {  	v4 =	vld.idx.msk [tilespmem:v4+s3+$0x0], $0xffff  }
0x1c5: {  	v3 =	vld.idx.msk [tilespmem:v3+s3+$0x0], $0xffff;
	_ =	sdelay $0x3  }
0x1c6: {  	v5 =	vadd.f32 v5, v9;
	v6 =	vadd.f32 v7, v6  }
0x1c7: {  	v20 =	vadd.f32 v10, v8;
	v3 =	vadd.f32 v4, v3;
	_ =	sdelay $0x1  }
0x1c8: {  	v21 =	vmax.f32 v5, v6;
	v8 =	vmax.f32 v20, v3  }
0x1c9: {  	v4 =	vmax.f32 v21, v8  }
0x1ca: {  	v5 =	vsub.f32 v5, v4  }
0x1cb: {  	v6 =	vsub.f32 v6, v4  }
0x1cc: {  	v22 =	vmul.f32 $1.442695020e+00, v5  }
0x1cd: {  	v7 =	vsub.f32 v20, v4;
	v23 =	vmul.f32 $1.442695020e+00, v6  }
0x1ce: {  	(erf) = vpow2.f32 v22  }
0x1cf: {  	v3 =	vsub.f32 v3, v4;
	v24 =	vmul.f32 $1.442695020e+00, v7;
	(erf) = vpow2.f32 v23;
	_ =	sdelay $0x1  }
0x1d0: {  	v4 =	vmul.f32 $1.442695020e+00, v3;
	(erf) = vpow2.f32 v24;
	_ =	sdelay $0x1  }
0x1d1: {  	(erf) = vpow2.f32 v4;
	_ =	sdelay $0x3  }
0x1d2: {  	v25 =	vpop (erf)  }
0x1d3: {  	v26 =	vpop (erf)  }
0x1d4: {  	v4 =	vadd.f32 v26, v25  }
0x1d5: {  	v27 =	vpop (erf)  }
0x1d6: {  	v4 =	vadd.f32 v4, v27  }
0x1d7: {  	v28 =	vpop (erf)  }
0x1d8: {  	v4 =	vadd.f32 v4, v28;
	_ =	sdelay $0x1  }
0x1d9: {  	v8 =	vadd.f32 $1.000000000e+00, v4;
	_ =	sdelay $0x1  }
0x1da: {  	(erf) = vrcp.f32 v8;
	_ =	sdelay $0x5  }
0x1db: {  	v29 =	vadd.f32 $-1.000000000e+00, v4;
	_ =	sdelay $0x1  }
0x1dc: {  	v8 =	vadd.f32 v29, v29  }
0x1dd: {  	v30 =	vpop (erf)  }
0x1de: {  	v8 =	vmul.f32 v30, v8;
	_ =	sdelay $0x1  }
0x1df: {  	v9 =	vsub.f32 $0.0e+00, v8;
	_ =	sdelay $0x1  }
0x1e0: {  	v9 =	vmul.f32 $1.442695020e+00, v9;
	_ =	sdelay $0x1  }
0x1e1: {  	(erf) = vpow2.f32 v9;
	_ =	sdelay $0x8  }
0x1e2: {  	v9 =	vpop (erf)  }
0x1e3: {  	v8 =	vadd.f32 $-1.000000000e+00, v8;
	v9 =	vmul.f32 v9, v4;
	_ =	sdelay $0x1  }
0x1e4: {  	v8 =	vadd.f32 v9, v8;
	_ =	sdelay $0x1  }
0x1e5: {  	v9 =	vsub.f32 $0.0e+00, v8;
	_ =	sdelay $0x1  }
0x1e6: {  	v9 =	vmul.f32 $1.442695020e+00, v9;
	_ =	sdelay $0x1  }
0x1e7: {  	(erf) = vpow2.f32 v9;
	_ =	sdelay $0x8  }
0x1e8: {  	v9 =	vpop (erf)  }
0x1e9: {  	v8 =	vadd.f32 $-1.000000000e+00, v8;
	v9 =	vmul.f32 v9, v4;
	_ =	sdelay $0x1  }
0x1ea: {  	v8 =	vadd.f32 v9, v8;
	_ =	sdelay $0x1  }
0x1eb: {  	v9 =	vsub.f32 $0.0e+00, v8;
	_ =	sdelay $0x1  }
0x1ec: {  	v9 =	vmul.f32 $1.442695020e+00, v9;
	_ =	sdelay $0x1  }
0x1ed: {  	(erf) = vpow2.f32 v9;
	_ =	sdelay $0x8  }
0x1ee: {  	v9 =	vpop (erf)  }
0x1ef: {  	v8 =	vadd.f32 $-1.000000000e+00, v8;
	v4 =	vmul.f32 v9, v4  }
0x1f0: {  	v31 =	vshll.u32 v12, $0x3  }
0x1f1: {  	v32 =	vor.u32 $0x1, v31;
	v4 =	vadd.f32 v4, v8  }
0x1f2: {  	s31 =	sadd.s32 $0x20, s28;
	v33 =	vor.u32 $0x2, v31  }
0x1f3: {  	v35 =	vor.u32 s31, v0;
	v34 =	vor.u32 $0x3, v31;
	v5 =	vsub.f32 v5, v4  }
0x1f4: {  	v36 =	vand.u32 $0x1FF8, v35;
	v37 =	vand.u32 v1, v35;
	v6 =	vsub.f32 v6, v4  }
0x1f5: {  	v39 =	vadd.s32 v2, v36;
	v38 =	vsub.f32 v7, v4;
	[tilespmem:v31+s23+$0x0] =	vst.idx.msk $0xffff, v5  }
0x1f6: {  	v3 =	vsub.f32 v3, v4;
	[tilespmem:v32+s23+$0x0] =	vst.idx.msk $0xffff, v6  }
0x1f7: {  	[tilespmem:v33+s23+$0x0] =	vst.idx.msk $0xffff, v38  }
0x1f8: {  	[tilespmem:v34+s23+$0x0] =	vst.idx.msk $0xffff, v3  }
0x1f9: {  	v3 =	vld.idx.msk [tilespmem:v37+s20+$0x0], $0xffff  }
0x1fa: {  	v40 =	vld.idx.msk [tilespmem:v39+s20+$0x0], $0xffff;
	_ =	sdelay $0x4  }
0x1fb: {  	v3 =	vshll.u32 v3, $0x3;
	v4 =	vshll.u32 v40, $0x3  }
0x1fc: {  	v41 =	vor.u32 $0x4, v4  }
0x1fd: {  	v42 =	vor.u32 $0x1, v3  }
0x1fe: {  	v43 =	vor.u32 $0x5, v4  }
0x1ff: {  	v44 =	vor.u32 $0x2, v3  }
0x200: {  	v45 =	vor.u32 $0x6, v4;
	v9 =	vld.idx.msk [tilespmem:v3+s3+$0x0], $0xffff  }
0x201: {  	v4 =	vor.u32 $0x7, v4;
	v5 =	vld.idx.msk [tilespmem:v41+s3+$0x0], $0xffff  }
0x202: {  	v3 =	vor.u32 $0x3, v3;
	v6 =	vld.idx.msk [tilespmem:v42+s3+$0x0], $0xffff  }
0x203: {  	v7 =	vld.idx.msk [tilespmem:v43+s3+$0x0], $0xffff  }
0x204: {  	v8 =	vld.idx.msk [tilespmem:v44+s3+$0x0], $0xffff  }
0x205: {  	v10 =	vld.idx.msk [tilespmem:v45+s3+$0x0], $0xffff  }
0x206: {  	v4 =	vld.idx.msk [tilespmem:v4+s3+$0x0], $0xffff  }
0x207: {  	v3 =	vld.idx.msk [tilespmem:v3+s3+$0x0], $0xffff;
	_ =	sdelay $0x3  }
0x208: {  	v5 =	vadd.f32 v5, v9;
	v6 =	vadd.f32 v7, v6  }
0x209: {  	v46 =	vadd.f32 v10, v8;
	v3 =	vadd.f32 v4, v3;
	_ =	sdelay $0x1  }
0x20a: {  	v47 =	vmax.f32 v5, v6;
	v8 =	vmax.f32 v46, v3  }
0x20b: {  	v4 =	vmax.f32 v47, v8  }
0x20c: {  	v5 =	vsub.f32 v5, v4  }
0x20d: {  	v6 =	vsub.f32 v6, v4  }
0x20e: {  	v48 =	vmul.f32 $1.442695020e+00, v5  }
0x20f: {  	v7 =	vsub.f32 v46, v4;
	v49 =	vmul.f32 $1.442695020e+00, v6  }
0x210: {  	(erf) = vpow2.f32 v48  }
0x211: {  	v3 =	vsub.f32 v3, v4;
	v50 =	vmul.f32 $1.442695020e+00, v7;
	(erf) = vpow2.f32 v49;
	_ =	sdelay $0x1  }
0x212: {  	v4 =	vmul.f32 $1.442695020e+00, v3;
	(erf) = vpow2.f32 v50;
	_ =	sdelay $0x1  }
0x213: {  	(erf) = vpow2.f32 v4;
	_ =	sdelay $0x3  }
0x214: {  	v51 =	vpop (erf)  }
0x215: {  	v52 =	vpop (erf)  }
0x216: {  	v4 =	vadd.f32 v52, v51  }
0x217: {  	v53 =	vpop (erf)  }
0x218: {  	v4 =	vadd.f32 v4, v53  }
0x219: {  	v54 =	vpop (erf)  }
0x21a: {  	v4 =	vadd.f32 v4, v54;
	_ =	sdelay $0x1  }
0x21b: {  	v8 =	vadd.f32 $1.000000000e+00, v4;
	_ =	sdelay $0x1  }
0x21c: {  	(erf) = vrcp.f32 v8;
	_ =	sdelay $0x5  }
0x21d: {  	v55 =	vadd.f32 $-1.000000000e+00, v4;
	_ =	sdelay $0x1  }
0x21e: {  	v8 =	vadd.f32 v55, v55  }
0x21f: {  	v56 =	vpop (erf)  }
0x220: {  	v8 =	vmul.f32 v56, v8;
	_ =	sdelay $0x1  }
0x221: {  	v9 =	vsub.f32 $0.0e+00, v8;
	_ =	sdelay $0x1  }
0x222: {  	v9 =	vmul.f32 $1.442695020e+00, v9;
	_ =	sdelay $0x1  }
0x223: {  	(erf) = vpow2.f32 v9;
	_ =	sdelay $0x8  }
0x224: {  	v9 =	vpop (erf)  }
0x225: {  	v8 =	vadd.f32 $-1.000000000e+00, v8;
	v9 =	vmul.f32 v9, v4;
	_ =	sdelay $0x1  }
0x226: {  	v8 =	vadd.f32 v9, v8;
	_ =	sdelay $0x1  }
0x227: {  	v9 =	vsub.f32 $0.0e+00, v8;
	_ =	sdelay $0x1  }
0x228: {  	v9 =	vmul.f32 $1.442695020e+00, v9;
	_ =	sdelay $0x1  }
0x229: {  	(erf) = vpow2.f32 v9;
	_ =	sdelay $0x8  }
0x22a: {  	v9 =	vpop (erf)  }
0x22b: {  	v8 =	vadd.f32 $-1.000000000e+00, v8;
	v9 =	vmul.f32 v9, v4;
	_ =	sdelay $0x1  }
0x22c: {  	v8 =	vadd.f32 v9, v8;
	_ =	sdelay $0x1  }
0x22d: {  	v9 =	vsub.f32 $0.0e+00, v8;
	_ =	sdelay $0x1  }
0x22e: {  	v9 =	vmul.f32 $1.442695020e+00, v9;
	_ =	sdelay $0x1  }
0x22f: {  	(erf) = vpow2.f32 v9;
	_ =	sdelay $0x8  }
0x230: {  	v9 =	vpop (erf)  }
0x231: {  	v8 =	vadd.f32 $-1.000000000e+00, v8;
	v4 =	vmul.f32 v9, v4  }
0x232: {  	v57 =	vshll.u32 v35, $0x3  }
0x233: {  	v58 =	vor.u32 $0x1, v57;
	v4 =	vadd.f32 v4, v8  }
0x234: {  	s30 =	sadd.s32 $0x30, s28;
	v59 =	vor.u32 $0x2, v57  }
0x235: {  	v60 =	vor.u32 $0x3, v57;
	v61 =	vor.u32 s30, v0;
	v5 =	vsub.f32 v5, v4  }
0x236: {  	v62 =	vand.u32 $0x1FF8, v61;
	v63 =	vand.u32 v1, v61;
	v6 =	vsub.f32 v6, v4  }
0x237: {  	v15 =	vadd.s32 v2, v62;
	v9 =	vsub.f32 v7, v4;
	[tilespmem:v57+s23+$0x0] =	vst.idx.msk $0xffff, v5  }
0x238: {  	v3 =	vsub.f32 v3, v4;
	[tilespmem:v58+s23+$0x0] =	vst.idx.msk $0xffff, v6  }
0x239: {  	[tilespmem:v59+s23+$0x0] =	vst.idx.msk $0xffff, v9  }
0x23a: {  	[tilespmem:v60+s23+$0x0] =	vst.idx.msk $0xffff, v3  }
0x23b: {  	v3 =	vld.idx.msk [tilespmem:v63+s20+$0x0], $0xffff  }
0x23c: {  	v16 =	vld.idx.msk [tilespmem:v15+s20+$0x0], $0xffff;
	_ =	sdelay $0x4  }
0x23d: {  	v3 =	vshll.u32 v3, $0x3;
	v4 =	vshll.u32 v16, $0x3  }
0x23e: {  	v17 =	vor.u32 $0x4, v4  }
0x23f: {  	v18 =	vor.u32 $0x1, v3  }
0x240: {  	v19 =	vor.u32 $0x5, v4  }
0x241: {  	v20 =	vor.u32 $0x2, v3  }
0x242: {  	v21 =	vor.u32 $0x6, v4;
	v9 =	vld.idx.msk [tilespmem:v3+s3+$0x0], $0xffff  }
0x243: {  	v4 =	vor.u32 $0x7, v4;
	v5 =	vld.idx.msk [tilespmem:v17+s3+$0x0], $0xffff  }
0x244: {  	v3 =	vor.u32 $0x3, v3;
	v6 =	vld.idx.msk [tilespmem:v18+s3+$0x0], $0xffff  }
0x245: {  	v7 =	vld.idx.msk [tilespmem:v19+s3+$0x0], $0xffff  }
0x246: {  	v8 =	vld.idx.msk [tilespmem:v20+s3+$0x0], $0xffff  }
0x247: {  	v10 =	vld.idx.msk [tilespmem:v21+s3+$0x0], $0xffff  }
0x248: {  	v4 =	vld.idx.msk [tilespmem:v4+s3+$0x0], $0xffff  }
0x249: {  	v3 =	vld.idx.msk [tilespmem:v3+s3+$0x0], $0xffff;
	_ =	sdelay $0x3  }
0x24a: {  	v5 =	vadd.f32 v5, v9;
	v6 =	vadd.f32 v7, v6  }
0x24b: {  	v22 =	vadd.f32 v10, v8;
	v3 =	vadd.f32 v4, v3;
	_ =	sdelay $0x1  }
0x24c: {  	v23 =	vmax.f32 v5, v6;
	v8 =	vmax.f32 v22, v3  }
0x24d: {  	v4 =	vmax.f32 v23, v8  }
0x24e: {  	v5 =	vsub.f32 v5, v4  }
0x24f: {  	v6 =	vsub.f32 v6, v4  }
0x250: {  	v24 =	vmul.f32 $1.442695020e+00, v5  }
0x251: {  	v7 =	vsub.f32 v22, v4;
	v25 =	vmul.f32 $1.442695020e+00, v6  }
0x252: {  	(erf) = vpow2.f32 v24  }
0x253: {  	v3 =	vsub.f32 v3, v4;
	v26 =	vmul.f32 $1.442695020e+00, v7;
	(erf) = vpow2.f32 v25;
	_ =	sdelay $0x1  }
0x254: {  	v4 =	vmul.f32 $1.442695020e+00, v3;
	(erf) = vpow2.f32 v26;
	_ =	sdelay $0x1  }
0x255: {  	(erf) = vpow2.f32 v4;
	_ =	sdelay $0x3  }
0x256: {  	v27 =	vpop (erf)  }
0x257: {  	v28 =	vpop (erf)  }
0x258: {  	v4 =	vadd.f32 v28, v27  }
0x259: {  	v29 =	vpop (erf)  }
0x25a: {  	v4 =	vadd.f32 v4, v29  }
0x25b: {  	v30 =	vpop (erf)  }
0x25c: {  	v4 =	vadd.f32 v4, v30;
	_ =	sdelay $0x1  }
0x25d: {  	v8 =	vadd.f32 $1.000000000e+00, v4;
	_ =	sdelay $0x1  }
0x25e: {  	(erf) = vrcp.f32 v8;
	_ =	sdelay $0x5  }
0x25f: {  	v31 =	vadd.f32 $-1.000000000e+00, v4;
	_ =	sdelay $0x1  }
0x260: {  	v8 =	vadd.f32 v31, v31  }
0x261: {  	v32 =	vpop (erf)  }
0x262: {  	v8 =	vmul.f32 v32, v8;
	_ =	sdelay $0x1  }
0x263: {  	v9 =	vsub.f32 $0.0e+00, v8;
	_ =	sdelay $0x1  }
0x264: {  	v9 =	vmul.f32 $1.442695020e+00, v9;
	_ =	sdelay $0x1  }
0x265: {  	(erf) = vpow2.f32 v9;
	_ =	sdelay $0x8  }
0x266: {  	v9 =	vpop (erf)  }
0x267: {  	v8 =	vadd.f32 $-1.000000000e+00, v8;
	v9 =	vmul.f32 v9, v4;
	_ =	sdelay $0x1  }
0x268: {  	v8 =	vadd.f32 v9, v8;
	_ =	sdelay $0x1  }
0x269: {  	v9 =	vsub.f32 $0.0e+00, v8;
	_ =	sdelay $0x1  }
0x26a: {  	v9 =	vmul.f32 $1.442695020e+00, v9;
	_ =	sdelay $0x1  }
0x26b: {  	(erf) = vpow2.f32 v9;
	_ =	sdelay $0x8  }
0x26c: {  	v9 =	vpop (erf)  }
0x26d: {  	v8 =	vadd.f32 $-1.000000000e+00, v8;
	v9 =	vmul.f32 v9, v4;
	_ =	sdelay $0x1  }
0x26e: {  	v8 =	vadd.f32 v9, v8;
	_ =	sdelay $0x1  }
0x26f: {  	v9 =	vsub.f32 $0.0e+00, v8;
	_ =	sdelay $0x1  }
0x270: {  	v9 =	vmul.f32 $1.442695020e+00, v9;
	_ =	sdelay $0x1  }
0x271: {  	(erf) = vpow2.f32 v9;
	_ =	sdelay $0x8  }
0x272: {  	v9 =	vpop (erf)  }
0x273: {  	v8 =	vadd.f32 $-1.000000000e+00, v8;
	v4 =	vmul.f32 v9, v4  }
0x274: {  	v33 =	vshll.u32 v61, $0x3  }
0x275: {  	v34 =	vor.u32 $0x1, v33;
	v4 =	vadd.f32 v4, v8  }
0x276: {  	s31 =	sadd.s32 $0x40, s28;
	v35 =	vor.u32 $0x2, v33  }
0x277: {  	v36 =	vor.u32 $0x3, v33;
	v37 =	vor.u32 s31, v0;
	v5 =	vsub.f32 v5, v4  }
0x278: {  	v38 =	vand.u32 $0x1FF8, v37;
	v39 =	vand.u32 v1, v37;
	v6 =	vsub.f32 v6, v4  }
0x279: {  	v41 =	vadd.s32 v2, v38;
	v40 =	vsub.f32 v7, v4;
	[tilespmem:v33+s23+$0x0] =	vst.idx.msk $0xffff, v5  }
0x27a: {  	v3 =	vsub.f32 v3, v4;
	[tilespmem:v34+s23+$0x0] =	vst.idx.msk $0xffff, v6  }
0x27b: {  	[tilespmem:v35+s23+$0x0] =	vst.idx.msk $0xffff, v40  }
0x27c: {  	[tilespmem:v36+s23+$0x0] =	vst.idx.msk $0xffff, v3  }
0x27d: {  	v3 =	vld.idx.msk [tilespmem:v39+s20+$0x0], $0xffff  }
0x27e: {  	v42 =	vld.idx.msk [tilespmem:v41+s20+$0x0], $0xffff;
	_ =	sdelay $0x4  }
0x27f: {  	v3 =	vshll.u32 v3, $0x3;
	v4 =	vshll.u32 v42, $0x3  }
0x280: {  	v43 =	vor.u32 $0x4, v4  }
0x281: {  	v44 =	vor.u32 $0x1, v3  }
0x282: {  	v45 =	vor.u32 $0x5, v4  }
0x283: {  	v46 =	vor.u32 $0x2, v3  }
0x284: {  	v47 =	vor.u32 $0x6, v4;
	v9 =	vld.idx.msk [tilespmem:v3+s3+$0x0], $0xffff  }
0x285: {  	v4 =	vor.u32 $0x7, v4;
	v5 =	vld.idx.msk [tilespmem:v43+s3+$0x0], $0xffff  }
0x286: {  	v3 =	vor.u32 $0x3, v3;
	v6 =	vld.idx.msk [tilespmem:v44+s3+$0x0], $0xffff  }
0x287: {  	v7 =	vld.idx.msk [tilespmem:v45+s3+$0x0], $0xffff  }
0x288: {  	v8 =	vld.idx.msk [tilespmem:v46+s3+$0x0], $0xffff  }
0x289: {  	v10 =	vld.idx.msk [tilespmem:v47+s3+$0x0], $0xffff  }
0x28a: {  	v4 =	vld.idx.msk [tilespmem:v4+s3+$0x0], $0xffff  }
0x28b: {  	v3 =	vld.idx.msk [tilespmem:v3+s3+$0x0], $0xffff;
	_ =	sdelay $0x3  }
0x28c: {  	v5 =	vadd.f32 v5, v9;
	v6 =	vadd.f32 v7, v6  }
0x28d: {  	v48 =	vadd.f32 v10, v8;
	v3 =	vadd.f32 v4, v3;
	_ =	sdelay $0x1  }
0x28e: {  	v49 =	vmax.f32 v5, v6;
	v8 =	vmax.f32 v48, v3  }
0x28f: {  	v4 =	vmax.f32 v49, v8  }
0x290: {  	v5 =	vsub.f32 v5, v4  }
0x291: {  	v6 =	vsub.f32 v6, v4  }
0x292: {  	v50 =	vmul.f32 $1.442695020e+00, v5  }
0x293: {  	v7 =	vsub.f32 v48, v4;
	v51 =	vmul.f32 $1.442695020e+00, v6  }
0x294: {  	(erf) = vpow2.f32 v50  }
0x295: {  	v3 =	vsub.f32 v3, v4;
	v52 =	vmul.f32 $1.442695020e+00, v7;
	(erf) = vpow2.f32 v51;
	_ =	sdelay $0x1  }
0x296: {  	v4 =	vmul.f32 $1.442695020e+00, v3;
	(erf) = vpow2.f32 v52;
	_ =	sdelay $0x1  }
0x297: {  	(erf) = vpow2.f32 v4;
	_ =	sdelay $0x3  }
0x298: {  	v53 =	vpop (erf)  }
0x299: {  	v54 =	vpop (erf)  }
0x29a: {  	v4 =	vadd.f32 v54, v53  }
0x29b: {  	v55 =	vpop (erf)  }
0x29c: {  	v4 =	vadd.f32 v4, v55  }
0x29d: {  	v56 =	vpop (erf)  }
0x29e: {  	v4 =	vadd.f32 v4, v56;
	_ =	sdelay $0x1  }
0x29f: {  	v8 =	vadd.f32 $1.000000000e+00, v4;
	_ =	sdelay $0x1  }
0x2a0: {  	(erf) = vrcp.f32 v8;
	_ =	sdelay $0x5  }
0x2a1: {  	v57 =	vadd.f32 $-1.000000000e+00, v4;
	_ =	sdelay $0x1  }
0x2a2: {  	v8 =	vadd.f32 v57, v57  }
0x2a3: {  	v58 =	vpop (erf)  }
0x2a4: {  	v8 =	vmul.f32 v58, v8;
	_ =	sdelay $0x1  }
0x2a5: {  	v9 =	vsub.f32 $0.0e+00, v8;
	_ =	sdelay $0x1  }
0x2a6: {  	v9 =	vmul.f32 $1.442695020e+00, v9;
	_ =	sdelay $0x1  }
0x2a7: {  	(erf) = vpow2.f32 v9;
	_ =	sdelay $0x8  }
0x2a8: {  	v9 =	vpop (erf)  }
0x2a9: {  	v8 =	vadd.f32 $-1.000000000e+00, v8;
	v9 =	vmul.f32 v9, v4;
	_ =	sdelay $0x1  }
0x2aa: {  	v8 =	vadd.f32 v9, v8;
	_ =	sdelay $0x1  }
0x2ab: {  	v9 =	vsub.f32 $0.0e+00, v8;
	_ =	sdelay $0x1  }
0x2ac: {  	v9 =	vmul.f32 $1.442695020e+00, v9;
	_ =	sdelay $0x1  }
0x2ad: {  	(erf) = vpow2.f32 v9;
	_ =	sdelay $0x8  }
0x2ae: {  	v9 =	vpop (erf)  }
0x2af: {  	v8 =	vadd.f32 $-1.000000000e+00, v8;
	v9 =	vmul.f32 v9, v4;
	_ =	sdelay $0x1  }
0x2b0: {  	v8 =	vadd.f32 v9, v8;
	_ =	sdelay $0x1  }
0x2b1: {  	v9 =	vsub.f32 $0.0e+00, v8;
	_ =	sdelay $0x1  }
0x2b2: {  	v9 =	vmul.f32 $1.442695020e+00, v9;
	_ =	sdelay $0x1  }
0x2b3: {  	(erf) = vpow2.f32 v9;
	_ =	sdelay $0x8  }
0x2b4: {  	v9 =	vpop (erf)  }
0x2b5: {  	v8 =	vadd.f32 $-1.000000000e+00, v8;
	v4 =	vmul.f32 v9, v4  }
0x2b6: {  	v59 =	vshll.u32 v37, $0x3  }
0x2b7: {  	v60 =	vor.u32 $0x1, v59;
	v4 =	vadd.f32 v4, v8  }
0x2b8: {  	v61 =	vor.u32 $0x2, v59  }
0x2b9: {  	p0 =	sne.s32 s28, $0x780;
	v62 =	vor.u32 $0x3, v59;
	v5 =	vsub.f32 v5, v4  }
.Ltmp1:
0x2ba: {  	v6 =	vsub.f32 v6, v4;
	(pc) =	sbr.rel @p0 .LBB2_4-.Ltmp1, $4  }
0x2bb: {  	v63 =	vsub.f32 v7, v4;
	[tilespmem:v59+s23+$0x0] =	vst.idx.msk $0xffff, v5  }
0x2bc: {  	v3 =	vsub.f32 v3, v4;
	[tilespmem:v60+s23+$0x0] =	vst.idx.msk $0xffff, v6  }
0x2bd: {  	[tilespmem:v61+s23+$0x0] =	vst.idx.msk $0xffff, v63  }
0x2be: {  	s28 =	sadd.s32 $0x50, s28;
	[tilespmem:v62+s23+$0x0] =	vst.idx.msk $0xffff, v3  }
0x2bf: {  	s28 =	simm.s32 $0x0  }
0x2c0: {  	[hbm4b:s8+s28] =	stream.linear.scatter [tilespmem:s23], [sflag:$0x4], $0x3E80, $0x38;
	[tilespmem:$0x1D4C0] =	vst v63  }
0x2c1: {  	_ =	swait.ge [sflag:s19], $0xFA0  }
0x2c2: {  	[sflag:s19] =	ssyncset.done $0x0  }
0x2c3: {  	[sflag:s19] =	ssyncadd.s32 $0xFFFFF060  }
0x2c4: {  	[tilespmem:s20], [sflag:$0x2] =	stream.strided.gather [hbm4b:s9+s15], $0xFA0, s16, s15, $0x38;
	[tilespmem:$0x1D4C0] =	vst v63  }
0x2c5: {  	_ =	swait.ge [sflag:s24], $0x3E80  }
0x2c6: {  	[sflag:s24] =	ssyncset.done $0x0  }
0x2c7: {  	[sflag:s24] =	ssyncadd.s32 $0xFFFFC180  }
.LBB2_6:
0x2c8: {  	v3 =	vor.u32 s28, v0  }
0x2c9: {  	v5 =	vand.u32 v1, v3  }
0x2ca: {  	v4 =	vand.u32 $0xFF8, v3  }
0x2cb: {  	v4 =	vadd.s32 v2, v4;
	_ =	sdelay $0x2  }
0x2cc: {  	v5 =	vld.idx.msk [tilespmem:v5+s17+$0x0], $0xffff;
	_ =	sdelay $0x1  }
0x2cd: {  	v4 =	vld.idx.msk [tilespmem:v4+s17+$0x0], $0xffff;
	_ =	sdelay $0x2  }
0x2ce: {  	v5 =	vshll.u32 v5, $0x3  }
0x2cf: {  	v7 =	vor.u32 $0x1, v5  }
0x2d0: {  	v4 =	vshll.u32 v4, $0x3;
	v9 =	vor.u32 $0x2, v5  }
0x2d1: {  	v6 =	vor.u32 $0x4, v4  }
0x2d2: {  	v8 =	vor.u32 $0x5, v4  }
0x2d3: {  	v11 =	vor.u32 $0x6, v4;
	v10 =	vld.idx.msk [tilespmem:v5+s3+$0x0], $0xffff  }
0x2d4: {  	v4 =	vor.u32 $0x7, v4;
	v7 =	vld.idx.msk [tilespmem:v7+s3+$0x0], $0xffff  }
0x2d5: {  	v5 =	vor.u32 $0x3, v5;
	v9 =	vld.idx.msk [tilespmem:v9+s3+$0x0], $0xffff  }
0x2d6: {  	v6 =	vld.idx.msk [tilespmem:v6+s3+$0x0], $0xffff  }
0x2d7: {  	v8 =	vld.idx.msk [tilespmem:v8+s3+$0x0], $0xffff  }
0x2d8: {  	v11 =	vld.idx.msk [tilespmem:v11+s3+$0x0], $0xffff  }
0x2d9: {  	v4 =	vld.idx.msk [tilespmem:v4+s3+$0x0], $0xffff  }
0x2da: {  	v5 =	vld.idx.msk [tilespmem:v5+s3+$0x0], $0xffff;
	_ =	sdelay $0x3  }
0x2db: {  	v6 =	vadd.f32 v6, v10;
	v7 =	vadd.f32 v8, v7  }
0x2dc: {  	v50 =	vadd.f32 v11, v9;
	v4 =	vadd.f32 v4, v5;
	_ =	sdelay $0x1  }
0x2dd: {  	v51 =	vmax.f32 v6, v7;
	v9 =	vmax.f32 v50, v4  }
0x2de: {  	v5 =	vmax.f32 v51, v9  }
0x2df: {  	v6 =	vsub.f32 v6, v5  }
0x2e0: {  	v7 =	vsub.f32 v7, v5  }
0x2e1: {  	v52 =	vmul.f32 $1.442695020e+00, v6  }
0x2e2: {  	v8 =	vsub.f32 v50, v5;
	v53 =	vmul.f32 $1.442695020e+00, v7  }
0x2e3: {  	(erf) = vpow2.f32 v52  }
0x2e4: {  	v4 =	vsub.f32 v4, v5;
	v54 =	vmul.f32 $1.442695020e+00, v8;
	(erf) = vpow2.f32 v53;
	_ =	sdelay $0x1  }
0x2e5: {  	v5 =	vmul.f32 $1.442695020e+00, v4;
	(erf) = vpow2.f32 v54;
	_ =	sdelay $0x1  }
0x2e6: {  	(erf) = vpow2.f32 v5;
	_ =	sdelay $0x3  }
0x2e7: {  	v55 =	vpop (erf)  }
0x2e8: {  	v56 =	vpop (erf)  }
0x2e9: {  	v5 =	vadd.f32 v56, v55  }
0x2ea: {  	v57 =	vpop (erf)  }
0x2eb: {  	v5 =	vadd.f32 v5, v57  }
0x2ec: {  	v58 =	vpop (erf)  }
0x2ed: {  	v5 =	vadd.f32 v5, v58;
	_ =	sdelay $0x1  }
0x2ee: {  	v9 =	vadd.f32 $1.000000000e+00, v5;
	_ =	sdelay $0x1  }
0x2ef: {  	(erf) = vrcp.f32 v9;
	_ =	sdelay $0x5  }
0x2f0: {  	v59 =	vadd.f32 $-1.000000000e+00, v5;
	_ =	sdelay $0x1  }
0x2f1: {  	v9 =	vadd.f32 v59, v59  }
0x2f2: {  	v60 =	vpop (erf)  }
0x2f3: {  	v9 =	vmul.f32 v60, v9;
	_ =	sdelay $0x1  }
0x2f4: {  	v10 =	vsub.f32 $0.0e+00, v9;
	_ =	sdelay $0x1  }
0x2f5: {  	v10 =	vmul.f32 $1.442695020e+00, v10;
	_ =	sdelay $0x1  }
0x2f6: {  	(erf) = vpow2.f32 v10;
	_ =	sdelay $0x8  }
0x2f7: {  	v10 =	vpop (erf)  }
0x2f8: {  	v9 =	vadd.f32 $-1.000000000e+00, v9;
	v10 =	vmul.f32 v10, v5;
	_ =	sdelay $0x1  }
0x2f9: {  	v9 =	vadd.f32 v10, v9;
	_ =	sdelay $0x1  }
0x2fa: {  	v10 =	vsub.f32 $0.0e+00, v9;
	_ =	sdelay $0x1  }
0x2fb: {  	v10 =	vmul.f32 $1.442695020e+00, v10;
	_ =	sdelay $0x1  }
0x2fc: {  	(erf) = vpow2.f32 v10;
	_ =	sdelay $0x8  }
0x2fd: {  	v10 =	vpop (erf)  }
0x2fe: {  	v9 =	vadd.f32 $-1.000000000e+00, v9;
	v10 =	vmul.f32 v10, v5;
	_ =	sdelay $0x1  }
0x2ff: {  	v9 =	vadd.f32 v10, v9;
	_ =	sdelay $0x1  }
0x300: {  	v10 =	vsub.f32 $0.0e+00, v9;
	_ =	sdelay $0x1  }
0x301: {  	v10 =	vmul.f32 $1.442695020e+00, v10;
	_ =	sdelay $0x1  }
0x302: {  	(erf) = vpow2.f32 v10;
	_ =	sdelay $0x8  }
0x303: {  	v10 =	vpop (erf)  }
0x304: {  	v9 =	vadd.f32 $-1.000000000e+00, v9;
	v5 =	vmul.f32 v10, v5  }
0x305: {  	v3 =	vshll.u32 v3, $0x3  }
0x306: {  	v61 =	vor.u32 $0x1, v3;
	v5 =	vadd.f32 v5, v9  }
0x307: {  	s29 =	sadd.s32 $0x10, s28;
	v62 =	vor.u32 $0x2, v3  }
0x308: {  	v12 =	vor.u32 s29, v0;
	v63 =	vor.u32 $0x3, v3;
	v6 =	vsub.f32 v6, v5  }
0x309: {  	v13 =	vand.u32 $0x1FF8, v12;
	v14 =	vand.u32 v1, v12;
	v7 =	vsub.f32 v7, v5  }
0x30a: {  	v13 =	vadd.s32 v2, v13;
	[tilespmem:v3+s21+$0x0] =	vst.idx.msk $0xffff, v6;
	v3 =	vsub.f32 v8, v5  }
0x30b: {  	v4 =	vsub.f32 v4, v5;
	[tilespmem:v61+s21+$0x0] =	vst.idx.msk $0xffff, v7  }
0x30c: {  	[tilespmem:v62+s21+$0x0] =	vst.idx.msk $0xffff, v3  }
0x30d: {  	[tilespmem:v63+s21+$0x0] =	vst.idx.msk $0xffff, v4  }
0x30e: {  	v3 =	vld.idx.msk [tilespmem:v14+s17+$0x0], $0xffff  }
0x30f: {  	v4 =	vld.idx.msk [tilespmem:v13+s17+$0x0], $0xffff;
	_ =	sdelay $0x4  }
0x310: {  	v3 =	vshll.u32 v3, $0x3;
	v4 =	vshll.u32 v4, $0x3  }
0x311: {  	v15 =	vor.u32 $0x4, v4  }
0x312: {  	v16 =	vor.u32 $0x1, v3  }
0x313: {  	v17 =	vor.u32 $0x5, v4  }
0x314: {  	v18 =	vor.u32 $0x2, v3  }
0x315: {  	v19 =	vor.u32 $0x6, v4;
	v9 =	vld.idx.msk [tilespmem:v3+s3+$0x0], $0xffff  }
0x316: {  	v4 =	vor.u32 $0x7, v4;
	v5 =	vld.idx.msk [tilespmem:v15+s3+$0x0], $0xffff  }
0x317: {  	v3 =	vor.u32 $0x3, v3;
	v6 =	vld.idx.msk [tilespmem:v16+s3+$0x0], $0xffff  }
0x318: {  	v7 =	vld.idx.msk [tilespmem:v17+s3+$0x0], $0xffff  }
0x319: {  	v8 =	vld.idx.msk [tilespmem:v18+s3+$0x0], $0xffff  }
0x31a: {  	v10 =	vld.idx.msk [tilespmem:v19+s3+$0x0], $0xffff  }
0x31b: {  	v4 =	vld.idx.msk [tilespmem:v4+s3+$0x0], $0xffff  }
0x31c: {  	v3 =	vld.idx.msk [tilespmem:v3+s3+$0x0], $0xffff;
	_ =	sdelay $0x3  }
0x31d: {  	v5 =	vadd.f32 v5, v9;
	v6 =	vadd.f32 v7, v6  }
0x31e: {  	v20 =	vadd.f32 v10, v8;
	v3 =	vadd.f32 v4, v3;
	_ =	sdelay $0x1  }
0x31f: {  	v21 =	vmax.f32 v5, v6;
	v8 =	vmax.f32 v20, v3  }
0x320: {  	v4 =	vmax.f32 v21, v8  }
0x321: {  	v5 =	vsub.f32 v5, v4  }
0x322: {  	v6 =	vsub.f32 v6, v4  }
0x323: {  	v22 =	vmul.f32 $1.442695020e+00, v5  }
0x324: {  	v7 =	vsub.f32 v20, v4;
	v23 =	vmul.f32 $1.442695020e+00, v6  }
0x325: {  	(erf) = vpow2.f32 v22  }
0x326: {  	v3 =	vsub.f32 v3, v4;
	v24 =	vmul.f32 $1.442695020e+00, v7;
	(erf) = vpow2.f32 v23;
	_ =	sdelay $0x1  }
0x327: {  	v4 =	vmul.f32 $1.442695020e+00, v3;
	(erf) = vpow2.f32 v24;
	_ =	sdelay $0x1  }
0x328: {  	(erf) = vpow2.f32 v4;
	_ =	sdelay $0x3  }
0x329: {  	v25 =	vpop (erf)  }
0x32a: {  	v26 =	vpop (erf)  }
0x32b: {  	v4 =	vadd.f32 v26, v25  }
0x32c: {  	v27 =	vpop (erf)  }
0x32d: {  	v4 =	vadd.f32 v4, v27  }
0x32e: {  	v28 =	vpop (erf)  }
0x32f: {  	v4 =	vadd.f32 v4, v28;
	_ =	sdelay $0x1  }
0x330: {  	v8 =	vadd.f32 $1.000000000e+00, v4;
	_ =	sdelay $0x1  }
0x331: {  	(erf) = vrcp.f32 v8;
	_ =	sdelay $0x5  }
0x332: {  	v29 =	vadd.f32 $-1.000000000e+00, v4;
	_ =	sdelay $0x1  }
0x333: {  	v8 =	vadd.f32 v29, v29  }
0x334: {  	v30 =	vpop (erf)  }
0x335: {  	v8 =	vmul.f32 v30, v8;
	_ =	sdelay $0x1  }
0x336: {  	v9 =	vsub.f32 $0.0e+00, v8;
	_ =	sdelay $0x1  }
0x337: {  	v9 =	vmul.f32 $1.442695020e+00, v9;
	_ =	sdelay $0x1  }
0x338: {  	(erf) = vpow2.f32 v9;
	_ =	sdelay $0x8  }
0x339: {  	v9 =	vpop (erf)  }
0x33a: {  	v8 =	vadd.f32 $-1.000000000e+00, v8;
	v9 =	vmul.f32 v9, v4;
	_ =	sdelay $0x1  }
0x33b: {  	v8 =	vadd.f32 v9, v8;
	_ =	sdelay $0x1  }
0x33c: {  	v9 =	vsub.f32 $0.0e+00, v8;
	_ =	sdelay $0x1  }
0x33d: {  	v9 =	vmul.f32 $1.442695020e+00, v9;
	_ =	sdelay $0x1  }
0x33e: {  	(erf) = vpow2.f32 v9;
	_ =	sdelay $0x8  }
0x33f: {  	v9 =	vpop (erf)  }
0x340: {  	v8 =	vadd.f32 $-1.000000000e+00, v8;
	v9 =	vmul.f32 v9, v4;
	_ =	sdelay $0x1  }
0x341: {  	v8 =	vadd.f32 v9, v8;
	_ =	sdelay $0x1  }
0x342: {  	v9 =	vsub.f32 $0.0e+00, v8;
	_ =	sdelay $0x1  }
0x343: {  	v9 =	vmul.f32 $1.442695020e+00, v9;
	_ =	sdelay $0x1  }
0x344: {  	(erf) = vpow2.f32 v9;
	_ =	sdelay $0x8  }
0x345: {  	v9 =	vpop (erf)  }
0x346: {  	v8 =	vadd.f32 $-1.000000000e+00, v8;
	v4 =	vmul.f32 v9, v4  }
0x347: {  	v31 =	vshll.u32 v12, $0x3  }
0x348: {  	v32 =	vor.u32 $0x1, v31;
	v4 =	vadd.f32 v4, v8  }
0x349: {  	s31 =	sadd.s32 $0x20, s28;
	v33 =	vor.u32 $0x2, v31  }
0x34a: {  	v35 =	vor.u32 s31, v0;
	v34 =	vor.u32 $0x3, v31;
	v5 =	vsub.f32 v5, v4  }
0x34b: {  	v36 =	vand.u32 $0x1FF8, v35;
	v37 =	vand.u32 v1, v35;
	v6 =	vsub.f32 v6, v4  }
0x34c: {  	v39 =	vadd.s32 v2, v36;
	v38 =	vsub.f32 v7, v4;
	[tilespmem:v31+s21+$0x0] =	vst.idx.msk $0xffff, v5  }
0x34d: {  	v3 =	vsub.f32 v3, v4;
	[tilespmem:v32+s21+$0x0] =	vst.idx.msk $0xffff, v6  }
0x34e: {  	[tilespmem:v33+s21+$0x0] =	vst.idx.msk $0xffff, v38  }
0x34f: {  	[tilespmem:v34+s21+$0x0] =	vst.idx.msk $0xffff, v3  }
0x350: {  	v3 =	vld.idx.msk [tilespmem:v37+s17+$0x0], $0xffff  }
0x351: {  	v40 =	vld.idx.msk [tilespmem:v39+s17+$0x0], $0xffff;
	_ =	sdelay $0x4  }
0x352: {  	v3 =	vshll.u32 v3, $0x3;
	v4 =	vshll.u32 v40, $0x3  }
0x353: {  	v41 =	vor.u32 $0x4, v4  }
0x354: {  	v42 =	vor.u32 $0x1, v3  }
0x355: {  	v43 =	vor.u32 $0x5, v4  }
0x356: {  	v44 =	vor.u32 $0x2, v3  }
0x357: {  	v45 =	vor.u32 $0x6, v4;
	v9 =	vld.idx.msk [tilespmem:v3+s3+$0x0], $0xffff  }
0x358: {  	v4 =	vor.u32 $0x7, v4;
	v5 =	vld.idx.msk [tilespmem:v41+s3+$0x0], $0xffff  }
0x359: {  	v3 =	vor.u32 $0x3, v3;
	v6 =	vld.idx.msk [tilespmem:v42+s3+$0x0], $0xffff  }
0x35a: {  	v7 =	vld.idx.msk [tilespmem:v43+s3+$0x0], $0xffff  }
0x35b: {  	v8 =	vld.idx.msk [tilespmem:v44+s3+$0x0], $0xffff  }
0x35c: {  	v10 =	vld.idx.msk [tilespmem:v45+s3+$0x0], $0xffff  }
0x35d: {  	v4 =	vld.idx.msk [tilespmem:v4+s3+$0x0], $0xffff  }
0x35e: {  	v3 =	vld.idx.msk [tilespmem:v3+s3+$0x0], $0xffff;
	_ =	sdelay $0x3  }
0x35f: {  	v5 =	vadd.f32 v5, v9;
	v6 =	vadd.f32 v7, v6  }
0x360: {  	v46 =	vadd.f32 v10, v8;
	v3 =	vadd.f32 v4, v3;
	_ =	sdelay $0x1  }
0x361: {  	v47 =	vmax.f32 v5, v6;
	v8 =	vmax.f32 v46, v3  }
0x362: {  	v4 =	vmax.f32 v47, v8  }
0x363: {  	v5 =	vsub.f32 v5, v4  }
0x364: {  	v6 =	vsub.f32 v6, v4  }
0x365: {  	v48 =	vmul.f32 $1.442695020e+00, v5  }
0x366: {  	v7 =	vsub.f32 v46, v4;
	v49 =	vmul.f32 $1.442695020e+00, v6  }
0x367: {  	(erf) = vpow2.f32 v48  }
0x368: {  	v3 =	vsub.f32 v3, v4;
	v50 =	vmul.f32 $1.442695020e+00, v7;
	(erf) = vpow2.f32 v49;
	_ =	sdelay $0x1  }
0x369: {  	v4 =	vmul.f32 $1.442695020e+00, v3;
	(erf) = vpow2.f32 v50;
	_ =	sdelay $0x1  }
0x36a: {  	(erf) = vpow2.f32 v4;
	_ =	sdelay $0x3  }
0x36b: {  	v51 =	vpop (erf)  }
0x36c: {  	v52 =	vpop (erf)  }
0x36d: {  	v4 =	vadd.f32 v52, v51  }
0x36e: {  	v53 =	vpop (erf)  }
0x36f: {  	v4 =	vadd.f32 v4, v53  }
0x370: {  	v54 =	vpop (erf)  }
0x371: {  	v4 =	vadd.f32 v4, v54;
	_ =	sdelay $0x1  }
0x372: {  	v8 =	vadd.f32 $1.000000000e+00, v4;
	_ =	sdelay $0x1  }
0x373: {  	(erf) = vrcp.f32 v8;
	_ =	sdelay $0x5  }
0x374: {  	v55 =	vadd.f32 $-1.000000000e+00, v4;
	_ =	sdelay $0x1  }
0x375: {  	v8 =	vadd.f32 v55, v55  }
0x376: {  	v56 =	vpop (erf)  }
0x377: {  	v8 =	vmul.f32 v56, v8;
	_ =	sdelay $0x1  }
0x378: {  	v9 =	vsub.f32 $0.0e+00, v8;
	_ =	sdelay $0x1  }
0x379: {  	v9 =	vmul.f32 $1.442695020e+00, v9;
	_ =	sdelay $0x1  }
0x37a: {  	(erf) = vpow2.f32 v9;
	_ =	sdelay $0x8  }
0x37b: {  	v9 =	vpop (erf)  }
0x37c: {  	v8 =	vadd.f32 $-1.000000000e+00, v8;
	v9 =	vmul.f32 v9, v4;
	_ =	sdelay $0x1  }
0x37d: {  	v8 =	vadd.f32 v9, v8;
	_ =	sdelay $0x1  }
0x37e: {  	v9 =	vsub.f32 $0.0e+00, v8;
	_ =	sdelay $0x1  }
0x37f: {  	v9 =	vmul.f32 $1.442695020e+00, v9;
	_ =	sdelay $0x1  }
0x380: {  	(erf) = vpow2.f32 v9;
	_ =	sdelay $0x8  }
0x381: {  	v9 =	vpop (erf)  }
0x382: {  	v8 =	vadd.f32 $-1.000000000e+00, v8;
	v9 =	vmul.f32 v9, v4;
	_ =	sdelay $0x1  }
0x383: {  	v8 =	vadd.f32 v9, v8;
	_ =	sdelay $0x1  }
0x384: {  	v9 =	vsub.f32 $0.0e+00, v8;
	_ =	sdelay $0x1  }
0x385: {  	v9 =	vmul.f32 $1.442695020e+00, v9;
	_ =	sdelay $0x1  }
0x386: {  	(erf) = vpow2.f32 v9;
	_ =	sdelay $0x8  }
0x387: {  	v9 =	vpop (erf)  }
0x388: {  	v8 =	vadd.f32 $-1.000000000e+00, v8;
	v4 =	vmul.f32 v9, v4  }
0x389: {  	v57 =	vshll.u32 v35, $0x3  }
0x38a: {  	v58 =	vor.u32 $0x1, v57;
	v4 =	vadd.f32 v4, v8  }
0x38b: {  	s30 =	sadd.s32 $0x30, s28;
	v59 =	vor.u32 $0x2, v57  }
0x38c: {  	v60 =	vor.u32 $0x3, v57;
	v61 =	vor.u32 s30, v0;
	v5 =	vsub.f32 v5, v4  }
0x38d: {  	v62 =	vand.u32 $0x1FF8, v61;
	v63 =	vand.u32 v1, v61;
	v6 =	vsub.f32 v6, v4  }
0x38e: {  	v15 =	vadd.s32 v2, v62;
	v9 =	vsub.f32 v7, v4;
	[tilespmem:v57+s21+$0x0] =	vst.idx.msk $0xffff, v5  }
0x38f: {  	v3 =	vsub.f32 v3, v4;
	[tilespmem:v58+s21+$0x0] =	vst.idx.msk $0xffff, v6  }
0x390: {  	[tilespmem:v59+s21+$0x0] =	vst.idx.msk $0xffff, v9  }
0x391: {  	[tilespmem:v60+s21+$0x0] =	vst.idx.msk $0xffff, v3  }
0x392: {  	v3 =	vld.idx.msk [tilespmem:v63+s17+$0x0], $0xffff  }
0x393: {  	v16 =	vld.idx.msk [tilespmem:v15+s17+$0x0], $0xffff;
	_ =	sdelay $0x4  }
0x394: {  	v3 =	vshll.u32 v3, $0x3;
	v4 =	vshll.u32 v16, $0x3  }
0x395: {  	v17 =	vor.u32 $0x4, v4  }
0x396: {  	v18 =	vor.u32 $0x1, v3  }
0x397: {  	v19 =	vor.u32 $0x5, v4  }
0x398: {  	v20 =	vor.u32 $0x2, v3  }
0x399: {  	v21 =	vor.u32 $0x6, v4;
	v9 =	vld.idx.msk [tilespmem:v3+s3+$0x0], $0xffff  }
0x39a: {  	v4 =	vor.u32 $0x7, v4;
	v5 =	vld.idx.msk [tilespmem:v17+s3+$0x0], $0xffff  }
0x39b: {  	v3 =	vor.u32 $0x3, v3;
	v6 =	vld.idx.msk [tilespmem:v18+s3+$0x0], $0xffff  }
0x39c: {  	v7 =	vld.idx.msk [tilespmem:v19+s3+$0x0], $0xffff  }
0x39d: {  	v8 =	vld.idx.msk [tilespmem:v20+s3+$0x0], $0xffff  }
0x39e: {  	v10 =	vld.idx.msk [tilespmem:v21+s3+$0x0], $0xffff  }
0x39f: {  	v4 =	vld.idx.msk [tilespmem:v4+s3+$0x0], $0xffff  }
0x3a0: {  	v3 =	vld.idx.msk [tilespmem:v3+s3+$0x0], $0xffff;
	_ =	sdelay $0x3  }
0x3a1: {  	v5 =	vadd.f32 v5, v9;
	v6 =	vadd.f32 v7, v6  }
0x3a2: {  	v22 =	vadd.f32 v10, v8;
	v3 =	vadd.f32 v4, v3;
	_ =	sdelay $0x1  }
0x3a3: {  	v23 =	vmax.f32 v5, v6;
	v8 =	vmax.f32 v22, v3  }
0x3a4: {  	v4 =	vmax.f32 v23, v8  }
0x3a5: {  	v5 =	vsub.f32 v5, v4  }
0x3a6: {  	v6 =	vsub.f32 v6, v4  }
0x3a7: {  	v24 =	vmul.f32 $1.442695020e+00, v5  }
0x3a8: {  	v7 =	vsub.f32 v22, v4;
	v25 =	vmul.f32 $1.442695020e+00, v6  }
0x3a9: {  	(erf) = vpow2.f32 v24  }
0x3aa: {  	v3 =	vsub.f32 v3, v4;
	v26 =	vmul.f32 $1.442695020e+00, v7;
	(erf) = vpow2.f32 v25;
	_ =	sdelay $0x1  }
0x3ab: {  	v4 =	vmul.f32 $1.442695020e+00, v3;
	(erf) = vpow2.f32 v26;
	_ =	sdelay $0x1  }
0x3ac: {  	(erf) = vpow2.f32 v4;
	_ =	sdelay $0x3  }
0x3ad: {  	v27 =	vpop (erf)  }
0x3ae: {  	v28 =	vpop (erf)  }
0x3af: {  	v4 =	vadd.f32 v28, v27  }
0x3b0: {  	v29 =	vpop (erf)  }
0x3b1: {  	v4 =	vadd.f32 v4, v29  }
0x3b2: {  	v30 =	vpop (erf)  }
0x3b3: {  	v4 =	vadd.f32 v4, v30;
	_ =	sdelay $0x1  }
0x3b4: {  	v8 =	vadd.f32 $1.000000000e+00, v4;
	_ =	sdelay $0x1  }
0x3b5: {  	(erf) = vrcp.f32 v8;
	_ =	sdelay $0x5  }
0x3b6: {  	v31 =	vadd.f32 $-1.000000000e+00, v4;
	_ =	sdelay $0x1  }
0x3b7: {  	v8 =	vadd.f32 v31, v31  }
0x3b8: {  	v32 =	vpop (erf)  }
0x3b9: {  	v8 =	vmul.f32 v32, v8;
	_ =	sdelay $0x1  }
0x3ba: {  	v9 =	vsub.f32 $0.0e+00, v8;
	_ =	sdelay $0x1  }
0x3bb: {  	v9 =	vmul.f32 $1.442695020e+00, v9;
	_ =	sdelay $0x1  }
0x3bc: {  	(erf) = vpow2.f32 v9;
	_ =	sdelay $0x8  }
0x3bd: {  	v9 =	vpop (erf)  }
0x3be: {  	v8 =	vadd.f32 $-1.000000000e+00, v8;
	v9 =	vmul.f32 v9, v4;
	_ =	sdelay $0x1  }
0x3bf: {  	v8 =	vadd.f32 v9, v8;
	_ =	sdelay $0x1  }
0x3c0: {  	v9 =	vsub.f32 $0.0e+00, v8;
	_ =	sdelay $0x1  }
0x3c1: {  	v9 =	vmul.f32 $1.442695020e+00, v9;
	_ =	sdelay $0x1  }
0x3c2: {  	(erf) = vpow2.f32 v9;
	_ =	sdelay $0x8  }
0x3c3: {  	v9 =	vpop (erf)  }
0x3c4: {  	v8 =	vadd.f32 $-1.000000000e+00, v8;
	v9 =	vmul.f32 v9, v4;
	_ =	sdelay $0x1  }
0x3c5: {  	v8 =	vadd.f32 v9, v8;
	_ =	sdelay $0x1  }
0x3c6: {  	v9 =	vsub.f32 $0.0e+00, v8;
	_ =	sdelay $0x1  }
0x3c7: {  	v9 =	vmul.f32 $1.442695020e+00, v9;
	_ =	sdelay $0x1  }
0x3c8: {  	(erf) = vpow2.f32 v9;
	_ =	sdelay $0x8  }
0x3c9: {  	v9 =	vpop (erf)  }
0x3ca: {  	v8 =	vadd.f32 $-1.000000000e+00, v8;
	v4 =	vmul.f32 v9, v4  }
0x3cb: {  	v33 =	vshll.u32 v61, $0x3  }
0x3cc: {  	v34 =	vor.u32 $0x1, v33;
	v4 =	vadd.f32 v4, v8  }
0x3cd: {  	s31 =	sadd.s32 $0x40, s28;
	v35 =	vor.u32 $0x2, v33  }
0x3ce: {  	v36 =	vor.u32 $0x3, v33;
	v37 =	vor.u32 s31, v0;
	v5 =	vsub.f32 v5, v4  }
0x3cf: {  	v38 =	vand.u32 $0x1FF8, v37;
	v39 =	vand.u32 v1, v37;
	v6 =	vsub.f32 v6, v4  }
0x3d0: {  	v41 =	vadd.s32 v2, v38;
	v40 =	vsub.f32 v7, v4;
	[tilespmem:v33+s21+$0x0] =	vst.idx.msk $0xffff, v5  }
0x3d1: {  	v3 =	vsub.f32 v3, v4;
	[tilespmem:v34+s21+$0x0] =	vst.idx.msk $0xffff, v6  }
0x3d2: {  	[tilespmem:v35+s21+$0x0] =	vst.idx.msk $0xffff, v40  }
0x3d3: {  	[tilespmem:v36+s21+$0x0] =	vst.idx.msk $0xffff, v3  }
0x3d4: {  	v3 =	vld.idx.msk [tilespmem:v39+s17+$0x0], $0xffff  }
0x3d5: {  	v42 =	vld.idx.msk [tilespmem:v41+s17+$0x0], $0xffff;
	_ =	sdelay $0x4  }
0x3d6: {  	v3 =	vshll.u32 v3, $0x3;
	v4 =	vshll.u32 v42, $0x3  }
0x3d7: {  	v43 =	vor.u32 $0x4, v4  }
0x3d8: {  	v44 =	vor.u32 $0x1, v3  }
0x3d9: {  	v45 =	vor.u32 $0x5, v4  }
0x3da: {  	v46 =	vor.u32 $0x2, v3  }
0x3db: {  	v47 =	vor.u32 $0x6, v4;
	v9 =	vld.idx.msk [tilespmem:v3+s3+$0x0], $0xffff  }
0x3dc: {  	v4 =	vor.u32 $0x7, v4;
	v5 =	vld.idx.msk [tilespmem:v43+s3+$0x0], $0xffff  }
0x3dd: {  	v3 =	vor.u32 $0x3, v3;
	v6 =	vld.idx.msk [tilespmem:v44+s3+$0x0], $0xffff  }
0x3de: {  	v7 =	vld.idx.msk [tilespmem:v45+s3+$0x0], $0xffff  }
0x3df: {  	v8 =	vld.idx.msk [tilespmem:v46+s3+$0x0], $0xffff  }
0x3e0: {  	v10 =	vld.idx.msk [tilespmem:v47+s3+$0x0], $0xffff  }
0x3e1: {  	v4 =	vld.idx.msk [tilespmem:v4+s3+$0x0], $0xffff  }
0x3e2: {  	v3 =	vld.idx.msk [tilespmem:v3+s3+$0x0], $0xffff;
	_ =	sdelay $0x3  }
0x3e3: {  	v5 =	vadd.f32 v5, v9;
	v6 =	vadd.f32 v7, v6  }
0x3e4: {  	v48 =	vadd.f32 v10, v8;
	v3 =	vadd.f32 v4, v3;
	_ =	sdelay $0x1  }
0x3e5: {  	v49 =	vmax.f32 v5, v6;
	v8 =	vmax.f32 v48, v3  }
0x3e6: {  	v4 =	vmax.f32 v49, v8  }
0x3e7: {  	v5 =	vsub.f32 v5, v4  }
0x3e8: {  	v6 =	vsub.f32 v6, v4  }
0x3e9: {  	v50 =	vmul.f32 $1.442695020e+00, v5  }
0x3ea: {  	v7 =	vsub.f32 v48, v4;
	v51 =	vmul.f32 $1.442695020e+00, v6  }
0x3eb: {  	(erf) = vpow2.f32 v50  }
0x3ec: {  	v3 =	vsub.f32 v3, v4;
	v52 =	vmul.f32 $1.442695020e+00, v7;
	(erf) = vpow2.f32 v51;
	_ =	sdelay $0x1  }
0x3ed: {  	v4 =	vmul.f32 $1.442695020e+00, v3;
	(erf) = vpow2.f32 v52;
	_ =	sdelay $0x1  }
0x3ee: {  	(erf) = vpow2.f32 v4;
	_ =	sdelay $0x3  }
0x3ef: {  	v53 =	vpop (erf)  }
0x3f0: {  	v54 =	vpop (erf)  }
0x3f1: {  	v4 =	vadd.f32 v54, v53  }
0x3f2: {  	v55 =	vpop (erf)  }
0x3f3: {  	v4 =	vadd.f32 v4, v55  }
0x3f4: {  	v56 =	vpop (erf)  }
0x3f5: {  	v4 =	vadd.f32 v4, v56;
	_ =	sdelay $0x1  }
0x3f6: {  	v8 =	vadd.f32 $1.000000000e+00, v4;
	_ =	sdelay $0x1  }
0x3f7: {  	(erf) = vrcp.f32 v8;
	_ =	sdelay $0x5  }
0x3f8: {  	v57 =	vadd.f32 $-1.000000000e+00, v4;
	_ =	sdelay $0x1  }
0x3f9: {  	v8 =	vadd.f32 v57, v57  }
0x3fa: {  	v58 =	vpop (erf)  }
0x3fb: {  	v8 =	vmul.f32 v58, v8;
	_ =	sdelay $0x1  }
0x3fc: {  	v9 =	vsub.f32 $0.0e+00, v8;
	_ =	sdelay $0x1  }
0x3fd: {  	v9 =	vmul.f32 $1.442695020e+00, v9;
	_ =	sdelay $0x1  }
0x3fe: {  	(erf) = vpow2.f32 v9;
	_ =	sdelay $0x8  }
0x3ff: {  	v9 =	vpop (erf)  }
0x400: {  	v8 =	vadd.f32 $-1.000000000e+00, v8;
	v9 =	vmul.f32 v9, v4;
	_ =	sdelay $0x1  }
0x401: {  	v8 =	vadd.f32 v9, v8;
	_ =	sdelay $0x1  }
0x402: {  	v9 =	vsub.f32 $0.0e+00, v8;
	_ =	sdelay $0x1  }
0x403: {  	v9 =	vmul.f32 $1.442695020e+00, v9;
	_ =	sdelay $0x1  }
0x404: {  	(erf) = vpow2.f32 v9;
	_ =	sdelay $0x8  }
0x405: {  	v9 =	vpop (erf)  }
0x406: {  	v8 =	vadd.f32 $-1.000000000e+00, v8;
	v9 =	vmul.f32 v9, v4;
	_ =	sdelay $0x1  }
0x407: {  	v8 =	vadd.f32 v9, v8;
	_ =	sdelay $0x1  }
0x408: {  	v9 =	vsub.f32 $0.0e+00, v8;
	_ =	sdelay $0x1  }
0x409: {  	v9 =	vmul.f32 $1.442695020e+00, v9;
	_ =	sdelay $0x1  }
0x40a: {  	(erf) = vpow2.f32 v9;
	_ =	sdelay $0x8  }
0x40b: {  	v9 =	vpop (erf)  }
0x40c: {  	v8 =	vadd.f32 $-1.000000000e+00, v8;
	v4 =	vmul.f32 v9, v4  }
0x40d: {  	v59 =	vshll.u32 v37, $0x3  }
0x40e: {  	v60 =	vor.u32 $0x1, v59;
	v4 =	vadd.f32 v4, v8  }
0x40f: {  	v61 =	vor.u32 $0x2, v59  }
0x410: {  	p0 =	sne.s32 s28, $0x780;
	v62 =	vor.u32 $0x3, v59;
	v5 =	vsub.f32 v5, v4  }
.Ltmp2:
0x411: {  	v6 =	vsub.f32 v6, v4;
	(pc) =	sbr.rel @p0 .LBB2_6-.Ltmp2, $4  }
0x412: {  	v63 =	vsub.f32 v7, v4;
	[tilespmem:v59+s21+$0x0] =	vst.idx.msk $0xffff, v5  }
0x413: {  	v3 =	vsub.f32 v3, v4;
	[tilespmem:v60+s21+$0x0] =	vst.idx.msk $0xffff, v6  }
0x414: {  	[tilespmem:v61+s21+$0x0] =	vst.idx.msk $0xffff, v63  }
0x415: {  	s28 =	sadd.s32 $0x50, s28;
	[tilespmem:v62+s21+$0x0] =	vst.idx.msk $0xffff, v3  }
0x416: {  	s28 =	simm.s32 $0x0  }
0x417: {  	[hbm4b:s10+s28] =	stream.linear.scatter [tilespmem:s21], [sflag:$0x3], $0x3E80, $0x38;
	[tilespmem:$0x1D4C0] =	vst v63  }
0x418: {  	_ =	swait.ge [sflag:s22], $0xFA0  }
0x419: {  	[sflag:s22] =	ssyncset.done $0x0  }
0x41a: {  	[sflag:s22] =	ssyncadd.s32 $0xFFFFF060  }
0x41b: {  	[tilespmem:s17], [sflag:$0x1] =	stream.strided.gather [hbm4b:s11+s15], $0xFA0, s16, s15, $0x38;
	[tilespmem:$0x1D4C0] =	vst v63  }
0x41c: {  	_ =	swait.ge [sflag:s25], $0x3E80  }
0x41d: {  	[sflag:s25] =	ssyncset.done $0x0  }
0x41e: {  	[sflag:s25] =	ssyncadd.s32 $0xFFFFC180  }
.LBB2_8:
0x41f: {  	v3 =	vor.u32 s28, v0  }
0x420: {  	v5 =	vand.u32 v1, v3  }
0x421: {  	v4 =	vand.u32 $0xFF8, v3  }
0x422: {  	v4 =	vadd.s32 v2, v4;
	_ =	sdelay $0x2  }
0x423: {  	v5 =	vld.idx.msk [tilespmem:v5+s20+$0x0], $0xffff;
	_ =	sdelay $0x1  }
0x424: {  	v4 =	vld.idx.msk [tilespmem:v4+s20+$0x0], $0xffff;
	_ =	sdelay $0x2  }
0x425: {  	v5 =	vshll.u32 v5, $0x3  }
0x426: {  	v7 =	vor.u32 $0x1, v5  }
0x427: {  	v4 =	vshll.u32 v4, $0x3;
	v9 =	vor.u32 $0x2, v5  }
0x428: {  	v6 =	vor.u32 $0x4, v4  }
0x429: {  	v8 =	vor.u32 $0x5, v4  }
0x42a: {  	v11 =	vor.u32 $0x6, v4;
	v10 =	vld.idx.msk [tilespmem:v5+s3+$0x0], $0xffff  }
0x42b: {  	v4 =	vor.u32 $0x7, v4;
	v7 =	vld.idx.msk [tilespmem:v7+s3+$0x0], $0xffff  }
0x42c: {  	v5 =	vor.u32 $0x3, v5;
	v9 =	vld.idx.msk [tilespmem:v9+s3+$0x0], $0xffff  }
0x42d: {  	v6 =	vld.idx.msk [tilespmem:v6+s3+$0x0], $0xffff  }
0x42e: {  	v8 =	vld.idx.msk [tilespmem:v8+s3+$0x0], $0xffff  }
0x42f: {  	v11 =	vld.idx.msk [tilespmem:v11+s3+$0x0], $0xffff  }
0x430: {  	v4 =	vld.idx.msk [tilespmem:v4+s3+$0x0], $0xffff  }
0x431: {  	v5 =	vld.idx.msk [tilespmem:v5+s3+$0x0], $0xffff;
	_ =	sdelay $0x3  }
0x432: {  	v6 =	vadd.f32 v6, v10;
	v7 =	vadd.f32 v8, v7  }
0x433: {  	v50 =	vadd.f32 v11, v9;
	v4 =	vadd.f32 v4, v5;
	_ =	sdelay $0x1  }
0x434: {  	v51 =	vmax.f32 v6, v7;
	v9 =	vmax.f32 v50, v4  }
0x435: {  	v5 =	vmax.f32 v51, v9  }
0x436: {  	v6 =	vsub.f32 v6, v5  }
0x437: {  	v7 =	vsub.f32 v7, v5  }
0x438: {  	v52 =	vmul.f32 $1.442695020e+00, v6  }
0x439: {  	v8 =	vsub.f32 v50, v5;
	v53 =	vmul.f32 $1.442695020e+00, v7  }
0x43a: {  	(erf) = vpow2.f32 v52  }
0x43b: {  	v4 =	vsub.f32 v4, v5;
	v54 =	vmul.f32 $1.442695020e+00, v8;
	(erf) = vpow2.f32 v53;
	_ =	sdelay $0x1  }
0x43c: {  	v5 =	vmul.f32 $1.442695020e+00, v4;
	(erf) = vpow2.f32 v54;
	_ =	sdelay $0x1  }
0x43d: {  	(erf) = vpow2.f32 v5;
	_ =	sdelay $0x3  }
0x43e: {  	v55 =	vpop (erf)  }
0x43f: {  	v56 =	vpop (erf)  }
0x440: {  	v5 =	vadd.f32 v56, v55  }
0x441: {  	v57 =	vpop (erf)  }
0x442: {  	v5 =	vadd.f32 v5, v57  }
0x443: {  	v58 =	vpop (erf)  }
0x444: {  	v5 =	vadd.f32 v5, v58;
	_ =	sdelay $0x1  }
0x445: {  	v9 =	vadd.f32 $1.000000000e+00, v5;
	_ =	sdelay $0x1  }
0x446: {  	(erf) = vrcp.f32 v9;
	_ =	sdelay $0x5  }
0x447: {  	v59 =	vadd.f32 $-1.000000000e+00, v5;
	_ =	sdelay $0x1  }
0x448: {  	v9 =	vadd.f32 v59, v59  }
0x449: {  	v60 =	vpop (erf)  }
0x44a: {  	v9 =	vmul.f32 v60, v9;
	_ =	sdelay $0x1  }
0x44b: {  	v10 =	vsub.f32 $0.0e+00, v9;
	_ =	sdelay $0x1  }
0x44c: {  	v10 =	vmul.f32 $1.442695020e+00, v10;
	_ =	sdelay $0x1  }
0x44d: {  	(erf) = vpow2.f32 v10;
	_ =	sdelay $0x8  }
0x44e: {  	v10 =	vpop (erf)  }
0x44f: {  	v9 =	vadd.f32 $-1.000000000e+00, v9;
	v10 =	vmul.f32 v10, v5;
	_ =	sdelay $0x1  }
0x450: {  	v9 =	vadd.f32 v10, v9;
	_ =	sdelay $0x1  }
0x451: {  	v10 =	vsub.f32 $0.0e+00, v9;
	_ =	sdelay $0x1  }
0x452: {  	v10 =	vmul.f32 $1.442695020e+00, v10;
	_ =	sdelay $0x1  }
0x453: {  	(erf) = vpow2.f32 v10;
	_ =	sdelay $0x8  }
0x454: {  	v10 =	vpop (erf)  }
0x455: {  	v9 =	vadd.f32 $-1.000000000e+00, v9;
	v10 =	vmul.f32 v10, v5;
	_ =	sdelay $0x1  }
0x456: {  	v9 =	vadd.f32 v10, v9;
	_ =	sdelay $0x1  }
0x457: {  	v10 =	vsub.f32 $0.0e+00, v9;
	_ =	sdelay $0x1  }
0x458: {  	v10 =	vmul.f32 $1.442695020e+00, v10;
	_ =	sdelay $0x1  }
0x459: {  	(erf) = vpow2.f32 v10;
	_ =	sdelay $0x8  }
0x45a: {  	v10 =	vpop (erf)  }
0x45b: {  	v9 =	vadd.f32 $-1.000000000e+00, v9;
	v5 =	vmul.f32 v10, v5  }
0x45c: {  	v3 =	vshll.u32 v3, $0x3  }
0x45d: {  	v61 =	vor.u32 $0x1, v3;
	v5 =	vadd.f32 v5, v9  }
0x45e: {  	s29 =	sadd.s32 $0x10, s28;
	v62 =	vor.u32 $0x2, v3  }
0x45f: {  	v12 =	vor.u32 s29, v0;
	v63 =	vor.u32 $0x3, v3;
	v6 =	vsub.f32 v6, v5  }
0x460: {  	v13 =	vand.u32 $0x1FF8, v12;
	v14 =	vand.u32 v1, v12;
	v7 =	vsub.f32 v7, v5  }
0x461: {  	v13 =	vadd.s32 v2, v13;
	[tilespmem:v3+s23+$0x0] =	vst.idx.msk $0xffff, v6;
	v3 =	vsub.f32 v8, v5  }
0x462: {  	v4 =	vsub.f32 v4, v5;
	[tilespmem:v61+s23+$0x0] =	vst.idx.msk $0xffff, v7  }
0x463: {  	[tilespmem:v62+s23+$0x0] =	vst.idx.msk $0xffff, v3  }
0x464: {  	[tilespmem:v63+s23+$0x0] =	vst.idx.msk $0xffff, v4  }
0x465: {  	v3 =	vld.idx.msk [tilespmem:v14+s20+$0x0], $0xffff  }
0x466: {  	v4 =	vld.idx.msk [tilespmem:v13+s20+$0x0], $0xffff;
	_ =	sdelay $0x4  }
0x467: {  	v3 =	vshll.u32 v3, $0x3;
	v4 =	vshll.u32 v4, $0x3  }
0x468: {  	v15 =	vor.u32 $0x4, v4  }
0x469: {  	v16 =	vor.u32 $0x1, v3  }
0x46a: {  	v17 =	vor.u32 $0x5, v4  }
0x46b: {  	v18 =	vor.u32 $0x2, v3  }
0x46c: {  	v19 =	vor.u32 $0x6, v4;
	v9 =	vld.idx.msk [tilespmem:v3+s3+$0x0], $0xffff  }
0x46d: {  	v4 =	vor.u32 $0x7, v4;
	v5 =	vld.idx.msk [tilespmem:v15+s3+$0x0], $0xffff  }
0x46e: {  	v3 =	vor.u32 $0x3, v3;
	v6 =	vld.idx.msk [tilespmem:v16+s3+$0x0], $0xffff  }
0x46f: {  	v7 =	vld.idx.msk [tilespmem:v17+s3+$0x0], $0xffff  }
0x470: {  	v8 =	vld.idx.msk [tilespmem:v18+s3+$0x0], $0xffff  }
0x471: {  	v10 =	vld.idx.msk [tilespmem:v19+s3+$0x0], $0xffff  }
0x472: {  	v4 =	vld.idx.msk [tilespmem:v4+s3+$0x0], $0xffff  }
0x473: {  	v3 =	vld.idx.msk [tilespmem:v3+s3+$0x0], $0xffff;
	_ =	sdelay $0x3  }
0x474: {  	v5 =	vadd.f32 v5, v9;
	v6 =	vadd.f32 v7, v6  }
0x475: {  	v20 =	vadd.f32 v10, v8;
	v3 =	vadd.f32 v4, v3;
	_ =	sdelay $0x1  }
0x476: {  	v21 =	vmax.f32 v5, v6;
	v8 =	vmax.f32 v20, v3  }
0x477: {  	v4 =	vmax.f32 v21, v8  }
0x478: {  	v5 =	vsub.f32 v5, v4  }
0x479: {  	v6 =	vsub.f32 v6, v4  }
0x47a: {  	v22 =	vmul.f32 $1.442695020e+00, v5  }
0x47b: {  	v7 =	vsub.f32 v20, v4;
	v23 =	vmul.f32 $1.442695020e+00, v6  }
0x47c: {  	(erf) = vpow2.f32 v22  }
0x47d: {  	v3 =	vsub.f32 v3, v4;
	v24 =	vmul.f32 $1.442695020e+00, v7;
	(erf) = vpow2.f32 v23;
	_ =	sdelay $0x1  }
0x47e: {  	v4 =	vmul.f32 $1.442695020e+00, v3;
	(erf) = vpow2.f32 v24;
	_ =	sdelay $0x1  }
0x47f: {  	(erf) = vpow2.f32 v4;
	_ =	sdelay $0x3  }
0x480: {  	v25 =	vpop (erf)  }
0x481: {  	v26 =	vpop (erf)  }
0x482: {  	v4 =	vadd.f32 v26, v25  }
0x483: {  	v27 =	vpop (erf)  }
0x484: {  	v4 =	vadd.f32 v4, v27  }
0x485: {  	v28 =	vpop (erf)  }
0x486: {  	v4 =	vadd.f32 v4, v28;
	_ =	sdelay $0x1  }
0x487: {  	v8 =	vadd.f32 $1.000000000e+00, v4;
	_ =	sdelay $0x1  }
0x488: {  	(erf) = vrcp.f32 v8;
	_ =	sdelay $0x5  }
0x489: {  	v29 =	vadd.f32 $-1.000000000e+00, v4;
	_ =	sdelay $0x1  }
0x48a: {  	v8 =	vadd.f32 v29, v29  }
0x48b: {  	v30 =	vpop (erf)  }
0x48c: {  	v8 =	vmul.f32 v30, v8;
	_ =	sdelay $0x1  }
0x48d: {  	v9 =	vsub.f32 $0.0e+00, v8;
	_ =	sdelay $0x1  }
0x48e: {  	v9 =	vmul.f32 $1.442695020e+00, v9;
	_ =	sdelay $0x1  }
0x48f: {  	(erf) = vpow2.f32 v9;
	_ =	sdelay $0x8  }
0x490: {  	v9 =	vpop (erf)  }
0x491: {  	v8 =	vadd.f32 $-1.000000000e+00, v8;
	v9 =	vmul.f32 v9, v4;
	_ =	sdelay $0x1  }
0x492: {  	v8 =	vadd.f32 v9, v8;
	_ =	sdelay $0x1  }
0x493: {  	v9 =	vsub.f32 $0.0e+00, v8;
	_ =	sdelay $0x1  }
0x494: {  	v9 =	vmul.f32 $1.442695020e+00, v9;
	_ =	sdelay $0x1  }
0x495: {  	(erf) = vpow2.f32 v9;
	_ =	sdelay $0x8  }
0x496: {  	v9 =	vpop (erf)  }
0x497: {  	v8 =	vadd.f32 $-1.000000000e+00, v8;
	v9 =	vmul.f32 v9, v4;
	_ =	sdelay $0x1  }
0x498: {  	v8 =	vadd.f32 v9, v8;
	_ =	sdelay $0x1  }
0x499: {  	v9 =	vsub.f32 $0.0e+00, v8;
	_ =	sdelay $0x1  }
0x49a: {  	v9 =	vmul.f32 $1.442695020e+00, v9;
	_ =	sdelay $0x1  }
0x49b: {  	(erf) = vpow2.f32 v9;
	_ =	sdelay $0x8  }
0x49c: {  	v9 =	vpop (erf)  }
0x49d: {  	v8 =	vadd.f32 $-1.000000000e+00, v8;
	v4 =	vmul.f32 v9, v4  }
0x49e: {  	v31 =	vshll.u32 v12, $0x3  }
0x49f: {  	v32 =	vor.u32 $0x1, v31;
	v4 =	vadd.f32 v4, v8  }
0x4a0: {  	s31 =	sadd.s32 $0x20, s28;
	v33 =	vor.u32 $0x2, v31  }
0x4a1: {  	v35 =	vor.u32 s31, v0;
	v34 =	vor.u32 $0x3, v31;
	v5 =	vsub.f32 v5, v4  }
0x4a2: {  	v36 =	vand.u32 $0x1FF8, v35;
	v37 =	vand.u32 v1, v35;
	v6 =	vsub.f32 v6, v4  }
0x4a3: {  	v39 =	vadd.s32 v2, v36;
	v38 =	vsub.f32 v7, v4;
	[tilespmem:v31+s23+$0x0] =	vst.idx.msk $0xffff, v5  }
0x4a4: {  	v3 =	vsub.f32 v3, v4;
	[tilespmem:v32+s23+$0x0] =	vst.idx.msk $0xffff, v6  }
0x4a5: {  	[tilespmem:v33+s23+$0x0] =	vst.idx.msk $0xffff, v38  }
0x4a6: {  	[tilespmem:v34+s23+$0x0] =	vst.idx.msk $0xffff, v3  }
0x4a7: {  	v3 =	vld.idx.msk [tilespmem:v37+s20+$0x0], $0xffff  }
0x4a8: {  	v40 =	vld.idx.msk [tilespmem:v39+s20+$0x0], $0xffff;
	_ =	sdelay $0x4  }
0x4a9: {  	v3 =	vshll.u32 v3, $0x3;
	v4 =	vshll.u32 v40, $0x3  }
0x4aa: {  	v41 =	vor.u32 $0x4, v4  }
0x4ab: {  	v42 =	vor.u32 $0x1, v3  }
0x4ac: {  	v43 =	vor.u32 $0x5, v4  }
0x4ad: {  	v44 =	vor.u32 $0x2, v3  }
0x4ae: {  	v45 =	vor.u32 $0x6, v4;
	v9 =	vld.idx.msk [tilespmem:v3+s3+$0x0], $0xffff  }
0x4af: {  	v4 =	vor.u32 $0x7, v4;
	v5 =	vld.idx.msk [tilespmem:v41+s3+$0x0], $0xffff  }
0x4b0: {  	v3 =	vor.u32 $0x3, v3;
	v6 =	vld.idx.msk [tilespmem:v42+s3+$0x0], $0xffff  }
0x4b1: {  	v7 =	vld.idx.msk [tilespmem:v43+s3+$0x0], $0xffff  }
0x4b2: {  	v8 =	vld.idx.msk [tilespmem:v44+s3+$0x0], $0xffff  }
0x4b3: {  	v10 =	vld.idx.msk [tilespmem:v45+s3+$0x0], $0xffff  }
0x4b4: {  	v4 =	vld.idx.msk [tilespmem:v4+s3+$0x0], $0xffff  }
0x4b5: {  	v3 =	vld.idx.msk [tilespmem:v3+s3+$0x0], $0xffff;
	_ =	sdelay $0x3  }
0x4b6: {  	v5 =	vadd.f32 v5, v9;
	v6 =	vadd.f32 v7, v6  }
0x4b7: {  	v46 =	vadd.f32 v10, v8;
	v3 =	vadd.f32 v4, v3;
	_ =	sdelay $0x1  }
0x4b8: {  	v47 =	vmax.f32 v5, v6;
	v8 =	vmax.f32 v46, v3  }
0x4b9: {  	v4 =	vmax.f32 v47, v8  }
0x4ba: {  	v5 =	vsub.f32 v5, v4  }
0x4bb: {  	v6 =	vsub.f32 v6, v4  }
0x4bc: {  	v48 =	vmul.f32 $1.442695020e+00, v5  }
0x4bd: {  	v7 =	vsub.f32 v46, v4;
	v49 =	vmul.f32 $1.442695020e+00, v6  }
0x4be: {  	(erf) = vpow2.f32 v48  }
0x4bf: {  	v3 =	vsub.f32 v3, v4;
	v50 =	vmul.f32 $1.442695020e+00, v7;
	(erf) = vpow2.f32 v49;
	_ =	sdelay $0x1  }
0x4c0: {  	v4 =	vmul.f32 $1.442695020e+00, v3;
	(erf) = vpow2.f32 v50;
	_ =	sdelay $0x1  }
0x4c1: {  	(erf) = vpow2.f32 v4;
	_ =	sdelay $0x3  }
0x4c2: {  	v51 =	vpop (erf)  }
0x4c3: {  	v52 =	vpop (erf)  }
0x4c4: {  	v4 =	vadd.f32 v52, v51  }
0x4c5: {  	v53 =	vpop (erf)  }
0x4c6: {  	v4 =	vadd.f32 v4, v53  }
0x4c7: {  	v54 =	vpop (erf)  }
0x4c8: {  	v4 =	vadd.f32 v4, v54;
	_ =	sdelay $0x1  }
0x4c9: {  	v8 =	vadd.f32 $1.000000000e+00, v4;
	_ =	sdelay $0x1  }
0x4ca: {  	(erf) = vrcp.f32 v8;
	_ =	sdelay $0x5  }
0x4cb: {  	v55 =	vadd.f32 $-1.000000000e+00, v4;
	_ =	sdelay $0x1  }
0x4cc: {  	v8 =	vadd.f32 v55, v55  }
0x4cd: {  	v56 =	vpop (erf)  }
0x4ce: {  	v8 =	vmul.f32 v56, v8;
	_ =	sdelay $0x1  }
0x4cf: {  	v9 =	vsub.f32 $0.0e+00, v8;
	_ =	sdelay $0x1  }
0x4d0: {  	v9 =	vmul.f32 $1.442695020e+00, v9;
	_ =	sdelay $0x1  }
0x4d1: {  	(erf) = vpow2.f32 v9;
	_ =	sdelay $0x8  }
0x4d2: {  	v9 =	vpop (erf)  }
0x4d3: {  	v8 =	vadd.f32 $-1.000000000e+00, v8;
	v9 =	vmul.f32 v9, v4;
	_ =	sdelay $0x1  }
0x4d4: {  	v8 =	vadd.f32 v9, v8;
	_ =	sdelay $0x1  }
0x4d5: {  	v9 =	vsub.f32 $0.0e+00, v8;
	_ =	sdelay $0x1  }
0x4d6: {  	v9 =	vmul.f32 $1.442695020e+00, v9;
	_ =	sdelay $0x1  }
0x4d7: {  	(erf) = vpow2.f32 v9;
	_ =	sdelay $0x8  }
0x4d8: {  	v9 =	vpop (erf)  }
0x4d9: {  	v8 =	vadd.f32 $-1.000000000e+00, v8;
	v9 =	vmul.f32 v9, v4;
	_ =	sdelay $0x1  }
0x4da: {  	v8 =	vadd.f32 v9, v8;
	_ =	sdelay $0x1  }
0x4db: {  	v9 =	vsub.f32 $0.0e+00, v8;
	_ =	sdelay $0x1  }
0x4dc: {  	v9 =	vmul.f32 $1.442695020e+00, v9;
	_ =	sdelay $0x1  }
0x4dd: {  	(erf) = vpow2.f32 v9;
	_ =	sdelay $0x8  }
0x4de: {  	v9 =	vpop (erf)  }
0x4df: {  	v8 =	vadd.f32 $-1.000000000e+00, v8;
	v4 =	vmul.f32 v9, v4  }
0x4e0: {  	v57 =	vshll.u32 v35, $0x3  }
0x4e1: {  	v58 =	vor.u32 $0x1, v57;
	v4 =	vadd.f32 v4, v8  }
0x4e2: {  	s30 =	sadd.s32 $0x30, s28;
	v59 =	vor.u32 $0x2, v57  }
0x4e3: {  	v60 =	vor.u32 $0x3, v57;
	v61 =	vor.u32 s30, v0;
	v5 =	vsub.f32 v5, v4  }
0x4e4: {  	v62 =	vand.u32 $0x1FF8, v61;
	v63 =	vand.u32 v1, v61;
	v6 =	vsub.f32 v6, v4  }
0x4e5: {  	v15 =	vadd.s32 v2, v62;
	v9 =	vsub.f32 v7, v4;
	[tilespmem:v57+s23+$0x0] =	vst.idx.msk $0xffff, v5  }
0x4e6: {  	v3 =	vsub.f32 v3, v4;
	[tilespmem:v58+s23+$0x0] =	vst.idx.msk $0xffff, v6  }
0x4e7: {  	[tilespmem:v59+s23+$0x0] =	vst.idx.msk $0xffff, v9  }
0x4e8: {  	[tilespmem:v60+s23+$0x0] =	vst.idx.msk $0xffff, v3  }
0x4e9: {  	v3 =	vld.idx.msk [tilespmem:v63+s20+$0x0], $0xffff  }
0x4ea: {  	v16 =	vld.idx.msk [tilespmem:v15+s20+$0x0], $0xffff;
	_ =	sdelay $0x4  }
0x4eb: {  	v3 =	vshll.u32 v3, $0x3;
	v4 =	vshll.u32 v16, $0x3  }
0x4ec: {  	v17 =	vor.u32 $0x4, v4  }
0x4ed: {  	v18 =	vor.u32 $0x1, v3  }
0x4ee: {  	v19 =	vor.u32 $0x5, v4  }
0x4ef: {  	v20 =	vor.u32 $0x2, v3  }
0x4f0: {  	v21 =	vor.u32 $0x6, v4;
	v9 =	vld.idx.msk [tilespmem:v3+s3+$0x0], $0xffff  }
0x4f1: {  	v4 =	vor.u32 $0x7, v4;
	v5 =	vld.idx.msk [tilespmem:v17+s3+$0x0], $0xffff  }
0x4f2: {  	v3 =	vor.u32 $0x3, v3;
	v6 =	vld.idx.msk [tilespmem:v18+s3+$0x0], $0xffff  }
0x4f3: {  	v7 =	vld.idx.msk [tilespmem:v19+s3+$0x0], $0xffff  }
0x4f4: {  	v8 =	vld.idx.msk [tilespmem:v20+s3+$0x0], $0xffff  }
0x4f5: {  	v10 =	vld.idx.msk [tilespmem:v21+s3+$0x0], $0xffff  }
0x4f6: {  	v4 =	vld.idx.msk [tilespmem:v4+s3+$0x0], $0xffff  }
0x4f7: {  	v3 =	vld.idx.msk [tilespmem:v3+s3+$0x0], $0xffff;
	_ =	sdelay $0x3  }
0x4f8: {  	v5 =	vadd.f32 v5, v9;
	v6 =	vadd.f32 v7, v6  }
0x4f9: {  	v22 =	vadd.f32 v10, v8;
	v3 =	vadd.f32 v4, v3;
	_ =	sdelay $0x1  }
0x4fa: {  	v23 =	vmax.f32 v5, v6;
	v8 =	vmax.f32 v22, v3  }
0x4fb: {  	v4 =	vmax.f32 v23, v8  }
0x4fc: {  	v5 =	vsub.f32 v5, v4  }
0x4fd: {  	v6 =	vsub.f32 v6, v4  }
0x4fe: {  	v24 =	vmul.f32 $1.442695020e+00, v5  }
0x4ff: {  	v7 =	vsub.f32 v22, v4;
	v25 =	vmul.f32 $1.442695020e+00, v6  }
0x500: {  	(erf) = vpow2.f32 v24  }
0x501: {  	v3 =	vsub.f32 v3, v4;
	v26 =	vmul.f32 $1.442695020e+00, v7;
	(erf) = vpow2.f32 v25;
	_ =	sdelay $0x1  }
0x502: {  	v4 =	vmul.f32 $1.442695020e+00, v3;
	(erf) = vpow2.f32 v26;
	_ =	sdelay $0x1  }
0x503: {  	(erf) = vpow2.f32 v4;
	_ =	sdelay $0x3  }
0x504: {  	v27 =	vpop (erf)  }
0x505: {  	v28 =	vpop (erf)  }
0x506: {  	v4 =	vadd.f32 v28, v27  }
0x507: {  	v29 =	vpop (erf)  }
0x508: {  	v4 =	vadd.f32 v4, v29  }
0x509: {  	v30 =	vpop (erf)  }
0x50a: {  	v4 =	vadd.f32 v4, v30;
	_ =	sdelay $0x1  }
0x50b: {  	v8 =	vadd.f32 $1.000000000e+00, v4;
	_ =	sdelay $0x1  }
0x50c: {  	(erf) = vrcp.f32 v8;
	_ =	sdelay $0x5  }
0x50d: {  	v31 =	vadd.f32 $-1.000000000e+00, v4;
	_ =	sdelay $0x1  }
0x50e: {  	v8 =	vadd.f32 v31, v31  }
0x50f: {  	v32 =	vpop (erf)  }
0x510: {  	v8 =	vmul.f32 v32, v8;
	_ =	sdelay $0x1  }
0x511: {  	v9 =	vsub.f32 $0.0e+00, v8;
	_ =	sdelay $0x1  }
0x512: {  	v9 =	vmul.f32 $1.442695020e+00, v9;
	_ =	sdelay $0x1  }
0x513: {  	(erf) = vpow2.f32 v9;
	_ =	sdelay $0x8  }
0x514: {  	v9 =	vpop (erf)  }
0x515: {  	v8 =	vadd.f32 $-1.000000000e+00, v8;
	v9 =	vmul.f32 v9, v4;
	_ =	sdelay $0x1  }
0x516: {  	v8 =	vadd.f32 v9, v8;
	_ =	sdelay $0x1  }
0x517: {  	v9 =	vsub.f32 $0.0e+00, v8;
	_ =	sdelay $0x1  }
0x518: {  	v9 =	vmul.f32 $1.442695020e+00, v9;
	_ =	sdelay $0x1  }
0x519: {  	(erf) = vpow2.f32 v9;
	_ =	sdelay $0x8  }
0x51a: {  	v9 =	vpop (erf)  }
0x51b: {  	v8 =	vadd.f32 $-1.000000000e+00, v8;
	v9 =	vmul.f32 v9, v4;
	_ =	sdelay $0x1  }
0x51c: {  	v8 =	vadd.f32 v9, v8;
	_ =	sdelay $0x1  }
0x51d: {  	v9 =	vsub.f32 $0.0e+00, v8;
	_ =	sdelay $0x1  }
0x51e: {  	v9 =	vmul.f32 $1.442695020e+00, v9;
	_ =	sdelay $0x1  }
0x51f: {  	(erf) = vpow2.f32 v9;
	_ =	sdelay $0x8  }
0x520: {  	v9 =	vpop (erf)  }
0x521: {  	v8 =	vadd.f32 $-1.000000000e+00, v8;
	v4 =	vmul.f32 v9, v4  }
0x522: {  	v33 =	vshll.u32 v61, $0x3  }
0x523: {  	v34 =	vor.u32 $0x1, v33;
	v4 =	vadd.f32 v4, v8  }
0x524: {  	s31 =	sadd.s32 $0x40, s28;
	v35 =	vor.u32 $0x2, v33  }
0x525: {  	v36 =	vor.u32 $0x3, v33;
	v37 =	vor.u32 s31, v0;
	v5 =	vsub.f32 v5, v4  }
0x526: {  	v38 =	vand.u32 $0x1FF8, v37;
	v39 =	vand.u32 v1, v37;
	v6 =	vsub.f32 v6, v4  }
0x527: {  	v41 =	vadd.s32 v2, v38;
	v40 =	vsub.f32 v7, v4;
	[tilespmem:v33+s23+$0x0] =	vst.idx.msk $0xffff, v5  }
0x528: {  	v3 =	vsub.f32 v3, v4;
	[tilespmem:v34+s23+$0x0] =	vst.idx.msk $0xffff, v6  }
0x529: {  	[tilespmem:v35+s23+$0x0] =	vst.idx.msk $0xffff, v40  }
0x52a: {  	[tilespmem:v36+s23+$0x0] =	vst.idx.msk $0xffff, v3  }
0x52b: {  	v3 =	vld.idx.msk [tilespmem:v39+s20+$0x0], $0xffff  }
0x52c: {  	v42 =	vld.idx.msk [tilespmem:v41+s20+$0x0], $0xffff;
	_ =	sdelay $0x4  }
0x52d: {  	v3 =	vshll.u32 v3, $0x3;
	v4 =	vshll.u32 v42, $0x3  }
0x52e: {  	v43 =	vor.u32 $0x4, v4  }
0x52f: {  	v44 =	vor.u32 $0x1, v3  }
0x530: {  	v45 =	vor.u32 $0x5, v4  }
0x531: {  	v46 =	vor.u32 $0x2, v3  }
0x532: {  	v47 =	vor.u32 $0x6, v4;
	v9 =	vld.idx.msk [tilespmem:v3+s3+$0x0], $0xffff  }
0x533: {  	v4 =	vor.u32 $0x7, v4;
	v5 =	vld.idx.msk [tilespmem:v43+s3+$0x0], $0xffff  }
0x534: {  	v3 =	vor.u32 $0x3, v3;
	v6 =	vld.idx.msk [tilespmem:v44+s3+$0x0], $0xffff  }
0x535: {  	v7 =	vld.idx.msk [tilespmem:v45+s3+$0x0], $0xffff  }
0x536: {  	v8 =	vld.idx.msk [tilespmem:v46+s3+$0x0], $0xffff  }
0x537: {  	v10 =	vld.idx.msk [tilespmem:v47+s3+$0x0], $0xffff  }
0x538: {  	v4 =	vld.idx.msk [tilespmem:v4+s3+$0x0], $0xffff  }
0x539: {  	v3 =	vld.idx.msk [tilespmem:v3+s3+$0x0], $0xffff;
	_ =	sdelay $0x3  }
0x53a: {  	v5 =	vadd.f32 v5, v9;
	v6 =	vadd.f32 v7, v6  }
0x53b: {  	v48 =	vadd.f32 v10, v8;
	v3 =	vadd.f32 v4, v3;
	_ =	sdelay $0x1  }
0x53c: {  	v49 =	vmax.f32 v5, v6;
	v8 =	vmax.f32 v48, v3  }
0x53d: {  	v4 =	vmax.f32 v49, v8  }
0x53e: {  	v5 =	vsub.f32 v5, v4  }
0x53f: {  	v6 =	vsub.f32 v6, v4  }
0x540: {  	v50 =	vmul.f32 $1.442695020e+00, v5  }
0x541: {  	v7 =	vsub.f32 v48, v4;
	v51 =	vmul.f32 $1.442695020e+00, v6  }
0x542: {  	(erf) = vpow2.f32 v50  }
0x543: {  	v3 =	vsub.f32 v3, v4;
	v52 =	vmul.f32 $1.442695020e+00, v7;
	(erf) = vpow2.f32 v51;
	_ =	sdelay $0x1  }
0x544: {  	v4 =	vmul.f32 $1.442695020e+00, v3;
	(erf) = vpow2.f32 v52;
	_ =	sdelay $0x1  }
0x545: {  	(erf) = vpow2.f32 v4;
	_ =	sdelay $0x3  }
0x546: {  	v53 =	vpop (erf)  }
0x547: {  	v54 =	vpop (erf)  }
0x548: {  	v4 =	vadd.f32 v54, v53  }
0x549: {  	v55 =	vpop (erf)  }
0x54a: {  	v4 =	vadd.f32 v4, v55  }
0x54b: {  	v56 =	vpop (erf)  }
0x54c: {  	v4 =	vadd.f32 v4, v56;
	_ =	sdelay $0x1  }
0x54d: {  	v8 =	vadd.f32 $1.000000000e+00, v4;
	_ =	sdelay $0x1  }
0x54e: {  	(erf) = vrcp.f32 v8;
	_ =	sdelay $0x5  }
0x54f: {  	v57 =	vadd.f32 $-1.000000000e+00, v4;
	_ =	sdelay $0x1  }
0x550: {  	v8 =	vadd.f32 v57, v57  }
0x551: {  	v58 =	vpop (erf)  }
0x552: {  	v8 =	vmul.f32 v58, v8;
	_ =	sdelay $0x1  }
0x553: {  	v9 =	vsub.f32 $0.0e+00, v8;
	_ =	sdelay $0x1  }
0x554: {  	v9 =	vmul.f32 $1.442695020e+00, v9;
	_ =	sdelay $0x1  }
0x555: {  	(erf) = vpow2.f32 v9;
	_ =	sdelay $0x8  }
0x556: {  	v9 =	vpop (erf)  }
0x557: {  	v8 =	vadd.f32 $-1.000000000e+00, v8;
	v9 =	vmul.f32 v9, v4;
	_ =	sdelay $0x1  }
0x558: {  	v8 =	vadd.f32 v9, v8;
	_ =	sdelay $0x1  }
0x559: {  	v9 =	vsub.f32 $0.0e+00, v8;
	_ =	sdelay $0x1  }
0x55a: {  	v9 =	vmul.f32 $1.442695020e+00, v9;
	_ =	sdelay $0x1  }
0x55b: {  	(erf) = vpow2.f32 v9;
	_ =	sdelay $0x8  }
0x55c: {  	v9 =	vpop (erf)  }
0x55d: {  	v8 =	vadd.f32 $-1.000000000e+00, v8;
	v9 =	vmul.f32 v9, v4;
	_ =	sdelay $0x1  }
0x55e: {  	v8 =	vadd.f32 v9, v8;
	_ =	sdelay $0x1  }
0x55f: {  	v9 =	vsub.f32 $0.0e+00, v8;
	_ =	sdelay $0x1  }
0x560: {  	v9 =	vmul.f32 $1.442695020e+00, v9;
	_ =	sdelay $0x1  }
0x561: {  	(erf) = vpow2.f32 v9;
	_ =	sdelay $0x8  }
0x562: {  	v9 =	vpop (erf)  }
0x563: {  	v8 =	vadd.f32 $-1.000000000e+00, v8;
	v4 =	vmul.f32 v9, v4  }
0x564: {  	v59 =	vshll.u32 v37, $0x3  }
0x565: {  	v60 =	vor.u32 $0x1, v59;
	v4 =	vadd.f32 v4, v8  }
0x566: {  	v61 =	vor.u32 $0x2, v59  }
0x567: {  	p0 =	sne.s32 s28, $0x780;
	v62 =	vor.u32 $0x3, v59;
	v5 =	vsub.f32 v5, v4  }
.Ltmp3:
0x568: {  	v6 =	vsub.f32 v6, v4;
	(pc) =	sbr.rel @p0 .LBB2_8-.Ltmp3, $4  }
0x569: {  	v63 =	vsub.f32 v7, v4;
	[tilespmem:v59+s23+$0x0] =	vst.idx.msk $0xffff, v5  }
0x56a: {  	v3 =	vsub.f32 v3, v4;
	[tilespmem:v60+s23+$0x0] =	vst.idx.msk $0xffff, v6  }
0x56b: {  	[tilespmem:v61+s23+$0x0] =	vst.idx.msk $0xffff, v63  }
0x56c: {  	s28 =	sadd.s32 $0x50, s28;
	[tilespmem:v62+s23+$0x0] =	vst.idx.msk $0xffff, v3  }
0x56d: {  	s28 =	simm.s32 $0x0  }
0x56e: {  	[hbm4b:s12+s28] =	stream.linear.scatter [tilespmem:s23], [sflag:$0x4], $0x3E80, $0x38;
	[tilespmem:$0x1D4C0] =	vst v63  }
0x56f: {  	_ =	swait.ge [sflag:s19], $0xFA0  }
0x570: {  	[sflag:s19] =	ssyncset.done $0x0  }
0x571: {  	[sflag:s19] =	ssyncadd.s32 $0xFFFFF060  }
0x572: {  	_ =	swait.ge [sflag:s24], $0x3E80  }
0x573: {  	[sflag:s24] =	ssyncset.done $0x0  }
0x574: {  	[sflag:s24] =	ssyncadd.s32 $0xFFFFC180  }
.LBB2_10:
0x575: {  	v3 =	vor.u32 s28, v0  }
0x576: {  	v5 =	vand.u32 v1, v3  }
0x577: {  	v4 =	vand.u32 $0xFF8, v3  }
0x578: {  	v4 =	vadd.s32 v2, v4;
	_ =	sdelay $0x2  }
0x579: {  	v5 =	vld.idx.msk [tilespmem:v5+s17+$0x0], $0xffff;
	_ =	sdelay $0x1  }
0x57a: {  	v4 =	vld.idx.msk [tilespmem:v4+s17+$0x0], $0xffff;
	_ =	sdelay $0x2  }
0x57b: {  	v5 =	vshll.u32 v5, $0x3  }
0x57c: {  	v7 =	vor.u32 $0x1, v5  }
0x57d: {  	v4 =	vshll.u32 v4, $0x3;
	v9 =	vor.u32 $0x2, v5  }
0x57e: {  	v6 =	vor.u32 $0x4, v4  }
0x57f: {  	v8 =	vor.u32 $0x5, v4  }
0x580: {  	v11 =	vor.u32 $0x6, v4;
	v10 =	vld.idx.msk [tilespmem:v5+s3+$0x0], $0xffff  }
0x581: {  	v4 =	vor.u32 $0x7, v4;
	v7 =	vld.idx.msk [tilespmem:v7+s3+$0x0], $0xffff  }
0x582: {  	v5 =	vor.u32 $0x3, v5;
	v9 =	vld.idx.msk [tilespmem:v9+s3+$0x0], $0xffff  }
0x583: {  	v6 =	vld.idx.msk [tilespmem:v6+s3+$0x0], $0xffff  }
0x584: {  	v8 =	vld.idx.msk [tilespmem:v8+s3+$0x0], $0xffff  }
0x585: {  	v11 =	vld.idx.msk [tilespmem:v11+s3+$0x0], $0xffff  }
0x586: {  	v4 =	vld.idx.msk [tilespmem:v4+s3+$0x0], $0xffff  }
0x587: {  	v5 =	vld.idx.msk [tilespmem:v5+s3+$0x0], $0xffff;
	_ =	sdelay $0x3  }
0x588: {  	v6 =	vadd.f32 v6, v10;
	v7 =	vadd.f32 v8, v7  }
0x589: {  	v50 =	vadd.f32 v11, v9;
	v4 =	vadd.f32 v4, v5;
	_ =	sdelay $0x1  }
0x58a: {  	v51 =	vmax.f32 v6, v7;
	v9 =	vmax.f32 v50, v4  }
0x58b: {  	v5 =	vmax.f32 v51, v9  }
0x58c: {  	v6 =	vsub.f32 v6, v5  }
0x58d: {  	v7 =	vsub.f32 v7, v5  }
0x58e: {  	v52 =	vmul.f32 $1.442695020e+00, v6  }
0x58f: {  	v8 =	vsub.f32 v50, v5;
	v53 =	vmul.f32 $1.442695020e+00, v7  }
0x590: {  	(erf) = vpow2.f32 v52  }
0x591: {  	v4 =	vsub.f32 v4, v5;
	v54 =	vmul.f32 $1.442695020e+00, v8;
	(erf) = vpow2.f32 v53;
	_ =	sdelay $0x1  }
0x592: {  	v5 =	vmul.f32 $1.442695020e+00, v4;
	(erf) = vpow2.f32 v54;
	_ =	sdelay $0x1  }
0x593: {  	(erf) = vpow2.f32 v5;
	_ =	sdelay $0x3  }
0x594: {  	v55 =	vpop (erf)  }
0x595: {  	v56 =	vpop (erf)  }
0x596: {  	v5 =	vadd.f32 v56, v55  }
0x597: {  	v57 =	vpop (erf)  }
0x598: {  	v5 =	vadd.f32 v5, v57  }
0x599: {  	v58 =	vpop (erf)  }
0x59a: {  	v5 =	vadd.f32 v5, v58;
	_ =	sdelay $0x1  }
0x59b: {  	v9 =	vadd.f32 $1.000000000e+00, v5;
	_ =	sdelay $0x1  }
0x59c: {  	(erf) = vrcp.f32 v9;
	_ =	sdelay $0x5  }
0x59d: {  	v59 =	vadd.f32 $-1.000000000e+00, v5;
	_ =	sdelay $0x1  }
0x59e: {  	v9 =	vadd.f32 v59, v59  }
0x59f: {  	v60 =	vpop (erf)  }
0x5a0: {  	v9 =	vmul.f32 v60, v9;
	_ =	sdelay $0x1  }
0x5a1: {  	v10 =	vsub.f32 $0.0e+00, v9;
	_ =	sdelay $0x1  }
0x5a2: {  	v10 =	vmul.f32 $1.442695020e+00, v10;
	_ =	sdelay $0x1  }
0x5a3: {  	(erf) = vpow2.f32 v10;
	_ =	sdelay $0x8  }
0x5a4: {  	v10 =	vpop (erf)  }
0x5a5: {  	v9 =	vadd.f32 $-1.000000000e+00, v9;
	v10 =	vmul.f32 v10, v5;
	_ =	sdelay $0x1  }
0x5a6: {  	v9 =	vadd.f32 v10, v9;
	_ =	sdelay $0x1  }
0x5a7: {  	v10 =	vsub.f32 $0.0e+00, v9;
	_ =	sdelay $0x1  }
0x5a8: {  	v10 =	vmul.f32 $1.442695020e+00, v10;
	_ =	sdelay $0x1  }
0x5a9: {  	(erf) = vpow2.f32 v10;
	_ =	sdelay $0x8  }
0x5aa: {  	v10 =	vpop (erf)  }
0x5ab: {  	v9 =	vadd.f32 $-1.000000000e+00, v9;
	v10 =	vmul.f32 v10, v5;
	_ =	sdelay $0x1  }
0x5ac: {  	v9 =	vadd.f32 v10, v9;
	_ =	sdelay $0x1  }
0x5ad: {  	v10 =	vsub.f32 $0.0e+00, v9;
	_ =	sdelay $0x1  }
0x5ae: {  	v10 =	vmul.f32 $1.442695020e+00, v10;
	_ =	sdelay $0x1  }
0x5af: {  	(erf) = vpow2.f32 v10;
	_ =	sdelay $0x8  }
0x5b0: {  	v10 =	vpop (erf)  }
0x5b1: {  	v9 =	vadd.f32 $-1.000000000e+00, v9;
	v5 =	vmul.f32 v10, v5  }
0x5b2: {  	v3 =	vshll.u32 v3, $0x3  }
0x5b3: {  	v61 =	vor.u32 $0x1, v3;
	v5 =	vadd.f32 v5, v9  }
0x5b4: {  	s29 =	sadd.s32 $0x10, s28;
	v62 =	vor.u32 $0x2, v3  }
0x5b5: {  	v12 =	vor.u32 s29, v0;
	v63 =	vor.u32 $0x3, v3;
	v6 =	vsub.f32 v6, v5  }
0x5b6: {  	v13 =	vand.u32 $0x1FF8, v12;
	v14 =	vand.u32 v1, v12;
	v7 =	vsub.f32 v7, v5  }
0x5b7: {  	v13 =	vadd.s32 v2, v13;
	[tilespmem:v3+s21+$0x0] =	vst.idx.msk $0xffff, v6;
	v3 =	vsub.f32 v8, v5  }
0x5b8: {  	v4 =	vsub.f32 v4, v5;
	[tilespmem:v61+s21+$0x0] =	vst.idx.msk $0xffff, v7  }
0x5b9: {  	[tilespmem:v62+s21+$0x0] =	vst.idx.msk $0xffff, v3  }
0x5ba: {  	[tilespmem:v63+s21+$0x0] =	vst.idx.msk $0xffff, v4  }
0x5bb: {  	v3 =	vld.idx.msk [tilespmem:v14+s17+$0x0], $0xffff  }
0x5bc: {  	v4 =	vld.idx.msk [tilespmem:v13+s17+$0x0], $0xffff;
	_ =	sdelay $0x4  }
0x5bd: {  	v3 =	vshll.u32 v3, $0x3;
	v4 =	vshll.u32 v4, $0x3  }
0x5be: {  	v15 =	vor.u32 $0x4, v4  }
0x5bf: {  	v16 =	vor.u32 $0x1, v3  }
0x5c0: {  	v17 =	vor.u32 $0x5, v4  }
0x5c1: {  	v18 =	vor.u32 $0x2, v3  }
0x5c2: {  	v19 =	vor.u32 $0x6, v4;
	v9 =	vld.idx.msk [tilespmem:v3+s3+$0x0], $0xffff  }
0x5c3: {  	v4 =	vor.u32 $0x7, v4;
	v5 =	vld.idx.msk [tilespmem:v15+s3+$0x0], $0xffff  }
0x5c4: {  	v3 =	vor.u32 $0x3, v3;
	v6 =	vld.idx.msk [tilespmem:v16+s3+$0x0], $0xffff  }
0x5c5: {  	v7 =	vld.idx.msk [tilespmem:v17+s3+$0x0], $0xffff  }
0x5c6: {  	v8 =	vld.idx.msk [tilespmem:v18+s3+$0x0], $0xffff  }
0x5c7: {  	v10 =	vld.idx.msk [tilespmem:v19+s3+$0x0], $0xffff  }
0x5c8: {  	v4 =	vld.idx.msk [tilespmem:v4+s3+$0x0], $0xffff  }
0x5c9: {  	v3 =	vld.idx.msk [tilespmem:v3+s3+$0x0], $0xffff;
	_ =	sdelay $0x3  }
0x5ca: {  	v5 =	vadd.f32 v5, v9;
	v6 =	vadd.f32 v7, v6  }
0x5cb: {  	v20 =	vadd.f32 v10, v8;
	v3 =	vadd.f32 v4, v3;
	_ =	sdelay $0x1  }
0x5cc: {  	v21 =	vmax.f32 v5, v6;
	v8 =	vmax.f32 v20, v3  }
0x5cd: {  	v4 =	vmax.f32 v21, v8  }
0x5ce: {  	v5 =	vsub.f32 v5, v4  }
0x5cf: {  	v6 =	vsub.f32 v6, v4  }
0x5d0: {  	v22 =	vmul.f32 $1.442695020e+00, v5  }
0x5d1: {  	v7 =	vsub.f32 v20, v4;
	v23 =	vmul.f32 $1.442695020e+00, v6  }
0x5d2: {  	(erf) = vpow2.f32 v22  }
0x5d3: {  	v3 =	vsub.f32 v3, v4;
	v24 =	vmul.f32 $1.442695020e+00, v7;
	(erf) = vpow2.f32 v23;
	_ =	sdelay $0x1  }
0x5d4: {  	v4 =	vmul.f32 $1.442695020e+00, v3;
	(erf) = vpow2.f32 v24;
	_ =	sdelay $0x1  }
0x5d5: {  	(erf) = vpow2.f32 v4;
	_ =	sdelay $0x3  }
0x5d6: {  	v25 =	vpop (erf)  }
0x5d7: {  	v26 =	vpop (erf)  }
0x5d8: {  	v4 =	vadd.f32 v26, v25  }
0x5d9: {  	v27 =	vpop (erf)  }
0x5da: {  	v4 =	vadd.f32 v4, v27  }
0x5db: {  	v28 =	vpop (erf)  }
0x5dc: {  	v4 =	vadd.f32 v4, v28;
	_ =	sdelay $0x1  }
0x5dd: {  	v8 =	vadd.f32 $1.000000000e+00, v4;
	_ =	sdelay $0x1  }
0x5de: {  	(erf) = vrcp.f32 v8;
	_ =	sdelay $0x5  }
0x5df: {  	v29 =	vadd.f32 $-1.000000000e+00, v4;
	_ =	sdelay $0x1  }
0x5e0: {  	v8 =	vadd.f32 v29, v29  }
0x5e1: {  	v30 =	vpop (erf)  }
0x5e2: {  	v8 =	vmul.f32 v30, v8;
	_ =	sdelay $0x1  }
0x5e3: {  	v9 =	vsub.f32 $0.0e+00, v8;
	_ =	sdelay $0x1  }
0x5e4: {  	v9 =	vmul.f32 $1.442695020e+00, v9;
	_ =	sdelay $0x1  }
0x5e5: {  	(erf) = vpow2.f32 v9;
	_ =	sdelay $0x8  }
0x5e6: {  	v9 =	vpop (erf)  }
0x5e7: {  	v8 =	vadd.f32 $-1.000000000e+00, v8;
	v9 =	vmul.f32 v9, v4;
	_ =	sdelay $0x1  }
0x5e8: {  	v8 =	vadd.f32 v9, v8;
	_ =	sdelay $0x1  }
0x5e9: {  	v9 =	vsub.f32 $0.0e+00, v8;
	_ =	sdelay $0x1  }
0x5ea: {  	v9 =	vmul.f32 $1.442695020e+00, v9;
	_ =	sdelay $0x1  }
0x5eb: {  	(erf) = vpow2.f32 v9;
	_ =	sdelay $0x8  }
0x5ec: {  	v9 =	vpop (erf)  }
0x5ed: {  	v8 =	vadd.f32 $-1.000000000e+00, v8;
	v9 =	vmul.f32 v9, v4;
	_ =	sdelay $0x1  }
0x5ee: {  	v8 =	vadd.f32 v9, v8;
	_ =	sdelay $0x1  }
0x5ef: {  	v9 =	vsub.f32 $0.0e+00, v8;
	_ =	sdelay $0x1  }
0x5f0: {  	v9 =	vmul.f32 $1.442695020e+00, v9;
	_ =	sdelay $0x1  }
0x5f1: {  	(erf) = vpow2.f32 v9;
	_ =	sdelay $0x8  }
0x5f2: {  	v9 =	vpop (erf)  }
0x5f3: {  	v8 =	vadd.f32 $-1.000000000e+00, v8;
	v4 =	vmul.f32 v9, v4  }
0x5f4: {  	v31 =	vshll.u32 v12, $0x3  }
0x5f5: {  	v32 =	vor.u32 $0x1, v31;
	v4 =	vadd.f32 v4, v8  }
0x5f6: {  	s31 =	sadd.s32 $0x20, s28;
	v33 =	vor.u32 $0x2, v31  }
0x5f7: {  	v35 =	vor.u32 s31, v0;
	v34 =	vor.u32 $0x3, v31;
	v5 =	vsub.f32 v5, v4  }
0x5f8: {  	v36 =	vand.u32 $0x1FF8, v35;
	v37 =	vand.u32 v1, v35;
	v6 =	vsub.f32 v6, v4  }
0x5f9: {  	v39 =	vadd.s32 v2, v36;
	v38 =	vsub.f32 v7, v4;
	[tilespmem:v31+s21+$0x0] =	vst.idx.msk $0xffff, v5  }
0x5fa: {  	v3 =	vsub.f32 v3, v4;
	[tilespmem:v32+s21+$0x0] =	vst.idx.msk $0xffff, v6  }
0x5fb: {  	[tilespmem:v33+s21+$0x0] =	vst.idx.msk $0xffff, v38  }
0x5fc: {  	[tilespmem:v34+s21+$0x0] =	vst.idx.msk $0xffff, v3  }
0x5fd: {  	v3 =	vld.idx.msk [tilespmem:v37+s17+$0x0], $0xffff  }
0x5fe: {  	v40 =	vld.idx.msk [tilespmem:v39+s17+$0x0], $0xffff;
	_ =	sdelay $0x4  }
0x5ff: {  	v3 =	vshll.u32 v3, $0x3;
	v4 =	vshll.u32 v40, $0x3  }
0x600: {  	v41 =	vor.u32 $0x4, v4  }
0x601: {  	v42 =	vor.u32 $0x1, v3  }
0x602: {  	v43 =	vor.u32 $0x5, v4  }
0x603: {  	v44 =	vor.u32 $0x2, v3  }
0x604: {  	v45 =	vor.u32 $0x6, v4;
	v9 =	vld.idx.msk [tilespmem:v3+s3+$0x0], $0xffff  }
0x605: {  	v4 =	vor.u32 $0x7, v4;
	v5 =	vld.idx.msk [tilespmem:v41+s3+$0x0], $0xffff  }
0x606: {  	v3 =	vor.u32 $0x3, v3;
	v6 =	vld.idx.msk [tilespmem:v42+s3+$0x0], $0xffff  }
0x607: {  	v7 =	vld.idx.msk [tilespmem:v43+s3+$0x0], $0xffff  }
0x608: {  	v8 =	vld.idx.msk [tilespmem:v44+s3+$0x0], $0xffff  }
0x609: {  	v10 =	vld.idx.msk [tilespmem:v45+s3+$0x0], $0xffff  }
0x60a: {  	v4 =	vld.idx.msk [tilespmem:v4+s3+$0x0], $0xffff  }
0x60b: {  	v3 =	vld.idx.msk [tilespmem:v3+s3+$0x0], $0xffff;
	_ =	sdelay $0x3  }
0x60c: {  	v5 =	vadd.f32 v5, v9;
	v6 =	vadd.f32 v7, v6  }
0x60d: {  	v46 =	vadd.f32 v10, v8;
	v3 =	vadd.f32 v4, v3;
	_ =	sdelay $0x1  }
0x60e: {  	v47 =	vmax.f32 v5, v6;
	v8 =	vmax.f32 v46, v3  }
0x60f: {  	v4 =	vmax.f32 v47, v8  }
0x610: {  	v5 =	vsub.f32 v5, v4  }
0x611: {  	v6 =	vsub.f32 v6, v4  }
0x612: {  	v48 =	vmul.f32 $1.442695020e+00, v5  }
0x613: {  	v7 =	vsub.f32 v46, v4;
	v49 =	vmul.f32 $1.442695020e+00, v6  }
0x614: {  	(erf) = vpow2.f32 v48  }
0x615: {  	v3 =	vsub.f32 v3, v4;
	v50 =	vmul.f32 $1.442695020e+00, v7;
	(erf) = vpow2.f32 v49;
	_ =	sdelay $0x1  }
0x616: {  	v4 =	vmul.f32 $1.442695020e+00, v3;
	(erf) = vpow2.f32 v50;
	_ =	sdelay $0x1  }
0x617: {  	(erf) = vpow2.f32 v4;
	_ =	sdelay $0x3  }
0x618: {  	v51 =	vpop (erf)  }
0x619: {  	v52 =	vpop (erf)  }
0x61a: {  	v4 =	vadd.f32 v52, v51  }
0x61b: {  	v53 =	vpop (erf)  }
0x61c: {  	v4 =	vadd.f32 v4, v53  }
0x61d: {  	v54 =	vpop (erf)  }
0x61e: {  	v4 =	vadd.f32 v4, v54;
	_ =	sdelay $0x1  }
0x61f: {  	v8 =	vadd.f32 $1.000000000e+00, v4;
	_ =	sdelay $0x1  }
0x620: {  	(erf) = vrcp.f32 v8;
	_ =	sdelay $0x5  }
0x621: {  	v55 =	vadd.f32 $-1.000000000e+00, v4;
	_ =	sdelay $0x1  }
0x622: {  	v8 =	vadd.f32 v55, v55  }
0x623: {  	v56 =	vpop (erf)  }
0x624: {  	v8 =	vmul.f32 v56, v8;
	_ =	sdelay $0x1  }
0x625: {  	v9 =	vsub.f32 $0.0e+00, v8;
	_ =	sdelay $0x1  }
0x626: {  	v9 =	vmul.f32 $1.442695020e+00, v9;
	_ =	sdelay $0x1  }
0x627: {  	(erf) = vpow2.f32 v9;
	_ =	sdelay $0x8  }
0x628: {  	v9 =	vpop (erf)  }
0x629: {  	v8 =	vadd.f32 $-1.000000000e+00, v8;
	v9 =	vmul.f32 v9, v4;
	_ =	sdelay $0x1  }
0x62a: {  	v8 =	vadd.f32 v9, v8;
	_ =	sdelay $0x1  }
0x62b: {  	v9 =	vsub.f32 $0.0e+00, v8;
	_ =	sdelay $0x1  }
0x62c: {  	v9 =	vmul.f32 $1.442695020e+00, v9;
	_ =	sdelay $0x1  }
0x62d: {  	(erf) = vpow2.f32 v9;
	_ =	sdelay $0x8  }
0x62e: {  	v9 =	vpop (erf)  }
0x62f: {  	v8 =	vadd.f32 $-1.000000000e+00, v8;
	v9 =	vmul.f32 v9, v4;
	_ =	sdelay $0x1  }
0x630: {  	v8 =	vadd.f32 v9, v8;
	_ =	sdelay $0x1  }
0x631: {  	v9 =	vsub.f32 $0.0e+00, v8;
	_ =	sdelay $0x1  }
0x632: {  	v9 =	vmul.f32 $1.442695020e+00, v9;
	_ =	sdelay $0x1  }
0x633: {  	(erf) = vpow2.f32 v9;
	_ =	sdelay $0x8  }
0x634: {  	v9 =	vpop (erf)  }
0x635: {  	v8 =	vadd.f32 $-1.000000000e+00, v8;
	v4 =	vmul.f32 v9, v4  }
0x636: {  	v57 =	vshll.u32 v35, $0x3  }
0x637: {  	v58 =	vor.u32 $0x1, v57;
	v4 =	vadd.f32 v4, v8  }
0x638: {  	s30 =	sadd.s32 $0x30, s28;
	v59 =	vor.u32 $0x2, v57  }
0x639: {  	v60 =	vor.u32 $0x3, v57;
	v61 =	vor.u32 s30, v0;
	v5 =	vsub.f32 v5, v4  }
0x63a: {  	v62 =	vand.u32 $0x1FF8, v61;
	v63 =	vand.u32 v1, v61;
	v6 =	vsub.f32 v6, v4  }
0x63b: {  	v15 =	vadd.s32 v2, v62;
	v9 =	vsub.f32 v7, v4;
	[tilespmem:v57+s21+$0x0] =	vst.idx.msk $0xffff, v5  }
0x63c: {  	v3 =	vsub.f32 v3, v4;
	[tilespmem:v58+s21+$0x0] =	vst.idx.msk $0xffff, v6  }
0x63d: {  	[tilespmem:v59+s21+$0x0] =	vst.idx.msk $0xffff, v9  }
0x63e: {  	[tilespmem:v60+s21+$0x0] =	vst.idx.msk $0xffff, v3  }
0x63f: {  	v3 =	vld.idx.msk [tilespmem:v63+s17+$0x0], $0xffff  }
0x640: {  	v16 =	vld.idx.msk [tilespmem:v15+s17+$0x0], $0xffff;
	_ =	sdelay $0x4  }
0x641: {  	v3 =	vshll.u32 v3, $0x3;
	v4 =	vshll.u32 v16, $0x3  }
0x642: {  	v17 =	vor.u32 $0x4, v4  }
0x643: {  	v18 =	vor.u32 $0x1, v3  }
0x644: {  	v19 =	vor.u32 $0x5, v4  }
0x645: {  	v20 =	vor.u32 $0x2, v3  }
0x646: {  	v21 =	vor.u32 $0x6, v4;
	v9 =	vld.idx.msk [tilespmem:v3+s3+$0x0], $0xffff  }
0x647: {  	v4 =	vor.u32 $0x7, v4;
	v5 =	vld.idx.msk [tilespmem:v17+s3+$0x0], $0xffff  }
0x648: {  	v3 =	vor.u32 $0x3, v3;
	v6 =	vld.idx.msk [tilespmem:v18+s3+$0x0], $0xffff  }
0x649: {  	v7 =	vld.idx.msk [tilespmem:v19+s3+$0x0], $0xffff  }
0x64a: {  	v8 =	vld.idx.msk [tilespmem:v20+s3+$0x0], $0xffff  }
0x64b: {  	v10 =	vld.idx.msk [tilespmem:v21+s3+$0x0], $0xffff  }
0x64c: {  	v4 =	vld.idx.msk [tilespmem:v4+s3+$0x0], $0xffff  }
0x64d: {  	v3 =	vld.idx.msk [tilespmem:v3+s3+$0x0], $0xffff;
	_ =	sdelay $0x3  }
0x64e: {  	v5 =	vadd.f32 v5, v9;
	v6 =	vadd.f32 v7, v6  }
0x64f: {  	v22 =	vadd.f32 v10, v8;
	v3 =	vadd.f32 v4, v3;
	_ =	sdelay $0x1  }
0x650: {  	v23 =	vmax.f32 v5, v6;
	v8 =	vmax.f32 v22, v3  }
0x651: {  	v4 =	vmax.f32 v23, v8  }
0x652: {  	v5 =	vsub.f32 v5, v4  }
0x653: {  	v6 =	vsub.f32 v6, v4  }
0x654: {  	v24 =	vmul.f32 $1.442695020e+00, v5  }
0x655: {  	v7 =	vsub.f32 v22, v4;
	v25 =	vmul.f32 $1.442695020e+00, v6  }
0x656: {  	(erf) = vpow2.f32 v24  }
0x657: {  	v3 =	vsub.f32 v3, v4;
	v26 =	vmul.f32 $1.442695020e+00, v7;
	(erf) = vpow2.f32 v25;
	_ =	sdelay $0x1  }
0x658: {  	v4 =	vmul.f32 $1.442695020e+00, v3;
	(erf) = vpow2.f32 v26;
	_ =	sdelay $0x1  }
0x659: {  	(erf) = vpow2.f32 v4;
	_ =	sdelay $0x3  }
0x65a: {  	v27 =	vpop (erf)  }
0x65b: {  	v28 =	vpop (erf)  }
0x65c: {  	v4 =	vadd.f32 v28, v27  }
0x65d: {  	v29 =	vpop (erf)  }
0x65e: {  	v4 =	vadd.f32 v4, v29  }
0x65f: {  	v30 =	vpop (erf)  }
0x660: {  	v4 =	vadd.f32 v4, v30;
	_ =	sdelay $0x1  }
0x661: {  	v8 =	vadd.f32 $1.000000000e+00, v4;
	_ =	sdelay $0x1  }
0x662: {  	(erf) = vrcp.f32 v8;
	_ =	sdelay $0x5  }
0x663: {  	v31 =	vadd.f32 $-1.000000000e+00, v4;
	_ =	sdelay $0x1  }
0x664: {  	v8 =	vadd.f32 v31, v31  }
0x665: {  	v32 =	vpop (erf)  }
0x666: {  	v8 =	vmul.f32 v32, v8;
	_ =	sdelay $0x1  }
0x667: {  	v9 =	vsub.f32 $0.0e+00, v8;
	_ =	sdelay $0x1  }
0x668: {  	v9 =	vmul.f32 $1.442695020e+00, v9;
	_ =	sdelay $0x1  }
0x669: {  	(erf) = vpow2.f32 v9;
	_ =	sdelay $0x8  }
0x66a: {  	v9 =	vpop (erf)  }
0x66b: {  	v8 =	vadd.f32 $-1.000000000e+00, v8;
	v9 =	vmul.f32 v9, v4;
	_ =	sdelay $0x1  }
0x66c: {  	v8 =	vadd.f32 v9, v8;
	_ =	sdelay $0x1  }
0x66d: {  	v9 =	vsub.f32 $0.0e+00, v8;
	_ =	sdelay $0x1  }
0x66e: {  	v9 =	vmul.f32 $1.442695020e+00, v9;
	_ =	sdelay $0x1  }
0x66f: {  	(erf) = vpow2.f32 v9;
	_ =	sdelay $0x8  }
0x670: {  	v9 =	vpop (erf)  }
0x671: {  	v8 =	vadd.f32 $-1.000000000e+00, v8;
	v9 =	vmul.f32 v9, v4;
	_ =	sdelay $0x1  }
0x672: {  	v8 =	vadd.f32 v9, v8;
	_ =	sdelay $0x1  }
0x673: {  	v9 =	vsub.f32 $0.0e+00, v8;
	_ =	sdelay $0x1  }
0x674: {  	v9 =	vmul.f32 $1.442695020e+00, v9;
	_ =	sdelay $0x1  }
0x675: {  	(erf) = vpow2.f32 v9;
	_ =	sdelay $0x8  }
0x676: {  	v9 =	vpop (erf)  }
0x677: {  	v8 =	vadd.f32 $-1.000000000e+00, v8;
	v4 =	vmul.f32 v9, v4  }
0x678: {  	v33 =	vshll.u32 v61, $0x3  }
0x679: {  	v34 =	vor.u32 $0x1, v33;
	v4 =	vadd.f32 v4, v8  }
0x67a: {  	s31 =	sadd.s32 $0x40, s28;
	v35 =	vor.u32 $0x2, v33  }
0x67b: {  	v36 =	vor.u32 $0x3, v33;
	v37 =	vor.u32 s31, v0;
	v5 =	vsub.f32 v5, v4  }
0x67c: {  	v38 =	vand.u32 $0x1FF8, v37;
	v39 =	vand.u32 v1, v37;
	v6 =	vsub.f32 v6, v4  }
0x67d: {  	v41 =	vadd.s32 v2, v38;
	v40 =	vsub.f32 v7, v4;
	[tilespmem:v33+s21+$0x0] =	vst.idx.msk $0xffff, v5  }
0x67e: {  	v3 =	vsub.f32 v3, v4;
	[tilespmem:v34+s21+$0x0] =	vst.idx.msk $0xffff, v6  }
0x67f: {  	[tilespmem:v35+s21+$0x0] =	vst.idx.msk $0xffff, v40  }
0x680: {  	[tilespmem:v36+s21+$0x0] =	vst.idx.msk $0xffff, v3  }
0x681: {  	v3 =	vld.idx.msk [tilespmem:v39+s17+$0x0], $0xffff  }
0x682: {  	v42 =	vld.idx.msk [tilespmem:v41+s17+$0x0], $0xffff;
	_ =	sdelay $0x4  }
0x683: {  	v3 =	vshll.u32 v3, $0x3;
	v4 =	vshll.u32 v42, $0x3  }
0x684: {  	v43 =	vor.u32 $0x4, v4  }
0x685: {  	v44 =	vor.u32 $0x1, v3  }
0x686: {  	v45 =	vor.u32 $0x5, v4  }
0x687: {  	v46 =	vor.u32 $0x2, v3  }
0x688: {  	v47 =	vor.u32 $0x6, v4;
	v9 =	vld.idx.msk [tilespmem:v3+s3+$0x0], $0xffff  }
0x689: {  	v4 =	vor.u32 $0x7, v4;
	v5 =	vld.idx.msk [tilespmem:v43+s3+$0x0], $0xffff  }
0x68a: {  	v3 =	vor.u32 $0x3, v3;
	v6 =	vld.idx.msk [tilespmem:v44+s3+$0x0], $0xffff  }
0x68b: {  	v7 =	vld.idx.msk [tilespmem:v45+s3+$0x0], $0xffff  }
0x68c: {  	v8 =	vld.idx.msk [tilespmem:v46+s3+$0x0], $0xffff  }
0x68d: {  	v10 =	vld.idx.msk [tilespmem:v47+s3+$0x0], $0xffff  }
0x68e: {  	v4 =	vld.idx.msk [tilespmem:v4+s3+$0x0], $0xffff  }
0x68f: {  	v3 =	vld.idx.msk [tilespmem:v3+s3+$0x0], $0xffff;
	_ =	sdelay $0x3  }
0x690: {  	v5 =	vadd.f32 v5, v9;
	v6 =	vadd.f32 v7, v6  }
0x691: {  	v48 =	vadd.f32 v10, v8;
	v3 =	vadd.f32 v4, v3;
	_ =	sdelay $0x1  }
0x692: {  	v49 =	vmax.f32 v5, v6;
	v8 =	vmax.f32 v48, v3  }
0x693: {  	v4 =	vmax.f32 v49, v8  }
0x694: {  	v5 =	vsub.f32 v5, v4  }
0x695: {  	v6 =	vsub.f32 v6, v4  }
0x696: {  	v50 =	vmul.f32 $1.442695020e+00, v5  }
0x697: {  	v7 =	vsub.f32 v48, v4;
	v51 =	vmul.f32 $1.442695020e+00, v6  }
0x698: {  	(erf) = vpow2.f32 v50  }
0x699: {  	v3 =	vsub.f32 v3, v4;
	v52 =	vmul.f32 $1.442695020e+00, v7;
	(erf) = vpow2.f32 v51;
	_ =	sdelay $0x1  }
0x69a: {  	v4 =	vmul.f32 $1.442695020e+00, v3;
	(erf) = vpow2.f32 v52;
	_ =	sdelay $0x1  }
0x69b: {  	(erf) = vpow2.f32 v4;
	_ =	sdelay $0x3  }
0x69c: {  	v53 =	vpop (erf)  }
0x69d: {  	v54 =	vpop (erf)  }
0x69e: {  	v4 =	vadd.f32 v54, v53  }
0x69f: {  	v55 =	vpop (erf)  }
0x6a0: {  	v4 =	vadd.f32 v4, v55  }
0x6a1: {  	v56 =	vpop (erf)  }
0x6a2: {  	v4 =	vadd.f32 v4, v56;
	_ =	sdelay $0x1  }
0x6a3: {  	v8 =	vadd.f32 $1.000000000e+00, v4;
	_ =	sdelay $0x1  }
0x6a4: {  	(erf) = vrcp.f32 v8;
	_ =	sdelay $0x5  }
0x6a5: {  	v57 =	vadd.f32 $-1.000000000e+00, v4;
	_ =	sdelay $0x1  }
0x6a6: {  	v8 =	vadd.f32 v57, v57  }
0x6a7: {  	v58 =	vpop (erf)  }
0x6a8: {  	v8 =	vmul.f32 v58, v8;
	_ =	sdelay $0x1  }
0x6a9: {  	v9 =	vsub.f32 $0.0e+00, v8;
	_ =	sdelay $0x1  }
0x6aa: {  	v9 =	vmul.f32 $1.442695020e+00, v9;
	_ =	sdelay $0x1  }
0x6ab: {  	(erf) = vpow2.f32 v9;
	_ =	sdelay $0x8  }
0x6ac: {  	v9 =	vpop (erf)  }
0x6ad: {  	v8 =	vadd.f32 $-1.000000000e+00, v8;
	v9 =	vmul.f32 v9, v4;
	_ =	sdelay $0x1  }
0x6ae: {  	v8 =	vadd.f32 v9, v8;
	_ =	sdelay $0x1  }
0x6af: {  	v9 =	vsub.f32 $0.0e+00, v8;
	_ =	sdelay $0x1  }
0x6b0: {  	v9 =	vmul.f32 $1.442695020e+00, v9;
	_ =	sdelay $0x1  }
0x6b1: {  	(erf) = vpow2.f32 v9;
	_ =	sdelay $0x8  }
0x6b2: {  	v9 =	vpop (erf)  }
0x6b3: {  	v8 =	vadd.f32 $-1.000000000e+00, v8;
	v9 =	vmul.f32 v9, v4;
	_ =	sdelay $0x1  }
0x6b4: {  	v8 =	vadd.f32 v9, v8;
	_ =	sdelay $0x1  }
0x6b5: {  	v9 =	vsub.f32 $0.0e+00, v8;
	_ =	sdelay $0x1  }
0x6b6: {  	v9 =	vmul.f32 $1.442695020e+00, v9;
	_ =	sdelay $0x1  }
0x6b7: {  	(erf) = vpow2.f32 v9;
	_ =	sdelay $0x8  }
0x6b8: {  	v9 =	vpop (erf)  }
0x6b9: {  	v8 =	vadd.f32 $-1.000000000e+00, v8;
	v4 =	vmul.f32 v9, v4  }
0x6ba: {  	v59 =	vshll.u32 v37, $0x3  }
0x6bb: {  	v60 =	vor.u32 $0x1, v59;
	v4 =	vadd.f32 v4, v8  }
0x6bc: {  	v61 =	vor.u32 $0x2, v59  }
0x6bd: {  	p0 =	sne.s32 s28, $0x780;
	v62 =	vor.u32 $0x3, v59;
	v5 =	vsub.f32 v5, v4  }
.Ltmp4:
0x6be: {  	v6 =	vsub.f32 v6, v4;
	(pc) =	sbr.rel @p0 .LBB2_10-.Ltmp4, $4  }
0x6bf: {  	v63 =	vsub.f32 v7, v4;
	[tilespmem:v59+s21+$0x0] =	vst.idx.msk $0xffff, v5  }
0x6c0: {  	v3 =	vsub.f32 v3, v4;
	[tilespmem:v60+s21+$0x0] =	vst.idx.msk $0xffff, v6  }
0x6c1: {  	[tilespmem:v61+s21+$0x0] =	vst.idx.msk $0xffff, v63  }
0x6c2: {  	s28 =	sadd.s32 $0x50, s28;
	[tilespmem:v62+s21+$0x0] =	vst.idx.msk $0xffff, v3  }
0x6c3: {  	[hbm4b:s13+s3] =	stream.linear.scatter [tilespmem:s21], [sflag:$0x3], $0x3E80, $0x38;
	[tilespmem:$0x1D4C0] =	vst v63  }
0x6c4: {  	s26 =	sadd.s32 $0x1, s26  }
0x6c5: {  	_ =	swait.ge [sflag:s24], $0x3E80;
	p0 =	sne.s32 s26, s14  }
.Ltmp5:
0x6c6: {  	[sflag:s24] =	ssyncset.done $0x0;
	(pc) =	sbr.rel @p0 .LBB2_1-.Ltmp5, $4  }
0x6c7: {  	[sflag:s24] =	ssyncadd.s32 $0xFFFFC180  }
0x6c8: {  	_ =	swait.ge [sflag:s25], $0x3E80  }
0x6c9: {  	[sflag:s25] =	ssyncset.done $0x0  }
0x6ca: {  	[sflag:s25] =	ssyncadd.s32 $0xFFFFC180  }
0x6cb: {  	_ =	sfence.sel $0x180000  }
0x6cc: {  	[bflag:$0x0] =	sbarrier.arrive $0xFFFF  }
0x6cd: {  	p0 =	sne.s32 s2, $0x0;
	_ =	strace $0x9000004D  }
0x6ce: {  	s0 =	sadd.s32 @!p0 $0x100000, s0;
	[bflag:$0x2] =	sbarrier.arrive $0xFFFF  }
0x6cf: {  	[sflag:s0] =	ssyncadd.tile.s32 @!p0 $0x1;
	_ =	shalt  }
.Lfunc_end2:
_tile_overlayer_lowered:
.L_overlay_start_2:
0x6d0: {  	(tag) =	ssettag $0x2  }
0x6d1: {  	s0 =	rddreg [dreg:$0x0];
	s2 =	stileid.u32  }
0x6d2: {  	s1 =	rddreg [dreg:$0x1];
	p0 =	sne.s32 s2, $0x0  }
0x6d3: {  	s3 =	rddreg [dreg:$0x2];
	[bflag:$0x3] =	sbarrier.arrive $0xFFFF;
	s2 =	simm.s32 @!p0 $0x1C05  }
0x6d4: {  	[timem:s3], [sflag:s2] =	dma.local @!p0 [hbm:s0], s1  }
0x6d5: {  	s0 =	simm.s32 @!p0 $0x5  }
0x6d6: {  	_ =	swait.ge @!p0 [sflag:s0], s1  }
0x6d7: {  	s1 =	ssub.s32 @!p0 $0x0, s1;
	[sflag:s0] =	ssyncset.done @!p0 $0x0  }
0x6d8: {  	[sflag:s0] =	ssyncadd.s32 @!p0 s1  }
0x6d9: {  	[bflag:$0x3] =	sbarrier.arrive $0xFFFF  }
0x6da: {  	_ =	shalt  }

// kernel: kernel.8.cloned.1.call-start
scs
__scs_entry_jumppad:
0x0: {  	(pc) =	sbr.rel $0x88, $3  }
0x1: {  	(tag) =	ssettag $0x0;
	lr =	simm.s32 $0x1  }
0x2: {  	[smem:$0x3F97] =	sst lr;
	_ =	strace $0xD0000000  }
0x3: {  	_ = 	snop  }
0x4: {  	_ = 	snop  }
0x5: {  	_ = 	snop  }
0x6: {  	_ = 	snop  }
0x7: {  	_ = 	snop  }
__scs_overlays_trampoline_lowered:
0x8: {  	[smem:$0x3FA6] =	sst s0  }
0x9: {  	[smem:$0x3FA7] =	sst s1  }
0xa: {  	[smem:$0x3FA8] =	sst s2  }
0xb: {  	[smem:$0x3FA9] =	sst s3  }
0xc: {  	[smem:$0x3FAA] =	sst s4  }
0xd: {  	[smem:$0x3FAB] =	sst s5  }
0xe: {  	[smem:$0x3FAC] =	sst s6  }
0xf: {  	[smem:$0x3FAD] =	sst s7  }
0x10: {  	[smem:$0x3FAE] =	sst s8  }
0x11: {  	[smem:$0x3FAF] =	sst s9;
	s0 =	simm.s32 @!p0 $0x0  }
0x12: {  	s1 =	sld [smem:$0x3F95];
	s0 =	simm.s32 @p0 $0x1  }
0x13: {  	[smem:$0x3FB0] =	sst s0;
	s0 =	simm.s32 @!p1 $0x0  }
0x14: {  	s2 =	sld [smem:$0x3F94];
	s0 =	simm.s32 @p1 $0x1  }
0x15: {  	[smem:$0x3FB1] =	sst s0;
	s0 =	simm.s32 @!p2 $0x0  }
0x16: {  	s3 =	sld [smem:$0x3FDB];
	s0 =	simm.s32 @p2 $0x1  }
0x17: {  	s4 =	simm.s32 $0x1BF5;
	[smem:$0x3FB3] =	sst s0  }
0x18: {  	s0 =	sld [smem:$0x3F96];
	_ =	swait.ge [sflag:s4], $0x0  }
0x19: {  	s7 =	sld [smem:$0x3F97]  }
0x1a: {  	s8 =	sadd.s32 $0xFFFFE003, lr  }
0x1b: {  	s9 =	sadd.s32 $0xFFFFFEF7, lr;
	s5 =	simm.s32 $0xFFFFFFFF;
	p2 =	slt.u32 s8, $0xFFFFF086  }
0x1c: {  	p1 =	slt.u32 s9, $0xF7A;
	s5 =	simm.s32 @!p2 $0x0  }
0x1d: {  	s5 =	simm.s32 @p1 $0x1;
	p0 =	seq.s32 s7, s2  }
0x1e: {  	s7 =	smul.u32 @!p0 $0xF7A, s2;
	p2 =	seq.s32 @!p0 s5, $0x0  }
0x1f: {  	s9 =	smul.u32 $0xF7A, s1;
	s8 =	simm.s32 @!p0 $0x1BF5;
	p2 =	por !p2, p0  }
0x20: {  	[sflag:s8] =	ssyncset.s32 @!p0 $0xFFFFF086;
	s6 =	sadd.s32 @!p0 s3, s7;
	s7 =	simm.s32 @!p0 $0x108  }
0x21: {  	s3 =	sadd.s32 s3, s9;
	s6 =	sadd.s32 @!p0 $0x88, s6;
	s7 =	simm.s32 @p2 $0x1082  }
0x22: {  	[simem:s7], [sflag:s8] =	dma.local @!p0 [hbm:s6], $0xF7A  }
0x23: {  	s9 =	sor.u32 $0xD0000000, s2;
	s6 =	simm.s32 $0x108;
	_ =	swait.ge @!p0 [sflag:s8], $0x0  }
0x24: {  	s3 =	sadd.s32 $0x88, s3;
	s6 =	simm.s32 @!p1 $0x1082;
	[sflag:s4] =	ssyncset.s32 $0xFFFFF086  }
0x25: {  	[simem:s6], [sflag:s4] =	dma.local [hbm:s3], $0xF7A  }
0x26: {  	[smem:$0x3F97] =	sst s1;
	(tag) =	ssettag s2;
	_ =	strace s9  }
0x27: {  	s1 =	sld [smem:$0x3FA7]  }
0x28: {  	s2 =	sld [smem:$0x3FA8]  }
0x29: {  	s4 =	sld [smem:$0x3FAA]  }
0x2a: {  	p0 =	seq.s32 s5, $0x0;
	s5 =	sld [smem:$0x3FAB]  }
0x2b: {  	s6 =	sld [smem:$0x3FAC]  }
0x2c: {  	s7 =	sld [smem:$0x3FAD]  }
0x2d: {  	s3 =	simm.s32 $0x108;
	s8 =	sld [smem:$0x3FAE]  }
0x2e: {  	s3 =	simm.s32 @!p0 $0x1082;
	s9 =	sld [smem:$0x3FAF]  }
0x2f: {  	lr =	sadd.s32 s0, s3;
	s0 =	sld [smem:$0x3FA6]  }
0x30: {  	s3 =	sld [smem:$0x3FA9]  }
0x31: {  	[smem:$0x3FB2] =	sst s10  }
0x32: {  	s10 =	sld [smem:$0x3FB0];
	_ =	sdelay $0x3  }
0x33: {  	p0 =	seq.s32 s10, $0x1;
	s10 =	sld [smem:$0x3FB2];
	_ =	sdelay $0x3  }
0x34: {  	[smem:$0x3FB2] =	sst s10  }
0x35: {  	s10 =	sld [smem:$0x3FB1];
	_ =	sdelay $0x3  }
0x36: {  	p1 =	seq.s32 s10, $0x1;
	s10 =	sld [smem:$0x3FB2];
	_ =	sdelay $0x3  }
0x37: {  	[smem:$0x3FB2] =	sst s10  }
0x38: {  	s10 =	sld [smem:$0x3FB3]  }
0x39: {  	_ = 	snop;
	(pc) =	sbr.ind lr, $3  }
0x3a: {  	_ = 	snop  }
0x3b: {  	_ = 	snop  }
0x3c: {  	p2 =	seq.s32 s10, $0x1;
	s10 =	sld [smem:$0x3FB2]  }
0x3d: {  	_ =	shalt  }
0x3e: {  	_ =	shalt  }
0x3f: {  	_ =	shalt  }
0x40: {  	_ =	shalt  }
0x41: {  	_ =	shalt  }
0x42: {  	_ =	shalt  }
0x43: {  	_ =	shalt  }
0x44: {  	_ =	shalt  }
0x45: {  	_ =	shalt  }
0x46: {  	_ =	shalt  }
0x47: {  	_ =	shalt  }
0x48: {  	_ =	shalt  }
0x49: {  	_ =	shalt  }
0x4a: {  	_ =	shalt  }
0x4b: {  	_ =	shalt  }
0x4c: {  	_ =	shalt  }
0x4d: {  	_ =	shalt  }
0x4e: {  	_ =	shalt  }
0x4f: {  	_ =	shalt  }
0x50: {  	_ =	shalt  }
0x51: {  	_ =	shalt  }
0x52: {  	_ =	shalt  }
0x53: {  	_ =	shalt  }
0x54: {  	_ =	shalt  }
0x55: {  	_ =	shalt  }
0x56: {  	_ =	shalt  }
0x57: {  	_ =	shalt  }
0x58: {  	_ =	shalt  }
0x59: {  	_ =	shalt  }
0x5a: {  	_ =	shalt  }
0x5b: {  	_ =	shalt  }
0x5c: {  	_ =	shalt  }
0x5d: {  	_ =	shalt  }
0x5e: {  	_ =	shalt  }
0x5f: {  	_ =	shalt  }
0x60: {  	_ =	shalt  }
0x61: {  	_ =	shalt  }
0x62: {  	_ =	shalt  }
0x63: {  	_ =	shalt  }
0x64: {  	_ =	shalt  }
0x65: {  	_ =	shalt  }
0x66: {  	_ =	shalt  }
0x67: {  	_ =	shalt  }
0x68: {  	_ =	shalt  }
0x69: {  	_ =	shalt  }
0x6a: {  	_ =	shalt  }
0x6b: {  	_ =	shalt  }
0x6c: {  	_ =	shalt  }
0x6d: {  	_ =	shalt  }
0x6e: {  	_ =	shalt  }
0x6f: {  	_ =	shalt  }
0x70: {  	_ =	shalt  }
0x71: {  	_ =	shalt  }
0x72: {  	_ =	shalt  }
0x73: {  	_ =	shalt  }
0x74: {  	_ =	shalt  }
0x75: {  	_ =	shalt  }
0x76: {  	_ =	shalt  }
0x77: {  	_ =	shalt  }
0x78: {  	_ =	shalt  }
0x79: {  	_ =	shalt  }
0x7a: {  	_ =	shalt  }
0x7b: {  	_ =	shalt  }
0x7c: {  	_ =	shalt  }
0x7d: {  	_ =	shalt  }
0x7e: {  	_ =	shalt  }
0x7f: {  	_ =	shalt  }
0x80: {  	_ =	shalt  }
0x81: {  	_ =	shalt  }
0x82: {  	_ =	shalt  }
0x83: {  	_ =	shalt  }
0x84: {  	_ =	shalt  }
0x85: {  	_ =	shalt  }
0x86: {  	_ =	shalt  }
0x87: {  	_ =	shalt  }
.Lfunc_end0:
.L_simem_size_0:
called_computation_lowered:
.L_overlay_start_0:
0x88: {  	s2 =	sld [smem:$0x3FD9]  }
0x89: {  	s3 =	sld [smem:$0x3FFE];
	_ =	sdelay $0x1  }
0x8a: {  	s1 =	srdreg.scid  }
0x8b: {  	s0 =	sand.u32 $0x1, s1  }
0x8c: {  	s17 =	sshll.u32 s0, $0xA;
	s2 =	sadd.s32 s3, s2  }
0x8d: {  	s2 =	sadd.s32 s2, s17  }
0x8e: {  	[smem:$0x3FBE] =	sst s2  }
0x8f: {  	_ = 	snop  }
0x90: {  	s2 =	sld [smem:$0x3FD0];
	(tm) =	ssettm $0x1  }
0x91: {  	s18 =	sld [smem:$0x3FFB];
	_ =	sdelay $0x3  }
0x92: {  	_ =	strace s18  }
0x93: {  	s3 =	sld [smem:$0x3FFC];
	_ =	sdelay $0x3  }
0x94: {  	_ =	strace s3  }
0x95: {  	s3 =	sld [smem:$0x3FFD];
	_ =	sdelay $0x3  }
0x96: {  	_ =	strace s3  }
0x97: {  	_ =	strace $0x8FFFFFFF  }
0x98: {  	s19 =	sld [smem:$0x3FDB];
	_ =	sdelay $0x1  }
0x99: {  	s4 =	simm.s32 $_scs_section_size  }
0x9a: {  	s5 =	simm.s32 $_size__tile_overlayer_lowered;
	s6 =	simm.s32 $_tile_overlayer_lowered  }
0x9b: {  	s22 =	simm.s32 $0x1BFF;
	s21 =	sshll.u32 s6, $0x1;
	s3 =	sadd.s32 s4, s19  }
0x9c: {  	s7 =	simm.s32 $0x0;
	s20 =	sshll.u32 s5, $0x1;
	s5 =	sadd.s32 s21, s3  }
0x9d: {  	[timem:s7], [sflag:s22] =	dma.local [hbm:s5], s20  }
0x9e: {  	_ =	swait.ge [sflag:s22], s20  }
0x9f: {  	s4 =	ssub.s32 $0x0, s20;
	[sflag:s22] =	ssyncset.done $0x0  }
0xa0: {  	[sflag:s22] =	ssyncadd.s32 s4;
	_ =	sdelay $0x1  }
0xa1: {  	s23 =	simm.s32 $0x1B8B  }
0xa2: {  	_ =	swait.ge [sflag:s23], $0x1  }
0xa3: {  	[sflag:s23] =	ssyncset.done $0x0  }
0xa4: {  	s25 =	simm.s32 $0x1B8E;
	s24 =	sld [smem:$0x3FFE];
	[sflag:s23] =	ssyncadd.s32 $0xFFFFFFFF  }
0xa5: {  	s26 =	simm.s32 $execute0_lowered;
	[smem:$0x3FD2] =	sst s25  }
0xa6: {  	s5 =	sshll.u32 s26, $0x1;
	_ =	strace $0x80000046;
	[dreg:$0x1] =	wrdreg $0xFFFFFFFF  }
0xa7: {  	s28 =	simm.s32 $_size_execute0_lowered;
	s3 =	sadd.s32 s3, s5;
	[dreg:$0x0] =	wrdreg $0x0  }
0xa8: {  	s5 =	sshll.u32 s28, $0x1;
	[dreg:$0x2] =	wrdreg s3  }
0xa9: {  	[dreg:$0x3] =	wrdreg s5  }
0xaa: {  	[dreg:$0x4] =	wrdreg $0xC0  }
0xab: {  	_ =	task [dreg:s7], $0x5FFFF  }
0xac: {  	[dreg:$0x1] =	wrdreg $0xFFFFFFFF  }
0xad: {  	[dreg:$0x0] =	wrdreg $0x60  }
0xae: {  	[dreg:$0x2] =	wrdreg s2  }
0xaf: {  	[dreg:$0x3] =	wrdreg s24  }
0xb0: {  	[dreg:$0x4] =	wrdreg $0x119400  }
0xb1: {  	[dreg:$0x5] =	wrdreg $0x148200  }
0xb2: {  	[dreg:$0x6] =	wrdreg $0x9  }
0xb3: {  	_ =	task.clear_ibuf [dreg:s7], $0x7FFFF;
	_ =	strace $0x90000046  }
0xb4: {  	s29 =	simm.s32 $0x9;
	_ =	strace $0x80000048  }
0xb5: {  	_ =	swait.ge [sflag:s29], $0x1  }
0xb6: {  	[sflag:s29] =	ssyncadd.s32 $0xFFFFFFFF  }
0xb7: {  	_ =	strace $0x90000048  }
0xb8: {  	_ =	sfence  }
0xb9: {  	s30 =	sld [smem:$0x0];
	_ =	sdelay $0x2  }
0xba: {  	s31 =	sshll.u32 s1, $0xD;
	s1 =	sshrl.u32 s1, $0x2  }
0xbb: {  	s3 =	sand.u32 $0x4000, s31;
	s1 =	sadd.s32 s1, s30  }
0xbc: {  	s0 =	sor.u32 s3, s0;
	s1 =	sshll.u32 s1, $0x11  }
0xbd: {  	s0 =	sor.u32 s1, s0  }
0xbe: {  	s0 =	sadd.s32 $0x8F2B, s0  }
0xbf: {  	[sflag:s0] =	ssyncadd.remote.s32 $0x1  }
0xc0: {  	_ =	sfence.sel $0xFFFF  }
0xc1: {  	[dreg:$0x0] =	wrdreg $0xFFFFFFFF;
	(pc) =	sbr.abs _section_cstart, $3  }
0xc2: {  	[dreg:$0x1] =	wrdreg $0xFFFFFFFF  }
0xc3: {  	_ =	task.clear_ibuf [dreg:s7], $0x2FFFF;
	_ =	strace $0x9FFFFFFF  }
0xc4: {  	(tm) =	ssettm $0x7FFFFFFF  }
0xc5: {  	_ =	shalt  }
tec
execute0_lowered:
.L_overlay_start_1:
0x0: {  	(tag) =	ssettag $0x1  }
0x1: {  	s1 =	rddreg [dreg:$0x0]  }
0x2: {  	s6 =	rddreg [dreg:$0x1]  }
0x3: {  	s0 =	srdreg.scid;
	s3 =	rddreg [dreg:$0x2]  }
0x4: {  	s12 =	stileid.u32;
	s4 =	rddreg [dreg:$0x3];
	s5 =	simm.s32 $0x0  }
0x5: {  	s18 =	simm.s32 $0x5;
	s20 =	simm.s32 $0x7D0;
	s21 =	simm.s32 $0x4E200  }
0x6: {  	s22 =	simm.s32 $0x1;
	s23 =	simm.s32 $0x1F40;
	s28 =	simm.s32 $0x3  }
0x7: {  	s29 =	simm.s32 $0x14050;
	s30 =	simm.s32 $0x4;
	s31 =	simm.s32 $0x1770  }
0x8: {  	s0 =	sand.u32 $0x1, s0;
	s8 =	smul.u32 $0x2710, s12;
	[smem:$0x7FF] =	sst s5  }
0x9: {  	s9 =	smul.u32 $0x280, s12;
	s11 =	sadd.s32 $0x3E400, s6;
	s26 =	sshll.u32 s12, $0x6  }
0xa: {  	s2 =	sshll.u32 s0, $0x4;
	s7 =	smul.u32 $0x27100, s0;
	_ =	strace $0x80000047  }
0xb: {  	s10 =	smul.u32 $0x2800, s0;
	[dreg:$0x5] =	wrdreg s11;
	s0 =	ssub.s32 $0x2, s0  }
0xc: {  	s2 =	sor.u32 s12, s2;
	s25 =	sshrl.u32 s0, $0x1;
	s17 =	sadd.s32 s8, s3  }
0xd: {  	s19 =	sadd.s32 s9, s4;
	s2 =	smul.u32 $0x2710, s2;
	s24 =	sadd.s32 s8, s7  }
0xe: {  	s7 =	sadd.s32 $0x3E200, s6;
	s10 =	sadd.s32 s9, s10;
	s0 =	ssub.s32 s0, s25  }
0xf: {  	s8 =	sor.u32 $0x1C05, s26;
	s17 =	sshrl.u32 s17, $0x3;
	s19 =	sshrl.u32 s19, $0x3  }
0x10: {  	s25 =	simm.s32 $0x2;
	s26 =	simm.s32 $0x9C40;
	s11 =	sshrl.u32 s24, $0x3  }
0x11: {  	s10 =	sshrl.u32 s10, $0x3;
	s16 =	smax.u32 s0, $0x1;
	s2 =	sshrl.u32 s2, $0x3  }
0x12: {  	s24 =	simm.s32 $0xFA0;
	s14 =	sadd.s32 s11, s6;
	s2 =	sadd.s32 s2, s6  }
0x13: {  	s6 =	sadd.s32 s10, s6;
	s14 =	sadd.s32 $0x3F400, s14;
	s9 =	sadd.s32 $0x3600, s2  }
0x14: {  	s10 =	sadd.s32 $0x36FA, s2;
	s11 =	sadd.s32 $0x37F4, s2;
	s12 =	sadd.s32 $0x38EE, s2  }
0x15: {  	v0 =	vimm.f32 $1.000000000e+00;
	s13 =	sadd.s32 $0x39E8, s2;
	s15 =	sadd.s32 $0x3EA00, s6;
	s2 =	simm.s32 $0x0  }
.LBB2_1:
0x16: {  	s0 =	rddreg [dreg:$0x5]  }
0x17: {  	[spmem:s17], [sflag:s8] =	dma.local [hbm:s0], $0x4E2  }
0x18: {  	_ =	swait.ge [sflag:s18], $0x4E2  }
0x19: {  	[sflag:s18] =	ssyncset.done $0x0  }
0x1a: {  	[sflag:s18] =	ssyncadd.s32 $0xFFFFFB1E  }
0x1b: {  	[spmem:s19], [sflag:s8] =	dma.local [hbm:s7], $0x50  }
0x1c: {  	_ =	swait.ge [sflag:s18], $0x50  }
0x1d: {  	[sflag:s18] =	ssyncset.done $0x0  }
0x1e: {  	s6 =	simm.s32 $0x0;
	s0 =	simm.s32 $0x40;
	[sflag:s18] =	ssyncadd.s32 $0xFFFFFFB0  }
.LBB2_2:
0x1f: {  	p0 =	sne.s32 s0, $0x1F00;
	[tilespmem:s6+$0x14050] =	vst v0;
	s6 =	smov.u32 s0;
	s0 =	sadd.s32 $0x40, s0  }
.Ltmp0:
0x20: {  	(pc) =	sbr.rel @p0 .LBB2_2-.Ltmp0, $2  }
0x21: {  	_ =	sdelay $0x2  }
0x22: {  	s6 =	sshra.s32 s6, $0x2  }
0x23: {  	[tilespmem:s6+$0x14050] =	vst v0  }
0x24: {  	[bflag:$0x0] =	sbarrier.arrive $0xFFFF  }
0x25: {  	[tilespmem:s5], [sflag:$0x1] =	stream.strided.gather [hbm4b:s9+s20], $0xFA0, s21, s20, $0x38;
	[tilespmem:$0x14AA0] =	vst v63  }
0x26: {  	_ =	swait.ge [sflag:s22], $0xFA0  }
0x27: {  	[sflag:s22] =	ssyncset.done $0x0  }
0x28: {  	[sflag:s22] =	ssyncadd.s32 $0xFFFFF060  }
0x29: {  	[tilespmem:s23], [sflag:$0x3] =	stream.indirect.gather [hbm4b:s1+s20], $0x10, s5, s20, $0xb8;
	[tilespmem:$0x14AA0] =	vst v63  }
0x2a: {  	_ = 	snop  }
0x2b: {  	[tilespmem:s24], [sflag:$0x2] =	stream.strided.gather [hbm4b:s10+s20], $0xFA0, s21, s20, $0x38;
	[tilespmem:$0x14AA0] =	vst v63  }
0x2c: {  	_ =	swait.ge [sflag:s25], $0xFA0  }
0x2d: {  	[sflag:s25] =	ssyncset.done $0x0  }
0x2e: {  	[sflag:s25] =	ssyncadd.s32 $0xFFFFF060  }
0x2f: {  	[tilespmem:s26], [sflag:$0x4] =	stream.indirect.gather [hbm4b:s1+s20], $0x10, s24, s20, $0xb8;
	[tilespmem:$0x14AA0] =	vst v63  }
0x30: {  	_ =	swait.ge [sflag:s28], $0x7D00  }
0x31: {  	[sflag:s28] =	ssyncset.done $0x0  }
0x32: {  	[sflag:s28] =	ssyncadd.s32 $0xFFFF8300  }
0x33: {  	[spmem:s3] =	stream.indirect.scatter.add.f32 [tilespmem:s23], [sflag:$0x5], $0x10, s20, s20, $0xb8;
	[tilespmem:$0x14AA0] =	vst v63  }
0x34: {  	_ =	swait.ge [sflag:s18], $0x7D00  }
0x35: {  	[sflag:s18] =	ssyncset.done $0x0  }
0x36: {  	[sflag:s18] =	ssyncadd.s32 $0xFFFF8300  }
0x37: {  	[spmem:s4] =	stream.indirect.scatter.add.f32 [tilespmem:s29], [sflag:$0x5], $0x1, s20, s20, $0xb8;
	[tilespmem:$0x14AA0] =	vst v63  }
0x38: {  	_ =	swait.ge [sflag:s18], $0x7D0  }
0x39: {  	[sflag:s18] =	ssyncset.done $0x0  }
0x3a: {  	[sflag:s18] =	ssyncadd.s32 $0xFFFFF830  }
0x3b: {  	[tilespmem:s5], [sflag:$0x1] =	stream.strided.gather [hbm4b:s11+s20], $0xFA0, s21, s20, $0x38;
	[tilespmem:$0x14AA0] =	vst v63  }
0x3c: {  	_ =	swait.ge [sflag:s22], $0xFA0  }
0x3d: {  	[sflag:s22] =	ssyncset.done $0x0  }
0x3e: {  	[sflag:s22] =	ssyncadd.s32 $0xFFFFF060  }
0x3f: {  	[tilespmem:s23], [sflag:$0x3] =	stream.indirect.gather [hbm4b:s1+s20], $0x10, s5, s20, $0xb8;
	[tilespmem:$0x14AA0] =	vst v63  }
0x40: {  	_ =	swait.ge [sflag:s30], $0x7D00  }
0x41: {  	[sflag:s30] =	ssyncset.done $0x0  }
0x42: {  	[sflag:s30] =	ssyncadd.s32 $0xFFFF8300  }
0x43: {  	[spmem:s3] =	stream.indirect.scatter.add.f32 [tilespmem:s26], [sflag:$0x5], $0x10, s31, s20, $0xb8;
	[tilespmem:$0x14AA0] =	vst v63  }
0x44: {  	_ =	swait.ge [sflag:s18], $0x7D00  }
0x45: {  	[sflag:s18] =	ssyncset.done $0x0  }
0x46: {  	[sflag:s18] =	ssyncadd.s32 $0xFFFF8300  }
0x47: {  	[spmem:s4] =	stream.indirect.scatter.add.f32 [tilespmem:s29], [sflag:$0x5], $0x1, s31, s20, $0xb8;
	[tilespmem:$0x14AA0] =	vst v63  }
0x48: {  	_ =	swait.ge [sflag:s18], $0x7D0  }
0x49: {  	[sflag:s18] =	ssyncset.done $0x0  }
0x4a: {  	[sflag:s18] =	ssyncadd.s32 $0xFFFFF830  }
0x4b: {  	[tilespmem:s24], [sflag:$0x2] =	stream.strided.gather [hbm4b:s12+s20], $0xFA0, s21, s20, $0x38;
	[tilespmem:$0x14AA0] =	vst v63  }
0x4c: {  	_ =	swait.ge [sflag:s25], $0xFA0  }
0x4d: {  	[sflag:s25] =	ssyncset.done $0x0  }
0x4e: {  	[sflag:s25] =	ssyncadd.s32 $0xFFFFF060  }
0x4f: {  	[tilespmem:s26], [sflag:$0x4] =	stream.indirect.gather [hbm4b:s1+s20], $0x10, s24, s20, $0xb8;
	[tilespmem:$0x14AA0] =	vst v63  }
0x50: {  	_ =	swait.ge [sflag:s28], $0x7D00  }
0x51: {  	[sflag:s28] =	ssyncset.done $0x0  }
0x52: {  	[sflag:s28] =	ssyncadd.s32 $0xFFFF8300  }
0x53: {  	[spmem:s3] =	stream.indirect.scatter.add.f32 [tilespmem:s23], [sflag:$0x5], $0x10, s20, s20, $0xb8;
	[tilespmem:$0x14AA0] =	vst v63  }
0x54: {  	_ =	swait.ge [sflag:s18], $0x7D00  }
0x55: {  	[sflag:s18] =	ssyncset.done $0x0  }
0x56: {  	[sflag:s18] =	ssyncadd.s32 $0xFFFF8300  }
0x57: {  	[spmem:s4] =	stream.indirect.scatter.add.f32 [tilespmem:s29], [sflag:$0x5], $0x1, s20, s20, $0xb8;
	[tilespmem:$0x14AA0] =	vst v63  }
0x58: {  	_ =	swait.ge [sflag:s18], $0x7D0  }
0x59: {  	[sflag:s18] =	ssyncset.done $0x0  }
0x5a: {  	[sflag:s18] =	ssyncadd.s32 $0xFFFFF830  }
0x5b: {  	[tilespmem:s5], [sflag:$0x1] =	stream.strided.gather [hbm4b:s13+s20], $0xFA0, s21, s20, $0x38;
	[tilespmem:$0x14AA0] =	vst v63  }
0x5c: {  	_ =	swait.ge [sflag:s22], $0xFA0  }
0x5d: {  	[sflag:s22] =	ssyncset.done $0x0  }
0x5e: {  	[sflag:s22] =	ssyncadd.s32 $0xFFFFF060  }
0x5f: {  	[tilespmem:s23], [sflag:$0x3] =	stream.indirect.gather [hbm4b:s1+s20], $0x10, s5, s20, $0xb8;
	[tilespmem:$0x14AA0] =	vst v63  }
0x60: {  	_ =	swait.ge [sflag:s30], $0x7D00  }
0x61: {  	[sflag:s30] =	ssyncset.done $0x0  }
0x62: {  	[sflag:s30] =	ssyncadd.s32 $0xFFFF8300  }
0x63: {  	[spmem:s3] =	stream.indirect.scatter.add.f32 [tilespmem:s26], [sflag:$0x5], $0x10, s31, s20, $0xb8;
	[tilespmem:$0x14AA0] =	vst v63  }
0x64: {  	_ =	swait.ge [sflag:s18], $0x7D00  }
0x65: {  	[sflag:s18] =	ssyncset.done $0x0  }
0x66: {  	[sflag:s18] =	ssyncadd.s32 $0xFFFF8300  }
0x67: {  	[spmem:s4] =	stream.indirect.scatter.add.f32 [tilespmem:s29], [sflag:$0x5], $0x1, s31, s20, $0xb8;
	[tilespmem:$0x14AA0] =	vst v63  }
0x68: {  	_ =	swait.ge [sflag:s18], $0x7D0  }
0x69: {  	[sflag:s18] =	ssyncset.done $0x0  }
0x6a: {  	[sflag:s18] =	ssyncadd.s32 $0xFFFFF830  }
0x6b: {  	_ =	swait.ge [sflag:s28], $0x7D00  }
0x6c: {  	[sflag:s28] =	ssyncset.done $0x0  }
0x6d: {  	[sflag:s28] =	ssyncadd.s32 $0xFFFF8300  }
0x6e: {  	[spmem:s3] =	stream.indirect.scatter.add.f32 [tilespmem:s23], [sflag:$0x5], $0x10, s20, s20, $0xb8;
	[tilespmem:$0x14AA0] =	vst v63  }
0x6f: {  	_ =	swait.ge [sflag:s18], $0x7D00  }
0x70: {  	[sflag:s18] =	ssyncset.done $0x0  }
0x71: {  	[sflag:s18] =	ssyncadd.s32 $0xFFFF8300  }
0x72: {  	[spmem:s4] =	stream.indirect.scatter.add.f32 [tilespmem:s29], [sflag:$0x5], $0x1, s20, s20, $0xb8;
	[tilespmem:$0x14AA0] =	vst v63  }
0x73: {  	_ =	swait.ge [sflag:s18], $0x7D0  }
0x74: {  	[sflag:s18] =	ssyncset.done $0x0  }
0x75: {  	[sflag:s18] =	ssyncadd.s32 $0xFFFFF830  }
0x76: {  	[bflag:$0x0] =	sbarrier.arrive $0xFFFF  }
0x77: {  	[hbm:s14], [sflag:s8] =	dma.local [spmem:s17], $0x4E2  }
0x78: {  	s2 =	sadd.s32 $0x1, s2;
	_ =	swait.ge [sflag:s18], $0x4E2  }
0x79: {  	p0 =	sne.s32 s2, s16;
	[sflag:s18] =	ssyncset.done $0x0  }
.Ltmp1:
0x7a: {  	[sflag:s18] =	ssyncadd.s32 $0xFFFFFB1E;
	(pc) =	sbr.rel @p0 .LBB2_1-.Ltmp1, $4  }
0x7b: {  	[hbm:s15], [sflag:s8] =	dma.local [spmem:s19], $0x50  }
0x7c: {  	_ =	swait.ge [sflag:s18], $0x50  }
0x7d: {  	[sflag:s18] =	ssyncset.done $0x0  }
0x7e: {  	[sflag:s18] =	ssyncadd.s32 $0xFFFFFFB0  }
0x7f: {  	_ =	sfence.sel $0x180000  }
0x80: {  	[bflag:$0x0] =	sbarrier.arrive $0xFFFF  }
0x81: {  	_ =	strace $0x90000047  }
0x82: {  	s0 =	stileid.u32;
	[bflag:$0x2] =	sbarrier.arrive $0xFFFF  }
0x83: {  	p0 =	sne.s32 s0, $0x0;
	s0 =	rddreg [dreg:$0x4]  }
0x84: {  	s0 =	sadd.s32 @!p0 $0x100000, s0  }
0x85: {  	[sflag:s0] =	ssyncadd.tile.s32 @!p0 $0x1;
	_ =	shalt  }
.Lfunc_end2:
_tile_overlayer_lowered:
.L_overlay_start_2:
0x86: {  	(tag) =	ssettag $0x2  }
0x87: {  	s0 =	rddreg [dreg:$0x0];
	s2 =	stileid.u32  }
0x88: {  	s1 =	rddreg [dreg:$0x1];
	p0 =	sne.s32 s2, $0x0  }
0x89: {  	s3 =	rddreg [dreg:$0x2];
	[bflag:$0x3] =	sbarrier.arrive $0xFFFF;
	s2 =	simm.s32 @!p0 $0x1C05  }
0x8a: {  	[timem:s3], [sflag:s2] =	dma.local @!p0 [hbm:s0], s1  }
0x8b: {  	s0 =	simm.s32 @!p0 $0x5  }
0x8c: {  	_ =	swait.ge @!p0 [sflag:s0], s1  }
0x8d: {  	s1 =	ssub.s32 @!p0 $0x0, s1;
	[sflag:s0] =	ssyncset.done @!p0 $0x0  }
0x8e: {  	[sflag:s0] =	ssyncadd.s32 @!p0 s1  }
0x8f: {  	[bflag:$0x3] =	sbarrier.arrive $0xFFFF  }
0x90: {  	_ =	shalt  }

</sc_bundles>
